<compile_context>
chip_gen: v7x
topology: tpu7x:2x2x1
jax: 0.10.2.dev20260603
libtpu: 0.0.44.dev20260713+nightly
codegen_flags: <defaults>
</compile_context>

<pallas_src>
import functools

import jax
import numpy as np
import jax.numpy as jnp
from jax import lax
from jax.experimental import pallas as pl
from jax.experimental.pallas import tpu as pltpu
from jax.experimental.pallas import tpu_sc as plsc

L = 2048
H = 16
D = 64
U = 40
UP = 48
DH = 32
CHUNK = 256
QPT = 1024
NEG = np.float32(-3.0e38)


DP = D // 2
AS = UP + 1


def _sc_stage1(qpk, kpk, idxp):
    mesh = plsc.VectorSubcoreMesh(core_axis_name="c", subcore_axis_name="s")

    @functools.partial(
        pl.kernel,
        mesh=mesh,
        compiler_params=pltpu.CompilerParams(needs_layout_passes=False),
        out_type=jax.ShapeDtypeStruct((H, L), jnp.float32),
        scratch_types=[
            pltpu.VMEM((DP * L,), jnp.int32),
            pltpu.VMEM((CHUNK * DP,), jnp.int32),
            pltpu.VMEM((CHUNK * UP,), jnp.int32),
            pltpu.VMEM((CHUNK * AS,), jnp.float32),
            pltpu.VMEM((QPT,), jnp.float32),
        ],
    )
    def sc_kernel(qpk_hbm, kpk_hbm, idx_hbm, m_hbm, kblk, qblk, idxblk, acc, mtile):
        h = lax.axis_index("s")
        half = lax.axis_index("c")
        q0 = half * QPT
        iota16 = lax.iota(jnp.int32, 16)
        himask = np.int32(-65536)

        def unpk(w):
            lo = plsc.bitcast(jnp.left_shift(w, 16), jnp.float32)
            hi = plsc.bitcast(jnp.bitwise_and(w, himask), jnp.float32)
            return lo, hi

        pltpu.sync_copy(kpk_hbm.at[h], kblk)

        def chunk_body(c, _):
            r0 = q0 + c * CHUNK
            pltpu.sync_copy(qpk_hbm.at[h, pl.ds(r0 * DP, CHUNK * DP)], qblk)
            pltpu.sync_copy(idx_hbm.at[pl.ds(r0 * UP, CHUNK * UP)], idxblk)

            def q_body(i, _):
                qw0 = plsc.load_gather(qblk, [iota16 + i * DP])
                qw1 = plsc.load_gather(qblk, [iota16 + (i * DP + 16)])
                qws = (qw0, qw1)
                for sv in range(3):
                    scol = iota16 + (i * UP + sv * 16)
                    idxv = plsc.load_gather(idxblk, [scol])
                    acc_e = jnp.zeros((16,), jnp.float32)
                    acc_o = jnp.zeros((16,), jnp.float32)
                    for dp in range(DP):
                        kw = plsc.load_gather(kblk, [idxv + dp * L])
                        qw = qws[dp // 16].at[jnp.full((16,), dp % 16, jnp.int32)].get(
                            mode="promise_in_bounds")
                        k_e, k_o = unpk(kw)
                        q_e, q_o = unpk(qw)
                        acc_e = acc_e + k_e * q_e
                        acc_o = acc_o + k_o * q_o
                    plsc.store_scatter(acc, [iota16 + (i * AS + sv * 16)], acc_e + acc_o)
                return 0

            lax.fori_loop(0, CHUNK, q_body, 0)

            def fin_body(g, _):
                rows = iota16 + g * 16
                base = rows * AS
                mx = jnp.full((16,), NEG, jnp.float32)
                sm = jnp.zeros((16,), jnp.float32)
                for s in range(U):
                    vals = plsc.load_gather(acc, [base + s])
                    mx = jnp.maximum(mx, vals)
                    sm = sm + vals
                plsc.store_scatter(mtile, [rows + c * CHUNK], mx - sm * np.float32(1.0 / L))
                return 0

            lax.fori_loop(0, CHUNK // 16, fin_body, 0)
            return 0

        lax.fori_loop(0, QPT // CHUNK, chunk_body, 0)
        pltpu.sync_copy(mtile, m_hbm.at[h, pl.ds(q0, QPT)])

    return sc_kernel(qpk, kpk, idxp)


def _pack_words(xlhd):
    bits = lax.bitcast_convert_type(xlhd.astype(jnp.bfloat16), jnp.uint16)
    word = bits[..., 0::2].astype(jnp.uint32) | (bits[..., 1::2].astype(jnp.uint32) << 16)
    return word.astype(jnp.int32)


def _tc_body(m_ref, q_ref, k_ref, v_ref, out_ref, qred, upds, ctx, idxs):
    mrow = m_ref[0]
    iota = lax.broadcasted_iota(jnp.int32, (1, L), 1)
    qred[pl.ds(U, 8), :] = jnp.zeros((8, D), jnp.float32)

    def tk(t, mcur):
        mx = jnp.max(mcur)
        it = jnp.min(jnp.where(mcur == mx, iota, L)).astype(jnp.int32)
        idxs[t] = it
        qred[pl.ds(t, 1), :] = q_ref[0, pl.ds(it, 1), :]
        return jnp.where(iota == it, NEG, mcur)

    lax.fori_loop(0, U, tk, mrow)

    kk = k_ref[0]
    scores = lax.dot_general(
        qred[...].astype(jnp.bfloat16), kk.astype(jnp.bfloat16),
        (((1,), (1,)), ((), ())),
        preferred_element_type=jnp.float32,
    ) * np.float32(0.125)
    smax = jnp.max(scores, axis=1, keepdims=True)
    e = jnp.exp(scores - smax)
    attn = e / jnp.sum(e, axis=1, keepdims=True)
    vv = v_ref[0]
    upds[...] = lax.dot_general(
        attn.astype(jnp.bfloat16), vv.astype(jnp.bfloat16),
        (((1,), (0,)), ((), ())),
        preferred_element_type=jnp.float32,
    )
    vmean = jnp.mean(vv, axis=0, keepdims=True)
    ctx[...] = jnp.broadcast_to(vmean, (U + 8, D))

    def sc(k, _):
        slot = jnp.minimum(idxs[k], U - 1)
        ctx[pl.ds(slot, 1), :] = upds[pl.ds(k, 1), :]
        return 0

    lax.fori_loop(0, U, sc, 0)
    out_ref[0] = ctx[0:U, :]


def _tc_stage2(m, qT, kT, vT):
    return pl.pallas_call(
        _tc_body,
        grid=(H,),
        in_specs=[
            pl.BlockSpec((1, 1, L), lambda h: (h, 0, 0)),
            pl.BlockSpec((1, L, D), lambda h: (h, 0, 0)),
            pl.BlockSpec((1, L, D), lambda h: (h, 0, 0)),
            pl.BlockSpec((1, L, D), lambda h: (h, 0, 0)),
        ],
        out_specs=pl.BlockSpec((1, U, D), lambda h: (h, 0, 0)),
        out_shape=jax.ShapeDtypeStruct((H, U, D), jnp.float32),
        scratch_shapes=[
            pltpu.VMEM((U + 8, D), jnp.float32),
            pltpu.VMEM((U + 8, D), jnp.float32),
            pltpu.VMEM((U + 8, D), jnp.float32),
            pltpu.SMEM((U,), jnp.int32),
        ],
    )(m, qT, kT, vT)


def kernel(queries, keys, values, attn_mask):
    qw = _pack_words(queries[0])
    kw = _pack_words(keys[0])
    qpk = jnp.transpose(qw, (1, 0, 2)).reshape(H, L * DP)
    kpk = jnp.transpose(kw, (1, 2, 0)).reshape(H, DP * L)
    qT = jnp.transpose(queries[0], (1, 0, 2)).astype(jnp.bfloat16).astype(jnp.float32)
    kT = jnp.transpose(keys[0], (1, 0, 2)).astype(jnp.bfloat16).astype(jnp.float32)
    vT = jnp.transpose(values[0], (1, 0, 2))
    idx = jax.random.randint(jax.random.key(42), (L, U), 0, L)
    idxp = jnp.concatenate(
        [idx, jnp.zeros((L, UP - U), idx.dtype)], axis=1
    ).astype(jnp.int32)
    m = _sc_stage1(qpk, kpk, idxp.reshape(L * UP))
    out3 = _tc_stage2(m.reshape(H, 1, L), qT, kT, vT)
    return (jnp.transpose(out3, (1, 0, 2))[None], None)

# --- scband reference (transcript-rebuilt; emitter-appended) ---
"""Pipeline reference for scband-prob-sparse-attention-17841294148203 (READ-ONLY COPY).

The authoritative reference and input builder live on the scoring server;
editing this copy changes nothing except your own understanding.
"""

import jax, jax.numpy as jnp
import numpy as np

FACTOR = 5
MASK_FLAG = False
SCALE = None


def setup_inputs(seed: int = 0) -> dict:
    key = jax.random.key(seed)
    kq, kk, kv = jax.random.split(key, 3)
    B, L, H, D = 1, 2048, 16, 64
    return {
        "queries": jax.random.normal(kq, (B, L, H, D), dtype=jnp.float32),
        "keys": jax.random.normal(kk, (B, L, H, D), dtype=jnp.float32),
        "values": jax.random.normal(kv, (B, L, H, D), dtype=jnp.float32),
        "attn_mask": 0,
    }


def _prob_attention(queries, keys, values):
    # queries/keys/values: [B, L, H, D]
    B, L_Q, H, D = queries.shape
    L_K = keys.shape[1]
    Q = jnp.transpose(queries, (0, 2, 1, 3))  # [B,H,L_Q,D]
    K = jnp.transpose(keys, (0, 2, 1, 3))     # [B,H,L_K,D]
    V = jnp.transpose(values, (0, 2, 1, 3))   # [B,H,L_K,D]

    U_part = int(FACTOR * np.ceil(np.log(min(L_Q, L_K))))
    u = int(FACTOR * np.ceil(np.log(L_Q)))
    U_part = min(U_part, L_K)
    u = min(u, L_Q)

    # _prob_QK: sample U_part keys per query (random index matrix shared across B,H)
    skey = jax.random.key(42)
    index_sample = jax.random.randint(skey, (L_Q, U_part), 0, min(L_Q, L_K))
    # K_sample[b,h,i,j,:] = K[b,h,index_sample[i,j],:]  -> gather
    K_sample = K[:, :, index_sample, :]                       # [B,H,L_Q,U_part,D]
    Q_K_sample = jnp.einsum('bhie,bhise->bhis', Q, K_sample)  # [B,H,L_Q,U_part]
    M = jnp.max(Q_K_sample, axis=-1) - jnp.sum(Q_K_sample, axis=-1) / L_K
    _, M_top = jax.lax.top_k(M, u)                            # [B,H,u] query indices
    Q_reduce = jnp.take_along_axis(Q, M_top[..., None], axis=2)  # [B,H,u,D]
    scores = jnp.einsum('bhue,bhke->bhuk', Q_reduce, K)       # [B,H,u,L_K]

    scale = SCALE if SCALE is not None else 1.0 / np.sqrt(D)
    scores = scores * scale

    # _get_initial_context with mask_flag=False: mean of V expanded to u slots
    V_mean = jnp.mean(V, axis=2)                              # [B,H,D]
    context = jnp.broadcast_to(V_mean[:, :, None, :], (B, H, u, V.shape[-1]))

    # _update_context (no causal mask branch)
    attn = jax.nn.softmax(scores, axis=-1)                    # [B,H,u,L_K]
    L_slot = u
    index = jnp.clip(M_top, 0, L_slot - 1)                    # faithful clamp (torch clamps to context slots)
    upd = jnp.einsum('bhuk,bhkd->bhud', attn, V)              # [B,H,u,D]
    b_idx = jnp.arange(B)[:, None, None]
    h_idx = jnp.arange(H)[None, :, None]
    context = context.at[b_idx, h_idx, index, :].set(upd)     # scatter-overwrite
    return jnp.transpose(context, (0, 2, 1, 3))               # [B,u,H,D]


def reference(queries, keys, values, attn_mask):
    out = _prob_attention(queries, keys, values)
    return (out, None)

if __name__ == "__main__":
    import jax
    _d = setup_inputs()
    print(jax.jit(kernel)(*tuple(_d.values())))

</pallas_src>

<mosaic_0001>
#map = affine_map<(d0, d1) -> (0, 0)>
#map1 = affine_map<(d0, d1) -> (0)>
module attributes {stable_mosaic.version = 14 : i64} {
  func.func @sc_kernel(%arg0: i32, %arg1: i32, %arg2: memref<16x65536xi32, #tpu.memory_space<hbm>>, %arg3: memref<16x65536xi32, #tpu.memory_space<hbm>>, %arg4: memref<98304xi32, #tpu.memory_space<hbm>>, %arg5: memref<16x2048xf32, #tpu.memory_space<hbm>>, %arg6: memref<65536xi32, #tpu.memory_space<vmem>>, %arg7: memref<8192xi32, #tpu.memory_space<vmem>>, %arg8: memref<12288xi32, #tpu.memory_space<vmem>>, %arg9: memref<12544xf32, #tpu.memory_space<vmem>>, %arg10: memref<1024xf32, #tpu.memory_space<vmem>>) attributes {dimension_semantics = [#tpu.dimension_semantics<core_parallel>, #tpu.dimension_semantics<subcore_parallel>], iteration_bounds = array<i64: 2, 16>, scalar_prefetch = 0 : i64, scratch_operands = 5 : i64, tpu.core_type = #tpu.core_type<sc_vector_subcore>, window_params = [{transform_indices = #map}, {transform_indices = #map}, {transform_indices = #map1}, {transform_indices = #map}]} {
    %mul3A = arith.constant 1024 : i32
    %mul3A_0 = arith.muli %arg0, %mul3A : i32
    %iota3A = tpu.iota {dimensions = array<i32: 0>} : vector<16xi32>
    "tpu.region"() ({
      %run_scoped3A = tpu.sem_alloc : memref<!tpu.dma_semaphore, #tpu.memory_space<semaphore_mem>>
      %dma_start3A = arith.constant 0 : i32
      %dma_start3A_7 = tpu.memref_slice %arg3[%arg1, %dma_start3A] : memref<16x65536xi32, #tpu.memory_space<hbm>> -> memref<1x65536xi32, #tpu.memory_space<hbm>>
      %dma_start3A_8 = tpu.memref_squeeze %dma_start3A_7 : memref<1x65536xi32, #tpu.memory_space<hbm>> -> memref<65536xi32, #tpu.memory_space<hbm>>
      %dma_start3A_9 = arith.constant 0 : i32
      %dma_start3A_10 = tpu.memref_slice %arg3[%arg1, %dma_start3A_9] : memref<16x65536xi32, #tpu.memory_space<hbm>> -> memref<1x65536xi32, #tpu.memory_space<hbm>>
      %dma_start3A_11 = tpu.memref_squeeze %dma_start3A_10 : memref<1x65536xi32, #tpu.memory_space<hbm>> -> memref<65536xi32, #tpu.memory_space<hbm>>
      tpu.enqueue_dma source(%dma_start3A_11 : memref<65536xi32, #tpu.memory_space<hbm>>) target(%arg6 : memref<65536xi32, #tpu.memory_space<vmem>>) target_semaphore(%run_scoped3A : memref<!tpu.dma_semaphore, #tpu.memory_space<semaphore_mem>>)
      %dma_wait3A = arith.constant 0 : i32
      %dma_wait3A_12 = tpu.memref_slice %arg3[%arg1, %dma_wait3A] : memref<16x65536xi32, #tpu.memory_space<hbm>> -> memref<1x65536xi32, #tpu.memory_space<hbm>>
      %dma_wait3A_13 = tpu.memref_squeeze %dma_wait3A_12 : memref<1x65536xi32, #tpu.memory_space<hbm>> -> memref<65536xi32, #tpu.memory_space<hbm>>
      %dma_wait3A_14 = arith.constant 0 : i32
      %dma_wait3A_15 = tpu.memref_slice %arg3[%arg1, %dma_wait3A_14] : memref<16x65536xi32, #tpu.memory_space<hbm>> -> memref<1x65536xi32, #tpu.memory_space<hbm>>
      %dma_wait3A_16 = tpu.memref_squeeze %dma_wait3A_15 : memref<1x65536xi32, #tpu.memory_space<hbm>> -> memref<65536xi32, #tpu.memory_space<hbm>>
      tpu.wait_dma2 semaphore(%run_scoped3A : memref<!tpu.dma_semaphore, #tpu.memory_space<semaphore_mem>>) src(%dma_wait3A_16 : memref<65536xi32, #tpu.memory_space<hbm>>) dst(%arg6 : memref<65536xi32, #tpu.memory_space<vmem>>)
      tpu.yield
    }) : () -> ()
    %scan3A = arith.constant 0 : i32
    %scan3A_1 = arith.constant 0 : i32
    %scan3A_2 = arith.constant 4 : i32
    %scan3A_3 = arith.addi %scan3A_1, %scan3A_2 : i32
    %scan3A_4 = arith.constant 1 : i32
    %scan3A_5 = scf.for %scan3A_7 = %scan3A_1 to %scan3A_3 step %scan3A_4 iter_args(%scan3A_8 = %scan3A) -> (i32)  : i32 {
      %mul3A_9 = arith.constant 256 : i32
      %mul3A_10 = arith.muli %scan3A_7, %mul3A_9 : i32
      %add3A = arith.addi %mul3A_0, %mul3A_10 : i32
      %mul3A_11 = arith.constant 32 : i32
      %mul3A_12 = arith.muli %add3A, %mul3A_11 : i32
      "tpu.region"() ({
        %run_scoped3A = tpu.sem_alloc : memref<!tpu.dma_semaphore, #tpu.memory_space<semaphore_mem>>
        %dma_start3A = tpu.memref_slice %arg2[%arg1, %mul3A_12] : memref<16x65536xi32, #tpu.memory_space<hbm>> -> memref<1x8192xi32, #tpu.memory_space<hbm>>
        %dma_start3A_30 = tpu.memref_squeeze %dma_start3A : memref<1x8192xi32, #tpu.memory_space<hbm>> -> memref<8192xi32, #tpu.memory_space<hbm>>
        %dma_start3A_31 = tpu.memref_slice %arg2[%arg1, %mul3A_12] : memref<16x65536xi32, #tpu.memory_space<hbm>> -> memref<1x8192xi32, #tpu.memory_space<hbm>>
        %dma_start3A_32 = tpu.memref_squeeze %dma_start3A_31 : memref<1x8192xi32, #tpu.memory_space<hbm>> -> memref<8192xi32, #tpu.memory_space<hbm>>
        tpu.enqueue_dma source(%dma_start3A_32 : memref<8192xi32, #tpu.memory_space<hbm>>) target(%arg7 : memref<8192xi32, #tpu.memory_space<vmem>>) target_semaphore(%run_scoped3A : memref<!tpu.dma_semaphore, #tpu.memory_space<semaphore_mem>>)
        %dma_wait3A = tpu.memref_slice %arg2[%arg1, %mul3A_12] : memref<16x65536xi32, #tpu.memory_space<hbm>> -> memref<1x8192xi32, #tpu.memory_space<hbm>>
        %dma_wait3A_33 = tpu.memref_squeeze %dma_wait3A : memref<1x8192xi32, #tpu.memory_space<hbm>> -> memref<8192xi32, #tpu.memory_space<hbm>>
        %dma_wait3A_34 = tpu.memref_slice %arg2[%arg1, %mul3A_12] : memref<16x65536xi32, #tpu.memory_space<hbm>> -> memref<1x8192xi32, #tpu.memory_space<hbm>>
        %dma_wait3A_35 = tpu.memref_squeeze %dma_wait3A_34 : memref<1x8192xi32, #tpu.memory_space<hbm>> -> memref<8192xi32, #tpu.memory_space<hbm>>
        tpu.wait_dma2 semaphore(%run_scoped3A : memref<!tpu.dma_semaphore, #tpu.memory_space<semaphore_mem>>) src(%dma_wait3A_35 : memref<8192xi32, #tpu.memory_space<hbm>>) dst(%arg7 : memref<8192xi32, #tpu.memory_space<vmem>>)
        tpu.yield
      }) : () -> ()
      %mul3A_13 = arith.constant 48 : i32
      %mul3A_14 = arith.muli %add3A, %mul3A_13 : i32
      "tpu.region"() ({
        %run_scoped3A = tpu.sem_alloc : memref<!tpu.dma_semaphore, #tpu.memory_space<semaphore_mem>>
        %dma_start3A = tpu.memref_slice %arg4[%mul3A_14] : memref<98304xi32, #tpu.memory_space<hbm>> -> memref<12288xi32, #tpu.memory_space<hbm>>
        %dma_start3A_30 = tpu.memref_slice %arg4[%mul3A_14] : memref<98304xi32, #tpu.memory_space<hbm>> -> memref<12288xi32, #tpu.memory_space<hbm>>
        tpu.enqueue_dma source(%dma_start3A_30 : memref<12288xi32, #tpu.memory_space<hbm>>) target(%arg8 : memref<12288xi32, #tpu.memory_space<vmem>>) target_semaphore(%run_scoped3A : memref<!tpu.dma_semaphore, #tpu.memory_space<semaphore_mem>>)
        %dma_wait3A = tpu.memref_slice %arg4[%mul3A_14] : memref<98304xi32, #tpu.memory_space<hbm>> -> memref<12288xi32, #tpu.memory_space<hbm>>
        %dma_wait3A_31 = tpu.memref_slice %arg4[%mul3A_14] : memref<98304xi32, #tpu.memory_space<hbm>> -> memref<12288xi32, #tpu.memory_space<hbm>>
        tpu.wait_dma2 semaphore(%run_scoped3A : memref<!tpu.dma_semaphore, #tpu.memory_space<semaphore_mem>>) src(%dma_wait3A_31 : memref<12288xi32, #tpu.memory_space<hbm>>) dst(%arg8 : memref<12288xi32, #tpu.memory_space<vmem>>)
        tpu.yield
      }) : () -> ()
      %scan3A_15 = arith.constant 0 : i32
      %scan3A_16 = arith.constant 0 : i32
      %scan3A_17 = arith.constant 256 : i32
      %scan3A_18 = arith.addi %scan3A_16, %scan3A_17 : i32
      %scan3A_19 = arith.constant 1 : i32
      %scan3A_20 = scf.for %scan3A_30 = %scan3A_16 to %scan3A_18 step %scan3A_19 iter_args(%scan3A_31 = %scan3A_15) -> (i32)  : i32 {
        %mul3A_32 = arith.constant 32 : i32
        %mul3A_33 = arith.muli %scan3A_30, %mul3A_32 : i32
        %add3A_34 = vector.broadcast %mul3A_33 : i32 to vector<16xi32>
        %add3A_35 = arith.addi %iota3A, %add3A_34 : vector<16xi32>
        %gather3A = tpu.vector_load_idx %arg7[%add3A_35] : memref<8192xi32, #tpu.memory_space<vmem>>[vector<16xi32>], vector<16xi32>,
        %mul3A_36 = arith.constant 32 : i32
        %mul3A_37 = arith.muli %scan3A_30, %mul3A_36 : i32
        %add3A_38 = arith.constant 16 : i32
        %add3A_39 = arith.addi %mul3A_37, %add3A_38 : i32
        %add3A_40 = vector.broadcast %add3A_39 : i32 to vector<16xi32>
        %add3A_41 = arith.addi %iota3A, %add3A_40 : vector<16xi32>
        %gather3A_42 = tpu.vector_load_idx %arg7[%add3A_41] : memref<8192xi32, #tpu.memory_space<vmem>>[vector<16xi32>], vector<16xi32>,
        %mul3A_43 = arith.constant 48 : i32
        %mul3A_44 = arith.muli %scan3A_30, %mul3A_43 : i32
        %add3A_45 = arith.constant 0 : i32
        %add3A_46 = arith.addi %mul3A_44, %add3A_45 : i32
        %add3A_47 = vector.broadcast %add3A_46 : i32 to vector<16xi32>
        %add3A_48 = arith.addi %iota3A, %add3A_47 : vector<16xi32>
        %gather3A_49 = tpu.vector_load_idx %arg8[%add3A_48] : memref<12288xi32, #tpu.memory_space<vmem>>[vector<16xi32>], vector<16xi32>,
        %broadcast_in_dim3A = arith.constant 0.000000e+00 : f32
        %broadcast_in_dim3A_50 = vector.broadcast %broadcast_in_dim3A : f32 to vector<16xf32>
        %broadcast_in_dim3A_51 = arith.constant 0.000000e+00 : f32
        %broadcast_in_dim3A_52 = vector.broadcast %broadcast_in_dim3A_51 : f32 to vector<16xf32>
        %add3A_53 = arith.constant 0 : i32
        %add3A_54 = vector.broadcast %add3A_53 : i32 to vector<16xi32>
        %add3A_55 = arith.addi %gather3A_49, %add3A_54 : vector<16xi32>
        %gather3A_56 = tpu.vector_load_idx %arg6[%add3A_55] : memref<65536xi32, #tpu.memory_space<vmem>>[vector<16xi32>], vector<16xi32>,
        %broadcast_in_dim3A_57 = arith.constant 0 : i32
        %broadcast_in_dim3A_58 = vector.broadcast %broadcast_in_dim3A_57 : i32 to vector<16xi32>
        %lt3A = arith.constant 0 : i32
        %lt3A_59 = vector.broadcast %lt3A : i32 to vector<16xi32>
        %lt3A_60 = arith.cmpi slt, %broadcast_in_dim3A_58, %lt3A_59 : vector<16xi32>
        %add3A_61 = arith.constant 16 : i32
        %add3A_62 = vector.broadcast %add3A_61 : i32 to vector<16xi32>
        %add3A_63 = arith.addi %broadcast_in_dim3A_58, %add3A_62 : vector<16xi32>
        %select_n3A = arith.select %lt3A_60, %add3A_63, %broadcast_in_dim3A_58 : vector<16xi1>, vector<16xi32>
        %broadcast_in_dim3A_64 = vector.shape_cast %select_n3A : vector<16xi32> to vector<16x1xi32>
        %gather3A_65 = vector.shape_cast %broadcast_in_dim3A_64 : vector<16x1xi32> to vector<16xi32>
        %gather3A_66 = tpu.dynamic_gather %gather3A[%gather3A_65] in [0] : vector<16xi32>, vector<16xi32> -> vector<16xi32>
        %shift_left3A = arith.constant 16 : i32
        %shift_left3A_67 = vector.broadcast %shift_left3A : i32 to vector<16xi32>
        %shift_left3A_68 = arith.shli %gather3A_56, %shift_left3A_67 : vector<16xi32>
        %bitcast3A = vector.bitcast %shift_left3A_68 : vector<16xi32> to vector<16xf32>
        %and3A = arith.constant -65536 : i32
        %and3A_69 = vector.broadcast %and3A : i32 to vector<16xi32>
        %and3A_70 = arith.andi %gather3A_56, %and3A_69 : vector<16xi32>
        %bitcast3A_71 = vector.bitcast %and3A_70 : vector<16xi32> to vector<16xf32>
        %shift_left3A_72 = arith.constant 16 : i32
        %shift_left3A_73 = vector.broadcast %shift_left3A_72 : i32 to vector<16xi32>
        %shift_left3A_74 = arith.shli %gather3A_66, %shift_left3A_73 : vector<16xi32>
        %bitcast3A_75 = vector.bitcast %shift_left3A_74 : vector<16xi32> to vector<16xf32>
        %and3A_76 = arith.constant -65536 : i32
        %and3A_77 = vector.broadcast %and3A_76 : i32 to vector<16xi32>
        %and3A_78 = arith.andi %gather3A_66, %and3A_77 : vector<16xi32>
        %bitcast3A_79 = vector.bitcast %and3A_78 : vector<16xi32> to vector<16xf32>
        %mul3A_80 = arith.mulf %bitcast3A, %bitcast3A_75 : vector<16xf32>
        %add3A_81 = arith.addf %broadcast_in_dim3A_50, %mul3A_80 : vector<16xf32>
        %mul3A_82 = arith.mulf %bitcast3A_71, %bitcast3A_79 : vector<16xf32>
        %add3A_83 = arith.addf %broadcast_in_dim3A_52, %mul3A_82 : vector<16xf32>
        %add3A_84 = arith.constant 2048 : i32
        %add3A_85 = vector.broadcast %add3A_84 : i32 to vector<16xi32>
        %add3A_86 = arith.addi %gather3A_49, %add3A_85 : vector<16xi32>
        %gather3A_87 = tpu.vector_load_idx %arg6[%add3A_86] : memref<65536xi32, #tpu.memory_space<vmem>>[vector<16xi32>], vector<16xi32>,
        %broadcast_in_dim3A_88 = arith.constant 1 : i32
        %broadcast_in_dim3A_89 = vector.broadcast %broadcast_in_dim3A_88 : i32 to vector<16xi32>
        %lt3A_90 = arith.constant 0 : i32
        %lt3A_91 = vector.broadcast %lt3A_90 : i32 to vector<16xi32>
        %lt3A_92 = arith.cmpi slt, %broadcast_in_dim3A_89, %lt3A_91 : vector<16xi32>
        %add3A_93 = arith.constant 16 : i32
        %add3A_94 = vector.broadcast %add3A_93 : i32 to vector<16xi32>
        %add3A_95 = arith.addi %broadcast_in_dim3A_89, %add3A_94 : vector<16xi32>
        %select_n3A_96 = arith.select %lt3A_92, %add3A_95, %broadcast_in_dim3A_89 : vector<16xi1>, vector<16xi32>
        %broadcast_in_dim3A_97 = vector.shape_cast %select_n3A_96 : vector<16xi32> to vector<16x1xi32>
        %gather3A_98 = vector.shape_cast %broadcast_in_dim3A_97 : vector<16x1xi32> to vector<16xi32>
        %gather3A_99 = tpu.dynamic_gather %gather3A[%gather3A_98] in [0] : vector<16xi32>, vector<16xi32> -> vector<16xi32>
        %shift_left3A_100 = arith.constant 16 : i32
        %shift_left3A_101 = vector.broadcast %shift_left3A_100 : i32 to vector<16xi32>
        %shift_left3A_102 = arith.shli %gather3A_87, %shift_left3A_101 : vector<16xi32>
        %bitcast3A_103 = vector.bitcast %shift_left3A_102 : vector<16xi32> to vector<16xf32>
        %and3A_104 = arith.constant -65536 : i32
        %and3A_105 = vector.broadcast %and3A_104 : i32 to vector<16xi32>
        %and3A_106 = arith.andi %gather3A_87, %and3A_105 : vector<16xi32>
        %bitcast3A_107 = vector.bitcast %and3A_106 : vector<16xi32> to vector<16xf32>
        %shift_left3A_108 = arith.constant 16 : i32
        %shift_left3A_109 = vector.broadcast %shift_left3A_108 : i32 to vector<16xi32>
        %shift_left3A_110 = arith.shli %gather3A_99, %shift_left3A_109 : vector<16xi32>
        %bitcast3A_111 = vector.bitcast %shift_left3A_110 : vector<16xi32> to vector<16xf32>
        %and3A_112 = arith.constant -65536 : i32
        %and3A_113 = vector.broadcast %and3A_112 : i32 to vector<16xi32>
        %and3A_114 = arith.andi %gather3A_99, %and3A_113 : vector<16xi32>
        %bitcast3A_115 = vector.bitcast %and3A_114 : vector<16xi32> to vector<16xf32>
        %mul3A_116 = arith.mulf %bitcast3A_103, %bitcast3A_111 : vector<16xf32>
        %add3A_117 = arith.addf %add3A_81, %mul3A_116 : vector<16xf32>
        %mul3A_118 = arith.mulf %bitcast3A_107, %bitcast3A_115 : vector<16xf32>
        %add3A_119 = arith.addf %add3A_83, %mul3A_118 : vector<16xf32>
        %add3A_120 = arith.constant 4096 : i32
        %add3A_121 = vector.broadcast %add3A_120 : i32 to vector<16xi32>
        %add3A_122 = arith.addi %gather3A_49, %add3A_121 : vector<16xi32>
        %gather3A_123 = tpu.vector_load_idx %arg6[%add3A_122] : memref<65536xi32, #tpu.memory_space<vmem>>[vector<16xi32>], vector<16xi32>,
        %broadcast_in_dim3A_124 = arith.constant 2 : i32
        %broadcast_in_dim3A_125 = vector.broadcast %broadcast_in_dim3A_124 : i32 to vector<16xi32>
        %lt3A_126 = arith.constant 0 : i32
        %lt3A_127 = vector.broadcast %lt3A_126 : i32 to vector<16xi32>
        %lt3A_128 = arith.cmpi slt, %broadcast_in_dim3A_125, %lt3A_127 : vector<16xi32>
        %add3A_129 = arith.constant 16 : i32
        %add3A_130 = vector.broadcast %add3A_129 : i32 to vector<16xi32>
        %add3A_131 = arith.addi %broadcast_in_dim3A_125, %add3A_130 : vector<16xi32>
        %select_n3A_132 = arith.select %lt3A_128, %add3A_131, %broadcast_in_dim3A_125 : vector<16xi1>, vector<16xi32>
        %broadcast_in_dim3A_133 = vector.shape_cast %select_n3A_132 : vector<16xi32> to vector<16x1xi32>
        %gather3A_134 = vector.shape_cast %broadcast_in_dim3A_133 : vector<16x1xi32> to vector<16xi32>
        %gather3A_135 = tpu.dynamic_gather %gather3A[%gather3A_134] in [0] : vector<16xi32>, vector<16xi32> -> vector<16xi32>
        %shift_left3A_136 = arith.constant 16 : i32
        %shift_left3A_137 = vector.broadcast %shift_left3A_136 : i32 to vector<16xi32>
        %shift_left3A_138 = arith.shli %gather3A_123, %shift_left3A_137 : vector<16xi32>
        %bitcast3A_139 = vector.bitcast %shift_left3A_138 : vector<16xi32> to vector<16xf32>
        %and3A_140 = arith.constant -65536 : i32
        %and3A_141 = vector.broadcast %and3A_140 : i32 to vector<16xi32>
        %and3A_142 = arith.andi %gather3A_123, %and3A_141 : vector<16xi32>
        %bitcast3A_143 = vector.bitcast %and3A_142 : vector<16xi32> to vector<16xf32>
        %shift_left3A_144 = arith.constant 16 : i32
        %shift_left3A_145 = vector.broadcast %shift_left3A_144 : i32 to vector<16xi32>
        %shift_left3A_146 = arith.shli %gather3A_135, %shift_left3A_145 : vector<16xi32>
        %bitcast3A_147 = vector.bitcast %shift_left3A_146 : vector<16xi32> to vector<16xf32>
        %and3A_148 = arith.constant -65536 : i32
        %and3A_149 = vector.broadcast %and3A_148 : i32 to vector<16xi32>
        %and3A_150 = arith.andi %gather3A_135, %and3A_149 : vector<16xi32>
        %bitcast3A_151 = vector.bitcast %and3A_150 : vector<16xi32> to vector<16xf32>
        %mul3A_152 = arith.mulf %bitcast3A_139, %bitcast3A_147 : vector<16xf32>
        %add3A_153 = arith.addf %add3A_117, %mul3A_152 : vector<16xf32>
        %mul3A_154 = arith.mulf %bitcast3A_143, %bitcast3A_151 : vector<16xf32>
        %add3A_155 = arith.addf %add3A_119, %mul3A_154 : vector<16xf32>
        %add3A_156 = arith.constant 6144 : i32
        %add3A_157 = vector.broadcast %add3A_156 : i32 to vector<16xi32>
        %add3A_158 = arith.addi %gather3A_49, %add3A_157 : vector<16xi32>
        %gather3A_159 = tpu.vector_load_idx %arg6[%add3A_158] : memref<65536xi32, #tpu.memory_space<vmem>>[vector<16xi32>], vector<16xi32>,
        %broadcast_in_dim3A_160 = arith.constant 3 : i32
        %broadcast_in_dim3A_161 = vector.broadcast %broadcast_in_dim3A_160 : i32 to vector<16xi32>
        %lt3A_162 = arith.constant 0 : i32
        %lt3A_163 = vector.broadcast %lt3A_162 : i32 to vector<16xi32>
        %lt3A_164 = arith.cmpi slt, %broadcast_in_dim3A_161, %lt3A_163 : vector<16xi32>
        %add3A_165 = arith.constant 16 : i32
        %add3A_166 = vector.broadcast %add3A_165 : i32 to vector<16xi32>
        %add3A_167 = arith.addi %broadcast_in_dim3A_161, %add3A_166 : vector<16xi32>
        %select_n3A_168 = arith.select %lt3A_164, %add3A_167, %broadcast_in_dim3A_161 : vector<16xi1>, vector<16xi32>
        %broadcast_in_dim3A_169 = vector.shape_cast %select_n3A_168 : vector<16xi32> to vector<16x1xi32>
        %gather3A_170 = vector.shape_cast %broadcast_in_dim3A_169 : vector<16x1xi32> to vector<16xi32>
        %gather3A_171 = tpu.dynamic_gather %gather3A[%gather3A_170] in [0] : vector<16xi32>, vector<16xi32> -> vector<16xi32>
        %shift_left3A_172 = arith.constant 16 : i32
        %shift_left3A_173 = vector.broadcast %shift_left3A_172 : i32 to vector<16xi32>
        %shift_left3A_174 = arith.shli %gather3A_159, %shift_left3A_173 : vector<16xi32>
        %bitcast3A_175 = vector.bitcast %shift_left3A_174 : vector<16xi32> to vector<16xf32>
        %and3A_176 = arith.constant -65536 : i32
        %and3A_177 = vector.broadcast %and3A_176 : i32 to vector<16xi32>
        %and3A_178 = arith.andi %gather3A_159, %and3A_177 : vector<16xi32>
        %bitcast3A_179 = vector.bitcast %and3A_178 : vector<16xi32> to vector<16xf32>
        %shift_left3A_180 = arith.constant 16 : i32
        %shift_left3A_181 = vector.broadcast %shift_left3A_180 : i32 to vector<16xi32>
        %shift_left3A_182 = arith.shli %gather3A_171, %shift_left3A_181 : vector<16xi32>
        %bitcast3A_183 = vector.bitcast %shift_left3A_182 : vector<16xi32> to vector<16xf32>
        %and3A_184 = arith.constant -65536 : i32
        %and3A_185 = vector.broadcast %and3A_184 : i32 to vector<16xi32>
        %and3A_186 = arith.andi %gather3A_171, %and3A_185 : vector<16xi32>
        %bitcast3A_187 = vector.bitcast %and3A_186 : vector<16xi32> to vector<16xf32>
        %mul3A_188 = arith.mulf %bitcast3A_175, %bitcast3A_183 : vector<16xf32>
        %add3A_189 = arith.addf %add3A_153, %mul3A_188 : vector<16xf32>
        %mul3A_190 = arith.mulf %bitcast3A_179, %bitcast3A_187 : vector<16xf32>
        %add3A_191 = arith.addf %add3A_155, %mul3A_190 : vector<16xf32>
        %add3A_192 = arith.constant 8192 : i32
        %add3A_193 = vector.broadcast %add3A_192 : i32 to vector<16xi32>
        %add3A_194 = arith.addi %gather3A_49, %add3A_193 : vector<16xi32>
        %gather3A_195 = tpu.vector_load_idx %arg6[%add3A_194] : memref<65536xi32, #tpu.memory_space<vmem>>[vector<16xi32>], vector<16xi32>,
        %broadcast_in_dim3A_196 = arith.constant 4 : i32
        %broadcast_in_dim3A_197 = vector.broadcast %broadcast_in_dim3A_196 : i32 to vector<16xi32>
        %lt3A_198 = arith.constant 0 : i32
        %lt3A_199 = vector.broadcast %lt3A_198 : i32 to vector<16xi32>
        %lt3A_200 = arith.cmpi slt, %broadcast_in_dim3A_197, %lt3A_199 : vector<16xi32>
        %add3A_201 = arith.constant 16 : i32
        %add3A_202 = vector.broadcast %add3A_201 : i32 to vector<16xi32>
        %add3A_203 = arith.addi %broadcast_in_dim3A_197, %add3A_202 : vector<16xi32>
        %select_n3A_204 = arith.select %lt3A_200, %add3A_203, %broadcast_in_dim3A_197 : vector<16xi1>, vector<16xi32>
        %broadcast_in_dim3A_205 = vector.shape_cast %select_n3A_204 : vector<16xi32> to vector<16x1xi32>
        %gather3A_206 = vector.shape_cast %broadcast_in_dim3A_205 : vector<16x1xi32> to vector<16xi32>
        %gather3A_207 = tpu.dynamic_gather %gather3A[%gather3A_206] in [0] : vector<16xi32>, vector<16xi32> -> vector<16xi32>
        %shift_left3A_208 = arith.constant 16 : i32
        %shift_left3A_209 = vector.broadcast %shift_left3A_208 : i32 to vector<16xi32>
        %shift_left3A_210 = arith.shli %gather3A_195, %shift_left3A_209 : vector<16xi32>
        %bitcast3A_211 = vector.bitcast %shift_left3A_210 : vector<16xi32> to vector<16xf32>
        %and3A_212 = arith.constant -65536 : i32
        %and3A_213 = vector.broadcast %and3A_212 : i32 to vector<16xi32>
        %and3A_214 = arith.andi %gather3A_195, %and3A_213 : vector<16xi32>
        %bitcast3A_215 = vector.bitcast %and3A_214 : vector<16xi32> to vector<16xf32>
        %shift_left3A_216 = arith.constant 16 : i32
        %shift_left3A_217 = vector.broadcast %shift_left3A_216 : i32 to vector<16xi32>
        %shift_left3A_218 = arith.shli %gather3A_207, %shift_left3A_217 : vector<16xi32>
        %bitcast3A_219 = vector.bitcast %shift_left3A_218 : vector<16xi32> to vector<16xf32>
        %and3A_220 = arith.constant -65536 : i32
        %and3A_221 = vector.broadcast %and3A_220 : i32 to vector<16xi32>
        %and3A_222 = arith.andi %gather3A_207, %and3A_221 : vector<16xi32>
        %bitcast3A_223 = vector.bitcast %and3A_222 : vector<16xi32> to vector<16xf32>
        %mul3A_224 = arith.mulf %bitcast3A_211, %bitcast3A_219 : vector<16xf32>
        %add3A_225 = arith.addf %add3A_189, %mul3A_224 : vector<16xf32>
        %mul3A_226 = arith.mulf %bitcast3A_215, %bitcast3A_223 : vector<16xf32>
        %add3A_227 = arith.addf %add3A_191, %mul3A_226 : vector<16xf32>
        %add3A_228 = arith.constant 10240 : i32
        %add3A_229 = vector.broadcast %add3A_228 : i32 to vector<16xi32>
        %add3A_230 = arith.addi %gather3A_49, %add3A_229 : vector<16xi32>
        %gather3A_231 = tpu.vector_load_idx %arg6[%add3A_230] : memref<65536xi32, #tpu.memory_space<vmem>>[vector<16xi32>], vector<16xi32>,
        %broadcast_in_dim3A_232 = arith.constant 5 : i32
        %broadcast_in_dim3A_233 = vector.broadcast %broadcast_in_dim3A_232 : i32 to vector<16xi32>
        %lt3A_234 = arith.constant 0 : i32
        %lt3A_235 = vector.broadcast %lt3A_234 : i32 to vector<16xi32>
        %lt3A_236 = arith.cmpi slt, %broadcast_in_dim3A_233, %lt3A_235 : vector<16xi32>
        %add3A_237 = arith.constant 16 : i32
        %add3A_238 = vector.broadcast %add3A_237 : i32 to vector<16xi32>
        %add3A_239 = arith.addi %broadcast_in_dim3A_233, %add3A_238 : vector<16xi32>
        %select_n3A_240 = arith.select %lt3A_236, %add3A_239, %broadcast_in_dim3A_233 : vector<16xi1>, vector<16xi32>
        %broadcast_in_dim3A_241 = vector.shape_cast %select_n3A_240 : vector<16xi32> to vector<16x1xi32>
        %gather3A_242 = vector.shape_cast %broadcast_in_dim3A_241 : vector<16x1xi32> to vector<16xi32>
        %gather3A_243 = tpu.dynamic_gather %gather3A[%gather3A_242] in [0] : vector<16xi32>, vector<16xi32> -> vector<16xi32>
        %shift_left3A_244 = arith.constant 16 : i32
        %shift_left3A_245 = vector.broadcast %shift_left3A_244 : i32 to vector<16xi32>
        %shift_left3A_246 = arith.shli %gather3A_231, %shift_left3A_245 : vector<16xi32>
        %bitcast3A_247 = vector.bitcast %shift_left3A_246 : vector<16xi32> to vector<16xf32>
        %and3A_248 = arith.constant -65536 : i32
        %and3A_249 = vector.broadcast %and3A_248 : i32 to vector<16xi32>
        %and3A_250 = arith.andi %gather3A_231, %and3A_249 : vector<16xi32>
        %bitcast3A_251 = vector.bitcast %and3A_250 : vector<16xi32> to vector<16xf32>
        %shift_left3A_252 = arith.constant 16 : i32
        %shift_left3A_253 = vector.broadcast %shift_left3A_252 : i32 to vector<16xi32>
        %shift_left3A_254 = arith.shli %gather3A_243, %shift_left3A_253 : vector<16xi32>
        %bitcast3A_255 = vector.bitcast %shift_left3A_254 : vector<16xi32> to vector<16xf32>
        %and3A_256 = arith.constant -65536 : i32
        %and3A_257 = vector.broadcast %and3A_256 : i32 to vector<16xi32>
        %and3A_258 = arith.andi %gather3A_243, %and3A_257 : vector<16xi32>
        %bitcast3A_259 = vector.bitcast %and3A_258 : vector<16xi32> to vector<16xf32>
        %mul3A_260 = arith.mulf %bitcast3A_247, %bitcast3A_255 : vector<16xf32>
        %add3A_261 = arith.addf %add3A_225, %mul3A_260 : vector<16xf32>
        %mul3A_262 = arith.mulf %bitcast3A_251, %bitcast3A_259 : vector<16xf32>
        %add3A_263 = arith.addf %add3A_227, %mul3A_262 : vector<16xf32>
        %add3A_264 = arith.constant 12288 : i32
        %add3A_265 = vector.broadcast %add3A_264 : i32 to vector<16xi32>
        %add3A_266 = arith.addi %gather3A_49, %add3A_265 : vector<16xi32>
        %gather3A_267 = tpu.vector_load_idx %arg6[%add3A_266] : memref<65536xi32, #tpu.memory_space<vmem>>[vector<16xi32>], vector<16xi32>,
        %broadcast_in_dim3A_268 = arith.constant 6 : i32
        %broadcast_in_dim3A_269 = vector.broadcast %broadcast_in_dim3A_268 : i32 to vector<16xi32>
        %lt3A_270 = arith.constant 0 : i32
        %lt3A_271 = vector.broadcast %lt3A_270 : i32 to vector<16xi32>
        %lt3A_272 = arith.cmpi slt, %broadcast_in_dim3A_269, %lt3A_271 : vector<16xi32>
        %add3A_273 = arith.constant 16 : i32
        %add3A_274 = vector.broadcast %add3A_273 : i32 to vector<16xi32>
        %add3A_275 = arith.addi %broadcast_in_dim3A_269, %add3A_274 : vector<16xi32>
        %select_n3A_276 = arith.select %lt3A_272, %add3A_275, %broadcast_in_dim3A_269 : vector<16xi1>, vector<16xi32>
        %broadcast_in_dim3A_277 = vector.shape_cast %select_n3A_276 : vector<16xi32> to vector<16x1xi32>
        %gather3A_278 = vector.shape_cast %broadcast_in_dim3A_277 : vector<16x1xi32> to vector<16xi32>
        %gather3A_279 = tpu.dynamic_gather %gather3A[%gather3A_278] in [0] : vector<16xi32>, vector<16xi32> -> vector<16xi32>
        %shift_left3A_280 = arith.constant 16 : i32
        %shift_left3A_281 = vector.broadcast %shift_left3A_280 : i32 to vector<16xi32>
        %shift_left3A_282 = arith.shli %gather3A_267, %shift_left3A_281 : vector<16xi32>
        %bitcast3A_283 = vector.bitcast %shift_left3A_282 : vector<16xi32> to vector<16xf32>
        %and3A_284 = arith.constant -65536 : i32
        %and3A_285 = vector.broadcast %and3A_284 : i32 to vector<16xi32>
        %and3A_286 = arith.andi %gather3A_267, %and3A_285 : vector<16xi32>
        %bitcast3A_287 = vector.bitcast %and3A_286 : vector<16xi32> to vector<16xf32>
        %shift_left3A_288 = arith.constant 16 : i32
        %shift_left3A_289 = vector.broadcast %shift_left3A_288 : i32 to vector<16xi32>
        %shift_left3A_290 = arith.shli %gather3A_279, %shift_left3A_289 : vector<16xi32>
        %bitcast3A_291 = vector.bitcast %shift_left3A_290 : vector<16xi32> to vector<16xf32>
        %and3A_292 = arith.constant -65536 : i32
        %and3A_293 = vector.broadcast %and3A_292 : i32 to vector<16xi32>
        %and3A_294 = arith.andi %gather3A_279, %and3A_293 : vector<16xi32>
        %bitcast3A_295 = vector.bitcast %and3A_294 : vector<16xi32> to vector<16xf32>
        %mul3A_296 = arith.mulf %bitcast3A_283, %bitcast3A_291 : vector<16xf32>
        %add3A_297 = arith.addf %add3A_261, %mul3A_296 : vector<16xf32>
        %mul3A_298 = arith.mulf %bitcast3A_287, %bitcast3A_295 : vector<16xf32>
        %add3A_299 = arith.addf %add3A_263, %mul3A_298 : vector<16xf32>
        %add3A_300 = arith.constant 14336 : i32
        %add3A_301 = vector.broadcast %add3A_300 : i32 to vector<16xi32>
        %add3A_302 = arith.addi %gather3A_49, %add3A_301 : vector<16xi32>
        %gather3A_303 = tpu.vector_load_idx %arg6[%add3A_302] : memref<65536xi32, #tpu.memory_space<vmem>>[vector<16xi32>], vector<16xi32>,
        %broadcast_in_dim3A_304 = arith.constant 7 : i32
        %broadcast_in_dim3A_305 = vector.broadcast %broadcast_in_dim3A_304 : i32 to vector<16xi32>
        %lt3A_306 = arith.constant 0 : i32
        %lt3A_307 = vector.broadcast %lt3A_306 : i32 to vector<16xi32>
        %lt3A_308 = arith.cmpi slt, %broadcast_in_dim3A_305, %lt3A_307 : vector<16xi32>
        %add3A_309 = arith.constant 16 : i32
        %add3A_310 = vector.broadcast %add3A_309 : i32 to vector<16xi32>
        %add3A_311 = arith.addi %broadcast_in_dim3A_305, %add3A_310 : vector<16xi32>
        %select_n3A_312 = arith.select %lt3A_308, %add3A_311, %broadcast_in_dim3A_305 : vector<16xi1>, vector<16xi32>
        %broadcast_in_dim3A_313 = vector.shape_cast %select_n3A_312 : vector<16xi32> to vector<16x1xi32>
        %gather3A_314 = vector.shape_cast %broadcast_in_dim3A_313 : vector<16x1xi32> to vector<16xi32>
        %gather3A_315 = tpu.dynamic_gather %gather3A[%gather3A_314] in [0] : vector<16xi32>, vector<16xi32> -> vector<16xi32>
        %shift_left3A_316 = arith.constant 16 : i32
        %shift_left3A_317 = vector.broadcast %shift_left3A_316 : i32 to vector<16xi32>
        %shift_left3A_318 = arith.shli %gather3A_303, %shift_left3A_317 : vector<16xi32>
        %bitcast3A_319 = vector.bitcast %shift_left3A_318 : vector<16xi32> to vector<16xf32>
        %and3A_320 = arith.constant -65536 : i32
        %and3A_321 = vector.broadcast %and3A_320 : i32 to vector<16xi32>
        %and3A_322 = arith.andi %gather3A_303, %and3A_321 : vector<16xi32>
        %bitcast3A_323 = vector.bitcast %and3A_322 : vector<16xi32> to vector<16xf32>
        %shift_left3A_324 = arith.constant 16 : i32
        %shift_left3A_325 = vector.broadcast %shift_left3A_324 : i32 to vector<16xi32>
        %shift_left3A_326 = arith.shli %gather3A_315, %shift_left3A_325 : vector<16xi32>
        %bitcast3A_327 = vector.bitcast %shift_left3A_326 : vector<16xi32> to vector<16xf32>
        %and3A_328 = arith.constant -65536 : i32
        %and3A_329 = vector.broadcast %and3A_328 : i32 to vector<16xi32>
        %and3A_330 = arith.andi %gather3A_315, %and3A_329 : vector<16xi32>
        %bitcast3A_331 = vector.bitcast %and3A_330 : vector<16xi32> to vector<16xf32>
        %mul3A_332 = arith.mulf %bitcast3A_319, %bitcast3A_327 : vector<16xf32>
        %add3A_333 = arith.addf %add3A_297, %mul3A_332 : vector<16xf32>
        %mul3A_334 = arith.mulf %bitcast3A_323, %bitcast3A_331 : vector<16xf32>
        %add3A_335 = arith.addf %add3A_299, %mul3A_334 : vector<16xf32>
        %add3A_336 = arith.constant 16384 : i32
        %add3A_337 = vector.broadcast %add3A_336 : i32 to vector<16xi32>
        %add3A_338 = arith.addi %gather3A_49, %add3A_337 : vector<16xi32>
        %gather3A_339 = tpu.vector_load_idx %arg6[%add3A_338] : memref<65536xi32, #tpu.memory_space<vmem>>[vector<16xi32>], vector<16xi32>,
        %broadcast_in_dim3A_340 = arith.constant 8 : i32
        %broadcast_in_dim3A_341 = vector.broadcast %broadcast_in_dim3A_340 : i32 to vector<16xi32>
        %lt3A_342 = arith.constant 0 : i32
        %lt3A_343 = vector.broadcast %lt3A_342 : i32 to vector<16xi32>
        %lt3A_344 = arith.cmpi slt, %broadcast_in_dim3A_341, %lt3A_343 : vector<16xi32>
        %add3A_345 = arith.constant 16 : i32
        %add3A_346 = vector.broadcast %add3A_345 : i32 to vector<16xi32>
        %add3A_347 = arith.addi %broadcast_in_dim3A_341, %add3A_346 : vector<16xi32>
        %select_n3A_348 = arith.select %lt3A_344, %add3A_347, %broadcast_in_dim3A_341 : vector<16xi1>, vector<16xi32>
        %broadcast_in_dim3A_349 = vector.shape_cast %select_n3A_348 : vector<16xi32> to vector<16x1xi32>
        %gather3A_350 = vector.shape_cast %broadcast_in_dim3A_349 : vector<16x1xi32> to vector<16xi32>
        %gather3A_351 = tpu.dynamic_gather %gather3A[%gather3A_350] in [0] : vector<16xi32>, vector<16xi32> -> vector<16xi32>
        %shift_left3A_352 = arith.constant 16 : i32
        %shift_left3A_353 = vector.broadcast %shift_left3A_352 : i32 to vector<16xi32>
        %shift_left3A_354 = arith.shli %gather3A_339, %shift_left3A_353 : vector<16xi32>
        %bitcast3A_355 = vector.bitcast %shift_left3A_354 : vector<16xi32> to vector<16xf32>
        %and3A_356 = arith.constant -65536 : i32
        %and3A_357 = vector.broadcast %and3A_356 : i32 to vector<16xi32>
        %and3A_358 = arith.andi %gather3A_339, %and3A_357 : vector<16xi32>
        %bitcast3A_359 = vector.bitcast %and3A_358 : vector<16xi32> to vector<16xf32>
        %shift_left3A_360 = arith.constant 16 : i32
        %shift_left3A_361 = vector.broadcast %shift_left3A_360 : i32 to vector<16xi32>
        %shift_left3A_362 = arith.shli %gather3A_351, %shift_left3A_361 : vector<16xi32>
        %bitcast3A_363 = vector.bitcast %shift_left3A_362 : vector<16xi32> to vector<16xf32>
        %and3A_364 = arith.constant -65536 : i32
        %and3A_365 = vector.broadcast %and3A_364 : i32 to vector<16xi32>
        %and3A_366 = arith.andi %gather3A_351, %and3A_365 : vector<16xi32>
        %bitcast3A_367 = vector.bitcast %and3A_366 : vector<16xi32> to vector<16xf32>
        %mul3A_368 = arith.mulf %bitcast3A_355, %bitcast3A_363 : vector<16xf32>
        %add3A_369 = arith.addf %add3A_333, %mul3A_368 : vector<16xf32>
        %mul3A_370 = arith.mulf %bitcast3A_359, %bitcast3A_367 : vector<16xf32>
        %add3A_371 = arith.addf %add3A_335, %mul3A_370 : vector<16xf32>
        %add3A_372 = arith.constant 18432 : i32
        %add3A_373 = vector.broadcast %add3A_372 : i32 to vector<16xi32>
        %add3A_374 = arith.addi %gather3A_49, %add3A_373 : vector<16xi32>
        %gather3A_375 = tpu.vector_load_idx %arg6[%add3A_374] : memref<65536xi32, #tpu.memory_space<vmem>>[vector<16xi32>], vector<16xi32>,
        %broadcast_in_dim3A_376 = arith.constant 9 : i32
        %broadcast_in_dim3A_377 = vector.broadcast %broadcast_in_dim3A_376 : i32 to vector<16xi32>
        %lt3A_378 = arith.constant 0 : i32
        %lt3A_379 = vector.broadcast %lt3A_378 : i32 to vector<16xi32>
        %lt3A_380 = arith.cmpi slt, %broadcast_in_dim3A_377, %lt3A_379 : vector<16xi32>
        %add3A_381 = arith.constant 16 : i32
        %add3A_382 = vector.broadcast %add3A_381 : i32 to vector<16xi32>
        %add3A_383 = arith.addi %broadcast_in_dim3A_377, %add3A_382 : vector<16xi32>
        %select_n3A_384 = arith.select %lt3A_380, %add3A_383, %broadcast_in_dim3A_377 : vector<16xi1>, vector<16xi32>
        %broadcast_in_dim3A_385 = vector.shape_cast %select_n3A_384 : vector<16xi32> to vector<16x1xi32>
        %gather3A_386 = vector.shape_cast %broadcast_in_dim3A_385 : vector<16x1xi32> to vector<16xi32>
        %gather3A_387 = tpu.dynamic_gather %gather3A[%gather3A_386] in [0] : vector<16xi32>, vector<16xi32> -> vector<16xi32>
        %shift_left3A_388 = arith.constant 16 : i32
        %shift_left3A_389 = vector.broadcast %shift_left3A_388 : i32 to vector<16xi32>
        %shift_left3A_390 = arith.shli %gather3A_375, %shift_left3A_389 : vector<16xi32>
        %bitcast3A_391 = vector.bitcast %shift_left3A_390 : vector<16xi32> to vector<16xf32>
        %and3A_392 = arith.constant -65536 : i32
        %and3A_393 = vector.broadcast %and3A_392 : i32 to vector<16xi32>
        %and3A_394 = arith.andi %gather3A_375, %and3A_393 : vector<16xi32>
        %bitcast3A_395 = vector.bitcast %and3A_394 : vector<16xi32> to vector<16xf32>
        %shift_left3A_396 = arith.constant 16 : i32
        %shift_left3A_397 = vector.broadcast %shift_left3A_396 : i32 to vector<16xi32>
        %shift_left3A_398 = arith.shli %gather3A_387, %shift_left3A_397 : vector<16xi32>
        %bitcast3A_399 = vector.bitcast %shift_left3A_398 : vector<16xi32> to vector<16xf32>
        %and3A_400 = arith.constant -65536 : i32
        %and3A_401 = vector.broadcast %and3A_400 : i32 to vector<16xi32>
        %and3A_402 = arith.andi %gather3A_387, %and3A_401 : vector<16xi32>
        %bitcast3A_403 = vector.bitcast %and3A_402 : vector<16xi32> to vector<16xf32>
        %mul3A_404 = arith.mulf %bitcast3A_391, %bitcast3A_399 : vector<16xf32>
        %add3A_405 = arith.addf %add3A_369, %mul3A_404 : vector<16xf32>
        %mul3A_406 = arith.mulf %bitcast3A_395, %bitcast3A_403 : vector<16xf32>
        %add3A_407 = arith.addf %add3A_371, %mul3A_406 : vector<16xf32>
        %add3A_408 = arith.constant 20480 : i32
        %add3A_409 = vector.broadcast %add3A_408 : i32 to vector<16xi32>
        %add3A_410 = arith.addi %gather3A_49, %add3A_409 : vector<16xi32>
        %gather3A_411 = tpu.vector_load_idx %arg6[%add3A_410] : memref<65536xi32, #tpu.memory_space<vmem>>[vector<16xi32>], vector<16xi32>,
        %broadcast_in_dim3A_412 = arith.constant 10 : i32
        %broadcast_in_dim3A_413 = vector.broadcast %broadcast_in_dim3A_412 : i32 to vector<16xi32>
        %lt3A_414 = arith.constant 0 : i32
        %lt3A_415 = vector.broadcast %lt3A_414 : i32 to vector<16xi32>
        %lt3A_416 = arith.cmpi slt, %broadcast_in_dim3A_413, %lt3A_415 : vector<16xi32>
        %add3A_417 = arith.constant 16 : i32
        %add3A_418 = vector.broadcast %add3A_417 : i32 to vector<16xi32>
        %add3A_419 = arith.addi %broadcast_in_dim3A_413, %add3A_418 : vector<16xi32>
        %select_n3A_420 = arith.select %lt3A_416, %add3A_419, %broadcast_in_dim3A_413 : vector<16xi1>, vector<16xi32>
        %broadcast_in_dim3A_421 = vector.shape_cast %select_n3A_420 : vector<16xi32> to vector<16x1xi32>
        %gather3A_422 = vector.shape_cast %broadcast_in_dim3A_421 : vector<16x1xi32> to vector<16xi32>
        %gather3A_423 = tpu.dynamic_gather %gather3A[%gather3A_422] in [0] : vector<16xi32>, vector<16xi32> -> vector<16xi32>
        %shift_left3A_424 = arith.constant 16 : i32
        %shift_left3A_425 = vector.broadcast %shift_left3A_424 : i32 to vector<16xi32>
        %shift_left3A_426 = arith.shli %gather3A_411, %shift_left3A_425 : vector<16xi32>
        %bitcast3A_427 = vector.bitcast %shift_left3A_426 : vector<16xi32> to vector<16xf32>
        %and3A_428 = arith.constant -65536 : i32
        %and3A_429 = vector.broadcast %and3A_428 : i32 to vector<16xi32>
        %and3A_430 = arith.andi %gather3A_411, %and3A_429 : vector<16xi32>
        %bitcast3A_431 = vector.bitcast %and3A_430 : vector<16xi32> to vector<16xf32>
        %shift_left3A_432 = arith.constant 16 : i32
        %shift_left3A_433 = vector.broadcast %shift_left3A_432 : i32 to vector<16xi32>
        %shift_left3A_434 = arith.shli %gather3A_423, %shift_left3A_433 : vector<16xi32>
        %bitcast3A_435 = vector.bitcast %shift_left3A_434 : vector<16xi32> to vector<16xf32>
        %and3A_436 = arith.constant -65536 : i32
        %and3A_437 = vector.broadcast %and3A_436 : i32 to vector<16xi32>
        %and3A_438 = arith.andi %gather3A_423, %and3A_437 : vector<16xi32>
        %bitcast3A_439 = vector.bitcast %and3A_438 : vector<16xi32> to vector<16xf32>
        %mul3A_440 = arith.mulf %bitcast3A_427, %bitcast3A_435 : vector<16xf32>
        %add3A_441 = arith.addf %add3A_405, %mul3A_440 : vector<16xf32>
        %mul3A_442 = arith.mulf %bitcast3A_431, %bitcast3A_439 : vector<16xf32>
        %add3A_443 = arith.addf %add3A_407, %mul3A_442 : vector<16xf32>
        %add3A_444 = arith.constant 22528 : i32
        %add3A_445 = vector.broadcast %add3A_444 : i32 to vector<16xi32>
        %add3A_446 = arith.addi %gather3A_49, %add3A_445 : vector<16xi32>
        %gather3A_447 = tpu.vector_load_idx %arg6[%add3A_446] : memref<65536xi32, #tpu.memory_space<vmem>>[vector<16xi32>], vector<16xi32>,
        %broadcast_in_dim3A_448 = arith.constant 11 : i32
        %broadcast_in_dim3A_449 = vector.broadcast %broadcast_in_dim3A_448 : i32 to vector<16xi32>
        %lt3A_450 = arith.constant 0 : i32
        %lt3A_451 = vector.broadcast %lt3A_450 : i32 to vector<16xi32>
        %lt3A_452 = arith.cmpi slt, %broadcast_in_dim3A_449, %lt3A_451 : vector<16xi32>
        %add3A_453 = arith.constant 16 : i32
        %add3A_454 = vector.broadcast %add3A_453 : i32 to vector<16xi32>
        %add3A_455 = arith.addi %broadcast_in_dim3A_449, %add3A_454 : vector<16xi32>
        %select_n3A_456 = arith.select %lt3A_452, %add3A_455, %broadcast_in_dim3A_449 : vector<16xi1>, vector<16xi32>
        %broadcast_in_dim3A_457 = vector.shape_cast %select_n3A_456 : vector<16xi32> to vector<16x1xi32>
        %gather3A_458 = vector.shape_cast %broadcast_in_dim3A_457 : vector<16x1xi32> to vector<16xi32>
        %gather3A_459 = tpu.dynamic_gather %gather3A[%gather3A_458] in [0] : vector<16xi32>, vector<16xi32> -> vector<16xi32>
        %shift_left3A_460 = arith.constant 16 : i32
        %shift_left3A_461 = vector.broadcast %shift_left3A_460 : i32 to vector<16xi32>
        %shift_left3A_462 = arith.shli %gather3A_447, %shift_left3A_461 : vector<16xi32>
        %bitcast3A_463 = vector.bitcast %shift_left3A_462 : vector<16xi32> to vector<16xf32>
        %and3A_464 = arith.constant -65536 : i32
        %and3A_465 = vector.broadcast %and3A_464 : i32 to vector<16xi32>
        %and3A_466 = arith.andi %gather3A_447, %and3A_465 : vector<16xi32>
        %bitcast3A_467 = vector.bitcast %and3A_466 : vector<16xi32> to vector<16xf32>
        %shift_left3A_468 = arith.constant 16 : i32
        %shift_left3A_469 = vector.broadcast %shift_left3A_468 : i32 to vector<16xi32>
        %shift_left3A_470 = arith.shli %gather3A_459, %shift_left3A_469 : vector<16xi32>
        %bitcast3A_471 = vector.bitcast %shift_left3A_470 : vector<16xi32> to vector<16xf32>
        %and3A_472 = arith.constant -65536 : i32
        %and3A_473 = vector.broadcast %and3A_472 : i32 to vector<16xi32>
        %and3A_474 = arith.andi %gather3A_459, %and3A_473 : vector<16xi32>
        %bitcast3A_475 = vector.bitcast %and3A_474 : vector<16xi32> to vector<16xf32>
        %mul3A_476 = arith.mulf %bitcast3A_463, %bitcast3A_471 : vector<16xf32>
        %add3A_477 = arith.addf %add3A_441, %mul3A_476 : vector<16xf32>
        %mul3A_478 = arith.mulf %bitcast3A_467, %bitcast3A_475 : vector<16xf32>
        %add3A_479 = arith.addf %add3A_443, %mul3A_478 : vector<16xf32>
        %add3A_480 = arith.constant 24576 : i32
        %add3A_481 = vector.broadcast %add3A_480 : i32 to vector<16xi32>
        %add3A_482 = arith.addi %gather3A_49, %add3A_481 : vector<16xi32>
        %gather3A_483 = tpu.vector_load_idx %arg6[%add3A_482] : memref<65536xi32, #tpu.memory_space<vmem>>[vector<16xi32>], vector<16xi32>,
        %broadcast_in_dim3A_484 = arith.constant 12 : i32
        %broadcast_in_dim3A_485 = vector.broadcast %broadcast_in_dim3A_484 : i32 to vector<16xi32>
        %lt3A_486 = arith.constant 0 : i32
        %lt3A_487 = vector.broadcast %lt3A_486 : i32 to vector<16xi32>
        %lt3A_488 = arith.cmpi slt, %broadcast_in_dim3A_485, %lt3A_487 : vector<16xi32>
        %add3A_489 = arith.constant 16 : i32
        %add3A_490 = vector.broadcast %add3A_489 : i32 to vector<16xi32>
        %add3A_491 = arith.addi %broadcast_in_dim3A_485, %add3A_490 : vector<16xi32>
        %select_n3A_492 = arith.select %lt3A_488, %add3A_491, %broadcast_in_dim3A_485 : vector<16xi1>, vector<16xi32>
        %broadcast_in_dim3A_493 = vector.shape_cast %select_n3A_492 : vector<16xi32> to vector<16x1xi32>
        %gather3A_494 = vector.shape_cast %broadcast_in_dim3A_493 : vector<16x1xi32> to vector<16xi32>
        %gather3A_495 = tpu.dynamic_gather %gather3A[%gather3A_494] in [0] : vector<16xi32>, vector<16xi32> -> vector<16xi32>
        %shift_left3A_496 = arith.constant 16 : i32
        %shift_left3A_497 = vector.broadcast %shift_left3A_496 : i32 to vector<16xi32>
        %shift_left3A_498 = arith.shli %gather3A_483, %shift_left3A_497 : vector<16xi32>
        %bitcast3A_499 = vector.bitcast %shift_left3A_498 : vector<16xi32> to vector<16xf32>
        %and3A_500 = arith.constant -65536 : i32
        %and3A_501 = vector.broadcast %and3A_500 : i32 to vector<16xi32>
        %and3A_502 = arith.andi %gather3A_483, %and3A_501 : vector<16xi32>
        %bitcast3A_503 = vector.bitcast %and3A_502 : vector<16xi32> to vector<16xf32>
        %shift_left3A_504 = arith.constant 16 : i32
        %shift_left3A_505 = vector.broadcast %shift_left3A_504 : i32 to vector<16xi32>
        %shift_left3A_506 = arith.shli %gather3A_495, %shift_left3A_505 : vector<16xi32>
        %bitcast3A_507 = vector.bitcast %shift_left3A_506 : vector<16xi32> to vector<16xf32>
        %and3A_508 = arith.constant -65536 : i32
        %and3A_509 = vector.broadcast %and3A_508 : i32 to vector<16xi32>
        %and3A_510 = arith.andi %gather3A_495, %and3A_509 : vector<16xi32>
        %bitcast3A_511 = vector.bitcast %and3A_510 : vector<16xi32> to vector<16xf32>
        %mul3A_512 = arith.mulf %bitcast3A_499, %bitcast3A_507 : vector<16xf32>
        %add3A_513 = arith.addf %add3A_477, %mul3A_512 : vector<16xf32>
        %mul3A_514 = arith.mulf %bitcast3A_503, %bitcast3A_511 : vector<16xf32>
        %add3A_515 = arith.addf %add3A_479, %mul3A_514 : vector<16xf32>
        %add3A_516 = arith.constant 26624 : i32
        %add3A_517 = vector.broadcast %add3A_516 : i32 to vector<16xi32>
        %add3A_518 = arith.addi %gather3A_49, %add3A_517 : vector<16xi32>
        %gather3A_519 = tpu.vector_load_idx %arg6[%add3A_518] : memref<65536xi32, #tpu.memory_space<vmem>>[vector<16xi32>], vector<16xi32>,
        %broadcast_in_dim3A_520 = arith.constant 13 : i32
        %broadcast_in_dim3A_521 = vector.broadcast %broadcast_in_dim3A_520 : i32 to vector<16xi32>
        %lt3A_522 = arith.constant 0 : i32
        %lt3A_523 = vector.broadcast %lt3A_522 : i32 to vector<16xi32>
        %lt3A_524 = arith.cmpi slt, %broadcast_in_dim3A_521, %lt3A_523 : vector<16xi32>
        %add3A_525 = arith.constant 16 : i32
        %add3A_526 = vector.broadcast %add3A_525 : i32 to vector<16xi32>
        %add3A_527 = arith.addi %broadcast_in_dim3A_521, %add3A_526 : vector<16xi32>
        %select_n3A_528 = arith.select %lt3A_524, %add3A_527, %broadcast_in_dim3A_521 : vector<16xi1>, vector<16xi32>
        %broadcast_in_dim3A_529 = vector.shape_cast %select_n3A_528 : vector<16xi32> to vector<16x1xi32>
        %gather3A_530 = vector.shape_cast %broadcast_in_dim3A_529 : vector<16x1xi32> to vector<16xi32>
        %gather3A_531 = tpu.dynamic_gather %gather3A[%gather3A_530] in [0] : vector<16xi32>, vector<16xi32> -> vector<16xi32>
        %shift_left3A_532 = arith.constant 16 : i32
        %shift_left3A_533 = vector.broadcast %shift_left3A_532 : i32 to vector<16xi32>
        %shift_left3A_534 = arith.shli %gather3A_519, %shift_left3A_533 : vector<16xi32>
        %bitcast3A_535 = vector.bitcast %shift_left3A_534 : vector<16xi32> to vector<16xf32>
        %and3A_536 = arith.constant -65536 : i32
        %and3A_537 = vector.broadcast %and3A_536 : i32 to vector<16xi32>
        %and3A_538 = arith.andi %gather3A_519, %and3A_537 : vector<16xi32>
        %bitcast3A_539 = vector.bitcast %and3A_538 : vector<16xi32> to vector<16xf32>
        %shift_left3A_540 = arith.constant 16 : i32
        %shift_left3A_541 = vector.broadcast %shift_left3A_540 : i32 to vector<16xi32>
        %shift_left3A_542 = arith.shli %gather3A_531, %shift_left3A_541 : vector<16xi32>
        %bitcast3A_543 = vector.bitcast %shift_left3A_542 : vector<16xi32> to vector<16xf32>
        %and3A_544 = arith.constant -65536 : i32
        %and3A_545 = vector.broadcast %and3A_544 : i32 to vector<16xi32>
        %and3A_546 = arith.andi %gather3A_531, %and3A_545 : vector<16xi32>
        %bitcast3A_547 = vector.bitcast %and3A_546 : vector<16xi32> to vector<16xf32>
        %mul3A_548 = arith.mulf %bitcast3A_535, %bitcast3A_543 : vector<16xf32>
        %add3A_549 = arith.addf %add3A_513, %mul3A_548 : vector<16xf32>
        %mul3A_550 = arith.mulf %bitcast3A_539, %bitcast3A_547 : vector<16xf32>
        %add3A_551 = arith.addf %add3A_515, %mul3A_550 : vector<16xf32>
        %add3A_552 = arith.constant 28672 : i32
        %add3A_553 = vector.broadcast %add3A_552 : i32 to vector<16xi32>
        %add3A_554 = arith.addi %gather3A_49, %add3A_553 : vector<16xi32>
        %gather3A_555 = tpu.vector_load_idx %arg6[%add3A_554] : memref<65536xi32, #tpu.memory_space<vmem>>[vector<16xi32>], vector<16xi32>,
        %broadcast_in_dim3A_556 = arith.constant 14 : i32
        %broadcast_in_dim3A_557 = vector.broadcast %broadcast_in_dim3A_556 : i32 to vector<16xi32>
        %lt3A_558 = arith.constant 0 : i32
        %lt3A_559 = vector.broadcast %lt3A_558 : i32 to vector<16xi32>
        %lt3A_560 = arith.cmpi slt, %broadcast_in_dim3A_557, %lt3A_559 : vector<16xi32>
        %add3A_561 = arith.constant 16 : i32
        %add3A_562 = vector.broadcast %add3A_561 : i32 to vector<16xi32>
        %add3A_563 = arith.addi %broadcast_in_dim3A_557, %add3A_562 : vector<16xi32>
        %select_n3A_564 = arith.select %lt3A_560, %add3A_563, %broadcast_in_dim3A_557 : vector<16xi1>, vector<16xi32>
        %broadcast_in_dim3A_565 = vector.shape_cast %select_n3A_564 : vector<16xi32> to vector<16x1xi32>
        %gather3A_566 = vector.shape_cast %broadcast_in_dim3A_565 : vector<16x1xi32> to vector<16xi32>
        %gather3A_567 = tpu.dynamic_gather %gather3A[%gather3A_566] in [0] : vector<16xi32>, vector<16xi32> -> vector<16xi32>
        %shift_left3A_568 = arith.constant 16 : i32
        %shift_left3A_569 = vector.broadcast %shift_left3A_568 : i32 to vector<16xi32>
        %shift_left3A_570 = arith.shli %gather3A_555, %shift_left3A_569 : vector<16xi32>
        %bitcast3A_571 = vector.bitcast %shift_left3A_570 : vector<16xi32> to vector<16xf32>
        %and3A_572 = arith.constant -65536 : i32
        %and3A_573 = vector.broadcast %and3A_572 : i32 to vector<16xi32>
        %and3A_574 = arith.andi %gather3A_555, %and3A_573 : vector<16xi32>
        %bitcast3A_575 = vector.bitcast %and3A_574 : vector<16xi32> to vector<16xf32>
        %shift_left3A_576 = arith.constant 16 : i32
        %shift_left3A_577 = vector.broadcast %shift_left3A_576 : i32 to vector<16xi32>
        %shift_left3A_578 = arith.shli %gather3A_567, %shift_left3A_577 : vector<16xi32>
        %bitcast3A_579 = vector.bitcast %shift_left3A_578 : vector<16xi32> to vector<16xf32>
        %and3A_580 = arith.constant -65536 : i32
        %and3A_581 = vector.broadcast %and3A_580 : i32 to vector<16xi32>
        %and3A_582 = arith.andi %gather3A_567, %and3A_581 : vector<16xi32>
        %bitcast3A_583 = vector.bitcast %and3A_582 : vector<16xi32> to vector<16xf32>
        %mul3A_584 = arith.mulf %bitcast3A_571, %bitcast3A_579 : vector<16xf32>
        %add3A_585 = arith.addf %add3A_549, %mul3A_584 : vector<16xf32>
        %mul3A_586 = arith.mulf %bitcast3A_575, %bitcast3A_583 : vector<16xf32>
        %add3A_587 = arith.addf %add3A_551, %mul3A_586 : vector<16xf32>
        %add3A_588 = arith.constant 30720 : i32
        %add3A_589 = vector.broadcast %add3A_588 : i32 to vector<16xi32>
        %add3A_590 = arith.addi %gather3A_49, %add3A_589 : vector<16xi32>
        %gather3A_591 = tpu.vector_load_idx %arg6[%add3A_590] : memref<65536xi32, #tpu.memory_space<vmem>>[vector<16xi32>], vector<16xi32>,
        %broadcast_in_dim3A_592 = arith.constant 15 : i32
        %broadcast_in_dim3A_593 = vector.broadcast %broadcast_in_dim3A_592 : i32 to vector<16xi32>
        %lt3A_594 = arith.constant 0 : i32
        %lt3A_595 = vector.broadcast %lt3A_594 : i32 to vector<16xi32>
        %lt3A_596 = arith.cmpi slt, %broadcast_in_dim3A_593, %lt3A_595 : vector<16xi32>
        %add3A_597 = arith.constant 16 : i32
        %add3A_598 = vector.broadcast %add3A_597 : i32 to vector<16xi32>
        %add3A_599 = arith.addi %broadcast_in_dim3A_593, %add3A_598 : vector<16xi32>
        %select_n3A_600 = arith.select %lt3A_596, %add3A_599, %broadcast_in_dim3A_593 : vector<16xi1>, vector<16xi32>
        %broadcast_in_dim3A_601 = vector.shape_cast %select_n3A_600 : vector<16xi32> to vector<16x1xi32>
        %gather3A_602 = vector.shape_cast %broadcast_in_dim3A_601 : vector<16x1xi32> to vector<16xi32>
        %gather3A_603 = tpu.dynamic_gather %gather3A[%gather3A_602] in [0] : vector<16xi32>, vector<16xi32> -> vector<16xi32>
        %shift_left3A_604 = arith.constant 16 : i32
        %shift_left3A_605 = vector.broadcast %shift_left3A_604 : i32 to vector<16xi32>
        %shift_left3A_606 = arith.shli %gather3A_591, %shift_left3A_605 : vector<16xi32>
        %bitcast3A_607 = vector.bitcast %shift_left3A_606 : vector<16xi32> to vector<16xf32>
        %and3A_608 = arith.constant -65536 : i32
        %and3A_609 = vector.broadcast %and3A_608 : i32 to vector<16xi32>
        %and3A_610 = arith.andi %gather3A_591, %and3A_609 : vector<16xi32>
        %bitcast3A_611 = vector.bitcast %and3A_610 : vector<16xi32> to vector<16xf32>
        %shift_left3A_612 = arith.constant 16 : i32
        %shift_left3A_613 = vector.broadcast %shift_left3A_612 : i32 to vector<16xi32>
        %shift_left3A_614 = arith.shli %gather3A_603, %shift_left3A_613 : vector<16xi32>
        %bitcast3A_615 = vector.bitcast %shift_left3A_614 : vector<16xi32> to vector<16xf32>
        %and3A_616 = arith.constant -65536 : i32
        %and3A_617 = vector.broadcast %and3A_616 : i32 to vector<16xi32>
        %and3A_618 = arith.andi %gather3A_603, %and3A_617 : vector<16xi32>
        %bitcast3A_619 = vector.bitcast %and3A_618 : vector<16xi32> to vector<16xf32>
        %mul3A_620 = arith.mulf %bitcast3A_607, %bitcast3A_615 : vector<16xf32>
        %add3A_621 = arith.addf %add3A_585, %mul3A_620 : vector<16xf32>
        %mul3A_622 = arith.mulf %bitcast3A_611, %bitcast3A_619 : vector<16xf32>
        %add3A_623 = arith.addf %add3A_587, %mul3A_622 : vector<16xf32>
        %add3A_624 = arith.constant 32768 : i32
        %add3A_625 = vector.broadcast %add3A_624 : i32 to vector<16xi32>
        %add3A_626 = arith.addi %gather3A_49, %add3A_625 : vector<16xi32>
        %gather3A_627 = tpu.vector_load_idx %arg6[%add3A_626] : memref<65536xi32, #tpu.memory_space<vmem>>[vector<16xi32>], vector<16xi32>,
        %broadcast_in_dim3A_628 = arith.constant 0 : i32
        %broadcast_in_dim3A_629 = vector.broadcast %broadcast_in_dim3A_628 : i32 to vector<16xi32>
        %lt3A_630 = arith.constant 0 : i32
        %lt3A_631 = vector.broadcast %lt3A_630 : i32 to vector<16xi32>
        %lt3A_632 = arith.cmpi slt, %broadcast_in_dim3A_629, %lt3A_631 : vector<16xi32>
        %add3A_633 = arith.constant 16 : i32
        %add3A_634 = vector.broadcast %add3A_633 : i32 to vector<16xi32>
        %add3A_635 = arith.addi %broadcast_in_dim3A_629, %add3A_634 : vector<16xi32>
        %select_n3A_636 = arith.select %lt3A_632, %add3A_635, %broadcast_in_dim3A_629 : vector<16xi1>, vector<16xi32>
        %broadcast_in_dim3A_637 = vector.shape_cast %select_n3A_636 : vector<16xi32> to vector<16x1xi32>
        %gather3A_638 = vector.shape_cast %broadcast_in_dim3A_637 : vector<16x1xi32> to vector<16xi32>
        %gather3A_639 = tpu.dynamic_gather %gather3A_42[%gather3A_638] in [0] : vector<16xi32>, vector<16xi32> -> vector<16xi32>
        %shift_left3A_640 = arith.constant 16 : i32
        %shift_left3A_641 = vector.broadcast %shift_left3A_640 : i32 to vector<16xi32>
        %shift_left3A_642 = arith.shli %gather3A_627, %shift_left3A_641 : vector<16xi32>
        %bitcast3A_643 = vector.bitcast %shift_left3A_642 : vector<16xi32> to vector<16xf32>
        %and3A_644 = arith.constant -65536 : i32
        %and3A_645 = vector.broadcast %and3A_644 : i32 to vector<16xi32>
        %and3A_646 = arith.andi %gather3A_627, %and3A_645 : vector<16xi32>
        %bitcast3A_647 = vector.bitcast %and3A_646 : vector<16xi32> to vector<16xf32>
        %shift_left3A_648 = arith.constant 16 : i32
        %shift_left3A_649 = vector.broadcast %shift_left3A_648 : i32 to vector<16xi32>
        %shift_left3A_650 = arith.shli %gather3A_639, %shift_left3A_649 : vector<16xi32>
        %bitcast3A_651 = vector.bitcast %shift_left3A_650 : vector<16xi32> to vector<16xf32>
        %and3A_652 = arith.constant -65536 : i32
        %and3A_653 = vector.broadcast %and3A_652 : i32 to vector<16xi32>
        %and3A_654 = arith.andi %gather3A_639, %and3A_653 : vector<16xi32>
        %bitcast3A_655 = vector.bitcast %and3A_654 : vector<16xi32> to vector<16xf32>
        %mul3A_656 = arith.mulf %bitcast3A_643, %bitcast3A_651 : vector<16xf32>
        %add3A_657 = arith.addf %add3A_621, %mul3A_656 : vector<16xf32>
        %mul3A_658 = arith.mulf %bitcast3A_647, %bitcast3A_655 : vector<16xf32>
        %add3A_659 = arith.addf %add3A_623, %mul3A_658 : vector<16xf32>
        %add3A_660 = arith.constant 34816 : i32
        %add3A_661 = vector.broadcast %add3A_660 : i32 to vector<16xi32>
        %add3A_662 = arith.addi %gather3A_49, %add3A_661 : vector<16xi32>
        %gather3A_663 = tpu.vector_load_idx %arg6[%add3A_662] : memref<65536xi32, #tpu.memory_space<vmem>>[vector<16xi32>], vector<16xi32>,
        %broadcast_in_dim3A_664 = arith.constant 1 : i32
        %broadcast_in_dim3A_665 = vector.broadcast %broadcast_in_dim3A_664 : i32 to vector<16xi32>
        %lt3A_666 = arith.constant 0 : i32
        %lt3A_667 = vector.broadcast %lt3A_666 : i32 to vector<16xi32>
        %lt3A_668 = arith.cmpi slt, %broadcast_in_dim3A_665, %lt3A_667 : vector<16xi32>
        %add3A_669 = arith.constant 16 : i32
        %add3A_670 = vector.broadcast %add3A_669 : i32 to vector<16xi32>
        %add3A_671 = arith.addi %broadcast_in_dim3A_665, %add3A_670 : vector<16xi32>
        %select_n3A_672 = arith.select %lt3A_668, %add3A_671, %broadcast_in_dim3A_665 : vector<16xi1>, vector<16xi32>
        %broadcast_in_dim3A_673 = vector.shape_cast %select_n3A_672 : vector<16xi32> to vector<16x1xi32>
        %gather3A_674 = vector.shape_cast %broadcast_in_dim3A_673 : vector<16x1xi32> to vector<16xi32>
        %gather3A_675 = tpu.dynamic_gather %gather3A_42[%gather3A_674] in [0] : vector<16xi32>, vector<16xi32> -> vector<16xi32>
        %shift_left3A_676 = arith.constant 16 : i32
        %shift_left3A_677 = vector.broadcast %shift_left3A_676 : i32 to vector<16xi32>
        %shift_left3A_678 = arith.shli %gather3A_663, %shift_left3A_677 : vector<16xi32>
        %bitcast3A_679 = vector.bitcast %shift_left3A_678 : vector<16xi32> to vector<16xf32>
        %and3A_680 = arith.constant -65536 : i32
        %and3A_681 = vector.broadcast %and3A_680 : i32 to vector<16xi32>
        %and3A_682 = arith.andi %gather3A_663, %and3A_681 : vector<16xi32>
        %bitcast3A_683 = vector.bitcast %and3A_682 : vector<16xi32> to vector<16xf32>
        %shift_left3A_684 = arith.constant 16 : i32
        %shift_left3A_685 = vector.broadcast %shift_left3A_684 : i32 to vector<16xi32>
        %shift_left3A_686 = arith.shli %gather3A_675, %shift_left3A_685 : vector<16xi32>
        %bitcast3A_687 = vector.bitcast %shift_left3A_686 : vector<16xi32> to vector<16xf32>
        %and3A_688 = arith.constant -65536 : i32
        %and3A_689 = vector.broadcast %and3A_688 : i32 to vector<16xi32>
        %and3A_690 = arith.andi %gather3A_675, %and3A_689 : vector<16xi32>
        %bitcast3A_691 = vector.bitcast %and3A_690 : vector<16xi32> to vector<16xf32>
        %mul3A_692 = arith.mulf %bitcast3A_679, %bitcast3A_687 : vector<16xf32>
        %add3A_693 = arith.addf %add3A_657, %mul3A_692 : vector<16xf32>
        %mul3A_694 = arith.mulf %bitcast3A_683, %bitcast3A_691 : vector<16xf32>
        %add3A_695 = arith.addf %add3A_659, %mul3A_694 : vector<16xf32>
        %add3A_696 = arith.constant 36864 : i32
        %add3A_697 = vector.broadcast %add3A_696 : i32 to vector<16xi32>
        %add3A_698 = arith.addi %gather3A_49, %add3A_697 : vector<16xi32>
        %gather3A_699 = tpu.vector_load_idx %arg6[%add3A_698] : memref<65536xi32, #tpu.memory_space<vmem>>[vector<16xi32>], vector<16xi32>,
        %broadcast_in_dim3A_700 = arith.constant 2 : i32
        %broadcast_in_dim3A_701 = vector.broadcast %broadcast_in_dim3A_700 : i32 to vector<16xi32>
        %lt3A_702 = arith.constant 0 : i32
        %lt3A_703 = vector.broadcast %lt3A_702 : i32 to vector<16xi32>
        %lt3A_704 = arith.cmpi slt, %broadcast_in_dim3A_701, %lt3A_703 : vector<16xi32>
        %add3A_705 = arith.constant 16 : i32
        %add3A_706 = vector.broadcast %add3A_705 : i32 to vector<16xi32>
        %add3A_707 = arith.addi %broadcast_in_dim3A_701, %add3A_706 : vector<16xi32>
        %select_n3A_708 = arith.select %lt3A_704, %add3A_707, %broadcast_in_dim3A_701 : vector<16xi1>, vector<16xi32>
        %broadcast_in_dim3A_709 = vector.shape_cast %select_n3A_708 : vector<16xi32> to vector<16x1xi32>
        %gather3A_710 = vector.shape_cast %broadcast_in_dim3A_709 : vector<16x1xi32> to vector<16xi32>
        %gather3A_711 = tpu.dynamic_gather %gather3A_42[%gather3A_710] in [0] : vector<16xi32>, vector<16xi32> -> vector<16xi32>
        %shift_left3A_712 = arith.constant 16 : i32
        %shift_left3A_713 = vector.broadcast %shift_left3A_712 : i32 to vector<16xi32>
        %shift_left3A_714 = arith.shli %gather3A_699, %shift_left3A_713 : vector<16xi32>
        %bitcast3A_715 = vector.bitcast %shift_left3A_714 : vector<16xi32> to vector<16xf32>
        %and3A_716 = arith.constant -65536 : i32
        %and3A_717 = vector.broadcast %and3A_716 : i32 to vector<16xi32>
        %and3A_718 = arith.andi %gather3A_699, %and3A_717 : vector<16xi32>
        %bitcast3A_719 = vector.bitcast %and3A_718 : vector<16xi32> to vector<16xf32>
        %shift_left3A_720 = arith.constant 16 : i32
        %shift_left3A_721 = vector.broadcast %shift_left3A_720 : i32 to vector<16xi32>
        %shift_left3A_722 = arith.shli %gather3A_711, %shift_left3A_721 : vector<16xi32>
        %bitcast3A_723 = vector.bitcast %shift_left3A_722 : vector<16xi32> to vector<16xf32>
        %and3A_724 = arith.constant -65536 : i32
        %and3A_725 = vector.broadcast %and3A_724 : i32 to vector<16xi32>
        %and3A_726 = arith.andi %gather3A_711, %and3A_725 : vector<16xi32>
        %bitcast3A_727 = vector.bitcast %and3A_726 : vector<16xi32> to vector<16xf32>
        %mul3A_728 = arith.mulf %bitcast3A_715, %bitcast3A_723 : vector<16xf32>
        %add3A_729 = arith.addf %add3A_693, %mul3A_728 : vector<16xf32>
        %mul3A_730 = arith.mulf %bitcast3A_719, %bitcast3A_727 : vector<16xf32>
        %add3A_731 = arith.addf %add3A_695, %mul3A_730 : vector<16xf32>
        %add3A_732 = arith.constant 38912 : i32
        %add3A_733 = vector.broadcast %add3A_732 : i32 to vector<16xi32>
        %add3A_734 = arith.addi %gather3A_49, %add3A_733 : vector<16xi32>
        %gather3A_735 = tpu.vector_load_idx %arg6[%add3A_734] : memref<65536xi32, #tpu.memory_space<vmem>>[vector<16xi32>], vector<16xi32>,
        %broadcast_in_dim3A_736 = arith.constant 3 : i32
        %broadcast_in_dim3A_737 = vector.broadcast %broadcast_in_dim3A_736 : i32 to vector<16xi32>
        %lt3A_738 = arith.constant 0 : i32
        %lt3A_739 = vector.broadcast %lt3A_738 : i32 to vector<16xi32>
        %lt3A_740 = arith.cmpi slt, %broadcast_in_dim3A_737, %lt3A_739 : vector<16xi32>
        %add3A_741 = arith.constant 16 : i32
        %add3A_742 = vector.broadcast %add3A_741 : i32 to vector<16xi32>
        %add3A_743 = arith.addi %broadcast_in_dim3A_737, %add3A_742 : vector<16xi32>
        %select_n3A_744 = arith.select %lt3A_740, %add3A_743, %broadcast_in_dim3A_737 : vector<16xi1>, vector<16xi32>
        %broadcast_in_dim3A_745 = vector.shape_cast %select_n3A_744 : vector<16xi32> to vector<16x1xi32>
        %gather3A_746 = vector.shape_cast %broadcast_in_dim3A_745 : vector<16x1xi32> to vector<16xi32>
        %gather3A_747 = tpu.dynamic_gather %gather3A_42[%gather3A_746] in [0] : vector<16xi32>, vector<16xi32> -> vector<16xi32>
        %shift_left3A_748 = arith.constant 16 : i32
        %shift_left3A_749 = vector.broadcast %shift_left3A_748 : i32 to vector<16xi32>
        %shift_left3A_750 = arith.shli %gather3A_735, %shift_left3A_749 : vector<16xi32>
        %bitcast3A_751 = vector.bitcast %shift_left3A_750 : vector<16xi32> to vector<16xf32>
        %and3A_752 = arith.constant -65536 : i32
        %and3A_753 = vector.broadcast %and3A_752 : i32 to vector<16xi32>
        %and3A_754 = arith.andi %gather3A_735, %and3A_753 : vector<16xi32>
        %bitcast3A_755 = vector.bitcast %and3A_754 : vector<16xi32> to vector<16xf32>
        %shift_left3A_756 = arith.constant 16 : i32
        %shift_left3A_757 = vector.broadcast %shift_left3A_756 : i32 to vector<16xi32>
        %shift_left3A_758 = arith.shli %gather3A_747, %shift_left3A_757 : vector<16xi32>
        %bitcast3A_759 = vector.bitcast %shift_left3A_758 : vector<16xi32> to vector<16xf32>
        %and3A_760 = arith.constant -65536 : i32
        %and3A_761 = vector.broadcast %and3A_760 : i32 to vector<16xi32>
        %and3A_762 = arith.andi %gather3A_747, %and3A_761 : vector<16xi32>
        %bitcast3A_763 = vector.bitcast %and3A_762 : vector<16xi32> to vector<16xf32>
        %mul3A_764 = arith.mulf %bitcast3A_751, %bitcast3A_759 : vector<16xf32>
        %add3A_765 = arith.addf %add3A_729, %mul3A_764 : vector<16xf32>
        %mul3A_766 = arith.mulf %bitcast3A_755, %bitcast3A_763 : vector<16xf32>
        %add3A_767 = arith.addf %add3A_731, %mul3A_766 : vector<16xf32>
        %add3A_768 = arith.constant 40960 : i32
        %add3A_769 = vector.broadcast %add3A_768 : i32 to vector<16xi32>
        %add3A_770 = arith.addi %gather3A_49, %add3A_769 : vector<16xi32>
        %gather3A_771 = tpu.vector_load_idx %arg6[%add3A_770] : memref<65536xi32, #tpu.memory_space<vmem>>[vector<16xi32>], vector<16xi32>,
        %broadcast_in_dim3A_772 = arith.constant 4 : i32
        %broadcast_in_dim3A_773 = vector.broadcast %broadcast_in_dim3A_772 : i32 to vector<16xi32>
        %lt3A_774 = arith.constant 0 : i32
        %lt3A_775 = vector.broadcast %lt3A_774 : i32 to vector<16xi32>
        %lt3A_776 = arith.cmpi slt, %broadcast_in_dim3A_773, %lt3A_775 : vector<16xi32>
        %add3A_777 = arith.constant 16 : i32
        %add3A_778 = vector.broadcast %add3A_777 : i32 to vector<16xi32>
        %add3A_779 = arith.addi %broadcast_in_dim3A_773, %add3A_778 : vector<16xi32>
        %select_n3A_780 = arith.select %lt3A_776, %add3A_779, %broadcast_in_dim3A_773 : vector<16xi1>, vector<16xi32>
        %broadcast_in_dim3A_781 = vector.shape_cast %select_n3A_780 : vector<16xi32> to vector<16x1xi32>
        %gather3A_782 = vector.shape_cast %broadcast_in_dim3A_781 : vector<16x1xi32> to vector<16xi32>
        %gather3A_783 = tpu.dynamic_gather %gather3A_42[%gather3A_782] in [0] : vector<16xi32>, vector<16xi32> -> vector<16xi32>
        %shift_left3A_784 = arith.constant 16 : i32
        %shift_left3A_785 = vector.broadcast %shift_left3A_784 : i32 to vector<16xi32>
        %shift_left3A_786 = arith.shli %gather3A_771, %shift_left3A_785 : vector<16xi32>
        %bitcast3A_787 = vector.bitcast %shift_left3A_786 : vector<16xi32> to vector<16xf32>
        %and3A_788 = arith.constant -65536 : i32
        %and3A_789 = vector.broadcast %and3A_788 : i32 to vector<16xi32>
        %and3A_790 = arith.andi %gather3A_771, %and3A_789 : vector<16xi32>
        %bitcast3A_791 = vector.bitcast %and3A_790 : vector<16xi32> to vector<16xf32>
        %shift_left3A_792 = arith.constant 16 : i32
        %shift_left3A_793 = vector.broadcast %shift_left3A_792 : i32 to vector<16xi32>
        %shift_left3A_794 = arith.shli %gather3A_783, %shift_left3A_793 : vector<16xi32>
        %bitcast3A_795 = vector.bitcast %shift_left3A_794 : vector<16xi32> to vector<16xf32>
        %and3A_796 = arith.constant -65536 : i32
        %and3A_797 = vector.broadcast %and3A_796 : i32 to vector<16xi32>
        %and3A_798 = arith.andi %gather3A_783, %and3A_797 : vector<16xi32>
        %bitcast3A_799 = vector.bitcast %and3A_798 : vector<16xi32> to vector<16xf32>
        %mul3A_800 = arith.mulf %bitcast3A_787, %bitcast3A_795 : vector<16xf32>
        %add3A_801 = arith.addf %add3A_765, %mul3A_800 : vector<16xf32>
        %mul3A_802 = arith.mulf %bitcast3A_791, %bitcast3A_799 : vector<16xf32>
        %add3A_803 = arith.addf %add3A_767, %mul3A_802 : vector<16xf32>
        %add3A_804 = arith.constant 43008 : i32
        %add3A_805 = vector.broadcast %add3A_804 : i32 to vector<16xi32>
        %add3A_806 = arith.addi %gather3A_49, %add3A_805 : vector<16xi32>
        %gather3A_807 = tpu.vector_load_idx %arg6[%add3A_806] : memref<65536xi32, #tpu.memory_space<vmem>>[vector<16xi32>], vector<16xi32>,
        %broadcast_in_dim3A_808 = arith.constant 5 : i32
        %broadcast_in_dim3A_809 = vector.broadcast %broadcast_in_dim3A_808 : i32 to vector<16xi32>
        %lt3A_810 = arith.constant 0 : i32
        %lt3A_811 = vector.broadcast %lt3A_810 : i32 to vector<16xi32>
        %lt3A_812 = arith.cmpi slt, %broadcast_in_dim3A_809, %lt3A_811 : vector<16xi32>
        %add3A_813 = arith.constant 16 : i32
        %add3A_814 = vector.broadcast %add3A_813 : i32 to vector<16xi32>
        %add3A_815 = arith.addi %broadcast_in_dim3A_809, %add3A_814 : vector<16xi32>
        %select_n3A_816 = arith.select %lt3A_812, %add3A_815, %broadcast_in_dim3A_809 : vector<16xi1>, vector<16xi32>
        %broadcast_in_dim3A_817 = vector.shape_cast %select_n3A_816 : vector<16xi32> to vector<16x1xi32>
        %gather3A_818 = vector.shape_cast %broadcast_in_dim3A_817 : vector<16x1xi32> to vector<16xi32>
        %gather3A_819 = tpu.dynamic_gather %gather3A_42[%gather3A_818] in [0] : vector<16xi32>, vector<16xi32> -> vector<16xi32>
        %shift_left3A_820 = arith.constant 16 : i32
        %shift_left3A_821 = vector.broadcast %shift_left3A_820 : i32 to vector<16xi32>
        %shift_left3A_822 = arith.shli %gather3A_807, %shift_left3A_821 : vector<16xi32>
        %bitcast3A_823 = vector.bitcast %shift_left3A_822 : vector<16xi32> to vector<16xf32>
        %and3A_824 = arith.constant -65536 : i32
        %and3A_825 = vector.broadcast %and3A_824 : i32 to vector<16xi32>
        %and3A_826 = arith.andi %gather3A_807, %and3A_825 : vector<16xi32>
        %bitcast3A_827 = vector.bitcast %and3A_826 : vector<16xi32> to vector<16xf32>
        %shift_left3A_828 = arith.constant 16 : i32
        %shift_left3A_829 = vector.broadcast %shift_left3A_828 : i32 to vector<16xi32>
        %shift_left3A_830 = arith.shli %gather3A_819, %shift_left3A_829 : vector<16xi32>
        %bitcast3A_831 = vector.bitcast %shift_left3A_830 : vector<16xi32> to vector<16xf32>
        %and3A_832 = arith.constant -65536 : i32
        %and3A_833 = vector.broadcast %and3A_832 : i32 to vector<16xi32>
        %and3A_834 = arith.andi %gather3A_819, %and3A_833 : vector<16xi32>
        %bitcast3A_835 = vector.bitcast %and3A_834 : vector<16xi32> to vector<16xf32>
        %mul3A_836 = arith.mulf %bitcast3A_823, %bitcast3A_831 : vector<16xf32>
        %add3A_837 = arith.addf %add3A_801, %mul3A_836 : vector<16xf32>
        %mul3A_838 = arith.mulf %bitcast3A_827, %bitcast3A_835 : vector<16xf32>
        %add3A_839 = arith.addf %add3A_803, %mul3A_838 : vector<16xf32>
        %add3A_840 = arith.constant 45056 : i32
        %add3A_841 = vector.broadcast %add3A_840 : i32 to vector<16xi32>
        %add3A_842 = arith.addi %gather3A_49, %add3A_841 : vector<16xi32>
        %gather3A_843 = tpu.vector_load_idx %arg6[%add3A_842] : memref<65536xi32, #tpu.memory_space<vmem>>[vector<16xi32>], vector<16xi32>,
        %broadcast_in_dim3A_844 = arith.constant 6 : i32
        %broadcast_in_dim3A_845 = vector.broadcast %broadcast_in_dim3A_844 : i32 to vector<16xi32>
        %lt3A_846 = arith.constant 0 : i32
        %lt3A_847 = vector.broadcast %lt3A_846 : i32 to vector<16xi32>
        %lt3A_848 = arith.cmpi slt, %broadcast_in_dim3A_845, %lt3A_847 : vector<16xi32>
        %add3A_849 = arith.constant 16 : i32
        %add3A_850 = vector.broadcast %add3A_849 : i32 to vector<16xi32>
        %add3A_851 = arith.addi %broadcast_in_dim3A_845, %add3A_850 : vector<16xi32>
        %select_n3A_852 = arith.select %lt3A_848, %add3A_851, %broadcast_in_dim3A_845 : vector<16xi1>, vector<16xi32>
        %broadcast_in_dim3A_853 = vector.shape_cast %select_n3A_852 : vector<16xi32> to vector<16x1xi32>
        %gather3A_854 = vector.shape_cast %broadcast_in_dim3A_853 : vector<16x1xi32> to vector<16xi32>
        %gather3A_855 = tpu.dynamic_gather %gather3A_42[%gather3A_854] in [0] : vector<16xi32>, vector<16xi32> -> vector<16xi32>
        %shift_left3A_856 = arith.constant 16 : i32
        %shift_left3A_857 = vector.broadcast %shift_left3A_856 : i32 to vector<16xi32>
        %shift_left3A_858 = arith.shli %gather3A_843, %shift_left3A_857 : vector<16xi32>
        %bitcast3A_859 = vector.bitcast %shift_left3A_858 : vector<16xi32> to vector<16xf32>
        %and3A_860 = arith.constant -65536 : i32
        %and3A_861 = vector.broadcast %and3A_860 : i32 to vector<16xi32>
        %and3A_862 = arith.andi %gather3A_843, %and3A_861 : vector<16xi32>
        %bitcast3A_863 = vector.bitcast %and3A_862 : vector<16xi32> to vector<16xf32>
        %shift_left3A_864 = arith.constant 16 : i32
        %shift_left3A_865 = vector.broadcast %shift_left3A_864 : i32 to vector<16xi32>
        %shift_left3A_866 = arith.shli %gather3A_855, %shift_left3A_865 : vector<16xi32>
        %bitcast3A_867 = vector.bitcast %shift_left3A_866 : vector<16xi32> to vector<16xf32>
        %and3A_868 = arith.constant -65536 : i32
        %and3A_869 = vector.broadcast %and3A_868 : i32 to vector<16xi32>
        %and3A_870 = arith.andi %gather3A_855, %and3A_869 : vector<16xi32>
        %bitcast3A_871 = vector.bitcast %and3A_870 : vector<16xi32> to vector<16xf32>
        %mul3A_872 = arith.mulf %bitcast3A_859, %bitcast3A_867 : vector<16xf32>
        %add3A_873 = arith.addf %add3A_837, %mul3A_872 : vector<16xf32>
        %mul3A_874 = arith.mulf %bitcast3A_863, %bitcast3A_871 : vector<16xf32>
        %add3A_875 = arith.addf %add3A_839, %mul3A_874 : vector<16xf32>
        %add3A_876 = arith.constant 47104 : i32
        %add3A_877 = vector.broadcast %add3A_876 : i32 to vector<16xi32>
        %add3A_878 = arith.addi %gather3A_49, %add3A_877 : vector<16xi32>
        %gather3A_879 = tpu.vector_load_idx %arg6[%add3A_878] : memref<65536xi32, #tpu.memory_space<vmem>>[vector<16xi32>], vector<16xi32>,
        %broadcast_in_dim3A_880 = arith.constant 7 : i32
        %broadcast_in_dim3A_881 = vector.broadcast %broadcast_in_dim3A_880 : i32 to vector<16xi32>
        %lt3A_882 = arith.constant 0 : i32
        %lt3A_883 = vector.broadcast %lt3A_882 : i32 to vector<16xi32>
        %lt3A_884 = arith.cmpi slt, %broadcast_in_dim3A_881, %lt3A_883 : vector<16xi32>
        %add3A_885 = arith.constant 16 : i32
        %add3A_886 = vector.broadcast %add3A_885 : i32 to vector<16xi32>
        %add3A_887 = arith.addi %broadcast_in_dim3A_881, %add3A_886 : vector<16xi32>
        %select_n3A_888 = arith.select %lt3A_884, %add3A_887, %broadcast_in_dim3A_881 : vector<16xi1>, vector<16xi32>
        %broadcast_in_dim3A_889 = vector.shape_cast %select_n3A_888 : vector<16xi32> to vector<16x1xi32>
        %gather3A_890 = vector.shape_cast %broadcast_in_dim3A_889 : vector<16x1xi32> to vector<16xi32>
        %gather3A_891 = tpu.dynamic_gather %gather3A_42[%gather3A_890] in [0] : vector<16xi32>, vector<16xi32> -> vector<16xi32>
        %shift_left3A_892 = arith.constant 16 : i32
        %shift_left3A_893 = vector.broadcast %shift_left3A_892 : i32 to vector<16xi32>
        %shift_left3A_894 = arith.shli %gather3A_879, %shift_left3A_893 : vector<16xi32>
        %bitcast3A_895 = vector.bitcast %shift_left3A_894 : vector<16xi32> to vector<16xf32>
        %and3A_896 = arith.constant -65536 : i32
        %and3A_897 = vector.broadcast %and3A_896 : i32 to vector<16xi32>
        %and3A_898 = arith.andi %gather3A_879, %and3A_897 : vector<16xi32>
        %bitcast3A_899 = vector.bitcast %and3A_898 : vector<16xi32> to vector<16xf32>
        %shift_left3A_900 = arith.constant 16 : i32
        %shift_left3A_901 = vector.broadcast %shift_left3A_900 : i32 to vector<16xi32>
        %shift_left3A_902 = arith.shli %gather3A_891, %shift_left3A_901 : vector<16xi32>
        %bitcast3A_903 = vector.bitcast %shift_left3A_902 : vector<16xi32> to vector<16xf32>
        %and3A_904 = arith.constant -65536 : i32
        %and3A_905 = vector.broadcast %and3A_904 : i32 to vector<16xi32>
        %and3A_906 = arith.andi %gather3A_891, %and3A_905 : vector<16xi32>
        %bitcast3A_907 = vector.bitcast %and3A_906 : vector<16xi32> to vector<16xf32>
        %mul3A_908 = arith.mulf %bitcast3A_895, %bitcast3A_903 : vector<16xf32>
        %add3A_909 = arith.addf %add3A_873, %mul3A_908 : vector<16xf32>
        %mul3A_910 = arith.mulf %bitcast3A_899, %bitcast3A_907 : vector<16xf32>
        %add3A_911 = arith.addf %add3A_875, %mul3A_910 : vector<16xf32>
        %add3A_912 = arith.constant 49152 : i32
        %add3A_913 = vector.broadcast %add3A_912 : i32 to vector<16xi32>
        %add3A_914 = arith.addi %gather3A_49, %add3A_913 : vector<16xi32>
        %gather3A_915 = tpu.vector_load_idx %arg6[%add3A_914] : memref<65536xi32, #tpu.memory_space<vmem>>[vector<16xi32>], vector<16xi32>,
        %broadcast_in_dim3A_916 = arith.constant 8 : i32
        %broadcast_in_dim3A_917 = vector.broadcast %broadcast_in_dim3A_916 : i32 to vector<16xi32>
        %lt3A_918 = arith.constant 0 : i32
        %lt3A_919 = vector.broadcast %lt3A_918 : i32 to vector<16xi32>
        %lt3A_920 = arith.cmpi slt, %broadcast_in_dim3A_917, %lt3A_919 : vector<16xi32>
        %add3A_921 = arith.constant 16 : i32
        %add3A_922 = vector.broadcast %add3A_921 : i32 to vector<16xi32>
        %add3A_923 = arith.addi %broadcast_in_dim3A_917, %add3A_922 : vector<16xi32>
        %select_n3A_924 = arith.select %lt3A_920, %add3A_923, %broadcast_in_dim3A_917 : vector<16xi1>, vector<16xi32>
        %broadcast_in_dim3A_925 = vector.shape_cast %select_n3A_924 : vector<16xi32> to vector<16x1xi32>
        %gather3A_926 = vector.shape_cast %broadcast_in_dim3A_925 : vector<16x1xi32> to vector<16xi32>
        %gather3A_927 = tpu.dynamic_gather %gather3A_42[%gather3A_926] in [0] : vector<16xi32>, vector<16xi32> -> vector<16xi32>
        %shift_left3A_928 = arith.constant 16 : i32
        %shift_left3A_929 = vector.broadcast %shift_left3A_928 : i32 to vector<16xi32>
        %shift_left3A_930 = arith.shli %gather3A_915, %shift_left3A_929 : vector<16xi32>
        %bitcast3A_931 = vector.bitcast %shift_left3A_930 : vector<16xi32> to vector<16xf32>
        %and3A_932 = arith.constant -65536 : i32
        %and3A_933 = vector.broadcast %and3A_932 : i32 to vector<16xi32>
        %and3A_934 = arith.andi %gather3A_915, %and3A_933 : vector<16xi32>
        %bitcast3A_935 = vector.bitcast %and3A_934 : vector<16xi32> to vector<16xf32>
        %shift_left3A_936 = arith.constant 16 : i32
        %shift_left3A_937 = vector.broadcast %shift_left3A_936 : i32 to vector<16xi32>
        %shift_left3A_938 = arith.shli %gather3A_927, %shift_left3A_937 : vector<16xi32>
        %bitcast3A_939 = vector.bitcast %shift_left3A_938 : vector<16xi32> to vector<16xf32>
        %and3A_940 = arith.constant -65536 : i32
        %and3A_941 = vector.broadcast %and3A_940 : i32 to vector<16xi32>
        %and3A_942 = arith.andi %gather3A_927, %and3A_941 : vector<16xi32>
        %bitcast3A_943 = vector.bitcast %and3A_942 : vector<16xi32> to vector<16xf32>
        %mul3A_944 = arith.mulf %bitcast3A_931, %bitcast3A_939 : vector<16xf32>
        %add3A_945 = arith.addf %add3A_909, %mul3A_944 : vector<16xf32>
        %mul3A_946 = arith.mulf %bitcast3A_935, %bitcast3A_943 : vector<16xf32>
        %add3A_947 = arith.addf %add3A_911, %mul3A_946 : vector<16xf32>
        %add3A_948 = arith.constant 51200 : i32
        %add3A_949 = vector.broadcast %add3A_948 : i32 to vector<16xi32>
        %add3A_950 = arith.addi %gather3A_49, %add3A_949 : vector<16xi32>
        %gather3A_951 = tpu.vector_load_idx %arg6[%add3A_950] : memref<65536xi32, #tpu.memory_space<vmem>>[vector<16xi32>], vector<16xi32>,
        %broadcast_in_dim3A_952 = arith.constant 9 : i32
        %broadcast_in_dim3A_953 = vector.broadcast %broadcast_in_dim3A_952 : i32 to vector<16xi32>
        %lt3A_954 = arith.constant 0 : i32
        %lt3A_955 = vector.broadcast %lt3A_954 : i32 to vector<16xi32>
        %lt3A_956 = arith.cmpi slt, %broadcast_in_dim3A_953, %lt3A_955 : vector<16xi32>
        %add3A_957 = arith.constant 16 : i32
        %add3A_958 = vector.broadcast %add3A_957 : i32 to vector<16xi32>
        %add3A_959 = arith.addi %broadcast_in_dim3A_953, %add3A_958 : vector<16xi32>
        %select_n3A_960 = arith.select %lt3A_956, %add3A_959, %broadcast_in_dim3A_953 : vector<16xi1>, vector<16xi32>
        %broadcast_in_dim3A_961 = vector.shape_cast %select_n3A_960 : vector<16xi32> to vector<16x1xi32>
        %gather3A_962 = vector.shape_cast %broadcast_in_dim3A_961 : vector<16x1xi32> to vector<16xi32>
        %gather3A_963 = tpu.dynamic_gather %gather3A_42[%gather3A_962] in [0] : vector<16xi32>, vector<16xi32> -> vector<16xi32>
        %shift_left3A_964 = arith.constant 16 : i32
        %shift_left3A_965 = vector.broadcast %shift_left3A_964 : i32 to vector<16xi32>
        %shift_left3A_966 = arith.shli %gather3A_951, %shift_left3A_965 : vector<16xi32>
        %bitcast3A_967 = vector.bitcast %shift_left3A_966 : vector<16xi32> to vector<16xf32>
        %and3A_968 = arith.constant -65536 : i32
        %and3A_969 = vector.broadcast %and3A_968 : i32 to vector<16xi32>
        %and3A_970 = arith.andi %gather3A_951, %and3A_969 : vector<16xi32>
        %bitcast3A_971 = vector.bitcast %and3A_970 : vector<16xi32> to vector<16xf32>
        %shift_left3A_972 = arith.constant 16 : i32
        %shift_left3A_973 = vector.broadcast %shift_left3A_972 : i32 to vector<16xi32>
        %shift_left3A_974 = arith.shli %gather3A_963, %shift_left3A_973 : vector<16xi32>
        %bitcast3A_975 = vector.bitcast %shift_left3A_974 : vector<16xi32> to vector<16xf32>
        %and3A_976 = arith.constant -65536 : i32
        %and3A_977 = vector.broadcast %and3A_976 : i32 to vector<16xi32>
        %and3A_978 = arith.andi %gather3A_963, %and3A_977 : vector<16xi32>
        %bitcast3A_979 = vector.bitcast %and3A_978 : vector<16xi32> to vector<16xf32>
        %mul3A_980 = arith.mulf %bitcast3A_967, %bitcast3A_975 : vector<16xf32>
        %add3A_981 = arith.addf %add3A_945, %mul3A_980 : vector<16xf32>
        %mul3A_982 = arith.mulf %bitcast3A_971, %bitcast3A_979 : vector<16xf32>
        %add3A_983 = arith.addf %add3A_947, %mul3A_982 : vector<16xf32>
        %add3A_984 = arith.constant 53248 : i32
        %add3A_985 = vector.broadcast %add3A_984 : i32 to vector<16xi32>
        %add3A_986 = arith.addi %gather3A_49, %add3A_985 : vector<16xi32>
        %gather3A_987 = tpu.vector_load_idx %arg6[%add3A_986] : memref<65536xi32, #tpu.memory_space<vmem>>[vector<16xi32>], vector<16xi32>,
        %broadcast_in_dim3A_988 = arith.constant 10 : i32
        %broadcast_in_dim3A_989 = vector.broadcast %broadcast_in_dim3A_988 : i32 to vector<16xi32>
        %lt3A_990 = arith.constant 0 : i32
        %lt3A_991 = vector.broadcast %lt3A_990 : i32 to vector<16xi32>
        %lt3A_992 = arith.cmpi slt, %broadcast_in_dim3A_989, %lt3A_991 : vector<16xi32>
        %add3A_993 = arith.constant 16 : i32
        %add3A_994 = vector.broadcast %add3A_993 : i32 to vector<16xi32>
        %add3A_995 = arith.addi %broadcast_in_dim3A_989, %add3A_994 : vector<16xi32>
        %select_n3A_996 = arith.select %lt3A_992, %add3A_995, %broadcast_in_dim3A_989 : vector<16xi1>, vector<16xi32>
        %broadcast_in_dim3A_997 = vector.shape_cast %select_n3A_996 : vector<16xi32> to vector<16x1xi32>
        %gather3A_998 = vector.shape_cast %broadcast_in_dim3A_997 : vector<16x1xi32> to vector<16xi32>
        %gather3A_999 = tpu.dynamic_gather %gather3A_42[%gather3A_998] in [0] : vector<16xi32>, vector<16xi32> -> vector<16xi32>
        %shift_left3A_1000 = arith.constant 16 : i32
        %shift_left3A_1001 = vector.broadcast %shift_left3A_1000 : i32 to vector<16xi32>
        %shift_left3A_1002 = arith.shli %gather3A_987, %shift_left3A_1001 : vector<16xi32>
        %bitcast3A_1003 = vector.bitcast %shift_left3A_1002 : vector<16xi32> to vector<16xf32>
        %and3A_1004 = arith.constant -65536 : i32
        %and3A_1005 = vector.broadcast %and3A_1004 : i32 to vector<16xi32>
        %and3A_1006 = arith.andi %gather3A_987, %and3A_1005 : vector<16xi32>
        %bitcast3A_1007 = vector.bitcast %and3A_1006 : vector<16xi32> to vector<16xf32>
        %shift_left3A_1008 = arith.constant 16 : i32
        %shift_left3A_1009 = vector.broadcast %shift_left3A_1008 : i32 to vector<16xi32>
        %shift_left3A_1010 = arith.shli %gather3A_999, %shift_left3A_1009 : vector<16xi32>
        %bitcast3A_1011 = vector.bitcast %shift_left3A_1010 : vector<16xi32> to vector<16xf32>
        %and3A_1012 = arith.constant -65536 : i32
        %and3A_1013 = vector.broadcast %and3A_1012 : i32 to vector<16xi32>
        %and3A_1014 = arith.andi %gather3A_999, %and3A_1013 : vector<16xi32>
        %bitcast3A_1015 = vector.bitcast %and3A_1014 : vector<16xi32> to vector<16xf32>
        %mul3A_1016 = arith.mulf %bitcast3A_1003, %bitcast3A_1011 : vector<16xf32>
        %add3A_1017 = arith.addf %add3A_981, %mul3A_1016 : vector<16xf32>
        %mul3A_1018 = arith.mulf %bitcast3A_1007, %bitcast3A_1015 : vector<16xf32>
        %add3A_1019 = arith.addf %add3A_983, %mul3A_1018 : vector<16xf32>
        %add3A_1020 = arith.constant 55296 : i32
        %add3A_1021 = vector.broadcast %add3A_1020 : i32 to vector<16xi32>
        %add3A_1022 = arith.addi %gather3A_49, %add3A_1021 : vector<16xi32>
        %gather3A_1023 = tpu.vector_load_idx %arg6[%add3A_1022] : memref<65536xi32, #tpu.memory_space<vmem>>[vector<16xi32>], vector<16xi32>,
        %broadcast_in_dim3A_1024 = arith.constant 11 : i32
        %broadcast_in_dim3A_1025 = vector.broadcast %broadcast_in_dim3A_1024 : i32 to vector<16xi32>
        %lt3A_1026 = arith.constant 0 : i32
        %lt3A_1027 = vector.broadcast %lt3A_1026 : i32 to vector<16xi32>
        %lt3A_1028 = arith.cmpi slt, %broadcast_in_dim3A_1025, %lt3A_1027 : vector<16xi32>
        %add3A_1029 = arith.constant 16 : i32
        %add3A_1030 = vector.broadcast %add3A_1029 : i32 to vector<16xi32>
        %add3A_1031 = arith.addi %broadcast_in_dim3A_1025, %add3A_1030 : vector<16xi32>
        %select_n3A_1032 = arith.select %lt3A_1028, %add3A_1031, %broadcast_in_dim3A_1025 : vector<16xi1>, vector<16xi32>
        %broadcast_in_dim3A_1033 = vector.shape_cast %select_n3A_1032 : vector<16xi32> to vector<16x1xi32>
        %gather3A_1034 = vector.shape_cast %broadcast_in_dim3A_1033 : vector<16x1xi32> to vector<16xi32>
        %gather3A_1035 = tpu.dynamic_gather %gather3A_42[%gather3A_1034] in [0] : vector<16xi32>, vector<16xi32> -> vector<16xi32>
        %shift_left3A_1036 = arith.constant 16 : i32
        %shift_left3A_1037 = vector.broadcast %shift_left3A_1036 : i32 to vector<16xi32>
        %shift_left3A_1038 = arith.shli %gather3A_1023, %shift_left3A_1037 : vector<16xi32>
        %bitcast3A_1039 = vector.bitcast %shift_left3A_1038 : vector<16xi32> to vector<16xf32>
        %and3A_1040 = arith.constant -65536 : i32
        %and3A_1041 = vector.broadcast %and3A_1040 : i32 to vector<16xi32>
        %and3A_1042 = arith.andi %gather3A_1023, %and3A_1041 : vector<16xi32>
        %bitcast3A_1043 = vector.bitcast %and3A_1042 : vector<16xi32> to vector<16xf32>
        %shift_left3A_1044 = arith.constant 16 : i32
        %shift_left3A_1045 = vector.broadcast %shift_left3A_1044 : i32 to vector<16xi32>
        %shift_left3A_1046 = arith.shli %gather3A_1035, %shift_left3A_1045 : vector<16xi32>
        %bitcast3A_1047 = vector.bitcast %shift_left3A_1046 : vector<16xi32> to vector<16xf32>
        %and3A_1048 = arith.constant -65536 : i32
        %and3A_1049 = vector.broadcast %and3A_1048 : i32 to vector<16xi32>
        %and3A_1050 = arith.andi %gather3A_1035, %and3A_1049 : vector<16xi32>
        %bitcast3A_1051 = vector.bitcast %and3A_1050 : vector<16xi32> to vector<16xf32>
        %mul3A_1052 = arith.mulf %bitcast3A_1039, %bitcast3A_1047 : vector<16xf32>
        %add3A_1053 = arith.addf %add3A_1017, %mul3A_1052 : vector<16xf32>
        %mul3A_1054 = arith.mulf %bitcast3A_1043, %bitcast3A_1051 : vector<16xf32>
        %add3A_1055 = arith.addf %add3A_1019, %mul3A_1054 : vector<16xf32>
        %add3A_1056 = arith.constant 57344 : i32
        %add3A_1057 = vector.broadcast %add3A_1056 : i32 to vector<16xi32>
        %add3A_1058 = arith.addi %gather3A_49, %add3A_1057 : vector<16xi32>
        %gather3A_1059 = tpu.vector_load_idx %arg6[%add3A_1058] : memref<65536xi32, #tpu.memory_space<vmem>>[vector<16xi32>], vector<16xi32>,
        %broadcast_in_dim3A_1060 = arith.constant 12 : i32
        %broadcast_in_dim3A_1061 = vector.broadcast %broadcast_in_dim3A_1060 : i32 to vector<16xi32>
        %lt3A_1062 = arith.constant 0 : i32
        %lt3A_1063 = vector.broadcast %lt3A_1062 : i32 to vector<16xi32>
        %lt3A_1064 = arith.cmpi slt, %broadcast_in_dim3A_1061, %lt3A_1063 : vector<16xi32>
        %add3A_1065 = arith.constant 16 : i32
        %add3A_1066 = vector.broadcast %add3A_1065 : i32 to vector<16xi32>
        %add3A_1067 = arith.addi %broadcast_in_dim3A_1061, %add3A_1066 : vector<16xi32>
        %select_n3A_1068 = arith.select %lt3A_1064, %add3A_1067, %broadcast_in_dim3A_1061 : vector<16xi1>, vector<16xi32>
        %broadcast_in_dim3A_1069 = vector.shape_cast %select_n3A_1068 : vector<16xi32> to vector<16x1xi32>
        %gather3A_1070 = vector.shape_cast %broadcast_in_dim3A_1069 : vector<16x1xi32> to vector<16xi32>
        %gather3A_1071 = tpu.dynamic_gather %gather3A_42[%gather3A_1070] in [0] : vector<16xi32>, vector<16xi32> -> vector<16xi32>
        %shift_left3A_1072 = arith.constant 16 : i32
        %shift_left3A_1073 = vector.broadcast %shift_left3A_1072 : i32 to vector<16xi32>
        %shift_left3A_1074 = arith.shli %gather3A_1059, %shift_left3A_1073 : vector<16xi32>
        %bitcast3A_1075 = vector.bitcast %shift_left3A_1074 : vector<16xi32> to vector<16xf32>
        %and3A_1076 = arith.constant -65536 : i32
        %and3A_1077 = vector.broadcast %and3A_1076 : i32 to vector<16xi32>
        %and3A_1078 = arith.andi %gather3A_1059, %and3A_1077 : vector<16xi32>
        %bitcast3A_1079 = vector.bitcast %and3A_1078 : vector<16xi32> to vector<16xf32>
        %shift_left3A_1080 = arith.constant 16 : i32
        %shift_left3A_1081 = vector.broadcast %shift_left3A_1080 : i32 to vector<16xi32>
        %shift_left3A_1082 = arith.shli %gather3A_1071, %shift_left3A_1081 : vector<16xi32>
        %bitcast3A_1083 = vector.bitcast %shift_left3A_1082 : vector<16xi32> to vector<16xf32>
        %and3A_1084 = arith.constant -65536 : i32
        %and3A_1085 = vector.broadcast %and3A_1084 : i32 to vector<16xi32>
        %and3A_1086 = arith.andi %gather3A_1071, %and3A_1085 : vector<16xi32>
        %bitcast3A_1087 = vector.bitcast %and3A_1086 : vector<16xi32> to vector<16xf32>
        %mul3A_1088 = arith.mulf %bitcast3A_1075, %bitcast3A_1083 : vector<16xf32>
        %add3A_1089 = arith.addf %add3A_1053, %mul3A_1088 : vector<16xf32>
        %mul3A_1090 = arith.mulf %bitcast3A_1079, %bitcast3A_1087 : vector<16xf32>
        %add3A_1091 = arith.addf %add3A_1055, %mul3A_1090 : vector<16xf32>
        %add3A_1092 = arith.constant 59392 : i32
        %add3A_1093 = vector.broadcast %add3A_1092 : i32 to vector<16xi32>
        %add3A_1094 = arith.addi %gather3A_49, %add3A_1093 : vector<16xi32>
        %gather3A_1095 = tpu.vector_load_idx %arg6[%add3A_1094] : memref<65536xi32, #tpu.memory_space<vmem>>[vector<16xi32>], vector<16xi32>,
        %broadcast_in_dim3A_1096 = arith.constant 13 : i32
        %broadcast_in_dim3A_1097 = vector.broadcast %broadcast_in_dim3A_1096 : i32 to vector<16xi32>
        %lt3A_1098 = arith.constant 0 : i32
        %lt3A_1099 = vector.broadcast %lt3A_1098 : i32 to vector<16xi32>
        %lt3A_1100 = arith.cmpi slt, %broadcast_in_dim3A_1097, %lt3A_1099 : vector<16xi32>
        %add3A_1101 = arith.constant 16 : i32
        %add3A_1102 = vector.broadcast %add3A_1101 : i32 to vector<16xi32>
        %add3A_1103 = arith.addi %broadcast_in_dim3A_1097, %add3A_1102 : vector<16xi32>
        %select_n3A_1104 = arith.select %lt3A_1100, %add3A_1103, %broadcast_in_dim3A_1097 : vector<16xi1>, vector<16xi32>
        %broadcast_in_dim3A_1105 = vector.shape_cast %select_n3A_1104 : vector<16xi32> to vector<16x1xi32>
        %gather3A_1106 = vector.shape_cast %broadcast_in_dim3A_1105 : vector<16x1xi32> to vector<16xi32>
        %gather3A_1107 = tpu.dynamic_gather %gather3A_42[%gather3A_1106] in [0] : vector<16xi32>, vector<16xi32> -> vector<16xi32>
        %shift_left3A_1108 = arith.constant 16 : i32
        %shift_left3A_1109 = vector.broadcast %shift_left3A_1108 : i32 to vector<16xi32>
        %shift_left3A_1110 = arith.shli %gather3A_1095, %shift_left3A_1109 : vector<16xi32>
        %bitcast3A_1111 = vector.bitcast %shift_left3A_1110 : vector<16xi32> to vector<16xf32>
        %and3A_1112 = arith.constant -65536 : i32
        %and3A_1113 = vector.broadcast %and3A_1112 : i32 to vector<16xi32>
        %and3A_1114 = arith.andi %gather3A_1095, %and3A_1113 : vector<16xi32>
        %bitcast3A_1115 = vector.bitcast %and3A_1114 : vector<16xi32> to vector<16xf32>
        %shift_left3A_1116 = arith.constant 16 : i32
        %shift_left3A_1117 = vector.broadcast %shift_left3A_1116 : i32 to vector<16xi32>
        %shift_left3A_1118 = arith.shli %gather3A_1107, %shift_left3A_1117 : vector<16xi32>
        %bitcast3A_1119 = vector.bitcast %shift_left3A_1118 : vector<16xi32> to vector<16xf32>
        %and3A_1120 = arith.constant -65536 : i32
        %and3A_1121 = vector.broadcast %and3A_1120 : i32 to vector<16xi32>
        %and3A_1122 = arith.andi %gather3A_1107, %and3A_1121 : vector<16xi32>
        %bitcast3A_1123 = vector.bitcast %and3A_1122 : vector<16xi32> to vector<16xf32>
        %mul3A_1124 = arith.mulf %bitcast3A_1111, %bitcast3A_1119 : vector<16xf32>
        %add3A_1125 = arith.addf %add3A_1089, %mul3A_1124 : vector<16xf32>
        %mul3A_1126 = arith.mulf %bitcast3A_1115, %bitcast3A_1123 : vector<16xf32>
        %add3A_1127 = arith.addf %add3A_1091, %mul3A_1126 : vector<16xf32>
        %add3A_1128 = arith.constant 61440 : i32
        %add3A_1129 = vector.broadcast %add3A_1128 : i32 to vector<16xi32>
        %add3A_1130 = arith.addi %gather3A_49, %add3A_1129 : vector<16xi32>
        %gather3A_1131 = tpu.vector_load_idx %arg6[%add3A_1130] : memref<65536xi32, #tpu.memory_space<vmem>>[vector<16xi32>], vector<16xi32>,
        %broadcast_in_dim3A_1132 = arith.constant 14 : i32
        %broadcast_in_dim3A_1133 = vector.broadcast %broadcast_in_dim3A_1132 : i32 to vector<16xi32>
        %lt3A_1134 = arith.constant 0 : i32
        %lt3A_1135 = vector.broadcast %lt3A_1134 : i32 to vector<16xi32>
        %lt3A_1136 = arith.cmpi slt, %broadcast_in_dim3A_1133, %lt3A_1135 : vector<16xi32>
        %add3A_1137 = arith.constant 16 : i32
        %add3A_1138 = vector.broadcast %add3A_1137 : i32 to vector<16xi32>
        %add3A_1139 = arith.addi %broadcast_in_dim3A_1133, %add3A_1138 : vector<16xi32>
        %select_n3A_1140 = arith.select %lt3A_1136, %add3A_1139, %broadcast_in_dim3A_1133 : vector<16xi1>, vector<16xi32>
        %broadcast_in_dim3A_1141 = vector.shape_cast %select_n3A_1140 : vector<16xi32> to vector<16x1xi32>
        %gather3A_1142 = vector.shape_cast %broadcast_in_dim3A_1141 : vector<16x1xi32> to vector<16xi32>
        %gather3A_1143 = tpu.dynamic_gather %gather3A_42[%gather3A_1142] in [0] : vector<16xi32>, vector<16xi32> -> vector<16xi32>
        %shift_left3A_1144 = arith.constant 16 : i32
        %shift_left3A_1145 = vector.broadcast %shift_left3A_1144 : i32 to vector<16xi32>
        %shift_left3A_1146 = arith.shli %gather3A_1131, %shift_left3A_1145 : vector<16xi32>
        %bitcast3A_1147 = vector.bitcast %shift_left3A_1146 : vector<16xi32> to vector<16xf32>
        %and3A_1148 = arith.constant -65536 : i32
        %and3A_1149 = vector.broadcast %and3A_1148 : i32 to vector<16xi32>
        %and3A_1150 = arith.andi %gather3A_1131, %and3A_1149 : vector<16xi32>
        %bitcast3A_1151 = vector.bitcast %and3A_1150 : vector<16xi32> to vector<16xf32>
        %shift_left3A_1152 = arith.constant 16 : i32
        %shift_left3A_1153 = vector.broadcast %shift_left3A_1152 : i32 to vector<16xi32>
        %shift_left3A_1154 = arith.shli %gather3A_1143, %shift_left3A_1153 : vector<16xi32>
        %bitcast3A_1155 = vector.bitcast %shift_left3A_1154 : vector<16xi32> to vector<16xf32>
        %and3A_1156 = arith.constant -65536 : i32
        %and3A_1157 = vector.broadcast %and3A_1156 : i32 to vector<16xi32>
        %and3A_1158 = arith.andi %gather3A_1143, %and3A_1157 : vector<16xi32>
        %bitcast3A_1159 = vector.bitcast %and3A_1158 : vector<16xi32> to vector<16xf32>
        %mul3A_1160 = arith.mulf %bitcast3A_1147, %bitcast3A_1155 : vector<16xf32>
        %add3A_1161 = arith.addf %add3A_1125, %mul3A_1160 : vector<16xf32>
        %mul3A_1162 = arith.mulf %bitcast3A_1151, %bitcast3A_1159 : vector<16xf32>
        %add3A_1163 = arith.addf %add3A_1127, %mul3A_1162 : vector<16xf32>
        %add3A_1164 = arith.constant 63488 : i32
        %add3A_1165 = vector.broadcast %add3A_1164 : i32 to vector<16xi32>
        %add3A_1166 = arith.addi %gather3A_49, %add3A_1165 : vector<16xi32>
        %gather3A_1167 = tpu.vector_load_idx %arg6[%add3A_1166] : memref<65536xi32, #tpu.memory_space<vmem>>[vector<16xi32>], vector<16xi32>,
        %broadcast_in_dim3A_1168 = arith.constant 15 : i32
        %broadcast_in_dim3A_1169 = vector.broadcast %broadcast_in_dim3A_1168 : i32 to vector<16xi32>
        %lt3A_1170 = arith.constant 0 : i32
        %lt3A_1171 = vector.broadcast %lt3A_1170 : i32 to vector<16xi32>
        %lt3A_1172 = arith.cmpi slt, %broadcast_in_dim3A_1169, %lt3A_1171 : vector<16xi32>
        %add3A_1173 = arith.constant 16 : i32
        %add3A_1174 = vector.broadcast %add3A_1173 : i32 to vector<16xi32>
        %add3A_1175 = arith.addi %broadcast_in_dim3A_1169, %add3A_1174 : vector<16xi32>
        %select_n3A_1176 = arith.select %lt3A_1172, %add3A_1175, %broadcast_in_dim3A_1169 : vector<16xi1>, vector<16xi32>
        %broadcast_in_dim3A_1177 = vector.shape_cast %select_n3A_1176 : vector<16xi32> to vector<16x1xi32>
        %gather3A_1178 = vector.shape_cast %broadcast_in_dim3A_1177 : vector<16x1xi32> to vector<16xi32>
        %gather3A_1179 = tpu.dynamic_gather %gather3A_42[%gather3A_1178] in [0] : vector<16xi32>, vector<16xi32> -> vector<16xi32>
        %shift_left3A_1180 = arith.constant 16 : i32
        %shift_left3A_1181 = vector.broadcast %shift_left3A_1180 : i32 to vector<16xi32>
        %shift_left3A_1182 = arith.shli %gather3A_1167, %shift_left3A_1181 : vector<16xi32>
        %bitcast3A_1183 = vector.bitcast %shift_left3A_1182 : vector<16xi32> to vector<16xf32>
        %and3A_1184 = arith.constant -65536 : i32
        %and3A_1185 = vector.broadcast %and3A_1184 : i32 to vector<16xi32>
        %and3A_1186 = arith.andi %gather3A_1167, %and3A_1185 : vector<16xi32>
        %bitcast3A_1187 = vector.bitcast %and3A_1186 : vector<16xi32> to vector<16xf32>
        %shift_left3A_1188 = arith.constant 16 : i32
        %shift_left3A_1189 = vector.broadcast %shift_left3A_1188 : i32 to vector<16xi32>
        %shift_left3A_1190 = arith.shli %gather3A_1179, %shift_left3A_1189 : vector<16xi32>
        %bitcast3A_1191 = vector.bitcast %shift_left3A_1190 : vector<16xi32> to vector<16xf32>
        %and3A_1192 = arith.constant -65536 : i32
        %and3A_1193 = vector.broadcast %and3A_1192 : i32 to vector<16xi32>
        %and3A_1194 = arith.andi %gather3A_1179, %and3A_1193 : vector<16xi32>
        %bitcast3A_1195 = vector.bitcast %and3A_1194 : vector<16xi32> to vector<16xf32>
        %mul3A_1196 = arith.mulf %bitcast3A_1183, %bitcast3A_1191 : vector<16xf32>
        %add3A_1197 = arith.addf %add3A_1161, %mul3A_1196 : vector<16xf32>
        %mul3A_1198 = arith.mulf %bitcast3A_1187, %bitcast3A_1195 : vector<16xf32>
        %add3A_1199 = arith.addf %add3A_1163, %mul3A_1198 : vector<16xf32>
        %mul3A_1200 = arith.constant 49 : i32
        %mul3A_1201 = arith.muli %scan3A_30, %mul3A_1200 : i32
        %add3A_1202 = arith.constant 0 : i32
        %add3A_1203 = arith.addi %mul3A_1201, %add3A_1202 : i32
        %add3A_1204 = vector.broadcast %add3A_1203 : i32 to vector<16xi32>
        %add3A_1205 = arith.addi %iota3A, %add3A_1204 : vector<16xi32>
        %add3A_1206 = arith.addf %add3A_1197, %add3A_1199 : vector<16xf32>
        tpu.vector_store_idx %arg9[%add3A_1205], %add3A_1206 : memref<12544xf32, #tpu.memory_space<vmem>>[vector<16xi32>], vector<16xf32>,
        %mul3A_1207 = arith.constant 48 : i32
        %mul3A_1208 = arith.muli %scan3A_30, %mul3A_1207 : i32
        %add3A_1209 = arith.constant 16 : i32
        %add3A_1210 = arith.addi %mul3A_1208, %add3A_1209 : i32
        %add3A_1211 = vector.broadcast %add3A_1210 : i32 to vector<16xi32>
        %add3A_1212 = arith.addi %iota3A, %add3A_1211 : vector<16xi32>
        %gather3A_1213 = tpu.vector_load_idx %arg8[%add3A_1212] : memref<12288xi32, #tpu.memory_space<vmem>>[vector<16xi32>], vector<16xi32>,
        %broadcast_in_dim3A_1214 = arith.constant 0.000000e+00 : f32
        %broadcast_in_dim3A_1215 = vector.broadcast %broadcast_in_dim3A_1214 : f32 to vector<16xf32>
        %broadcast_in_dim3A_1216 = arith.constant 0.000000e+00 : f32
        %broadcast_in_dim3A_1217 = vector.broadcast %broadcast_in_dim3A_1216 : f32 to vector<16xf32>
        %add3A_1218 = arith.constant 0 : i32
        %add3A_1219 = vector.broadcast %add3A_1218 : i32 to vector<16xi32>
        %add3A_1220 = arith.addi %gather3A_1213, %add3A_1219 : vector<16xi32>
        %gather3A_1221 = tpu.vector_load_idx %arg6[%add3A_1220] : memref<65536xi32, #tpu.memory_space<vmem>>[vector<16xi32>], vector<16xi32>,
        %broadcast_in_dim3A_1222 = arith.constant 0 : i32
        %broadcast_in_dim3A_1223 = vector.broadcast %broadcast_in_dim3A_1222 : i32 to vector<16xi32>
        %lt3A_1224 = arith.constant 0 : i32
        %lt3A_1225 = vector.broadcast %lt3A_1224 : i32 to vector<16xi32>
        %lt3A_1226 = arith.cmpi slt, %broadcast_in_dim3A_1223, %lt3A_1225 : vector<16xi32>
        %add3A_1227 = arith.constant 16 : i32
        %add3A_1228 = vector.broadcast %add3A_1227 : i32 to vector<16xi32>
        %add3A_1229 = arith.addi %broadcast_in_dim3A_1223, %add3A_1228 : vector<16xi32>
        %select_n3A_1230 = arith.select %lt3A_1226, %add3A_1229, %broadcast_in_dim3A_1223 : vector<16xi1>, vector<16xi32>
        %broadcast_in_dim3A_1231 = vector.shape_cast %select_n3A_1230 : vector<16xi32> to vector<16x1xi32>
        %gather3A_1232 = vector.shape_cast %broadcast_in_dim3A_1231 : vector<16x1xi32> to vector<16xi32>
        %gather3A_1233 = tpu.dynamic_gather %gather3A[%gather3A_1232] in [0] : vector<16xi32>, vector<16xi32> -> vector<16xi32>
        %shift_left3A_1234 = arith.constant 16 : i32
        %shift_left3A_1235 = vector.broadcast %shift_left3A_1234 : i32 to vector<16xi32>
        %shift_left3A_1236 = arith.shli %gather3A_1221, %shift_left3A_1235 : vector<16xi32>
        %bitcast3A_1237 = vector.bitcast %shift_left3A_1236 : vector<16xi32> to vector<16xf32>
        %and3A_1238 = arith.constant -65536 : i32
        %and3A_1239 = vector.broadcast %and3A_1238 : i32 to vector<16xi32>
        %and3A_1240 = arith.andi %gather3A_1221, %and3A_1239 : vector<16xi32>
        %bitcast3A_1241 = vector.bitcast %and3A_1240 : vector<16xi32> to vector<16xf32>
        %shift_left3A_1242 = arith.constant 16 : i32
        %shift_left3A_1243 = vector.broadcast %shift_left3A_1242 : i32 to vector<16xi32>
        %shift_left3A_1244 = arith.shli %gather3A_1233, %shift_left3A_1243 : vector<16xi32>
        %bitcast3A_1245 = vector.bitcast %shift_left3A_1244 : vector<16xi32> to vector<16xf32>
        %and3A_1246 = arith.constant -65536 : i32
        %and3A_1247 = vector.broadcast %and3A_1246 : i32 to vector<16xi32>
        %and3A_1248 = arith.andi %gather3A_1233, %and3A_1247 : vector<16xi32>
        %bitcast3A_1249 = vector.bitcast %and3A_1248 : vector<16xi32> to vector<16xf32>
        %mul3A_1250 = arith.mulf %bitcast3A_1237, %bitcast3A_1245 : vector<16xf32>
        %add3A_1251 = arith.addf %broadcast_in_dim3A_1215, %mul3A_1250 : vector<16xf32>
        %mul3A_1252 = arith.mulf %bitcast3A_1241, %bitcast3A_1249 : vector<16xf32>
        %add3A_1253 = arith.addf %broadcast_in_dim3A_1217, %mul3A_1252 : vector<16xf32>
        %add3A_1254 = arith.constant 2048 : i32
        %add3A_1255 = vector.broadcast %add3A_1254 : i32 to vector<16xi32>
        %add3A_1256 = arith.addi %gather3A_1213, %add3A_1255 : vector<16xi32>
        %gather3A_1257 = tpu.vector_load_idx %arg6[%add3A_1256] : memref<65536xi32, #tpu.memory_space<vmem>>[vector<16xi32>], vector<16xi32>,
        %broadcast_in_dim3A_1258 = arith.constant 1 : i32
        %broadcast_in_dim3A_1259 = vector.broadcast %broadcast_in_dim3A_1258 : i32 to vector<16xi32>
        %lt3A_1260 = arith.constant 0 : i32
        %lt3A_1261 = vector.broadcast %lt3A_1260 : i32 to vector<16xi32>
        %lt3A_1262 = arith.cmpi slt, %broadcast_in_dim3A_1259, %lt3A_1261 : vector<16xi32>
        %add3A_1263 = arith.constant 16 : i32
        %add3A_1264 = vector.broadcast %add3A_1263 : i32 to vector<16xi32>
        %add3A_1265 = arith.addi %broadcast_in_dim3A_1259, %add3A_1264 : vector<16xi32>
        %select_n3A_1266 = arith.select %lt3A_1262, %add3A_1265, %broadcast_in_dim3A_1259 : vector<16xi1>, vector<16xi32>
        %broadcast_in_dim3A_1267 = vector.shape_cast %select_n3A_1266 : vector<16xi32> to vector<16x1xi32>
        %gather3A_1268 = vector.shape_cast %broadcast_in_dim3A_1267 : vector<16x1xi32> to vector<16xi32>
        %gather3A_1269 = tpu.dynamic_gather %gather3A[%gather3A_1268] in [0] : vector<16xi32>, vector<16xi32> -> vector<16xi32>
        %shift_left3A_1270 = arith.constant 16 : i32
        %shift_left3A_1271 = vector.broadcast %shift_left3A_1270 : i32 to vector<16xi32>
        %shift_left3A_1272 = arith.shli %gather3A_1257, %shift_left3A_1271 : vector<16xi32>
        %bitcast3A_1273 = vector.bitcast %shift_left3A_1272 : vector<16xi32> to vector<16xf32>
        %and3A_1274 = arith.constant -65536 : i32
        %and3A_1275 = vector.broadcast %and3A_1274 : i32 to vector<16xi32>
        %and3A_1276 = arith.andi %gather3A_1257, %and3A_1275 : vector<16xi32>
        %bitcast3A_1277 = vector.bitcast %and3A_1276 : vector<16xi32> to vector<16xf32>
        %shift_left3A_1278 = arith.constant 16 : i32
        %shift_left3A_1279 = vector.broadcast %shift_left3A_1278 : i32 to vector<16xi32>
        %shift_left3A_1280 = arith.shli %gather3A_1269, %shift_left3A_1279 : vector<16xi32>
        %bitcast3A_1281 = vector.bitcast %shift_left3A_1280 : vector<16xi32> to vector<16xf32>
        %and3A_1282 = arith.constant -65536 : i32
        %and3A_1283 = vector.broadcast %and3A_1282 : i32 to vector<16xi32>
        %and3A_1284 = arith.andi %gather3A_1269, %and3A_1283 : vector<16xi32>
        %bitcast3A_1285 = vector.bitcast %and3A_1284 : vector<16xi32> to vector<16xf32>
        %mul3A_1286 = arith.mulf %bitcast3A_1273, %bitcast3A_1281 : vector<16xf32>
        %add3A_1287 = arith.addf %add3A_1251, %mul3A_1286 : vector<16xf32>
        %mul3A_1288 = arith.mulf %bitcast3A_1277, %bitcast3A_1285 : vector<16xf32>
        %add3A_1289 = arith.addf %add3A_1253, %mul3A_1288 : vector<16xf32>
        %add3A_1290 = arith.constant 4096 : i32
        %add3A_1291 = vector.broadcast %add3A_1290 : i32 to vector<16xi32>
        %add3A_1292 = arith.addi %gather3A_1213, %add3A_1291 : vector<16xi32>
        %gather3A_1293 = tpu.vector_load_idx %arg6[%add3A_1292] : memref<65536xi32, #tpu.memory_space<vmem>>[vector<16xi32>], vector<16xi32>,
        %broadcast_in_dim3A_1294 = arith.constant 2 : i32
        %broadcast_in_dim3A_1295 = vector.broadcast %broadcast_in_dim3A_1294 : i32 to vector<16xi32>
        %lt3A_1296 = arith.constant 0 : i32
        %lt3A_1297 = vector.broadcast %lt3A_1296 : i32 to vector<16xi32>
        %lt3A_1298 = arith.cmpi slt, %broadcast_in_dim3A_1295, %lt3A_1297 : vector<16xi32>
        %add3A_1299 = arith.constant 16 : i32
        %add3A_1300 = vector.broadcast %add3A_1299 : i32 to vector<16xi32>
        %add3A_1301 = arith.addi %broadcast_in_dim3A_1295, %add3A_1300 : vector<16xi32>
        %select_n3A_1302 = arith.select %lt3A_1298, %add3A_1301, %broadcast_in_dim3A_1295 : vector<16xi1>, vector<16xi32>
        %broadcast_in_dim3A_1303 = vector.shape_cast %select_n3A_1302 : vector<16xi32> to vector<16x1xi32>
        %gather3A_1304 = vector.shape_cast %broadcast_in_dim3A_1303 : vector<16x1xi32> to vector<16xi32>
        %gather3A_1305 = tpu.dynamic_gather %gather3A[%gather3A_1304] in [0] : vector<16xi32>, vector<16xi32> -> vector<16xi32>
        %shift_left3A_1306 = arith.constant 16 : i32
        %shift_left3A_1307 = vector.broadcast %shift_left3A_1306 : i32 to vector<16xi32>
        %shift_left3A_1308 = arith.shli %gather3A_1293, %shift_left3A_1307 : vector<16xi32>
        %bitcast3A_1309 = vector.bitcast %shift_left3A_1308 : vector<16xi32> to vector<16xf32>
        %and3A_1310 = arith.constant -65536 : i32
        %and3A_1311 = vector.broadcast %and3A_1310 : i32 to vector<16xi32>
        %and3A_1312 = arith.andi %gather3A_1293, %and3A_1311 : vector<16xi32>
        %bitcast3A_1313 = vector.bitcast %and3A_1312 : vector<16xi32> to vector<16xf32>
        %shift_left3A_1314 = arith.constant 16 : i32
        %shift_left3A_1315 = vector.broadcast %shift_left3A_1314 : i32 to vector<16xi32>
        %shift_left3A_1316 = arith.shli %gather3A_1305, %shift_left3A_1315 : vector<16xi32>
        %bitcast3A_1317 = vector.bitcast %shift_left3A_1316 : vector<16xi32> to vector<16xf32>
        %and3A_1318 = arith.constant -65536 : i32
        %and3A_1319 = vector.broadcast %and3A_1318 : i32 to vector<16xi32>
        %and3A_1320 = arith.andi %gather3A_1305, %and3A_1319 : vector<16xi32>
        %bitcast3A_1321 = vector.bitcast %and3A_1320 : vector<16xi32> to vector<16xf32>
        %mul3A_1322 = arith.mulf %bitcast3A_1309, %bitcast3A_1317 : vector<16xf32>
        %add3A_1323 = arith.addf %add3A_1287, %mul3A_1322 : vector<16xf32>
        %mul3A_1324 = arith.mulf %bitcast3A_1313, %bitcast3A_1321 : vector<16xf32>
        %add3A_1325 = arith.addf %add3A_1289, %mul3A_1324 : vector<16xf32>
        %add3A_1326 = arith.constant 6144 : i32
        %add3A_1327 = vector.broadcast %add3A_1326 : i32 to vector<16xi32>
        %add3A_1328 = arith.addi %gather3A_1213, %add3A_1327 : vector<16xi32>
        %gather3A_1329 = tpu.vector_load_idx %arg6[%add3A_1328] : memref<65536xi32, #tpu.memory_space<vmem>>[vector<16xi32>], vector<16xi32>,
        %broadcast_in_dim3A_1330 = arith.constant 3 : i32
        %broadcast_in_dim3A_1331 = vector.broadcast %broadcast_in_dim3A_1330 : i32 to vector<16xi32>
        %lt3A_1332 = arith.constant 0 : i32
        %lt3A_1333 = vector.broadcast %lt3A_1332 : i32 to vector<16xi32>
        %lt3A_1334 = arith.cmpi slt, %broadcast_in_dim3A_1331, %lt3A_1333 : vector<16xi32>
        %add3A_1335 = arith.constant 16 : i32
        %add3A_1336 = vector.broadcast %add3A_1335 : i32 to vector<16xi32>
        %add3A_1337 = arith.addi %broadcast_in_dim3A_1331, %add3A_1336 : vector<16xi32>
        %select_n3A_1338 = arith.select %lt3A_1334, %add3A_1337, %broadcast_in_dim3A_1331 : vector<16xi1>, vector<16xi32>
        %broadcast_in_dim3A_1339 = vector.shape_cast %select_n3A_1338 : vector<16xi32> to vector<16x1xi32>
        %gather3A_1340 = vector.shape_cast %broadcast_in_dim3A_1339 : vector<16x1xi32> to vector<16xi32>
        %gather3A_1341 = tpu.dynamic_gather %gather3A[%gather3A_1340] in [0] : vector<16xi32>, vector<16xi32> -> vector<16xi32>
        %shift_left3A_1342 = arith.constant 16 : i32
        %shift_left3A_1343 = vector.broadcast %shift_left3A_1342 : i32 to vector<16xi32>
        %shift_left3A_1344 = arith.shli %gather3A_1329, %shift_left3A_1343 : vector<16xi32>
        %bitcast3A_1345 = vector.bitcast %shift_left3A_1344 : vector<16xi32> to vector<16xf32>
        %and3A_1346 = arith.constant -65536 : i32
        %and3A_1347 = vector.broadcast %and3A_1346 : i32 to vector<16xi32>
        %and3A_1348 = arith.andi %gather3A_1329, %and3A_1347 : vector<16xi32>
        %bitcast3A_1349 = vector.bitcast %and3A_1348 : vector<16xi32> to vector<16xf32>
        %shift_left3A_1350 = arith.constant 16 : i32
        %shift_left3A_1351 = vector.broadcast %shift_left3A_1350 : i32 to vector<16xi32>
        %shift_left3A_1352 = arith.shli %gather3A_1341, %shift_left3A_1351 : vector<16xi32>
        %bitcast3A_1353 = vector.bitcast %shift_left3A_1352 : vector<16xi32> to vector<16xf32>
        %and3A_1354 = arith.constant -65536 : i32
        %and3A_1355 = vector.broadcast %and3A_1354 : i32 to vector<16xi32>
        %and3A_1356 = arith.andi %gather3A_1341, %and3A_1355 : vector<16xi32>
        %bitcast3A_1357 = vector.bitcast %and3A_1356 : vector<16xi32> to vector<16xf32>
        %mul3A_1358 = arith.mulf %bitcast3A_1345, %bitcast3A_1353 : vector<16xf32>
        %add3A_1359 = arith.addf %add3A_1323, %mul3A_1358 : vector<16xf32>
        %mul3A_1360 = arith.mulf %bitcast3A_1349, %bitcast3A_1357 : vector<16xf32>
        %add3A_1361 = arith.addf %add3A_1325, %mul3A_1360 : vector<16xf32>
        %add3A_1362 = arith.constant 8192 : i32
        %add3A_1363 = vector.broadcast %add3A_1362 : i32 to vector<16xi32>
        %add3A_1364 = arith.addi %gather3A_1213, %add3A_1363 : vector<16xi32>
        %gather3A_1365 = tpu.vector_load_idx %arg6[%add3A_1364] : memref<65536xi32, #tpu.memory_space<vmem>>[vector<16xi32>], vector<16xi32>,
        %broadcast_in_dim3A_1366 = arith.constant 4 : i32
        %broadcast_in_dim3A_1367 = vector.broadcast %broadcast_in_dim3A_1366 : i32 to vector<16xi32>
        %lt3A_1368 = arith.constant 0 : i32
        %lt3A_1369 = vector.broadcast %lt3A_1368 : i32 to vector<16xi32>
        %lt3A_1370 = arith.cmpi slt, %broadcast_in_dim3A_1367, %lt3A_1369 : vector<16xi32>
        %add3A_1371 = arith.constant 16 : i32
        %add3A_1372 = vector.broadcast %add3A_1371 : i32 to vector<16xi32>
        %add3A_1373 = arith.addi %broadcast_in_dim3A_1367, %add3A_1372 : vector<16xi32>
        %select_n3A_1374 = arith.select %lt3A_1370, %add3A_1373, %broadcast_in_dim3A_1367 : vector<16xi1>, vector<16xi32>
        %broadcast_in_dim3A_1375 = vector.shape_cast %select_n3A_1374 : vector<16xi32> to vector<16x1xi32>
        %gather3A_1376 = vector.shape_cast %broadcast_in_dim3A_1375 : vector<16x1xi32> to vector<16xi32>
        %gather3A_1377 = tpu.dynamic_gather %gather3A[%gather3A_1376] in [0] : vector<16xi32>, vector<16xi32> -> vector<16xi32>
        %shift_left3A_1378 = arith.constant 16 : i32
        %shift_left3A_1379 = vector.broadcast %shift_left3A_1378 : i32 to vector<16xi32>
        %shift_left3A_1380 = arith.shli %gather3A_1365, %shift_left3A_1379 : vector<16xi32>
        %bitcast3A_1381 = vector.bitcast %shift_left3A_1380 : vector<16xi32> to vector<16xf32>
        %and3A_1382 = arith.constant -65536 : i32
        %and3A_1383 = vector.broadcast %and3A_1382 : i32 to vector<16xi32>
        %and3A_1384 = arith.andi %gather3A_1365, %and3A_1383 : vector<16xi32>
        %bitcast3A_1385 = vector.bitcast %and3A_1384 : vector<16xi32> to vector<16xf32>
        %shift_left3A_1386 = arith.constant 16 : i32
        %shift_left3A_1387 = vector.broadcast %shift_left3A_1386 : i32 to vector<16xi32>
        %shift_left3A_1388 = arith.shli %gather3A_1377, %shift_left3A_1387 : vector<16xi32>
        %bitcast3A_1389 = vector.bitcast %shift_left3A_1388 : vector<16xi32> to vector<16xf32>
        %and3A_1390 = arith.constant -65536 : i32
        %and3A_1391 = vector.broadcast %and3A_1390 : i32 to vector<16xi32>
        %and3A_1392 = arith.andi %gather3A_1377, %and3A_1391 : vector<16xi32>
        %bitcast3A_1393 = vector.bitcast %and3A_1392 : vector<16xi32> to vector<16xf32>
        %mul3A_1394 = arith.mulf %bitcast3A_1381, %bitcast3A_1389 : vector<16xf32>
        %add3A_1395 = arith.addf %add3A_1359, %mul3A_1394 : vector<16xf32>
        %mul3A_1396 = arith.mulf %bitcast3A_1385, %bitcast3A_1393 : vector<16xf32>
        %add3A_1397 = arith.addf %add3A_1361, %mul3A_1396 : vector<16xf32>
        %add3A_1398 = arith.constant 10240 : i32
        %add3A_1399 = vector.broadcast %add3A_1398 : i32 to vector<16xi32>
        %add3A_1400 = arith.addi %gather3A_1213, %add3A_1399 : vector<16xi32>
        %gather3A_1401 = tpu.vector_load_idx %arg6[%add3A_1400] : memref<65536xi32, #tpu.memory_space<vmem>>[vector<16xi32>], vector<16xi32>,
        %broadcast_in_dim3A_1402 = arith.constant 5 : i32
        %broadcast_in_dim3A_1403 = vector.broadcast %broadcast_in_dim3A_1402 : i32 to vector<16xi32>
        %lt3A_1404 = arith.constant 0 : i32
        %lt3A_1405 = vector.broadcast %lt3A_1404 : i32 to vector<16xi32>
        %lt3A_1406 = arith.cmpi slt, %broadcast_in_dim3A_1403, %lt3A_1405 : vector<16xi32>
        %add3A_1407 = arith.constant 16 : i32
        %add3A_1408 = vector.broadcast %add3A_1407 : i32 to vector<16xi32>
        %add3A_1409 = arith.addi %broadcast_in_dim3A_1403, %add3A_1408 : vector<16xi32>
        %select_n3A_1410 = arith.select %lt3A_1406, %add3A_1409, %broadcast_in_dim3A_1403 : vector<16xi1>, vector<16xi32>
        %broadcast_in_dim3A_1411 = vector.shape_cast %select_n3A_1410 : vector<16xi32> to vector<16x1xi32>
        %gather3A_1412 = vector.shape_cast %broadcast_in_dim3A_1411 : vector<16x1xi32> to vector<16xi32>
        %gather3A_1413 = tpu.dynamic_gather %gather3A[%gather3A_1412] in [0] : vector<16xi32>, vector<16xi32> -> vector<16xi32>
        %shift_left3A_1414 = arith.constant 16 : i32
        %shift_left3A_1415 = vector.broadcast %shift_left3A_1414 : i32 to vector<16xi32>
        %shift_left3A_1416 = arith.shli %gather3A_1401, %shift_left3A_1415 : vector<16xi32>
        %bitcast3A_1417 = vector.bitcast %shift_left3A_1416 : vector<16xi32> to vector<16xf32>
        %and3A_1418 = arith.constant -65536 : i32
        %and3A_1419 = vector.broadcast %and3A_1418 : i32 to vector<16xi32>
        %and3A_1420 = arith.andi %gather3A_1401, %and3A_1419 : vector<16xi32>
        %bitcast3A_1421 = vector.bitcast %and3A_1420 : vector<16xi32> to vector<16xf32>
        %shift_left3A_1422 = arith.constant 16 : i32
        %shift_left3A_1423 = vector.broadcast %shift_left3A_1422 : i32 to vector<16xi32>
        %shift_left3A_1424 = arith.shli %gather3A_1413, %shift_left3A_1423 : vector<16xi32>
        %bitcast3A_1425 = vector.bitcast %shift_left3A_1424 : vector<16xi32> to vector<16xf32>
        %and3A_1426 = arith.constant -65536 : i32
        %and3A_1427 = vector.broadcast %and3A_1426 : i32 to vector<16xi32>
        %and3A_1428 = arith.andi %gather3A_1413, %and3A_1427 : vector<16xi32>
        %bitcast3A_1429 = vector.bitcast %and3A_1428 : vector<16xi32> to vector<16xf32>
        %mul3A_1430 = arith.mulf %bitcast3A_1417, %bitcast3A_1425 : vector<16xf32>
        %add3A_1431 = arith.addf %add3A_1395, %mul3A_1430 : vector<16xf32>
        %mul3A_1432 = arith.mulf %bitcast3A_1421, %bitcast3A_1429 : vector<16xf32>
        %add3A_1433 = arith.addf %add3A_1397, %mul3A_1432 : vector<16xf32>
        %add3A_1434 = arith.constant 12288 : i32
        %add3A_1435 = vector.broadcast %add3A_1434 : i32 to vector<16xi32>
        %add3A_1436 = arith.addi %gather3A_1213, %add3A_1435 : vector<16xi32>
        %gather3A_1437 = tpu.vector_load_idx %arg6[%add3A_1436] : memref<65536xi32, #tpu.memory_space<vmem>>[vector<16xi32>], vector<16xi32>,
        %broadcast_in_dim3A_1438 = arith.constant 6 : i32
        %broadcast_in_dim3A_1439 = vector.broadcast %broadcast_in_dim3A_1438 : i32 to vector<16xi32>
        %lt3A_1440 = arith.constant 0 : i32
        %lt3A_1441 = vector.broadcast %lt3A_1440 : i32 to vector<16xi32>
        %lt3A_1442 = arith.cmpi slt, %broadcast_in_dim3A_1439, %lt3A_1441 : vector<16xi32>
        %add3A_1443 = arith.constant 16 : i32
        %add3A_1444 = vector.broadcast %add3A_1443 : i32 to vector<16xi32>
        %add3A_1445 = arith.addi %broadcast_in_dim3A_1439, %add3A_1444 : vector<16xi32>
        %select_n3A_1446 = arith.select %lt3A_1442, %add3A_1445, %broadcast_in_dim3A_1439 : vector<16xi1>, vector<16xi32>
        %broadcast_in_dim3A_1447 = vector.shape_cast %select_n3A_1446 : vector<16xi32> to vector<16x1xi32>
        %gather3A_1448 = vector.shape_cast %broadcast_in_dim3A_1447 : vector<16x1xi32> to vector<16xi32>
        %gather3A_1449 = tpu.dynamic_gather %gather3A[%gather3A_1448] in [0] : vector<16xi32>, vector<16xi32> -> vector<16xi32>
        %shift_left3A_1450 = arith.constant 16 : i32
        %shift_left3A_1451 = vector.broadcast %shift_left3A_1450 : i32 to vector<16xi32>
        %shift_left3A_1452 = arith.shli %gather3A_1437, %shift_left3A_1451 : vector<16xi32>
        %bitcast3A_1453 = vector.bitcast %shift_left3A_1452 : vector<16xi32> to vector<16xf32>
        %and3A_1454 = arith.constant -65536 : i32
        %and3A_1455 = vector.broadcast %and3A_1454 : i32 to vector<16xi32>
        %and3A_1456 = arith.andi %gather3A_1437, %and3A_1455 : vector<16xi32>
        %bitcast3A_1457 = vector.bitcast %and3A_1456 : vector<16xi32> to vector<16xf32>
        %shift_left3A_1458 = arith.constant 16 : i32
        %shift_left3A_1459 = vector.broadcast %shift_left3A_1458 : i32 to vector<16xi32>
        %shift_left3A_1460 = arith.shli %gather3A_1449, %shift_left3A_1459 : vector<16xi32>
        %bitcast3A_1461 = vector.bitcast %shift_left3A_1460 : vector<16xi32> to vector<16xf32>
        %and3A_1462 = arith.constant -65536 : i32
        %and3A_1463 = vector.broadcast %and3A_1462 : i32 to vector<16xi32>
        %and3A_1464 = arith.andi %gather3A_1449, %and3A_1463 : vector<16xi32>
        %bitcast3A_1465 = vector.bitcast %and3A_1464 : vector<16xi32> to vector<16xf32>
        %mul3A_1466 = arith.mulf %bitcast3A_1453, %bitcast3A_1461 : vector<16xf32>
        %add3A_1467 = arith.addf %add3A_1431, %mul3A_1466 : vector<16xf32>
        %mul3A_1468 = arith.mulf %bitcast3A_1457, %bitcast3A_1465 : vector<16xf32>
        %add3A_1469 = arith.addf %add3A_1433, %mul3A_1468 : vector<16xf32>
        %add3A_1470 = arith.constant 14336 : i32
        %add3A_1471 = vector.broadcast %add3A_1470 : i32 to vector<16xi32>
        %add3A_1472 = arith.addi %gather3A_1213, %add3A_1471 : vector<16xi32>
        %gather3A_1473 = tpu.vector_load_idx %arg6[%add3A_1472] : memref<65536xi32, #tpu.memory_space<vmem>>[vector<16xi32>], vector<16xi32>,
        %broadcast_in_dim3A_1474 = arith.constant 7 : i32
        %broadcast_in_dim3A_1475 = vector.broadcast %broadcast_in_dim3A_1474 : i32 to vector<16xi32>
        %lt3A_1476 = arith.constant 0 : i32
        %lt3A_1477 = vector.broadcast %lt3A_1476 : i32 to vector<16xi32>
        %lt3A_1478 = arith.cmpi slt, %broadcast_in_dim3A_1475, %lt3A_1477 : vector<16xi32>
        %add3A_1479 = arith.constant 16 : i32
        %add3A_1480 = vector.broadcast %add3A_1479 : i32 to vector<16xi32>
        %add3A_1481 = arith.addi %broadcast_in_dim3A_1475, %add3A_1480 : vector<16xi32>
        %select_n3A_1482 = arith.select %lt3A_1478, %add3A_1481, %broadcast_in_dim3A_1475 : vector<16xi1>, vector<16xi32>
        %broadcast_in_dim3A_1483 = vector.shape_cast %select_n3A_1482 : vector<16xi32> to vector<16x1xi32>
        %gather3A_1484 = vector.shape_cast %broadcast_in_dim3A_1483 : vector<16x1xi32> to vector<16xi32>
        %gather3A_1485 = tpu.dynamic_gather %gather3A[%gather3A_1484] in [0] : vector<16xi32>, vector<16xi32> -> vector<16xi32>
        %shift_left3A_1486 = arith.constant 16 : i32
        %shift_left3A_1487 = vector.broadcast %shift_left3A_1486 : i32 to vector<16xi32>
        %shift_left3A_1488 = arith.shli %gather3A_1473, %shift_left3A_1487 : vector<16xi32>
        %bitcast3A_1489 = vector.bitcast %shift_left3A_1488 : vector<16xi32> to vector<16xf32>
        %and3A_1490 = arith.constant -65536 : i32
        %and3A_1491 = vector.broadcast %and3A_1490 : i32 to vector<16xi32>
        %and3A_1492 = arith.andi %gather3A_1473, %and3A_1491 : vector<16xi32>
        %bitcast3A_1493 = vector.bitcast %and3A_1492 : vector<16xi32> to vector<16xf32>
        %shift_left3A_1494 = arith.constant 16 : i32
        %shift_left3A_1495 = vector.broadcast %shift_left3A_1494 : i32 to vector<16xi32>
        %shift_left3A_1496 = arith.shli %gather3A_1485, %shift_left3A_1495 : vector<16xi32>
        %bitcast3A_1497 = vector.bitcast %shift_left3A_1496 : vector<16xi32> to vector<16xf32>
        %and3A_1498 = arith.constant -65536 : i32
        %and3A_1499 = vector.broadcast %and3A_1498 : i32 to vector<16xi32>
        %and3A_1500 = arith.andi %gather3A_1485, %and3A_1499 : vector<16xi32>
        %bitcast3A_1501 = vector.bitcast %and3A_1500 : vector<16xi32> to vector<16xf32>
        %mul3A_1502 = arith.mulf %bitcast3A_1489, %bitcast3A_1497 : vector<16xf32>
        %add3A_1503 = arith.addf %add3A_1467, %mul3A_1502 : vector<16xf32>
        %mul3A_1504 = arith.mulf %bitcast3A_1493, %bitcast3A_1501 : vector<16xf32>
        %add3A_1505 = arith.addf %add3A_1469, %mul3A_1504 : vector<16xf32>
        %add3A_1506 = arith.constant 16384 : i32
        %add3A_1507 = vector.broadcast %add3A_1506 : i32 to vector<16xi32>
        %add3A_1508 = arith.addi %gather3A_1213, %add3A_1507 : vector<16xi32>
        %gather3A_1509 = tpu.vector_load_idx %arg6[%add3A_1508] : memref<65536xi32, #tpu.memory_space<vmem>>[vector<16xi32>], vector<16xi32>,
        %broadcast_in_dim3A_1510 = arith.constant 8 : i32
        %broadcast_in_dim3A_1511 = vector.broadcast %broadcast_in_dim3A_1510 : i32 to vector<16xi32>
        %lt3A_1512 = arith.constant 0 : i32
        %lt3A_1513 = vector.broadcast %lt3A_1512 : i32 to vector<16xi32>
        %lt3A_1514 = arith.cmpi slt, %broadcast_in_dim3A_1511, %lt3A_1513 : vector<16xi32>
        %add3A_1515 = arith.constant 16 : i32
        %add3A_1516 = vector.broadcast %add3A_1515 : i32 to vector<16xi32>
        %add3A_1517 = arith.addi %broadcast_in_dim3A_1511, %add3A_1516 : vector<16xi32>
        %select_n3A_1518 = arith.select %lt3A_1514, %add3A_1517, %broadcast_in_dim3A_1511 : vector<16xi1>, vector<16xi32>
        %broadcast_in_dim3A_1519 = vector.shape_cast %select_n3A_1518 : vector<16xi32> to vector<16x1xi32>
        %gather3A_1520 = vector.shape_cast %broadcast_in_dim3A_1519 : vector<16x1xi32> to vector<16xi32>
        %gather3A_1521 = tpu.dynamic_gather %gather3A[%gather3A_1520] in [0] : vector<16xi32>, vector<16xi32> -> vector<16xi32>
        %shift_left3A_1522 = arith.constant 16 : i32
        %shift_left3A_1523 = vector.broadcast %shift_left3A_1522 : i32 to vector<16xi32>
        %shift_left3A_1524 = arith.shli %gather3A_1509, %shift_left3A_1523 : vector<16xi32>
        %bitcast3A_1525 = vector.bitcast %shift_left3A_1524 : vector<16xi32> to vector<16xf32>
        %and3A_1526 = arith.constant -65536 : i32
        %and3A_1527 = vector.broadcast %and3A_1526 : i32 to vector<16xi32>
        %and3A_1528 = arith.andi %gather3A_1509, %and3A_1527 : vector<16xi32>
        %bitcast3A_1529 = vector.bitcast %and3A_1528 : vector<16xi32> to vector<16xf32>
        %shift_left3A_1530 = arith.constant 16 : i32
        %shift_left3A_1531 = vector.broadcast %shift_left3A_1530 : i32 to vector<16xi32>
        %shift_left3A_1532 = arith.shli %gather3A_1521, %shift_left3A_1531 : vector<16xi32>
        %bitcast3A_1533 = vector.bitcast %shift_left3A_1532 : vector<16xi32> to vector<16xf32>
        %and3A_1534 = arith.constant -65536 : i32
        %and3A_1535 = vector.broadcast %and3A_1534 : i32 to vector<16xi32>
        %and3A_1536 = arith.andi %gather3A_1521, %and3A_1535 : vector<16xi32>
        %bitcast3A_1537 = vector.bitcast %and3A_1536 : vector<16xi32> to vector<16xf32>
        %mul3A_1538 = arith.mulf %bitcast3A_1525, %bitcast3A_1533 : vector<16xf32>
        %add3A_1539 = arith.addf %add3A_1503, %mul3A_1538 : vector<16xf32>
        %mul3A_1540 = arith.mulf %bitcast3A_1529, %bitcast3A_1537 : vector<16xf32>
        %add3A_1541 = arith.addf %add3A_1505, %mul3A_1540 : vector<16xf32>
        %add3A_1542 = arith.constant 18432 : i32
        %add3A_1543 = vector.broadcast %add3A_1542 : i32 to vector<16xi32>
        %add3A_1544 = arith.addi %gather3A_1213, %add3A_1543 : vector<16xi32>
        %gather3A_1545 = tpu.vector_load_idx %arg6[%add3A_1544] : memref<65536xi32, #tpu.memory_space<vmem>>[vector<16xi32>], vector<16xi32>,
        %broadcast_in_dim3A_1546 = arith.constant 9 : i32
        %broadcast_in_dim3A_1547 = vector.broadcast %broadcast_in_dim3A_1546 : i32 to vector<16xi32>
        %lt3A_1548 = arith.constant 0 : i32
        %lt3A_1549 = vector.broadcast %lt3A_1548 : i32 to vector<16xi32>
        %lt3A_1550 = arith.cmpi slt, %broadcast_in_dim3A_1547, %lt3A_1549 : vector<16xi32>
        %add3A_1551 = arith.constant 16 : i32
        %add3A_1552 = vector.broadcast %add3A_1551 : i32 to vector<16xi32>
        %add3A_1553 = arith.addi %broadcast_in_dim3A_1547, %add3A_1552 : vector<16xi32>
        %select_n3A_1554 = arith.select %lt3A_1550, %add3A_1553, %broadcast_in_dim3A_1547 : vector<16xi1>, vector<16xi32>
        %broadcast_in_dim3A_1555 = vector.shape_cast %select_n3A_1554 : vector<16xi32> to vector<16x1xi32>
        %gather3A_1556 = vector.shape_cast %broadcast_in_dim3A_1555 : vector<16x1xi32> to vector<16xi32>
        %gather3A_1557 = tpu.dynamic_gather %gather3A[%gather3A_1556] in [0] : vector<16xi32>, vector<16xi32> -> vector<16xi32>
        %shift_left3A_1558 = arith.constant 16 : i32
        %shift_left3A_1559 = vector.broadcast %shift_left3A_1558 : i32 to vector<16xi32>
        %shift_left3A_1560 = arith.shli %gather3A_1545, %shift_left3A_1559 : vector<16xi32>
        %bitcast3A_1561 = vector.bitcast %shift_left3A_1560 : vector<16xi32> to vector<16xf32>
        %and3A_1562 = arith.constant -65536 : i32
        %and3A_1563 = vector.broadcast %and3A_1562 : i32 to vector<16xi32>
        %and3A_1564 = arith.andi %gather3A_1545, %and3A_1563 : vector<16xi32>
        %bitcast3A_1565 = vector.bitcast %and3A_1564 : vector<16xi32> to vector<16xf32>
        %shift_left3A_1566 = arith.constant 16 : i32
        %shift_left3A_1567 = vector.broadcast %shift_left3A_1566 : i32 to vector<16xi32>
        %shift_left3A_1568 = arith.shli %gather3A_1557, %shift_left3A_1567 : vector<16xi32>
        %bitcast3A_1569 = vector.bitcast %shift_left3A_1568 : vector<16xi32> to vector<16xf32>
        %and3A_1570 = arith.constant -65536 : i32
        %and3A_1571 = vector.broadcast %and3A_1570 : i32 to vector<16xi32>
        %and3A_1572 = arith.andi %gather3A_1557, %and3A_1571 : vector<16xi32>
        %bitcast3A_1573 = vector.bitcast %and3A_1572 : vector<16xi32> to vector<16xf32>
        %mul3A_1574 = arith.mulf %bitcast3A_1561, %bitcast3A_1569 : vector<16xf32>
        %add3A_1575 = arith.addf %add3A_1539, %mul3A_1574 : vector<16xf32>
        %mul3A_1576 = arith.mulf %bitcast3A_1565, %bitcast3A_1573 : vector<16xf32>
        %add3A_1577 = arith.addf %add3A_1541, %mul3A_1576 : vector<16xf32>
        %add3A_1578 = arith.constant 20480 : i32
        %add3A_1579 = vector.broadcast %add3A_1578 : i32 to vector<16xi32>
        %add3A_1580 = arith.addi %gather3A_1213, %add3A_1579 : vector<16xi32>
        %gather3A_1581 = tpu.vector_load_idx %arg6[%add3A_1580] : memref<65536xi32, #tpu.memory_space<vmem>>[vector<16xi32>], vector<16xi32>,
        %broadcast_in_dim3A_1582 = arith.constant 10 : i32
        %broadcast_in_dim3A_1583 = vector.broadcast %broadcast_in_dim3A_1582 : i32 to vector<16xi32>
        %lt3A_1584 = arith.constant 0 : i32
        %lt3A_1585 = vector.broadcast %lt3A_1584 : i32 to vector<16xi32>
        %lt3A_1586 = arith.cmpi slt, %broadcast_in_dim3A_1583, %lt3A_1585 : vector<16xi32>
        %add3A_1587 = arith.constant 16 : i32
        %add3A_1588 = vector.broadcast %add3A_1587 : i32 to vector<16xi32>
        %add3A_1589 = arith.addi %broadcast_in_dim3A_1583, %add3A_1588 : vector<16xi32>
        %select_n3A_1590 = arith.select %lt3A_1586, %add3A_1589, %broadcast_in_dim3A_1583 : vector<16xi1>, vector<16xi32>
        %broadcast_in_dim3A_1591 = vector.shape_cast %select_n3A_1590 : vector<16xi32> to vector<16x1xi32>
        %gather3A_1592 = vector.shape_cast %broadcast_in_dim3A_1591 : vector<16x1xi32> to vector<16xi32>
        %gather3A_1593 = tpu.dynamic_gather %gather3A[%gather3A_1592] in [0] : vector<16xi32>, vector<16xi32> -> vector<16xi32>
        %shift_left3A_1594 = arith.constant 16 : i32
        %shift_left3A_1595 = vector.broadcast %shift_left3A_1594 : i32 to vector<16xi32>
        %shift_left3A_1596 = arith.shli %gather3A_1581, %shift_left3A_1595 : vector<16xi32>
        %bitcast3A_1597 = vector.bitcast %shift_left3A_1596 : vector<16xi32> to vector<16xf32>
        %and3A_1598 = arith.constant -65536 : i32
        %and3A_1599 = vector.broadcast %and3A_1598 : i32 to vector<16xi32>
        %and3A_1600 = arith.andi %gather3A_1581, %and3A_1599 : vector<16xi32>
        %bitcast3A_1601 = vector.bitcast %and3A_1600 : vector<16xi32> to vector<16xf32>
        %shift_left3A_1602 = arith.constant 16 : i32
        %shift_left3A_1603 = vector.broadcast %shift_left3A_1602 : i32 to vector<16xi32>
        %shift_left3A_1604 = arith.shli %gather3A_1593, %shift_left3A_1603 : vector<16xi32>
        %bitcast3A_1605 = vector.bitcast %shift_left3A_1604 : vector<16xi32> to vector<16xf32>
        %and3A_1606 = arith.constant -65536 : i32
        %and3A_1607 = vector.broadcast %and3A_1606 : i32 to vector<16xi32>
        %and3A_1608 = arith.andi %gather3A_1593, %and3A_1607 : vector<16xi32>
        %bitcast3A_1609 = vector.bitcast %and3A_1608 : vector<16xi32> to vector<16xf32>
        %mul3A_1610 = arith.mulf %bitcast3A_1597, %bitcast3A_1605 : vector<16xf32>
        %add3A_1611 = arith.addf %add3A_1575, %mul3A_1610 : vector<16xf32>
        %mul3A_1612 = arith.mulf %bitcast3A_1601, %bitcast3A_1609 : vector<16xf32>
        %add3A_1613 = arith.addf %add3A_1577, %mul3A_1612 : vector<16xf32>
        %add3A_1614 = arith.constant 22528 : i32
        %add3A_1615 = vector.broadcast %add3A_1614 : i32 to vector<16xi32>
        %add3A_1616 = arith.addi %gather3A_1213, %add3A_1615 : vector<16xi32>
        %gather3A_1617 = tpu.vector_load_idx %arg6[%add3A_1616] : memref<65536xi32, #tpu.memory_space<vmem>>[vector<16xi32>], vector<16xi32>,
        %broadcast_in_dim3A_1618 = arith.constant 11 : i32
        %broadcast_in_dim3A_1619 = vector.broadcast %broadcast_in_dim3A_1618 : i32 to vector<16xi32>
        %lt3A_1620 = arith.constant 0 : i32
        %lt3A_1621 = vector.broadcast %lt3A_1620 : i32 to vector<16xi32>
        %lt3A_1622 = arith.cmpi slt, %broadcast_in_dim3A_1619, %lt3A_1621 : vector<16xi32>
        %add3A_1623 = arith.constant 16 : i32
        %add3A_1624 = vector.broadcast %add3A_1623 : i32 to vector<16xi32>
        %add3A_1625 = arith.addi %broadcast_in_dim3A_1619, %add3A_1624 : vector<16xi32>
        %select_n3A_1626 = arith.select %lt3A_1622, %add3A_1625, %broadcast_in_dim3A_1619 : vector<16xi1>, vector<16xi32>
        %broadcast_in_dim3A_1627 = vector.shape_cast %select_n3A_1626 : vector<16xi32> to vector<16x1xi32>
        %gather3A_1628 = vector.shape_cast %broadcast_in_dim3A_1627 : vector<16x1xi32> to vector<16xi32>
        %gather3A_1629 = tpu.dynamic_gather %gather3A[%gather3A_1628] in [0] : vector<16xi32>, vector<16xi32> -> vector<16xi32>
        %shift_left3A_1630 = arith.constant 16 : i32
        %shift_left3A_1631 = vector.broadcast %shift_left3A_1630 : i32 to vector<16xi32>
        %shift_left3A_1632 = arith.shli %gather3A_1617, %shift_left3A_1631 : vector<16xi32>
        %bitcast3A_1633 = vector.bitcast %shift_left3A_1632 : vector<16xi32> to vector<16xf32>
        %and3A_1634 = arith.constant -65536 : i32
        %and3A_1635 = vector.broadcast %and3A_1634 : i32 to vector<16xi32>
        %and3A_1636 = arith.andi %gather3A_1617, %and3A_1635 : vector<16xi32>
        %bitcast3A_1637 = vector.bitcast %and3A_1636 : vector<16xi32> to vector<16xf32>
        %shift_left3A_1638 = arith.constant 16 : i32
        %shift_left3A_1639 = vector.broadcast %shift_left3A_1638 : i32 to vector<16xi32>
        %shift_left3A_1640 = arith.shli %gather3A_1629, %shift_left3A_1639 : vector<16xi32>
        %bitcast3A_1641 = vector.bitcast %shift_left3A_1640 : vector<16xi32> to vector<16xf32>
        %and3A_1642 = arith.constant -65536 : i32
        %and3A_1643 = vector.broadcast %and3A_1642 : i32 to vector<16xi32>
        %and3A_1644 = arith.andi %gather3A_1629, %and3A_1643 : vector<16xi32>
        %bitcast3A_1645 = vector.bitcast %and3A_1644 : vector<16xi32> to vector<16xf32>
        %mul3A_1646 = arith.mulf %bitcast3A_1633, %bitcast3A_1641 : vector<16xf32>
        %add3A_1647 = arith.addf %add3A_1611, %mul3A_1646 : vector<16xf32>
        %mul3A_1648 = arith.mulf %bitcast3A_1637, %bitcast3A_1645 : vector<16xf32>
        %add3A_1649 = arith.addf %add3A_1613, %mul3A_1648 : vector<16xf32>
        %add3A_1650 = arith.constant 24576 : i32
        %add3A_1651 = vector.broadcast %add3A_1650 : i32 to vector<16xi32>
        %add3A_1652 = arith.addi %gather3A_1213, %add3A_1651 : vector<16xi32>
        %gather3A_1653 = tpu.vector_load_idx %arg6[%add3A_1652] : memref<65536xi32, #tpu.memory_space<vmem>>[vector<16xi32>], vector<16xi32>,
        %broadcast_in_dim3A_1654 = arith.constant 12 : i32
        %broadcast_in_dim3A_1655 = vector.broadcast %broadcast_in_dim3A_1654 : i32 to vector<16xi32>
        %lt3A_1656 = arith.constant 0 : i32
        %lt3A_1657 = vector.broadcast %lt3A_1656 : i32 to vector<16xi32>
        %lt3A_1658 = arith.cmpi slt, %broadcast_in_dim3A_1655, %lt3A_1657 : vector<16xi32>
        %add3A_1659 = arith.constant 16 : i32
        %add3A_1660 = vector.broadcast %add3A_1659 : i32 to vector<16xi32>
        %add3A_1661 = arith.addi %broadcast_in_dim3A_1655, %add3A_1660 : vector<16xi32>
        %select_n3A_1662 = arith.select %lt3A_1658, %add3A_1661, %broadcast_in_dim3A_1655 : vector<16xi1>, vector<16xi32>
        %broadcast_in_dim3A_1663 = vector.shape_cast %select_n3A_1662 : vector<16xi32> to vector<16x1xi32>
        %gather3A_1664 = vector.shape_cast %broadcast_in_dim3A_1663 : vector<16x1xi32> to vector<16xi32>
        %gather3A_1665 = tpu.dynamic_gather %gather3A[%gather3A_1664] in [0] : vector<16xi32>, vector<16xi32> -> vector<16xi32>
        %shift_left3A_1666 = arith.constant 16 : i32
        %shift_left3A_1667 = vector.broadcast %shift_left3A_1666 : i32 to vector<16xi32>
        %shift_left3A_1668 = arith.shli %gather3A_1653, %shift_left3A_1667 : vector<16xi32>
        %bitcast3A_1669 = vector.bitcast %shift_left3A_1668 : vector<16xi32> to vector<16xf32>
        %and3A_1670 = arith.constant -65536 : i32
        %and3A_1671 = vector.broadcast %and3A_1670 : i32 to vector<16xi32>
        %and3A_1672 = arith.andi %gather3A_1653, %and3A_1671 : vector<16xi32>
        %bitcast3A_1673 = vector.bitcast %and3A_1672 : vector<16xi32> to vector<16xf32>
        %shift_left3A_1674 = arith.constant 16 : i32
        %shift_left3A_1675 = vector.broadcast %shift_left3A_1674 : i32 to vector<16xi32>
        %shift_left3A_1676 = arith.shli %gather3A_1665, %shift_left3A_1675 : vector<16xi32>
        %bitcast3A_1677 = vector.bitcast %shift_left3A_1676 : vector<16xi32> to vector<16xf32>
        %and3A_1678 = arith.constant -65536 : i32
        %and3A_1679 = vector.broadcast %and3A_1678 : i32 to vector<16xi32>
        %and3A_1680 = arith.andi %gather3A_1665, %and3A_1679 : vector<16xi32>
        %bitcast3A_1681 = vector.bitcast %and3A_1680 : vector<16xi32> to vector<16xf32>
        %mul3A_1682 = arith.mulf %bitcast3A_1669, %bitcast3A_1677 : vector<16xf32>
        %add3A_1683 = arith.addf %add3A_1647, %mul3A_1682 : vector<16xf32>
        %mul3A_1684 = arith.mulf %bitcast3A_1673, %bitcast3A_1681 : vector<16xf32>
        %add3A_1685 = arith.addf %add3A_1649, %mul3A_1684 : vector<16xf32>
        %add3A_1686 = arith.constant 26624 : i32
        %add3A_1687 = vector.broadcast %add3A_1686 : i32 to vector<16xi32>
        %add3A_1688 = arith.addi %gather3A_1213, %add3A_1687 : vector<16xi32>
        %gather3A_1689 = tpu.vector_load_idx %arg6[%add3A_1688] : memref<65536xi32, #tpu.memory_space<vmem>>[vector<16xi32>], vector<16xi32>,
        %broadcast_in_dim3A_1690 = arith.constant 13 : i32
        %broadcast_in_dim3A_1691 = vector.broadcast %broadcast_in_dim3A_1690 : i32 to vector<16xi32>
        %lt3A_1692 = arith.constant 0 : i32
        %lt3A_1693 = vector.broadcast %lt3A_1692 : i32 to vector<16xi32>
        %lt3A_1694 = arith.cmpi slt, %broadcast_in_dim3A_1691, %lt3A_1693 : vector<16xi32>
        %add3A_1695 = arith.constant 16 : i32
        %add3A_1696 = vector.broadcast %add3A_1695 : i32 to vector<16xi32>
        %add3A_1697 = arith.addi %broadcast_in_dim3A_1691, %add3A_1696 : vector<16xi32>
        %select_n3A_1698 = arith.select %lt3A_1694, %add3A_1697, %broadcast_in_dim3A_1691 : vector<16xi1>, vector<16xi32>
        %broadcast_in_dim3A_1699 = vector.shape_cast %select_n3A_1698 : vector<16xi32> to vector<16x1xi32>
        %gather3A_1700 = vector.shape_cast %broadcast_in_dim3A_1699 : vector<16x1xi32> to vector<16xi32>
        %gather3A_1701 = tpu.dynamic_gather %gather3A[%gather3A_1700] in [0] : vector<16xi32>, vector<16xi32> -> vector<16xi32>
        %shift_left3A_1702 = arith.constant 16 : i32
        %shift_left3A_1703 = vector.broadcast %shift_left3A_1702 : i32 to vector<16xi32>
        %shift_left3A_1704 = arith.shli %gather3A_1689, %shift_left3A_1703 : vector<16xi32>
        %bitcast3A_1705 = vector.bitcast %shift_left3A_1704 : vector<16xi32> to vector<16xf32>
        %and3A_1706 = arith.constant -65536 : i32
        %and3A_1707 = vector.broadcast %and3A_1706 : i32 to vector<16xi32>
        %and3A_1708 = arith.andi %gather3A_1689, %and3A_1707 : vector<16xi32>
        %bitcast3A_1709 = vector.bitcast %and3A_1708 : vector<16xi32> to vector<16xf32>
        %shift_left3A_1710 = arith.constant 16 : i32
        %shift_left3A_1711 = vector.broadcast %shift_left3A_1710 : i32 to vector<16xi32>
        %shift_left3A_1712 = arith.shli %gather3A_1701, %shift_left3A_1711 : vector<16xi32>
        %bitcast3A_1713 = vector.bitcast %shift_left3A_1712 : vector<16xi32> to vector<16xf32>
        %and3A_1714 = arith.constant -65536 : i32
        %and3A_1715 = vector.broadcast %and3A_1714 : i32 to vector<16xi32>
        %and3A_1716 = arith.andi %gather3A_1701, %and3A_1715 : vector<16xi32>
        %bitcast3A_1717 = vector.bitcast %and3A_1716 : vector<16xi32> to vector<16xf32>
        %mul3A_1718 = arith.mulf %bitcast3A_1705, %bitcast3A_1713 : vector<16xf32>
        %add3A_1719 = arith.addf %add3A_1683, %mul3A_1718 : vector<16xf32>
        %mul3A_1720 = arith.mulf %bitcast3A_1709, %bitcast3A_1717 : vector<16xf32>
        %add3A_1721 = arith.addf %add3A_1685, %mul3A_1720 : vector<16xf32>
        %add3A_1722 = arith.constant 28672 : i32
        %add3A_1723 = vector.broadcast %add3A_1722 : i32 to vector<16xi32>
        %add3A_1724 = arith.addi %gather3A_1213, %add3A_1723 : vector<16xi32>
        %gather3A_1725 = tpu.vector_load_idx %arg6[%add3A_1724] : memref<65536xi32, #tpu.memory_space<vmem>>[vector<16xi32>], vector<16xi32>,
        %broadcast_in_dim3A_1726 = arith.constant 14 : i32
        %broadcast_in_dim3A_1727 = vector.broadcast %broadcast_in_dim3A_1726 : i32 to vector<16xi32>
        %lt3A_1728 = arith.constant 0 : i32
        %lt3A_1729 = vector.broadcast %lt3A_1728 : i32 to vector<16xi32>
        %lt3A_1730 = arith.cmpi slt, %broadcast_in_dim3A_1727, %lt3A_1729 : vector<16xi32>
        %add3A_1731 = arith.constant 16 : i32
        %add3A_1732 = vector.broadcast %add3A_1731 : i32 to vector<16xi32>
        %add3A_1733 = arith.addi %broadcast_in_dim3A_1727, %add3A_1732 : vector<16xi32>
        %select_n3A_1734 = arith.select %lt3A_1730, %add3A_1733, %broadcast_in_dim3A_1727 : vector<16xi1>, vector<16xi32>
        %broadcast_in_dim3A_1735 = vector.shape_cast %select_n3A_1734 : vector<16xi32> to vector<16x1xi32>
        %gather3A_1736 = vector.shape_cast %broadcast_in_dim3A_1735 : vector<16x1xi32> to vector<16xi32>
        %gather3A_1737 = tpu.dynamic_gather %gather3A[%gather3A_1736] in [0] : vector<16xi32>, vector<16xi32> -> vector<16xi32>
        %shift_left3A_1738 = arith.constant 16 : i32
        %shift_left3A_1739 = vector.broadcast %shift_left3A_1738 : i32 to vector<16xi32>
        %shift_left3A_1740 = arith.shli %gather3A_1725, %shift_left3A_1739 : vector<16xi32>
        %bitcast3A_1741 = vector.bitcast %shift_left3A_1740 : vector<16xi32> to vector<16xf32>
        %and3A_1742 = arith.constant -65536 : i32
        %and3A_1743 = vector.broadcast %and3A_1742 : i32 to vector<16xi32>
        %and3A_1744 = arith.andi %gather3A_1725, %and3A_1743 : vector<16xi32>
        %bitcast3A_1745 = vector.bitcast %and3A_1744 : vector<16xi32> to vector<16xf32>
        %shift_left3A_1746 = arith.constant 16 : i32
        %shift_left3A_1747 = vector.broadcast %shift_left3A_1746 : i32 to vector<16xi32>
        %shift_left3A_1748 = arith.shli %gather3A_1737, %shift_left3A_1747 : vector<16xi32>
        %bitcast3A_1749 = vector.bitcast %shift_left3A_1748 : vector<16xi32> to vector<16xf32>
        %and3A_1750 = arith.constant -65536 : i32
        %and3A_1751 = vector.broadcast %and3A_1750 : i32 to vector<16xi32>
        %and3A_1752 = arith.andi %gather3A_1737, %and3A_1751 : vector<16xi32>
        %bitcast3A_1753 = vector.bitcast %and3A_1752 : vector<16xi32> to vector<16xf32>
        %mul3A_1754 = arith.mulf %bitcast3A_1741, %bitcast3A_1749 : vector<16xf32>
        %add3A_1755 = arith.addf %add3A_1719, %mul3A_1754 : vector<16xf32>
        %mul3A_1756 = arith.mulf %bitcast3A_1745, %bitcast3A_1753 : vector<16xf32>
        %add3A_1757 = arith.addf %add3A_1721, %mul3A_1756 : vector<16xf32>
        %add3A_1758 = arith.constant 30720 : i32
        %add3A_1759 = vector.broadcast %add3A_1758 : i32 to vector<16xi32>
        %add3A_1760 = arith.addi %gather3A_1213, %add3A_1759 : vector<16xi32>
        %gather3A_1761 = tpu.vector_load_idx %arg6[%add3A_1760] : memref<65536xi32, #tpu.memory_space<vmem>>[vector<16xi32>], vector<16xi32>,
        %broadcast_in_dim3A_1762 = arith.constant 15 : i32
        %broadcast_in_dim3A_1763 = vector.broadcast %broadcast_in_dim3A_1762 : i32 to vector<16xi32>
        %lt3A_1764 = arith.constant 0 : i32
        %lt3A_1765 = vector.broadcast %lt3A_1764 : i32 to vector<16xi32>
        %lt3A_1766 = arith.cmpi slt, %broadcast_in_dim3A_1763, %lt3A_1765 : vector<16xi32>
        %add3A_1767 = arith.constant 16 : i32
        %add3A_1768 = vector.broadcast %add3A_1767 : i32 to vector<16xi32>
        %add3A_1769 = arith.addi %broadcast_in_dim3A_1763, %add3A_1768 : vector<16xi32>
        %select_n3A_1770 = arith.select %lt3A_1766, %add3A_1769, %broadcast_in_dim3A_1763 : vector<16xi1>, vector<16xi32>
        %broadcast_in_dim3A_1771 = vector.shape_cast %select_n3A_1770 : vector<16xi32> to vector<16x1xi32>
        %gather3A_1772 = vector.shape_cast %broadcast_in_dim3A_1771 : vector<16x1xi32> to vector<16xi32>
        %gather3A_1773 = tpu.dynamic_gather %gather3A[%gather3A_1772] in [0] : vector<16xi32>, vector<16xi32> -> vector<16xi32>
        %shift_left3A_1774 = arith.constant 16 : i32
        %shift_left3A_1775 = vector.broadcast %shift_left3A_1774 : i32 to vector<16xi32>
        %shift_left3A_1776 = arith.shli %gather3A_1761, %shift_left3A_1775 : vector<16xi32>
        %bitcast3A_1777 = vector.bitcast %shift_left3A_1776 : vector<16xi32> to vector<16xf32>
        %and3A_1778 = arith.constant -65536 : i32
        %and3A_1779 = vector.broadcast %and3A_1778 : i32 to vector<16xi32>
        %and3A_1780 = arith.andi %gather3A_1761, %and3A_1779 : vector<16xi32>
        %bitcast3A_1781 = vector.bitcast %and3A_1780 : vector<16xi32> to vector<16xf32>
        %shift_left3A_1782 = arith.constant 16 : i32
        %shift_left3A_1783 = vector.broadcast %shift_left3A_1782 : i32 to vector<16xi32>
        %shift_left3A_1784 = arith.shli %gather3A_1773, %shift_left3A_1783 : vector<16xi32>
        %bitcast3A_1785 = vector.bitcast %shift_left3A_1784 : vector<16xi32> to vector<16xf32>
        %and3A_1786 = arith.constant -65536 : i32
        %and3A_1787 = vector.broadcast %and3A_1786 : i32 to vector<16xi32>
        %and3A_1788 = arith.andi %gather3A_1773, %and3A_1787 : vector<16xi32>
        %bitcast3A_1789 = vector.bitcast %and3A_1788 : vector<16xi32> to vector<16xf32>
        %mul3A_1790 = arith.mulf %bitcast3A_1777, %bitcast3A_1785 : vector<16xf32>
        %add3A_1791 = arith.addf %add3A_1755, %mul3A_1790 : vector<16xf32>
        %mul3A_1792 = arith.mulf %bitcast3A_1781, %bitcast3A_1789 : vector<16xf32>
        %add3A_1793 = arith.addf %add3A_1757, %mul3A_1792 : vector<16xf32>
        %add3A_1794 = arith.constant 32768 : i32
        %add3A_1795 = vector.broadcast %add3A_1794 : i32 to vector<16xi32>
        %add3A_1796 = arith.addi %gather3A_1213, %add3A_1795 : vector<16xi32>
        %gather3A_1797 = tpu.vector_load_idx %arg6[%add3A_1796] : memref<65536xi32, #tpu.memory_space<vmem>>[vector<16xi32>], vector<16xi32>,
        %broadcast_in_dim3A_1798 = arith.constant 0 : i32
        %broadcast_in_dim3A_1799 = vector.broadcast %broadcast_in_dim3A_1798 : i32 to vector<16xi32>
        %lt3A_1800 = arith.constant 0 : i32
        %lt3A_1801 = vector.broadcast %lt3A_1800 : i32 to vector<16xi32>
        %lt3A_1802 = arith.cmpi slt, %broadcast_in_dim3A_1799, %lt3A_1801 : vector<16xi32>
        %add3A_1803 = arith.constant 16 : i32
        %add3A_1804 = vector.broadcast %add3A_1803 : i32 to vector<16xi32>
        %add3A_1805 = arith.addi %broadcast_in_dim3A_1799, %add3A_1804 : vector<16xi32>
        %select_n3A_1806 = arith.select %lt3A_1802, %add3A_1805, %broadcast_in_dim3A_1799 : vector<16xi1>, vector<16xi32>
        %broadcast_in_dim3A_1807 = vector.shape_cast %select_n3A_1806 : vector<16xi32> to vector<16x1xi32>
        %gather3A_1808 = vector.shape_cast %broadcast_in_dim3A_1807 : vector<16x1xi32> to vector<16xi32>
        %gather3A_1809 = tpu.dynamic_gather %gather3A_42[%gather3A_1808] in [0] : vector<16xi32>, vector<16xi32> -> vector<16xi32>
        %shift_left3A_1810 = arith.constant 16 : i32
        %shift_left3A_1811 = vector.broadcast %shift_left3A_1810 : i32 to vector<16xi32>
        %shift_left3A_1812 = arith.shli %gather3A_1797, %shift_left3A_1811 : vector<16xi32>
        %bitcast3A_1813 = vector.bitcast %shift_left3A_1812 : vector<16xi32> to vector<16xf32>
        %and3A_1814 = arith.constant -65536 : i32
        %and3A_1815 = vector.broadcast %and3A_1814 : i32 to vector<16xi32>
        %and3A_1816 = arith.andi %gather3A_1797, %and3A_1815 : vector<16xi32>
        %bitcast3A_1817 = vector.bitcast %and3A_1816 : vector<16xi32> to vector<16xf32>
        %shift_left3A_1818 = arith.constant 16 : i32
        %shift_left3A_1819 = vector.broadcast %shift_left3A_1818 : i32 to vector<16xi32>
        %shift_left3A_1820 = arith.shli %gather3A_1809, %shift_left3A_1819 : vector<16xi32>
        %bitcast3A_1821 = vector.bitcast %shift_left3A_1820 : vector<16xi32> to vector<16xf32>
        %and3A_1822 = arith.constant -65536 : i32
        %and3A_1823 = vector.broadcast %and3A_1822 : i32 to vector<16xi32>
        %and3A_1824 = arith.andi %gather3A_1809, %and3A_1823 : vector<16xi32>
        %bitcast3A_1825 = vector.bitcast %and3A_1824 : vector<16xi32> to vector<16xf32>
        %mul3A_1826 = arith.mulf %bitcast3A_1813, %bitcast3A_1821 : vector<16xf32>
        %add3A_1827 = arith.addf %add3A_1791, %mul3A_1826 : vector<16xf32>
        %mul3A_1828 = arith.mulf %bitcast3A_1817, %bitcast3A_1825 : vector<16xf32>
        %add3A_1829 = arith.addf %add3A_1793, %mul3A_1828 : vector<16xf32>
        %add3A_1830 = arith.constant 34816 : i32
        %add3A_1831 = vector.broadcast %add3A_1830 : i32 to vector<16xi32>
        %add3A_1832 = arith.addi %gather3A_1213, %add3A_1831 : vector<16xi32>
        %gather3A_1833 = tpu.vector_load_idx %arg6[%add3A_1832] : memref<65536xi32, #tpu.memory_space<vmem>>[vector<16xi32>], vector<16xi32>,
        %broadcast_in_dim3A_1834 = arith.constant 1 : i32
        %broadcast_in_dim3A_1835 = vector.broadcast %broadcast_in_dim3A_1834 : i32 to vector<16xi32>
        %lt3A_1836 = arith.constant 0 : i32
        %lt3A_1837 = vector.broadcast %lt3A_1836 : i32 to vector<16xi32>
        %lt3A_1838 = arith.cmpi slt, %broadcast_in_dim3A_1835, %lt3A_1837 : vector<16xi32>
        %add3A_1839 = arith.constant 16 : i32
        %add3A_1840 = vector.broadcast %add3A_1839 : i32 to vector<16xi32>
        %add3A_1841 = arith.addi %broadcast_in_dim3A_1835, %add3A_1840 : vector<16xi32>
        %select_n3A_1842 = arith.select %lt3A_1838, %add3A_1841, %broadcast_in_dim3A_1835 : vector<16xi1>, vector<16xi32>
        %broadcast_in_dim3A_1843 = vector.shape_cast %select_n3A_1842 : vector<16xi32> to vector<16x1xi32>
        %gather3A_1844 = vector.shape_cast %broadcast_in_dim3A_1843 : vector<16x1xi32> to vector<16xi32>
        %gather3A_1845 = tpu.dynamic_gather %gather3A_42[%gather3A_1844] in [0] : vector<16xi32>, vector<16xi32> -> vector<16xi32>
        %shift_left3A_1846 = arith.constant 16 : i32
        %shift_left3A_1847 = vector.broadcast %shift_left3A_1846 : i32 to vector<16xi32>
        %shift_left3A_1848 = arith.shli %gather3A_1833, %shift_left3A_1847 : vector<16xi32>
        %bitcast3A_1849 = vector.bitcast %shift_left3A_1848 : vector<16xi32> to vector<16xf32>
        %and3A_1850 = arith.constant -65536 : i32
        %and3A_1851 = vector.broadcast %and3A_1850 : i32 to vector<16xi32>
        %and3A_1852 = arith.andi %gather3A_1833, %and3A_1851 : vector<16xi32>
        %bitcast3A_1853 = vector.bitcast %and3A_1852 : vector<16xi32> to vector<16xf32>
        %shift_left3A_1854 = arith.constant 16 : i32
        %shift_left3A_1855 = vector.broadcast %shift_left3A_1854 : i32 to vector<16xi32>
        %shift_left3A_1856 = arith.shli %gather3A_1845, %shift_left3A_1855 : vector<16xi32>
        %bitcast3A_1857 = vector.bitcast %shift_left3A_1856 : vector<16xi32> to vector<16xf32>
        %and3A_1858 = arith.constant -65536 : i32
        %and3A_1859 = vector.broadcast %and3A_1858 : i32 to vector<16xi32>
        %and3A_1860 = arith.andi %gather3A_1845, %and3A_1859 : vector<16xi32>
        %bitcast3A_1861 = vector.bitcast %and3A_1860 : vector<16xi32> to vector<16xf32>
        %mul3A_1862 = arith.mulf %bitcast3A_1849, %bitcast3A_1857 : vector<16xf32>
        %add3A_1863 = arith.addf %add3A_1827, %mul3A_1862 : vector<16xf32>
        %mul3A_1864 = arith.mulf %bitcast3A_1853, %bitcast3A_1861 : vector<16xf32>
        %add3A_1865 = arith.addf %add3A_1829, %mul3A_1864 : vector<16xf32>
        %add3A_1866 = arith.constant 36864 : i32
        %add3A_1867 = vector.broadcast %add3A_1866 : i32 to vector<16xi32>
        %add3A_1868 = arith.addi %gather3A_1213, %add3A_1867 : vector<16xi32>
        %gather3A_1869 = tpu.vector_load_idx %arg6[%add3A_1868] : memref<65536xi32, #tpu.memory_space<vmem>>[vector<16xi32>], vector<16xi32>,
        %broadcast_in_dim3A_1870 = arith.constant 2 : i32
        %broadcast_in_dim3A_1871 = vector.broadcast %broadcast_in_dim3A_1870 : i32 to vector<16xi32>
        %lt3A_1872 = arith.constant 0 : i32
        %lt3A_1873 = vector.broadcast %lt3A_1872 : i32 to vector<16xi32>
        %lt3A_1874 = arith.cmpi slt, %broadcast_in_dim3A_1871, %lt3A_1873 : vector<16xi32>
        %add3A_1875 = arith.constant 16 : i32
        %add3A_1876 = vector.broadcast %add3A_1875 : i32 to vector<16xi32>
        %add3A_1877 = arith.addi %broadcast_in_dim3A_1871, %add3A_1876 : vector<16xi32>
        %select_n3A_1878 = arith.select %lt3A_1874, %add3A_1877, %broadcast_in_dim3A_1871 : vector<16xi1>, vector<16xi32>
        %broadcast_in_dim3A_1879 = vector.shape_cast %select_n3A_1878 : vector<16xi32> to vector<16x1xi32>
        %gather3A_1880 = vector.shape_cast %broadcast_in_dim3A_1879 : vector<16x1xi32> to vector<16xi32>
        %gather3A_1881 = tpu.dynamic_gather %gather3A_42[%gather3A_1880] in [0] : vector<16xi32>, vector<16xi32> -> vector<16xi32>
        %shift_left3A_1882 = arith.constant 16 : i32
        %shift_left3A_1883 = vector.broadcast %shift_left3A_1882 : i32 to vector<16xi32>
        %shift_left3A_1884 = arith.shli %gather3A_1869, %shift_left3A_1883 : vector<16xi32>
        %bitcast3A_1885 = vector.bitcast %shift_left3A_1884 : vector<16xi32> to vector<16xf32>
        %and3A_1886 = arith.constant -65536 : i32
        %and3A_1887 = vector.broadcast %and3A_1886 : i32 to vector<16xi32>
        %and3A_1888 = arith.andi %gather3A_1869, %and3A_1887 : vector<16xi32>
        %bitcast3A_1889 = vector.bitcast %and3A_1888 : vector<16xi32> to vector<16xf32>
        %shift_left3A_1890 = arith.constant 16 : i32
        %shift_left3A_1891 = vector.broadcast %shift_left3A_1890 : i32 to vector<16xi32>
        %shift_left3A_1892 = arith.shli %gather3A_1881, %shift_left3A_1891 : vector<16xi32>
        %bitcast3A_1893 = vector.bitcast %shift_left3A_1892 : vector<16xi32> to vector<16xf32>
        %and3A_1894 = arith.constant -65536 : i32
        %and3A_1895 = vector.broadcast %and3A_1894 : i32 to vector<16xi32>
        %and3A_1896 = arith.andi %gather3A_1881, %and3A_1895 : vector<16xi32>
        %bitcast3A_1897 = vector.bitcast %and3A_1896 : vector<16xi32> to vector<16xf32>
        %mul3A_1898 = arith.mulf %bitcast3A_1885, %bitcast3A_1893 : vector<16xf32>
        %add3A_1899 = arith.addf %add3A_1863, %mul3A_1898 : vector<16xf32>
        %mul3A_1900 = arith.mulf %bitcast3A_1889, %bitcast3A_1897 : vector<16xf32>
        %add3A_1901 = arith.addf %add3A_1865, %mul3A_1900 : vector<16xf32>
        %add3A_1902 = arith.constant 38912 : i32
        %add3A_1903 = vector.broadcast %add3A_1902 : i32 to vector<16xi32>
        %add3A_1904 = arith.addi %gather3A_1213, %add3A_1903 : vector<16xi32>
        %gather3A_1905 = tpu.vector_load_idx %arg6[%add3A_1904] : memref<65536xi32, #tpu.memory_space<vmem>>[vector<16xi32>], vector<16xi32>,
        %broadcast_in_dim3A_1906 = arith.constant 3 : i32
        %broadcast_in_dim3A_1907 = vector.broadcast %broadcast_in_dim3A_1906 : i32 to vector<16xi32>
        %lt3A_1908 = arith.constant 0 : i32
        %lt3A_1909 = vector.broadcast %lt3A_1908 : i32 to vector<16xi32>
        %lt3A_1910 = arith.cmpi slt, %broadcast_in_dim3A_1907, %lt3A_1909 : vector<16xi32>
        %add3A_1911 = arith.constant 16 : i32
        %add3A_1912 = vector.broadcast %add3A_1911 : i32 to vector<16xi32>
        %add3A_1913 = arith.addi %broadcast_in_dim3A_1907, %add3A_1912 : vector<16xi32>
        %select_n3A_1914 = arith.select %lt3A_1910, %add3A_1913, %broadcast_in_dim3A_1907 : vector<16xi1>, vector<16xi32>
        %broadcast_in_dim3A_1915 = vector.shape_cast %select_n3A_1914 : vector<16xi32> to vector<16x1xi32>
        %gather3A_1916 = vector.shape_cast %broadcast_in_dim3A_1915 : vector<16x1xi32> to vector<16xi32>
        %gather3A_1917 = tpu.dynamic_gather %gather3A_42[%gather3A_1916] in [0] : vector<16xi32>, vector<16xi32> -> vector<16xi32>
        %shift_left3A_1918 = arith.constant 16 : i32
        %shift_left3A_1919 = vector.broadcast %shift_left3A_1918 : i32 to vector<16xi32>
        %shift_left3A_1920 = arith.shli %gather3A_1905, %shift_left3A_1919 : vector<16xi32>
        %bitcast3A_1921 = vector.bitcast %shift_left3A_1920 : vector<16xi32> to vector<16xf32>
        %and3A_1922 = arith.constant -65536 : i32
        %and3A_1923 = vector.broadcast %and3A_1922 : i32 to vector<16xi32>
        %and3A_1924 = arith.andi %gather3A_1905, %and3A_1923 : vector<16xi32>
        %bitcast3A_1925 = vector.bitcast %and3A_1924 : vector<16xi32> to vector<16xf32>
        %shift_left3A_1926 = arith.constant 16 : i32
        %shift_left3A_1927 = vector.broadcast %shift_left3A_1926 : i32 to vector<16xi32>
        %shift_left3A_1928 = arith.shli %gather3A_1917, %shift_left3A_1927 : vector<16xi32>
        %bitcast3A_1929 = vector.bitcast %shift_left3A_1928 : vector<16xi32> to vector<16xf32>
        %and3A_1930 = arith.constant -65536 : i32
        %and3A_1931 = vector.broadcast %and3A_1930 : i32 to vector<16xi32>
        %and3A_1932 = arith.andi %gather3A_1917, %and3A_1931 : vector<16xi32>
        %bitcast3A_1933 = vector.bitcast %and3A_1932 : vector<16xi32> to vector<16xf32>
        %mul3A_1934 = arith.mulf %bitcast3A_1921, %bitcast3A_1929 : vector<16xf32>
        %add3A_1935 = arith.addf %add3A_1899, %mul3A_1934 : vector<16xf32>
        %mul3A_1936 = arith.mulf %bitcast3A_1925, %bitcast3A_1933 : vector<16xf32>
        %add3A_1937 = arith.addf %add3A_1901, %mul3A_1936 : vector<16xf32>
        %add3A_1938 = arith.constant 40960 : i32
        %add3A_1939 = vector.broadcast %add3A_1938 : i32 to vector<16xi32>
        %add3A_1940 = arith.addi %gather3A_1213, %add3A_1939 : vector<16xi32>
        %gather3A_1941 = tpu.vector_load_idx %arg6[%add3A_1940] : memref<65536xi32, #tpu.memory_space<vmem>>[vector<16xi32>], vector<16xi32>,
        %broadcast_in_dim3A_1942 = arith.constant 4 : i32
        %broadcast_in_dim3A_1943 = vector.broadcast %broadcast_in_dim3A_1942 : i32 to vector<16xi32>
        %lt3A_1944 = arith.constant 0 : i32
        %lt3A_1945 = vector.broadcast %lt3A_1944 : i32 to vector<16xi32>
        %lt3A_1946 = arith.cmpi slt, %broadcast_in_dim3A_1943, %lt3A_1945 : vector<16xi32>
        %add3A_1947 = arith.constant 16 : i32
        %add3A_1948 = vector.broadcast %add3A_1947 : i32 to vector<16xi32>
        %add3A_1949 = arith.addi %broadcast_in_dim3A_1943, %add3A_1948 : vector<16xi32>
        %select_n3A_1950 = arith.select %lt3A_1946, %add3A_1949, %broadcast_in_dim3A_1943 : vector<16xi1>, vector<16xi32>
        %broadcast_in_dim3A_1951 = vector.shape_cast %select_n3A_1950 : vector<16xi32> to vector<16x1xi32>
        %gather3A_1952 = vector.shape_cast %broadcast_in_dim3A_1951 : vector<16x1xi32> to vector<16xi32>
        %gather3A_1953 = tpu.dynamic_gather %gather3A_42[%gather3A_1952] in [0] : vector<16xi32>, vector<16xi32> -> vector<16xi32>
        %shift_left3A_1954 = arith.constant 16 : i32
        %shift_left3A_1955 = vector.broadcast %shift_left3A_1954 : i32 to vector<16xi32>
        %shift_left3A_1956 = arith.shli %gather3A_1941, %shift_left3A_1955 : vector<16xi32>
        %bitcast3A_1957 = vector.bitcast %shift_left3A_1956 : vector<16xi32> to vector<16xf32>
        %and3A_1958 = arith.constant -65536 : i32
        %and3A_1959 = vector.broadcast %and3A_1958 : i32 to vector<16xi32>
        %and3A_1960 = arith.andi %gather3A_1941, %and3A_1959 : vector<16xi32>
        %bitcast3A_1961 = vector.bitcast %and3A_1960 : vector<16xi32> to vector<16xf32>
        %shift_left3A_1962 = arith.constant 16 : i32
        %shift_left3A_1963 = vector.broadcast %shift_left3A_1962 : i32 to vector<16xi32>
        %shift_left3A_1964 = arith.shli %gather3A_1953, %shift_left3A_1963 : vector<16xi32>
        %bitcast3A_1965 = vector.bitcast %shift_left3A_1964 : vector<16xi32> to vector<16xf32>
        %and3A_1966 = arith.constant -65536 : i32
        %and3A_1967 = vector.broadcast %and3A_1966 : i32 to vector<16xi32>
        %and3A_1968 = arith.andi %gather3A_1953, %and3A_1967 : vector<16xi32>
        %bitcast3A_1969 = vector.bitcast %and3A_1968 : vector<16xi32> to vector<16xf32>
        %mul3A_1970 = arith.mulf %bitcast3A_1957, %bitcast3A_1965 : vector<16xf32>
        %add3A_1971 = arith.addf %add3A_1935, %mul3A_1970 : vector<16xf32>
        %mul3A_1972 = arith.mulf %bitcast3A_1961, %bitcast3A_1969 : vector<16xf32>
        %add3A_1973 = arith.addf %add3A_1937, %mul3A_1972 : vector<16xf32>
        %add3A_1974 = arith.constant 43008 : i32
        %add3A_1975 = vector.broadcast %add3A_1974 : i32 to vector<16xi32>
        %add3A_1976 = arith.addi %gather3A_1213, %add3A_1975 : vector<16xi32>
        %gather3A_1977 = tpu.vector_load_idx %arg6[%add3A_1976] : memref<65536xi32, #tpu.memory_space<vmem>>[vector<16xi32>], vector<16xi32>,
        %broadcast_in_dim3A_1978 = arith.constant 5 : i32
        %broadcast_in_dim3A_1979 = vector.broadcast %broadcast_in_dim3A_1978 : i32 to vector<16xi32>
        %lt3A_1980 = arith.constant 0 : i32
        %lt3A_1981 = vector.broadcast %lt3A_1980 : i32 to vector<16xi32>
        %lt3A_1982 = arith.cmpi slt, %broadcast_in_dim3A_1979, %lt3A_1981 : vector<16xi32>
        %add3A_1983 = arith.constant 16 : i32
        %add3A_1984 = vector.broadcast %add3A_1983 : i32 to vector<16xi32>
        %add3A_1985 = arith.addi %broadcast_in_dim3A_1979, %add3A_1984 : vector<16xi32>
        %select_n3A_1986 = arith.select %lt3A_1982, %add3A_1985, %broadcast_in_dim3A_1979 : vector<16xi1>, vector<16xi32>
        %broadcast_in_dim3A_1987 = vector.shape_cast %select_n3A_1986 : vector<16xi32> to vector<16x1xi32>
        %gather3A_1988 = vector.shape_cast %broadcast_in_dim3A_1987 : vector<16x1xi32> to vector<16xi32>
        %gather3A_1989 = tpu.dynamic_gather %gather3A_42[%gather3A_1988] in [0] : vector<16xi32>, vector<16xi32> -> vector<16xi32>
        %shift_left3A_1990 = arith.constant 16 : i32
        %shift_left3A_1991 = vector.broadcast %shift_left3A_1990 : i32 to vector<16xi32>
        %shift_left3A_1992 = arith.shli %gather3A_1977, %shift_left3A_1991 : vector<16xi32>
        %bitcast3A_1993 = vector.bitcast %shift_left3A_1992 : vector<16xi32> to vector<16xf32>
        %and3A_1994 = arith.constant -65536 : i32
        %and3A_1995 = vector.broadcast %and3A_1994 : i32 to vector<16xi32>
        %and3A_1996 = arith.andi %gather3A_1977, %and3A_1995 : vector<16xi32>
        %bitcast3A_1997 = vector.bitcast %and3A_1996 : vector<16xi32> to vector<16xf32>
        %shift_left3A_1998 = arith.constant 16 : i32
        %shift_left3A_1999 = vector.broadcast %shift_left3A_1998 : i32 to vector<16xi32>
        %shift_left3A_2000 = arith.shli %gather3A_1989, %shift_left3A_1999 : vector<16xi32>
        %bitcast3A_2001 = vector.bitcast %shift_left3A_2000 : vector<16xi32> to vector<16xf32>
        %and3A_2002 = arith.constant -65536 : i32
        %and3A_2003 = vector.broadcast %and3A_2002 : i32 to vector<16xi32>
        %and3A_2004 = arith.andi %gather3A_1989, %and3A_2003 : vector<16xi32>
        %bitcast3A_2005 = vector.bitcast %and3A_2004 : vector<16xi32> to vector<16xf32>
        %mul3A_2006 = arith.mulf %bitcast3A_1993, %bitcast3A_2001 : vector<16xf32>
        %add3A_2007 = arith.addf %add3A_1971, %mul3A_2006 : vector<16xf32>
        %mul3A_2008 = arith.mulf %bitcast3A_1997, %bitcast3A_2005 : vector<16xf32>
        %add3A_2009 = arith.addf %add3A_1973, %mul3A_2008 : vector<16xf32>
        %add3A_2010 = arith.constant 45056 : i32
        %add3A_2011 = vector.broadcast %add3A_2010 : i32 to vector<16xi32>
        %add3A_2012 = arith.addi %gather3A_1213, %add3A_2011 : vector<16xi32>
        %gather3A_2013 = tpu.vector_load_idx %arg6[%add3A_2012] : memref<65536xi32, #tpu.memory_space<vmem>>[vector<16xi32>], vector<16xi32>,
        %broadcast_in_dim3A_2014 = arith.constant 6 : i32
        %broadcast_in_dim3A_2015 = vector.broadcast %broadcast_in_dim3A_2014 : i32 to vector<16xi32>
        %lt3A_2016 = arith.constant 0 : i32
        %lt3A_2017 = vector.broadcast %lt3A_2016 : i32 to vector<16xi32>
        %lt3A_2018 = arith.cmpi slt, %broadcast_in_dim3A_2015, %lt3A_2017 : vector<16xi32>
        %add3A_2019 = arith.constant 16 : i32
        %add3A_2020 = vector.broadcast %add3A_2019 : i32 to vector<16xi32>
        %add3A_2021 = arith.addi %broadcast_in_dim3A_2015, %add3A_2020 : vector<16xi32>
        %select_n3A_2022 = arith.select %lt3A_2018, %add3A_2021, %broadcast_in_dim3A_2015 : vector<16xi1>, vector<16xi32>
        %broadcast_in_dim3A_2023 = vector.shape_cast %select_n3A_2022 : vector<16xi32> to vector<16x1xi32>
        %gather3A_2024 = vector.shape_cast %broadcast_in_dim3A_2023 : vector<16x1xi32> to vector<16xi32>
        %gather3A_2025 = tpu.dynamic_gather %gather3A_42[%gather3A_2024] in [0] : vector<16xi32>, vector<16xi32> -> vector<16xi32>
        %shift_left3A_2026 = arith.constant 16 : i32
        %shift_left3A_2027 = vector.broadcast %shift_left3A_2026 : i32 to vector<16xi32>
        %shift_left3A_2028 = arith.shli %gather3A_2013, %shift_left3A_2027 : vector<16xi32>
        %bitcast3A_2029 = vector.bitcast %shift_left3A_2028 : vector<16xi32> to vector<16xf32>
        %and3A_2030 = arith.constant -65536 : i32
        %and3A_2031 = vector.broadcast %and3A_2030 : i32 to vector<16xi32>
        %and3A_2032 = arith.andi %gather3A_2013, %and3A_2031 : vector<16xi32>
        %bitcast3A_2033 = vector.bitcast %and3A_2032 : vector<16xi32> to vector<16xf32>
        %shift_left3A_2034 = arith.constant 16 : i32
        %shift_left3A_2035 = vector.broadcast %shift_left3A_2034 : i32 to vector<16xi32>
        %shift_left3A_2036 = arith.shli %gather3A_2025, %shift_left3A_2035 : vector<16xi32>
        %bitcast3A_2037 = vector.bitcast %shift_left3A_2036 : vector<16xi32> to vector<16xf32>
        %and3A_2038 = arith.constant -65536 : i32
        %and3A_2039 = vector.broadcast %and3A_2038 : i32 to vector<16xi32>
        %and3A_2040 = arith.andi %gather3A_2025, %and3A_2039 : vector<16xi32>
        %bitcast3A_2041 = vector.bitcast %and3A_2040 : vector<16xi32> to vector<16xf32>
        %mul3A_2042 = arith.mulf %bitcast3A_2029, %bitcast3A_2037 : vector<16xf32>
        %add3A_2043 = arith.addf %add3A_2007, %mul3A_2042 : vector<16xf32>
        %mul3A_2044 = arith.mulf %bitcast3A_2033, %bitcast3A_2041 : vector<16xf32>
        %add3A_2045 = arith.addf %add3A_2009, %mul3A_2044 : vector<16xf32>
        %add3A_2046 = arith.constant 47104 : i32
        %add3A_2047 = vector.broadcast %add3A_2046 : i32 to vector<16xi32>
        %add3A_2048 = arith.addi %gather3A_1213, %add3A_2047 : vector<16xi32>
        %gather3A_2049 = tpu.vector_load_idx %arg6[%add3A_2048] : memref<65536xi32, #tpu.memory_space<vmem>>[vector<16xi32>], vector<16xi32>,
        %broadcast_in_dim3A_2050 = arith.constant 7 : i32
        %broadcast_in_dim3A_2051 = vector.broadcast %broadcast_in_dim3A_2050 : i32 to vector<16xi32>
        %lt3A_2052 = arith.constant 0 : i32
        %lt3A_2053 = vector.broadcast %lt3A_2052 : i32 to vector<16xi32>
        %lt3A_2054 = arith.cmpi slt, %broadcast_in_dim3A_2051, %lt3A_2053 : vector<16xi32>
        %add3A_2055 = arith.constant 16 : i32
        %add3A_2056 = vector.broadcast %add3A_2055 : i32 to vector<16xi32>
        %add3A_2057 = arith.addi %broadcast_in_dim3A_2051, %add3A_2056 : vector<16xi32>
        %select_n3A_2058 = arith.select %lt3A_2054, %add3A_2057, %broadcast_in_dim3A_2051 : vector<16xi1>, vector<16xi32>
        %broadcast_in_dim3A_2059 = vector.shape_cast %select_n3A_2058 : vector<16xi32> to vector<16x1xi32>
        %gather3A_2060 = vector.shape_cast %broadcast_in_dim3A_2059 : vector<16x1xi32> to vector<16xi32>
        %gather3A_2061 = tpu.dynamic_gather %gather3A_42[%gather3A_2060] in [0] : vector<16xi32>, vector<16xi32> -> vector<16xi32>
        %shift_left3A_2062 = arith.constant 16 : i32
        %shift_left3A_2063 = vector.broadcast %shift_left3A_2062 : i32 to vector<16xi32>
        %shift_left3A_2064 = arith.shli %gather3A_2049, %shift_left3A_2063 : vector<16xi32>
        %bitcast3A_2065 = vector.bitcast %shift_left3A_2064 : vector<16xi32> to vector<16xf32>
        %and3A_2066 = arith.constant -65536 : i32
        %and3A_2067 = vector.broadcast %and3A_2066 : i32 to vector<16xi32>
        %and3A_2068 = arith.andi %gather3A_2049, %and3A_2067 : vector<16xi32>
        %bitcast3A_2069 = vector.bitcast %and3A_2068 : vector<16xi32> to vector<16xf32>
        %shift_left3A_2070 = arith.constant 16 : i32
        %shift_left3A_2071 = vector.broadcast %shift_left3A_2070 : i32 to vector<16xi32>
        %shift_left3A_2072 = arith.shli %gather3A_2061, %shift_left3A_2071 : vector<16xi32>
        %bitcast3A_2073 = vector.bitcast %shift_left3A_2072 : vector<16xi32> to vector<16xf32>
        %and3A_2074 = arith.constant -65536 : i32
        %and3A_2075 = vector.broadcast %and3A_2074 : i32 to vector<16xi32>
        %and3A_2076 = arith.andi %gather3A_2061, %and3A_2075 : vector<16xi32>
        %bitcast3A_2077 = vector.bitcast %and3A_2076 : vector<16xi32> to vector<16xf32>
        %mul3A_2078 = arith.mulf %bitcast3A_2065, %bitcast3A_2073 : vector<16xf32>
        %add3A_2079 = arith.addf %add3A_2043, %mul3A_2078 : vector<16xf32>
        %mul3A_2080 = arith.mulf %bitcast3A_2069, %bitcast3A_2077 : vector<16xf32>
        %add3A_2081 = arith.addf %add3A_2045, %mul3A_2080 : vector<16xf32>
        %add3A_2082 = arith.constant 49152 : i32
        %add3A_2083 = vector.broadcast %add3A_2082 : i32 to vector<16xi32>
        %add3A_2084 = arith.addi %gather3A_1213, %add3A_2083 : vector<16xi32>
        %gather3A_2085 = tpu.vector_load_idx %arg6[%add3A_2084] : memref<65536xi32, #tpu.memory_space<vmem>>[vector<16xi32>], vector<16xi32>,
        %broadcast_in_dim3A_2086 = arith.constant 8 : i32
        %broadcast_in_dim3A_2087 = vector.broadcast %broadcast_in_dim3A_2086 : i32 to vector<16xi32>
        %lt3A_2088 = arith.constant 0 : i32
        %lt3A_2089 = vector.broadcast %lt3A_2088 : i32 to vector<16xi32>
        %lt3A_2090 = arith.cmpi slt, %broadcast_in_dim3A_2087, %lt3A_2089 : vector<16xi32>
        %add3A_2091 = arith.constant 16 : i32
        %add3A_2092 = vector.broadcast %add3A_2091 : i32 to vector<16xi32>
        %add3A_2093 = arith.addi %broadcast_in_dim3A_2087, %add3A_2092 : vector<16xi32>
        %select_n3A_2094 = arith.select %lt3A_2090, %add3A_2093, %broadcast_in_dim3A_2087 : vector<16xi1>, vector<16xi32>
        %broadcast_in_dim3A_2095 = vector.shape_cast %select_n3A_2094 : vector<16xi32> to vector<16x1xi32>
        %gather3A_2096 = vector.shape_cast %broadcast_in_dim3A_2095 : vector<16x1xi32> to vector<16xi32>
        %gather3A_2097 = tpu.dynamic_gather %gather3A_42[%gather3A_2096] in [0] : vector<16xi32>, vector<16xi32> -> vector<16xi32>
        %shift_left3A_2098 = arith.constant 16 : i32
        %shift_left3A_2099 = vector.broadcast %shift_left3A_2098 : i32 to vector<16xi32>
        %shift_left3A_2100 = arith.shli %gather3A_2085, %shift_left3A_2099 : vector<16xi32>
        %bitcast3A_2101 = vector.bitcast %shift_left3A_2100 : vector<16xi32> to vector<16xf32>
        %and3A_2102 = arith.constant -65536 : i32
        %and3A_2103 = vector.broadcast %and3A_2102 : i32 to vector<16xi32>
        %and3A_2104 = arith.andi %gather3A_2085, %and3A_2103 : vector<16xi32>
        %bitcast3A_2105 = vector.bitcast %and3A_2104 : vector<16xi32> to vector<16xf32>
        %shift_left3A_2106 = arith.constant 16 : i32
        %shift_left3A_2107 = vector.broadcast %shift_left3A_2106 : i32 to vector<16xi32>
        %shift_left3A_2108 = arith.shli %gather3A_2097, %shift_left3A_2107 : vector<16xi32>
        %bitcast3A_2109 = vector.bitcast %shift_left3A_2108 : vector<16xi32> to vector<16xf32>
        %and3A_2110 = arith.constant -65536 : i32
        %and3A_2111 = vector.broadcast %and3A_2110 : i32 to vector<16xi32>
        %and3A_2112 = arith.andi %gather3A_2097, %and3A_2111 : vector<16xi32>
        %bitcast3A_2113 = vector.bitcast %and3A_2112 : vector<16xi32> to vector<16xf32>
        %mul3A_2114 = arith.mulf %bitcast3A_2101, %bitcast3A_2109 : vector<16xf32>
        %add3A_2115 = arith.addf %add3A_2079, %mul3A_2114 : vector<16xf32>
        %mul3A_2116 = arith.mulf %bitcast3A_2105, %bitcast3A_2113 : vector<16xf32>
        %add3A_2117 = arith.addf %add3A_2081, %mul3A_2116 : vector<16xf32>
        %add3A_2118 = arith.constant 51200 : i32
        %add3A_2119 = vector.broadcast %add3A_2118 : i32 to vector<16xi32>
        %add3A_2120 = arith.addi %gather3A_1213, %add3A_2119 : vector<16xi32>
        %gather3A_2121 = tpu.vector_load_idx %arg6[%add3A_2120] : memref<65536xi32, #tpu.memory_space<vmem>>[vector<16xi32>], vector<16xi32>,
        %broadcast_in_dim3A_2122 = arith.constant 9 : i32
        %broadcast_in_dim3A_2123 = vector.broadcast %broadcast_in_dim3A_2122 : i32 to vector<16xi32>
        %lt3A_2124 = arith.constant 0 : i32
        %lt3A_2125 = vector.broadcast %lt3A_2124 : i32 to vector<16xi32>
        %lt3A_2126 = arith.cmpi slt, %broadcast_in_dim3A_2123, %lt3A_2125 : vector<16xi32>
        %add3A_2127 = arith.constant 16 : i32
        %add3A_2128 = vector.broadcast %add3A_2127 : i32 to vector<16xi32>
        %add3A_2129 = arith.addi %broadcast_in_dim3A_2123, %add3A_2128 : vector<16xi32>
        %select_n3A_2130 = arith.select %lt3A_2126, %add3A_2129, %broadcast_in_dim3A_2123 : vector<16xi1>, vector<16xi32>
        %broadcast_in_dim3A_2131 = vector.shape_cast %select_n3A_2130 : vector<16xi32> to vector<16x1xi32>
        %gather3A_2132 = vector.shape_cast %broadcast_in_dim3A_2131 : vector<16x1xi32> to vector<16xi32>
        %gather3A_2133 = tpu.dynamic_gather %gather3A_42[%gather3A_2132] in [0] : vector<16xi32>, vector<16xi32> -> vector<16xi32>
        %shift_left3A_2134 = arith.constant 16 : i32
        %shift_left3A_2135 = vector.broadcast %shift_left3A_2134 : i32 to vector<16xi32>
        %shift_left3A_2136 = arith.shli %gather3A_2121, %shift_left3A_2135 : vector<16xi32>
        %bitcast3A_2137 = vector.bitcast %shift_left3A_2136 : vector<16xi32> to vector<16xf32>
        %and3A_2138 = arith.constant -65536 : i32
        %and3A_2139 = vector.broadcast %and3A_2138 : i32 to vector<16xi32>
        %and3A_2140 = arith.andi %gather3A_2121, %and3A_2139 : vector<16xi32>
        %bitcast3A_2141 = vector.bitcast %and3A_2140 : vector<16xi32> to vector<16xf32>
        %shift_left3A_2142 = arith.constant 16 : i32
        %shift_left3A_2143 = vector.broadcast %shift_left3A_2142 : i32 to vector<16xi32>
        %shift_left3A_2144 = arith.shli %gather3A_2133, %shift_left3A_2143 : vector<16xi32>
        %bitcast3A_2145 = vector.bitcast %shift_left3A_2144 : vector<16xi32> to vector<16xf32>
        %and3A_2146 = arith.constant -65536 : i32
        %and3A_2147 = vector.broadcast %and3A_2146 : i32 to vector<16xi32>
        %and3A_2148 = arith.andi %gather3A_2133, %and3A_2147 : vector<16xi32>
        %bitcast3A_2149 = vector.bitcast %and3A_2148 : vector<16xi32> to vector<16xf32>
        %mul3A_2150 = arith.mulf %bitcast3A_2137, %bitcast3A_2145 : vector<16xf32>
        %add3A_2151 = arith.addf %add3A_2115, %mul3A_2150 : vector<16xf32>
        %mul3A_2152 = arith.mulf %bitcast3A_2141, %bitcast3A_2149 : vector<16xf32>
        %add3A_2153 = arith.addf %add3A_2117, %mul3A_2152 : vector<16xf32>
        %add3A_2154 = arith.constant 53248 : i32
        %add3A_2155 = vector.broadcast %add3A_2154 : i32 to vector<16xi32>
        %add3A_2156 = arith.addi %gather3A_1213, %add3A_2155 : vector<16xi32>
        %gather3A_2157 = tpu.vector_load_idx %arg6[%add3A_2156] : memref<65536xi32, #tpu.memory_space<vmem>>[vector<16xi32>], vector<16xi32>,
        %broadcast_in_dim3A_2158 = arith.constant 10 : i32
        %broadcast_in_dim3A_2159 = vector.broadcast %broadcast_in_dim3A_2158 : i32 to vector<16xi32>
        %lt3A_2160 = arith.constant 0 : i32
        %lt3A_2161 = vector.broadcast %lt3A_2160 : i32 to vector<16xi32>
        %lt3A_2162 = arith.cmpi slt, %broadcast_in_dim3A_2159, %lt3A_2161 : vector<16xi32>
        %add3A_2163 = arith.constant 16 : i32
        %add3A_2164 = vector.broadcast %add3A_2163 : i32 to vector<16xi32>
        %add3A_2165 = arith.addi %broadcast_in_dim3A_2159, %add3A_2164 : vector<16xi32>
        %select_n3A_2166 = arith.select %lt3A_2162, %add3A_2165, %broadcast_in_dim3A_2159 : vector<16xi1>, vector<16xi32>
        %broadcast_in_dim3A_2167 = vector.shape_cast %select_n3A_2166 : vector<16xi32> to vector<16x1xi32>
        %gather3A_2168 = vector.shape_cast %broadcast_in_dim3A_2167 : vector<16x1xi32> to vector<16xi32>
        %gather3A_2169 = tpu.dynamic_gather %gather3A_42[%gather3A_2168] in [0] : vector<16xi32>, vector<16xi32> -> vector<16xi32>
        %shift_left3A_2170 = arith.constant 16 : i32
        %shift_left3A_2171 = vector.broadcast %shift_left3A_2170 : i32 to vector<16xi32>
        %shift_left3A_2172 = arith.shli %gather3A_2157, %shift_left3A_2171 : vector<16xi32>
        %bitcast3A_2173 = vector.bitcast %shift_left3A_2172 : vector<16xi32> to vector<16xf32>
        %and3A_2174 = arith.constant -65536 : i32
        %and3A_2175 = vector.broadcast %and3A_2174 : i32 to vector<16xi32>
        %and3A_2176 = arith.andi %gather3A_2157, %and3A_2175 : vector<16xi32>
        %bitcast3A_2177 = vector.bitcast %and3A_2176 : vector<16xi32> to vector<16xf32>
        %shift_left3A_2178 = arith.constant 16 : i32
        %shift_left3A_2179 = vector.broadcast %shift_left3A_2178 : i32 to vector<16xi32>
        %shift_left3A_2180 = arith.shli %gather3A_2169, %shift_left3A_2179 : vector<16xi32>
        %bitcast3A_2181 = vector.bitcast %shift_left3A_2180 : vector<16xi32> to vector<16xf32>
        %and3A_2182 = arith.constant -65536 : i32
        %and3A_2183 = vector.broadcast %and3A_2182 : i32 to vector<16xi32>
        %and3A_2184 = arith.andi %gather3A_2169, %and3A_2183 : vector<16xi32>
        %bitcast3A_2185 = vector.bitcast %and3A_2184 : vector<16xi32> to vector<16xf32>
        %mul3A_2186 = arith.mulf %bitcast3A_2173, %bitcast3A_2181 : vector<16xf32>
        %add3A_2187 = arith.addf %add3A_2151, %mul3A_2186 : vector<16xf32>
        %mul3A_2188 = arith.mulf %bitcast3A_2177, %bitcast3A_2185 : vector<16xf32>
        %add3A_2189 = arith.addf %add3A_2153, %mul3A_2188 : vector<16xf32>
        %add3A_2190 = arith.constant 55296 : i32
        %add3A_2191 = vector.broadcast %add3A_2190 : i32 to vector<16xi32>
        %add3A_2192 = arith.addi %gather3A_1213, %add3A_2191 : vector<16xi32>
        %gather3A_2193 = tpu.vector_load_idx %arg6[%add3A_2192] : memref<65536xi32, #tpu.memory_space<vmem>>[vector<16xi32>], vector<16xi32>,
        %broadcast_in_dim3A_2194 = arith.constant 11 : i32
        %broadcast_in_dim3A_2195 = vector.broadcast %broadcast_in_dim3A_2194 : i32 to vector<16xi32>
        %lt3A_2196 = arith.constant 0 : i32
        %lt3A_2197 = vector.broadcast %lt3A_2196 : i32 to vector<16xi32>
        %lt3A_2198 = arith.cmpi slt, %broadcast_in_dim3A_2195, %lt3A_2197 : vector<16xi32>
        %add3A_2199 = arith.constant 16 : i32
        %add3A_2200 = vector.broadcast %add3A_2199 : i32 to vector<16xi32>
        %add3A_2201 = arith.addi %broadcast_in_dim3A_2195, %add3A_2200 : vector<16xi32>
        %select_n3A_2202 = arith.select %lt3A_2198, %add3A_2201, %broadcast_in_dim3A_2195 : vector<16xi1>, vector<16xi32>
        %broadcast_in_dim3A_2203 = vector.shape_cast %select_n3A_2202 : vector<16xi32> to vector<16x1xi32>
        %gather3A_2204 = vector.shape_cast %broadcast_in_dim3A_2203 : vector<16x1xi32> to vector<16xi32>
        %gather3A_2205 = tpu.dynamic_gather %gather3A_42[%gather3A_2204] in [0] : vector<16xi32>, vector<16xi32> -> vector<16xi32>
        %shift_left3A_2206 = arith.constant 16 : i32
        %shift_left3A_2207 = vector.broadcast %shift_left3A_2206 : i32 to vector<16xi32>
        %shift_left3A_2208 = arith.shli %gather3A_2193, %shift_left3A_2207 : vector<16xi32>
        %bitcast3A_2209 = vector.bitcast %shift_left3A_2208 : vector<16xi32> to vector<16xf32>
        %and3A_2210 = arith.constant -65536 : i32
        %and3A_2211 = vector.broadcast %and3A_2210 : i32 to vector<16xi32>
        %and3A_2212 = arith.andi %gather3A_2193, %and3A_2211 : vector<16xi32>
        %bitcast3A_2213 = vector.bitcast %and3A_2212 : vector<16xi32> to vector<16xf32>
        %shift_left3A_2214 = arith.constant 16 : i32
        %shift_left3A_2215 = vector.broadcast %shift_left3A_2214 : i32 to vector<16xi32>
        %shift_left3A_2216 = arith.shli %gather3A_2205, %shift_left3A_2215 : vector<16xi32>
        %bitcast3A_2217 = vector.bitcast %shift_left3A_2216 : vector<16xi32> to vector<16xf32>
        %and3A_2218 = arith.constant -65536 : i32
        %and3A_2219 = vector.broadcast %and3A_2218 : i32 to vector<16xi32>
        %and3A_2220 = arith.andi %gather3A_2205, %and3A_2219 : vector<16xi32>
        %bitcast3A_2221 = vector.bitcast %and3A_2220 : vector<16xi32> to vector<16xf32>
        %mul3A_2222 = arith.mulf %bitcast3A_2209, %bitcast3A_2217 : vector<16xf32>
        %add3A_2223 = arith.addf %add3A_2187, %mul3A_2222 : vector<16xf32>
        %mul3A_2224 = arith.mulf %bitcast3A_2213, %bitcast3A_2221 : vector<16xf32>
        %add3A_2225 = arith.addf %add3A_2189, %mul3A_2224 : vector<16xf32>
        %add3A_2226 = arith.constant 57344 : i32
        %add3A_2227 = vector.broadcast %add3A_2226 : i32 to vector<16xi32>
        %add3A_2228 = arith.addi %gather3A_1213, %add3A_2227 : vector<16xi32>
        %gather3A_2229 = tpu.vector_load_idx %arg6[%add3A_2228] : memref<65536xi32, #tpu.memory_space<vmem>>[vector<16xi32>], vector<16xi32>,
        %broadcast_in_dim3A_2230 = arith.constant 12 : i32
        %broadcast_in_dim3A_2231 = vector.broadcast %broadcast_in_dim3A_2230 : i32 to vector<16xi32>
        %lt3A_2232 = arith.constant 0 : i32
        %lt3A_2233 = vector.broadcast %lt3A_2232 : i32 to vector<16xi32>
        %lt3A_2234 = arith.cmpi slt, %broadcast_in_dim3A_2231, %lt3A_2233 : vector<16xi32>
        %add3A_2235 = arith.constant 16 : i32
        %add3A_2236 = vector.broadcast %add3A_2235 : i32 to vector<16xi32>
        %add3A_2237 = arith.addi %broadcast_in_dim3A_2231, %add3A_2236 : vector<16xi32>
        %select_n3A_2238 = arith.select %lt3A_2234, %add3A_2237, %broadcast_in_dim3A_2231 : vector<16xi1>, vector<16xi32>
        %broadcast_in_dim3A_2239 = vector.shape_cast %select_n3A_2238 : vector<16xi32> to vector<16x1xi32>
        %gather3A_2240 = vector.shape_cast %broadcast_in_dim3A_2239 : vector<16x1xi32> to vector<16xi32>
        %gather3A_2241 = tpu.dynamic_gather %gather3A_42[%gather3A_2240] in [0] : vector<16xi32>, vector<16xi32> -> vector<16xi32>
        %shift_left3A_2242 = arith.constant 16 : i32
        %shift_left3A_2243 = vector.broadcast %shift_left3A_2242 : i32 to vector<16xi32>
        %shift_left3A_2244 = arith.shli %gather3A_2229, %shift_left3A_2243 : vector<16xi32>
        %bitcast3A_2245 = vector.bitcast %shift_left3A_2244 : vector<16xi32> to vector<16xf32>
        %and3A_2246 = arith.constant -65536 : i32
        %and3A_2247 = vector.broadcast %and3A_2246 : i32 to vector<16xi32>
        %and3A_2248 = arith.andi %gather3A_2229, %and3A_2247 : vector<16xi32>
        %bitcast3A_2249 = vector.bitcast %and3A_2248 : vector<16xi32> to vector<16xf32>
        %shift_left3A_2250 = arith.constant 16 : i32
        %shift_left3A_2251 = vector.broadcast %shift_left3A_2250 : i32 to vector<16xi32>
        %shift_left3A_2252 = arith.shli %gather3A_2241, %shift_left3A_2251 : vector<16xi32>
        %bitcast3A_2253 = vector.bitcast %shift_left3A_2252 : vector<16xi32> to vector<16xf32>
        %and3A_2254 = arith.constant -65536 : i32
        %and3A_2255 = vector.broadcast %and3A_2254 : i32 to vector<16xi32>
        %and3A_2256 = arith.andi %gather3A_2241, %and3A_2255 : vector<16xi32>
        %bitcast3A_2257 = vector.bitcast %and3A_2256 : vector<16xi32> to vector<16xf32>
        %mul3A_2258 = arith.mulf %bitcast3A_2245, %bitcast3A_2253 : vector<16xf32>
        %add3A_2259 = arith.addf %add3A_2223, %mul3A_2258 : vector<16xf32>
        %mul3A_2260 = arith.mulf %bitcast3A_2249, %bitcast3A_2257 : vector<16xf32>
        %add3A_2261 = arith.addf %add3A_2225, %mul3A_2260 : vector<16xf32>
        %add3A_2262 = arith.constant 59392 : i32
        %add3A_2263 = vector.broadcast %add3A_2262 : i32 to vector<16xi32>
        %add3A_2264 = arith.addi %gather3A_1213, %add3A_2263 : vector<16xi32>
        %gather3A_2265 = tpu.vector_load_idx %arg6[%add3A_2264] : memref<65536xi32, #tpu.memory_space<vmem>>[vector<16xi32>], vector<16xi32>,
        %broadcast_in_dim3A_2266 = arith.constant 13 : i32
        %broadcast_in_dim3A_2267 = vector.broadcast %broadcast_in_dim3A_2266 : i32 to vector<16xi32>
        %lt3A_2268 = arith.constant 0 : i32
        %lt3A_2269 = vector.broadcast %lt3A_2268 : i32 to vector<16xi32>
        %lt3A_2270 = arith.cmpi slt, %broadcast_in_dim3A_2267, %lt3A_2269 : vector<16xi32>
        %add3A_2271 = arith.constant 16 : i32
        %add3A_2272 = vector.broadcast %add3A_2271 : i32 to vector<16xi32>
        %add3A_2273 = arith.addi %broadcast_in_dim3A_2267, %add3A_2272 : vector<16xi32>
        %select_n3A_2274 = arith.select %lt3A_2270, %add3A_2273, %broadcast_in_dim3A_2267 : vector<16xi1>, vector<16xi32>
        %broadcast_in_dim3A_2275 = vector.shape_cast %select_n3A_2274 : vector<16xi32> to vector<16x1xi32>
        %gather3A_2276 = vector.shape_cast %broadcast_in_dim3A_2275 : vector<16x1xi32> to vector<16xi32>
        %gather3A_2277 = tpu.dynamic_gather %gather3A_42[%gather3A_2276] in [0] : vector<16xi32>, vector<16xi32> -> vector<16xi32>
        %shift_left3A_2278 = arith.constant 16 : i32
        %shift_left3A_2279 = vector.broadcast %shift_left3A_2278 : i32 to vector<16xi32>
        %shift_left3A_2280 = arith.shli %gather3A_2265, %shift_left3A_2279 : vector<16xi32>
        %bitcast3A_2281 = vector.bitcast %shift_left3A_2280 : vector<16xi32> to vector<16xf32>
        %and3A_2282 = arith.constant -65536 : i32
        %and3A_2283 = vector.broadcast %and3A_2282 : i32 to vector<16xi32>
        %and3A_2284 = arith.andi %gather3A_2265, %and3A_2283 : vector<16xi32>
        %bitcast3A_2285 = vector.bitcast %and3A_2284 : vector<16xi32> to vector<16xf32>
        %shift_left3A_2286 = arith.constant 16 : i32
        %shift_left3A_2287 = vector.broadcast %shift_left3A_2286 : i32 to vector<16xi32>
        %shift_left3A_2288 = arith.shli %gather3A_2277, %shift_left3A_2287 : vector<16xi32>
        %bitcast3A_2289 = vector.bitcast %shift_left3A_2288 : vector<16xi32> to vector<16xf32>
        %and3A_2290 = arith.constant -65536 : i32
        %and3A_2291 = vector.broadcast %and3A_2290 : i32 to vector<16xi32>
        %and3A_2292 = arith.andi %gather3A_2277, %and3A_2291 : vector<16xi32>
        %bitcast3A_2293 = vector.bitcast %and3A_2292 : vector<16xi32> to vector<16xf32>
        %mul3A_2294 = arith.mulf %bitcast3A_2281, %bitcast3A_2289 : vector<16xf32>
        %add3A_2295 = arith.addf %add3A_2259, %mul3A_2294 : vector<16xf32>
        %mul3A_2296 = arith.mulf %bitcast3A_2285, %bitcast3A_2293 : vector<16xf32>
        %add3A_2297 = arith.addf %add3A_2261, %mul3A_2296 : vector<16xf32>
        %add3A_2298 = arith.constant 61440 : i32
        %add3A_2299 = vector.broadcast %add3A_2298 : i32 to vector<16xi32>
        %add3A_2300 = arith.addi %gather3A_1213, %add3A_2299 : vector<16xi32>
        %gather3A_2301 = tpu.vector_load_idx %arg6[%add3A_2300] : memref<65536xi32, #tpu.memory_space<vmem>>[vector<16xi32>], vector<16xi32>,
        %broadcast_in_dim3A_2302 = arith.constant 14 : i32
        %broadcast_in_dim3A_2303 = vector.broadcast %broadcast_in_dim3A_2302 : i32 to vector<16xi32>
        %lt3A_2304 = arith.constant 0 : i32
        %lt3A_2305 = vector.broadcast %lt3A_2304 : i32 to vector<16xi32>
        %lt3A_2306 = arith.cmpi slt, %broadcast_in_dim3A_2303, %lt3A_2305 : vector<16xi32>
        %add3A_2307 = arith.constant 16 : i32
        %add3A_2308 = vector.broadcast %add3A_2307 : i32 to vector<16xi32>
        %add3A_2309 = arith.addi %broadcast_in_dim3A_2303, %add3A_2308 : vector<16xi32>
        %select_n3A_2310 = arith.select %lt3A_2306, %add3A_2309, %broadcast_in_dim3A_2303 : vector<16xi1>, vector<16xi32>
        %broadcast_in_dim3A_2311 = vector.shape_cast %select_n3A_2310 : vector<16xi32> to vector<16x1xi32>
        %gather3A_2312 = vector.shape_cast %broadcast_in_dim3A_2311 : vector<16x1xi32> to vector<16xi32>
        %gather3A_2313 = tpu.dynamic_gather %gather3A_42[%gather3A_2312] in [0] : vector<16xi32>, vector<16xi32> -> vector<16xi32>
        %shift_left3A_2314 = arith.constant 16 : i32
        %shift_left3A_2315 = vector.broadcast %shift_left3A_2314 : i32 to vector<16xi32>
        %shift_left3A_2316 = arith.shli %gather3A_2301, %shift_left3A_2315 : vector<16xi32>
        %bitcast3A_2317 = vector.bitcast %shift_left3A_2316 : vector<16xi32> to vector<16xf32>
        %and3A_2318 = arith.constant -65536 : i32
        %and3A_2319 = vector.broadcast %and3A_2318 : i32 to vector<16xi32>
        %and3A_2320 = arith.andi %gather3A_2301, %and3A_2319 : vector<16xi32>
        %bitcast3A_2321 = vector.bitcast %and3A_2320 : vector<16xi32> to vector<16xf32>
        %shift_left3A_2322 = arith.constant 16 : i32
        %shift_left3A_2323 = vector.broadcast %shift_left3A_2322 : i32 to vector<16xi32>
        %shift_left3A_2324 = arith.shli %gather3A_2313, %shift_left3A_2323 : vector<16xi32>
        %bitcast3A_2325 = vector.bitcast %shift_left3A_2324 : vector<16xi32> to vector<16xf32>
        %and3A_2326 = arith.constant -65536 : i32
        %and3A_2327 = vector.broadcast %and3A_2326 : i32 to vector<16xi32>
        %and3A_2328 = arith.andi %gather3A_2313, %and3A_2327 : vector<16xi32>
        %bitcast3A_2329 = vector.bitcast %and3A_2328 : vector<16xi32> to vector<16xf32>
        %mul3A_2330 = arith.mulf %bitcast3A_2317, %bitcast3A_2325 : vector<16xf32>
        %add3A_2331 = arith.addf %add3A_2295, %mul3A_2330 : vector<16xf32>
        %mul3A_2332 = arith.mulf %bitcast3A_2321, %bitcast3A_2329 : vector<16xf32>
        %add3A_2333 = arith.addf %add3A_2297, %mul3A_2332 : vector<16xf32>
        %add3A_2334 = arith.constant 63488 : i32
        %add3A_2335 = vector.broadcast %add3A_2334 : i32 to vector<16xi32>
        %add3A_2336 = arith.addi %gather3A_1213, %add3A_2335 : vector<16xi32>
        %gather3A_2337 = tpu.vector_load_idx %arg6[%add3A_2336] : memref<65536xi32, #tpu.memory_space<vmem>>[vector<16xi32>], vector<16xi32>,
        %broadcast_in_dim3A_2338 = arith.constant 15 : i32
        %broadcast_in_dim3A_2339 = vector.broadcast %broadcast_in_dim3A_2338 : i32 to vector<16xi32>
        %lt3A_2340 = arith.constant 0 : i32
        %lt3A_2341 = vector.broadcast %lt3A_2340 : i32 to vector<16xi32>
        %lt3A_2342 = arith.cmpi slt, %broadcast_in_dim3A_2339, %lt3A_2341 : vector<16xi32>
        %add3A_2343 = arith.constant 16 : i32
        %add3A_2344 = vector.broadcast %add3A_2343 : i32 to vector<16xi32>
        %add3A_2345 = arith.addi %broadcast_in_dim3A_2339, %add3A_2344 : vector<16xi32>
        %select_n3A_2346 = arith.select %lt3A_2342, %add3A_2345, %broadcast_in_dim3A_2339 : vector<16xi1>, vector<16xi32>
        %broadcast_in_dim3A_2347 = vector.shape_cast %select_n3A_2346 : vector<16xi32> to vector<16x1xi32>
        %gather3A_2348 = vector.shape_cast %broadcast_in_dim3A_2347 : vector<16x1xi32> to vector<16xi32>
        %gather3A_2349 = tpu.dynamic_gather %gather3A_42[%gather3A_2348] in [0] : vector<16xi32>, vector<16xi32> -> vector<16xi32>
        %shift_left3A_2350 = arith.constant 16 : i32
        %shift_left3A_2351 = vector.broadcast %shift_left3A_2350 : i32 to vector<16xi32>
        %shift_left3A_2352 = arith.shli %gather3A_2337, %shift_left3A_2351 : vector<16xi32>
        %bitcast3A_2353 = vector.bitcast %shift_left3A_2352 : vector<16xi32> to vector<16xf32>
        %and3A_2354 = arith.constant -65536 : i32
        %and3A_2355 = vector.broadcast %and3A_2354 : i32 to vector<16xi32>
        %and3A_2356 = arith.andi %gather3A_2337, %and3A_2355 : vector<16xi32>
        %bitcast3A_2357 = vector.bitcast %and3A_2356 : vector<16xi32> to vector<16xf32>
        %shift_left3A_2358 = arith.constant 16 : i32
        %shift_left3A_2359 = vector.broadcast %shift_left3A_2358 : i32 to vector<16xi32>
        %shift_left3A_2360 = arith.shli %gather3A_2349, %shift_left3A_2359 : vector<16xi32>
        %bitcast3A_2361 = vector.bitcast %shift_left3A_2360 : vector<16xi32> to vector<16xf32>
        %and3A_2362 = arith.constant -65536 : i32
        %and3A_2363 = vector.broadcast %and3A_2362 : i32 to vector<16xi32>
        %and3A_2364 = arith.andi %gather3A_2349, %and3A_2363 : vector<16xi32>
        %bitcast3A_2365 = vector.bitcast %and3A_2364 : vector<16xi32> to vector<16xf32>
        %mul3A_2366 = arith.mulf %bitcast3A_2353, %bitcast3A_2361 : vector<16xf32>
        %add3A_2367 = arith.addf %add3A_2331, %mul3A_2366 : vector<16xf32>
        %mul3A_2368 = arith.mulf %bitcast3A_2357, %bitcast3A_2365 : vector<16xf32>
        %add3A_2369 = arith.addf %add3A_2333, %mul3A_2368 : vector<16xf32>
        %mul3A_2370 = arith.constant 49 : i32
        %mul3A_2371 = arith.muli %scan3A_30, %mul3A_2370 : i32
        %add3A_2372 = arith.constant 16 : i32
        %add3A_2373 = arith.addi %mul3A_2371, %add3A_2372 : i32
        %add3A_2374 = vector.broadcast %add3A_2373 : i32 to vector<16xi32>
        %add3A_2375 = arith.addi %iota3A, %add3A_2374 : vector<16xi32>
        %add3A_2376 = arith.addf %add3A_2367, %add3A_2369 : vector<16xf32>
        tpu.vector_store_idx %arg9[%add3A_2375], %add3A_2376 : memref<12544xf32, #tpu.memory_space<vmem>>[vector<16xi32>], vector<16xf32>,
        %mul3A_2377 = arith.constant 48 : i32
        %mul3A_2378 = arith.muli %scan3A_30, %mul3A_2377 : i32
        %add3A_2379 = arith.constant 32 : i32
        %add3A_2380 = arith.addi %mul3A_2378, %add3A_2379 : i32
        %add3A_2381 = vector.broadcast %add3A_2380 : i32 to vector<16xi32>
        %add3A_2382 = arith.addi %iota3A, %add3A_2381 : vector<16xi32>
        %gather3A_2383 = tpu.vector_load_idx %arg8[%add3A_2382] : memref<12288xi32, #tpu.memory_space<vmem>>[vector<16xi32>], vector<16xi32>,
        %broadcast_in_dim3A_2384 = arith.constant 0.000000e+00 : f32
        %broadcast_in_dim3A_2385 = vector.broadcast %broadcast_in_dim3A_2384 : f32 to vector<16xf32>
        %broadcast_in_dim3A_2386 = arith.constant 0.000000e+00 : f32
        %broadcast_in_dim3A_2387 = vector.broadcast %broadcast_in_dim3A_2386 : f32 to vector<16xf32>
        %add3A_2388 = arith.constant 0 : i32
        %add3A_2389 = vector.broadcast %add3A_2388 : i32 to vector<16xi32>
        %add3A_2390 = arith.addi %gather3A_2383, %add3A_2389 : vector<16xi32>
        %gather3A_2391 = tpu.vector_load_idx %arg6[%add3A_2390] : memref<65536xi32, #tpu.memory_space<vmem>>[vector<16xi32>], vector<16xi32>,
        %broadcast_in_dim3A_2392 = arith.constant 0 : i32
        %broadcast_in_dim3A_2393 = vector.broadcast %broadcast_in_dim3A_2392 : i32 to vector<16xi32>
        %lt3A_2394 = arith.constant 0 : i32
        %lt3A_2395 = vector.broadcast %lt3A_2394 : i32 to vector<16xi32>
        %lt3A_2396 = arith.cmpi slt, %broadcast_in_dim3A_2393, %lt3A_2395 : vector<16xi32>
        %add3A_2397 = arith.constant 16 : i32
        %add3A_2398 = vector.broadcast %add3A_2397 : i32 to vector<16xi32>
        %add3A_2399 = arith.addi %broadcast_in_dim3A_2393, %add3A_2398 : vector<16xi32>
        %select_n3A_2400 = arith.select %lt3A_2396, %add3A_2399, %broadcast_in_dim3A_2393 : vector<16xi1>, vector<16xi32>
        %broadcast_in_dim3A_2401 = vector.shape_cast %select_n3A_2400 : vector<16xi32> to vector<16x1xi32>
        %gather3A_2402 = vector.shape_cast %broadcast_in_dim3A_2401 : vector<16x1xi32> to vector<16xi32>
        %gather3A_2403 = tpu.dynamic_gather %gather3A[%gather3A_2402] in [0] : vector<16xi32>, vector<16xi32> -> vector<16xi32>
        %shift_left3A_2404 = arith.constant 16 : i32
        %shift_left3A_2405 = vector.broadcast %shift_left3A_2404 : i32 to vector<16xi32>
        %shift_left3A_2406 = arith.shli %gather3A_2391, %shift_left3A_2405 : vector<16xi32>
        %bitcast3A_2407 = vector.bitcast %shift_left3A_2406 : vector<16xi32> to vector<16xf32>
        %and3A_2408 = arith.constant -65536 : i32
        %and3A_2409 = vector.broadcast %and3A_2408 : i32 to vector<16xi32>
        %and3A_2410 = arith.andi %gather3A_2391, %and3A_2409 : vector<16xi32>
        %bitcast3A_2411 = vector.bitcast %and3A_2410 : vector<16xi32> to vector<16xf32>
        %shift_left3A_2412 = arith.constant 16 : i32
        %shift_left3A_2413 = vector.broadcast %shift_left3A_2412 : i32 to vector<16xi32>
        %shift_left3A_2414 = arith.shli %gather3A_2403, %shift_left3A_2413 : vector<16xi32>
        %bitcast3A_2415 = vector.bitcast %shift_left3A_2414 : vector<16xi32> to vector<16xf32>
        %and3A_2416 = arith.constant -65536 : i32
        %and3A_2417 = vector.broadcast %and3A_2416 : i32 to vector<16xi32>
        %and3A_2418 = arith.andi %gather3A_2403, %and3A_2417 : vector<16xi32>
        %bitcast3A_2419 = vector.bitcast %and3A_2418 : vector<16xi32> to vector<16xf32>
        %mul3A_2420 = arith.mulf %bitcast3A_2407, %bitcast3A_2415 : vector<16xf32>
        %add3A_2421 = arith.addf %broadcast_in_dim3A_2385, %mul3A_2420 : vector<16xf32>
        %mul3A_2422 = arith.mulf %bitcast3A_2411, %bitcast3A_2419 : vector<16xf32>
        %add3A_2423 = arith.addf %broadcast_in_dim3A_2387, %mul3A_2422 : vector<16xf32>
        %add3A_2424 = arith.constant 2048 : i32
        %add3A_2425 = vector.broadcast %add3A_2424 : i32 to vector<16xi32>
        %add3A_2426 = arith.addi %gather3A_2383, %add3A_2425 : vector<16xi32>
        %gather3A_2427 = tpu.vector_load_idx %arg6[%add3A_2426] : memref<65536xi32, #tpu.memory_space<vmem>>[vector<16xi32>], vector<16xi32>,
        %broadcast_in_dim3A_2428 = arith.constant 1 : i32
        %broadcast_in_dim3A_2429 = vector.broadcast %broadcast_in_dim3A_2428 : i32 to vector<16xi32>
        %lt3A_2430 = arith.constant 0 : i32
        %lt3A_2431 = vector.broadcast %lt3A_2430 : i32 to vector<16xi32>
        %lt3A_2432 = arith.cmpi slt, %broadcast_in_dim3A_2429, %lt3A_2431 : vector<16xi32>
        %add3A_2433 = arith.constant 16 : i32
        %add3A_2434 = vector.broadcast %add3A_2433 : i32 to vector<16xi32>
        %add3A_2435 = arith.addi %broadcast_in_dim3A_2429, %add3A_2434 : vector<16xi32>
        %select_n3A_2436 = arith.select %lt3A_2432, %add3A_2435, %broadcast_in_dim3A_2429 : vector<16xi1>, vector<16xi32>
        %broadcast_in_dim3A_2437 = vector.shape_cast %select_n3A_2436 : vector<16xi32> to vector<16x1xi32>
        %gather3A_2438 = vector.shape_cast %broadcast_in_dim3A_2437 : vector<16x1xi32> to vector<16xi32>
        %gather3A_2439 = tpu.dynamic_gather %gather3A[%gather3A_2438] in [0] : vector<16xi32>, vector<16xi32> -> vector<16xi32>
        %shift_left3A_2440 = arith.constant 16 : i32
        %shift_left3A_2441 = vector.broadcast %shift_left3A_2440 : i32 to vector<16xi32>
        %shift_left3A_2442 = arith.shli %gather3A_2427, %shift_left3A_2441 : vector<16xi32>
        %bitcast3A_2443 = vector.bitcast %shift_left3A_2442 : vector<16xi32> to vector<16xf32>
        %and3A_2444 = arith.constant -65536 : i32
        %and3A_2445 = vector.broadcast %and3A_2444 : i32 to vector<16xi32>
        %and3A_2446 = arith.andi %gather3A_2427, %and3A_2445 : vector<16xi32>
        %bitcast3A_2447 = vector.bitcast %and3A_2446 : vector<16xi32> to vector<16xf32>
        %shift_left3A_2448 = arith.constant 16 : i32
        %shift_left3A_2449 = vector.broadcast %shift_left3A_2448 : i32 to vector<16xi32>
        %shift_left3A_2450 = arith.shli %gather3A_2439, %shift_left3A_2449 : vector<16xi32>
        %bitcast3A_2451 = vector.bitcast %shift_left3A_2450 : vector<16xi32> to vector<16xf32>
        %and3A_2452 = arith.constant -65536 : i32
        %and3A_2453 = vector.broadcast %and3A_2452 : i32 to vector<16xi32>
        %and3A_2454 = arith.andi %gather3A_2439, %and3A_2453 : vector<16xi32>
        %bitcast3A_2455 = vector.bitcast %and3A_2454 : vector<16xi32> to vector<16xf32>
        %mul3A_2456 = arith.mulf %bitcast3A_2443, %bitcast3A_2451 : vector<16xf32>
        %add3A_2457 = arith.addf %add3A_2421, %mul3A_2456 : vector<16xf32>
        %mul3A_2458 = arith.mulf %bitcast3A_2447, %bitcast3A_2455 : vector<16xf32>
        %add3A_2459 = arith.addf %add3A_2423, %mul3A_2458 : vector<16xf32>
        %add3A_2460 = arith.constant 4096 : i32
        %add3A_2461 = vector.broadcast %add3A_2460 : i32 to vector<16xi32>
        %add3A_2462 = arith.addi %gather3A_2383, %add3A_2461 : vector<16xi32>
        %gather3A_2463 = tpu.vector_load_idx %arg6[%add3A_2462] : memref<65536xi32, #tpu.memory_space<vmem>>[vector<16xi32>], vector<16xi32>,
        %broadcast_in_dim3A_2464 = arith.constant 2 : i32
        %broadcast_in_dim3A_2465 = vector.broadcast %broadcast_in_dim3A_2464 : i32 to vector<16xi32>
        %lt3A_2466 = arith.constant 0 : i32
        %lt3A_2467 = vector.broadcast %lt3A_2466 : i32 to vector<16xi32>
        %lt3A_2468 = arith.cmpi slt, %broadcast_in_dim3A_2465, %lt3A_2467 : vector<16xi32>
        %add3A_2469 = arith.constant 16 : i32
        %add3A_2470 = vector.broadcast %add3A_2469 : i32 to vector<16xi32>
        %add3A_2471 = arith.addi %broadcast_in_dim3A_2465, %add3A_2470 : vector<16xi32>
        %select_n3A_2472 = arith.select %lt3A_2468, %add3A_2471, %broadcast_in_dim3A_2465 : vector<16xi1>, vector<16xi32>
        %broadcast_in_dim3A_2473 = vector.shape_cast %select_n3A_2472 : vector<16xi32> to vector<16x1xi32>
        %gather3A_2474 = vector.shape_cast %broadcast_in_dim3A_2473 : vector<16x1xi32> to vector<16xi32>
        %gather3A_2475 = tpu.dynamic_gather %gather3A[%gather3A_2474] in [0] : vector<16xi32>, vector<16xi32> -> vector<16xi32>
        %shift_left3A_2476 = arith.constant 16 : i32
        %shift_left3A_2477 = vector.broadcast %shift_left3A_2476 : i32 to vector<16xi32>
        %shift_left3A_2478 = arith.shli %gather3A_2463, %shift_left3A_2477 : vector<16xi32>
        %bitcast3A_2479 = vector.bitcast %shift_left3A_2478 : vector<16xi32> to vector<16xf32>
        %and3A_2480 = arith.constant -65536 : i32
        %and3A_2481 = vector.broadcast %and3A_2480 : i32 to vector<16xi32>
        %and3A_2482 = arith.andi %gather3A_2463, %and3A_2481 : vector<16xi32>
        %bitcast3A_2483 = vector.bitcast %and3A_2482 : vector<16xi32> to vector<16xf32>
        %shift_left3A_2484 = arith.constant 16 : i32
        %shift_left3A_2485 = vector.broadcast %shift_left3A_2484 : i32 to vector<16xi32>
        %shift_left3A_2486 = arith.shli %gather3A_2475, %shift_left3A_2485 : vector<16xi32>
        %bitcast3A_2487 = vector.bitcast %shift_left3A_2486 : vector<16xi32> to vector<16xf32>
        %and3A_2488 = arith.constant -65536 : i32
        %and3A_2489 = vector.broadcast %and3A_2488 : i32 to vector<16xi32>
        %and3A_2490 = arith.andi %gather3A_2475, %and3A_2489 : vector<16xi32>
        %bitcast3A_2491 = vector.bitcast %and3A_2490 : vector<16xi32> to vector<16xf32>
        %mul3A_2492 = arith.mulf %bitcast3A_2479, %bitcast3A_2487 : vector<16xf32>
        %add3A_2493 = arith.addf %add3A_2457, %mul3A_2492 : vector<16xf32>
        %mul3A_2494 = arith.mulf %bitcast3A_2483, %bitcast3A_2491 : vector<16xf32>
        %add3A_2495 = arith.addf %add3A_2459, %mul3A_2494 : vector<16xf32>
        %add3A_2496 = arith.constant 6144 : i32
        %add3A_2497 = vector.broadcast %add3A_2496 : i32 to vector<16xi32>
        %add3A_2498 = arith.addi %gather3A_2383, %add3A_2497 : vector<16xi32>
        %gather3A_2499 = tpu.vector_load_idx %arg6[%add3A_2498] : memref<65536xi32, #tpu.memory_space<vmem>>[vector<16xi32>], vector<16xi32>,
        %broadcast_in_dim3A_2500 = arith.constant 3 : i32
        %broadcast_in_dim3A_2501 = vector.broadcast %broadcast_in_dim3A_2500 : i32 to vector<16xi32>
        %lt3A_2502 = arith.constant 0 : i32
        %lt3A_2503 = vector.broadcast %lt3A_2502 : i32 to vector<16xi32>
        %lt3A_2504 = arith.cmpi slt, %broadcast_in_dim3A_2501, %lt3A_2503 : vector<16xi32>
        %add3A_2505 = arith.constant 16 : i32
        %add3A_2506 = vector.broadcast %add3A_2505 : i32 to vector<16xi32>
        %add3A_2507 = arith.addi %broadcast_in_dim3A_2501, %add3A_2506 : vector<16xi32>
        %select_n3A_2508 = arith.select %lt3A_2504, %add3A_2507, %broadcast_in_dim3A_2501 : vector<16xi1>, vector<16xi32>
        %broadcast_in_dim3A_2509 = vector.shape_cast %select_n3A_2508 : vector<16xi32> to vector<16x1xi32>
        %gather3A_2510 = vector.shape_cast %broadcast_in_dim3A_2509 : vector<16x1xi32> to vector<16xi32>
        %gather3A_2511 = tpu.dynamic_gather %gather3A[%gather3A_2510] in [0] : vector<16xi32>, vector<16xi32> -> vector<16xi32>
        %shift_left3A_2512 = arith.constant 16 : i32
        %shift_left3A_2513 = vector.broadcast %shift_left3A_2512 : i32 to vector<16xi32>
        %shift_left3A_2514 = arith.shli %gather3A_2499, %shift_left3A_2513 : vector<16xi32>
        %bitcast3A_2515 = vector.bitcast %shift_left3A_2514 : vector<16xi32> to vector<16xf32>
        %and3A_2516 = arith.constant -65536 : i32
        %and3A_2517 = vector.broadcast %and3A_2516 : i32 to vector<16xi32>
        %and3A_2518 = arith.andi %gather3A_2499, %and3A_2517 : vector<16xi32>
        %bitcast3A_2519 = vector.bitcast %and3A_2518 : vector<16xi32> to vector<16xf32>
        %shift_left3A_2520 = arith.constant 16 : i32
        %shift_left3A_2521 = vector.broadcast %shift_left3A_2520 : i32 to vector<16xi32>
        %shift_left3A_2522 = arith.shli %gather3A_2511, %shift_left3A_2521 : vector<16xi32>
        %bitcast3A_2523 = vector.bitcast %shift_left3A_2522 : vector<16xi32> to vector<16xf32>
        %and3A_2524 = arith.constant -65536 : i32
        %and3A_2525 = vector.broadcast %and3A_2524 : i32 to vector<16xi32>
        %and3A_2526 = arith.andi %gather3A_2511, %and3A_2525 : vector<16xi32>
        %bitcast3A_2527 = vector.bitcast %and3A_2526 : vector<16xi32> to vector<16xf32>
        %mul3A_2528 = arith.mulf %bitcast3A_2515, %bitcast3A_2523 : vector<16xf32>
        %add3A_2529 = arith.addf %add3A_2493, %mul3A_2528 : vector<16xf32>
        %mul3A_2530 = arith.mulf %bitcast3A_2519, %bitcast3A_2527 : vector<16xf32>
        %add3A_2531 = arith.addf %add3A_2495, %mul3A_2530 : vector<16xf32>
        %add3A_2532 = arith.constant 8192 : i32
        %add3A_2533 = vector.broadcast %add3A_2532 : i32 to vector<16xi32>
        %add3A_2534 = arith.addi %gather3A_2383, %add3A_2533 : vector<16xi32>
        %gather3A_2535 = tpu.vector_load_idx %arg6[%add3A_2534] : memref<65536xi32, #tpu.memory_space<vmem>>[vector<16xi32>], vector<16xi32>,
        %broadcast_in_dim3A_2536 = arith.constant 4 : i32
        %broadcast_in_dim3A_2537 = vector.broadcast %broadcast_in_dim3A_2536 : i32 to vector<16xi32>
        %lt3A_2538 = arith.constant 0 : i32
        %lt3A_2539 = vector.broadcast %lt3A_2538 : i32 to vector<16xi32>
        %lt3A_2540 = arith.cmpi slt, %broadcast_in_dim3A_2537, %lt3A_2539 : vector<16xi32>
        %add3A_2541 = arith.constant 16 : i32
        %add3A_2542 = vector.broadcast %add3A_2541 : i32 to vector<16xi32>
        %add3A_2543 = arith.addi %broadcast_in_dim3A_2537, %add3A_2542 : vector<16xi32>
        %select_n3A_2544 = arith.select %lt3A_2540, %add3A_2543, %broadcast_in_dim3A_2537 : vector<16xi1>, vector<16xi32>
        %broadcast_in_dim3A_2545 = vector.shape_cast %select_n3A_2544 : vector<16xi32> to vector<16x1xi32>
        %gather3A_2546 = vector.shape_cast %broadcast_in_dim3A_2545 : vector<16x1xi32> to vector<16xi32>
        %gather3A_2547 = tpu.dynamic_gather %gather3A[%gather3A_2546] in [0] : vector<16xi32>, vector<16xi32> -> vector<16xi32>
        %shift_left3A_2548 = arith.constant 16 : i32
        %shift_left3A_2549 = vector.broadcast %shift_left3A_2548 : i32 to vector<16xi32>
        %shift_left3A_2550 = arith.shli %gather3A_2535, %shift_left3A_2549 : vector<16xi32>
        %bitcast3A_2551 = vector.bitcast %shift_left3A_2550 : vector<16xi32> to vector<16xf32>
        %and3A_2552 = arith.constant -65536 : i32
        %and3A_2553 = vector.broadcast %and3A_2552 : i32 to vector<16xi32>
        %and3A_2554 = arith.andi %gather3A_2535, %and3A_2553 : vector<16xi32>
        %bitcast3A_2555 = vector.bitcast %and3A_2554 : vector<16xi32> to vector<16xf32>
        %shift_left3A_2556 = arith.constant 16 : i32
        %shift_left3A_2557 = vector.broadcast %shift_left3A_2556 : i32 to vector<16xi32>
        %shift_left3A_2558 = arith.shli %gather3A_2547, %shift_left3A_2557 : vector<16xi32>
        %bitcast3A_2559 = vector.bitcast %shift_left3A_2558 : vector<16xi32> to vector<16xf32>
        %and3A_2560 = arith.constant -65536 : i32
        %and3A_2561 = vector.broadcast %and3A_2560 : i32 to vector<16xi32>
        %and3A_2562 = arith.andi %gather3A_2547, %and3A_2561 : vector<16xi32>
        %bitcast3A_2563 = vector.bitcast %and3A_2562 : vector<16xi32> to vector<16xf32>
        %mul3A_2564 = arith.mulf %bitcast3A_2551, %bitcast3A_2559 : vector<16xf32>
        %add3A_2565 = arith.addf %add3A_2529, %mul3A_2564 : vector<16xf32>
        %mul3A_2566 = arith.mulf %bitcast3A_2555, %bitcast3A_2563 : vector<16xf32>
        %add3A_2567 = arith.addf %add3A_2531, %mul3A_2566 : vector<16xf32>
        %add3A_2568 = arith.constant 10240 : i32
        %add3A_2569 = vector.broadcast %add3A_2568 : i32 to vector<16xi32>
        %add3A_2570 = arith.addi %gather3A_2383, %add3A_2569 : vector<16xi32>
        %gather3A_2571 = tpu.vector_load_idx %arg6[%add3A_2570] : memref<65536xi32, #tpu.memory_space<vmem>>[vector<16xi32>], vector<16xi32>,
        %broadcast_in_dim3A_2572 = arith.constant 5 : i32
        %broadcast_in_dim3A_2573 = vector.broadcast %broadcast_in_dim3A_2572 : i32 to vector<16xi32>
        %lt3A_2574 = arith.constant 0 : i32
        %lt3A_2575 = vector.broadcast %lt3A_2574 : i32 to vector<16xi32>
        %lt3A_2576 = arith.cmpi slt, %broadcast_in_dim3A_2573, %lt3A_2575 : vector<16xi32>
        %add3A_2577 = arith.constant 16 : i32
        %add3A_2578 = vector.broadcast %add3A_2577 : i32 to vector<16xi32>
        %add3A_2579 = arith.addi %broadcast_in_dim3A_2573, %add3A_2578 : vector<16xi32>
        %select_n3A_2580 = arith.select %lt3A_2576, %add3A_2579, %broadcast_in_dim3A_2573 : vector<16xi1>, vector<16xi32>
        %broadcast_in_dim3A_2581 = vector.shape_cast %select_n3A_2580 : vector<16xi32> to vector<16x1xi32>
        %gather3A_2582 = vector.shape_cast %broadcast_in_dim3A_2581 : vector<16x1xi32> to vector<16xi32>
        %gather3A_2583 = tpu.dynamic_gather %gather3A[%gather3A_2582] in [0] : vector<16xi32>, vector<16xi32> -> vector<16xi32>
        %shift_left3A_2584 = arith.constant 16 : i32
        %shift_left3A_2585 = vector.broadcast %shift_left3A_2584 : i32 to vector<16xi32>
        %shift_left3A_2586 = arith.shli %gather3A_2571, %shift_left3A_2585 : vector<16xi32>
        %bitcast3A_2587 = vector.bitcast %shift_left3A_2586 : vector<16xi32> to vector<16xf32>
        %and3A_2588 = arith.constant -65536 : i32
        %and3A_2589 = vector.broadcast %and3A_2588 : i32 to vector<16xi32>
        %and3A_2590 = arith.andi %gather3A_2571, %and3A_2589 : vector<16xi32>
        %bitcast3A_2591 = vector.bitcast %and3A_2590 : vector<16xi32> to vector<16xf32>
        %shift_left3A_2592 = arith.constant 16 : i32
        %shift_left3A_2593 = vector.broadcast %shift_left3A_2592 : i32 to vector<16xi32>
        %shift_left3A_2594 = arith.shli %gather3A_2583, %shift_left3A_2593 : vector<16xi32>
        %bitcast3A_2595 = vector.bitcast %shift_left3A_2594 : vector<16xi32> to vector<16xf32>
        %and3A_2596 = arith.constant -65536 : i32
        %and3A_2597 = vector.broadcast %and3A_2596 : i32 to vector<16xi32>
        %and3A_2598 = arith.andi %gather3A_2583, %and3A_2597 : vector<16xi32>
        %bitcast3A_2599 = vector.bitcast %and3A_2598 : vector<16xi32> to vector<16xf32>
        %mul3A_2600 = arith.mulf %bitcast3A_2587, %bitcast3A_2595 : vector<16xf32>
        %add3A_2601 = arith.addf %add3A_2565, %mul3A_2600 : vector<16xf32>
        %mul3A_2602 = arith.mulf %bitcast3A_2591, %bitcast3A_2599 : vector<16xf32>
        %add3A_2603 = arith.addf %add3A_2567, %mul3A_2602 : vector<16xf32>
        %add3A_2604 = arith.constant 12288 : i32
        %add3A_2605 = vector.broadcast %add3A_2604 : i32 to vector<16xi32>
        %add3A_2606 = arith.addi %gather3A_2383, %add3A_2605 : vector<16xi32>
        %gather3A_2607 = tpu.vector_load_idx %arg6[%add3A_2606] : memref<65536xi32, #tpu.memory_space<vmem>>[vector<16xi32>], vector<16xi32>,
        %broadcast_in_dim3A_2608 = arith.constant 6 : i32
        %broadcast_in_dim3A_2609 = vector.broadcast %broadcast_in_dim3A_2608 : i32 to vector<16xi32>
        %lt3A_2610 = arith.constant 0 : i32
        %lt3A_2611 = vector.broadcast %lt3A_2610 : i32 to vector<16xi32>
        %lt3A_2612 = arith.cmpi slt, %broadcast_in_dim3A_2609, %lt3A_2611 : vector<16xi32>
        %add3A_2613 = arith.constant 16 : i32
        %add3A_2614 = vector.broadcast %add3A_2613 : i32 to vector<16xi32>
        %add3A_2615 = arith.addi %broadcast_in_dim3A_2609, %add3A_2614 : vector<16xi32>
        %select_n3A_2616 = arith.select %lt3A_2612, %add3A_2615, %broadcast_in_dim3A_2609 : vector<16xi1>, vector<16xi32>
        %broadcast_in_dim3A_2617 = vector.shape_cast %select_n3A_2616 : vector<16xi32> to vector<16x1xi32>
        %gather3A_2618 = vector.shape_cast %broadcast_in_dim3A_2617 : vector<16x1xi32> to vector<16xi32>
        %gather3A_2619 = tpu.dynamic_gather %gather3A[%gather3A_2618] in [0] : vector<16xi32>, vector<16xi32> -> vector<16xi32>
        %shift_left3A_2620 = arith.constant 16 : i32
        %shift_left3A_2621 = vector.broadcast %shift_left3A_2620 : i32 to vector<16xi32>
        %shift_left3A_2622 = arith.shli %gather3A_2607, %shift_left3A_2621 : vector<16xi32>
        %bitcast3A_2623 = vector.bitcast %shift_left3A_2622 : vector<16xi32> to vector<16xf32>
        %and3A_2624 = arith.constant -65536 : i32
        %and3A_2625 = vector.broadcast %and3A_2624 : i32 to vector<16xi32>
        %and3A_2626 = arith.andi %gather3A_2607, %and3A_2625 : vector<16xi32>
        %bitcast3A_2627 = vector.bitcast %and3A_2626 : vector<16xi32> to vector<16xf32>
        %shift_left3A_2628 = arith.constant 16 : i32
        %shift_left3A_2629 = vector.broadcast %shift_left3A_2628 : i32 to vector<16xi32>
        %shift_left3A_2630 = arith.shli %gather3A_2619, %shift_left3A_2629 : vector<16xi32>
        %bitcast3A_2631 = vector.bitcast %shift_left3A_2630 : vector<16xi32> to vector<16xf32>
        %and3A_2632 = arith.constant -65536 : i32
        %and3A_2633 = vector.broadcast %and3A_2632 : i32 to vector<16xi32>
        %and3A_2634 = arith.andi %gather3A_2619, %and3A_2633 : vector<16xi32>
        %bitcast3A_2635 = vector.bitcast %and3A_2634 : vector<16xi32> to vector<16xf32>
        %mul3A_2636 = arith.mulf %bitcast3A_2623, %bitcast3A_2631 : vector<16xf32>
        %add3A_2637 = arith.addf %add3A_2601, %mul3A_2636 : vector<16xf32>
        %mul3A_2638 = arith.mulf %bitcast3A_2627, %bitcast3A_2635 : vector<16xf32>
        %add3A_2639 = arith.addf %add3A_2603, %mul3A_2638 : vector<16xf32>
        %add3A_2640 = arith.constant 14336 : i32
        %add3A_2641 = vector.broadcast %add3A_2640 : i32 to vector<16xi32>
        %add3A_2642 = arith.addi %gather3A_2383, %add3A_2641 : vector<16xi32>
        %gather3A_2643 = tpu.vector_load_idx %arg6[%add3A_2642] : memref<65536xi32, #tpu.memory_space<vmem>>[vector<16xi32>], vector<16xi32>,
        %broadcast_in_dim3A_2644 = arith.constant 7 : i32
        %broadcast_in_dim3A_2645 = vector.broadcast %broadcast_in_dim3A_2644 : i32 to vector<16xi32>
        %lt3A_2646 = arith.constant 0 : i32
        %lt3A_2647 = vector.broadcast %lt3A_2646 : i32 to vector<16xi32>
        %lt3A_2648 = arith.cmpi slt, %broadcast_in_dim3A_2645, %lt3A_2647 : vector<16xi32>
        %add3A_2649 = arith.constant 16 : i32
        %add3A_2650 = vector.broadcast %add3A_2649 : i32 to vector<16xi32>
        %add3A_2651 = arith.addi %broadcast_in_dim3A_2645, %add3A_2650 : vector<16xi32>
        %select_n3A_2652 = arith.select %lt3A_2648, %add3A_2651, %broadcast_in_dim3A_2645 : vector<16xi1>, vector<16xi32>
        %broadcast_in_dim3A_2653 = vector.shape_cast %select_n3A_2652 : vector<16xi32> to vector<16x1xi32>
        %gather3A_2654 = vector.shape_cast %broadcast_in_dim3A_2653 : vector<16x1xi32> to vector<16xi32>
        %gather3A_2655 = tpu.dynamic_gather %gather3A[%gather3A_2654] in [0] : vector<16xi32>, vector<16xi32> -> vector<16xi32>
        %shift_left3A_2656 = arith.constant 16 : i32
        %shift_left3A_2657 = vector.broadcast %shift_left3A_2656 : i32 to vector<16xi32>
        %shift_left3A_2658 = arith.shli %gather3A_2643, %shift_left3A_2657 : vector<16xi32>
        %bitcast3A_2659 = vector.bitcast %shift_left3A_2658 : vector<16xi32> to vector<16xf32>
        %and3A_2660 = arith.constant -65536 : i32
        %and3A_2661 = vector.broadcast %and3A_2660 : i32 to vector<16xi32>
        %and3A_2662 = arith.andi %gather3A_2643, %and3A_2661 : vector<16xi32>
        %bitcast3A_2663 = vector.bitcast %and3A_2662 : vector<16xi32> to vector<16xf32>
        %shift_left3A_2664 = arith.constant 16 : i32
        %shift_left3A_2665 = vector.broadcast %shift_left3A_2664 : i32 to vector<16xi32>
        %shift_left3A_2666 = arith.shli %gather3A_2655, %shift_left3A_2665 : vector<16xi32>
        %bitcast3A_2667 = vector.bitcast %shift_left3A_2666 : vector<16xi32> to vector<16xf32>
        %and3A_2668 = arith.constant -65536 : i32
        %and3A_2669 = vector.broadcast %and3A_2668 : i32 to vector<16xi32>
        %and3A_2670 = arith.andi %gather3A_2655, %and3A_2669 : vector<16xi32>
        %bitcast3A_2671 = vector.bitcast %and3A_2670 : vector<16xi32> to vector<16xf32>
        %mul3A_2672 = arith.mulf %bitcast3A_2659, %bitcast3A_2667 : vector<16xf32>
        %add3A_2673 = arith.addf %add3A_2637, %mul3A_2672 : vector<16xf32>
        %mul3A_2674 = arith.mulf %bitcast3A_2663, %bitcast3A_2671 : vector<16xf32>
        %add3A_2675 = arith.addf %add3A_2639, %mul3A_2674 : vector<16xf32>
        %add3A_2676 = arith.constant 16384 : i32
        %add3A_2677 = vector.broadcast %add3A_2676 : i32 to vector<16xi32>
        %add3A_2678 = arith.addi %gather3A_2383, %add3A_2677 : vector<16xi32>
        %gather3A_2679 = tpu.vector_load_idx %arg6[%add3A_2678] : memref<65536xi32, #tpu.memory_space<vmem>>[vector<16xi32>], vector<16xi32>,
        %broadcast_in_dim3A_2680 = arith.constant 8 : i32
        %broadcast_in_dim3A_2681 = vector.broadcast %broadcast_in_dim3A_2680 : i32 to vector<16xi32>
        %lt3A_2682 = arith.constant 0 : i32
        %lt3A_2683 = vector.broadcast %lt3A_2682 : i32 to vector<16xi32>
        %lt3A_2684 = arith.cmpi slt, %broadcast_in_dim3A_2681, %lt3A_2683 : vector<16xi32>
        %add3A_2685 = arith.constant 16 : i32
        %add3A_2686 = vector.broadcast %add3A_2685 : i32 to vector<16xi32>
        %add3A_2687 = arith.addi %broadcast_in_dim3A_2681, %add3A_2686 : vector<16xi32>
        %select_n3A_2688 = arith.select %lt3A_2684, %add3A_2687, %broadcast_in_dim3A_2681 : vector<16xi1>, vector<16xi32>
        %broadcast_in_dim3A_2689 = vector.shape_cast %select_n3A_2688 : vector<16xi32> to vector<16x1xi32>
        %gather3A_2690 = vector.shape_cast %broadcast_in_dim3A_2689 : vector<16x1xi32> to vector<16xi32>
        %gather3A_2691 = tpu.dynamic_gather %gather3A[%gather3A_2690] in [0] : vector<16xi32>, vector<16xi32> -> vector<16xi32>
        %shift_left3A_2692 = arith.constant 16 : i32
        %shift_left3A_2693 = vector.broadcast %shift_left3A_2692 : i32 to vector<16xi32>
        %shift_left3A_2694 = arith.shli %gather3A_2679, %shift_left3A_2693 : vector<16xi32>
        %bitcast3A_2695 = vector.bitcast %shift_left3A_2694 : vector<16xi32> to vector<16xf32>
        %and3A_2696 = arith.constant -65536 : i32
        %and3A_2697 = vector.broadcast %and3A_2696 : i32 to vector<16xi32>
        %and3A_2698 = arith.andi %gather3A_2679, %and3A_2697 : vector<16xi32>
        %bitcast3A_2699 = vector.bitcast %and3A_2698 : vector<16xi32> to vector<16xf32>
        %shift_left3A_2700 = arith.constant 16 : i32
        %shift_left3A_2701 = vector.broadcast %shift_left3A_2700 : i32 to vector<16xi32>
        %shift_left3A_2702 = arith.shli %gather3A_2691, %shift_left3A_2701 : vector<16xi32>
        %bitcast3A_2703 = vector.bitcast %shift_left3A_2702 : vector<16xi32> to vector<16xf32>
        %and3A_2704 = arith.constant -65536 : i32
        %and3A_2705 = vector.broadcast %and3A_2704 : i32 to vector<16xi32>
        %and3A_2706 = arith.andi %gather3A_2691, %and3A_2705 : vector<16xi32>
        %bitcast3A_2707 = vector.bitcast %and3A_2706 : vector<16xi32> to vector<16xf32>
        %mul3A_2708 = arith.mulf %bitcast3A_2695, %bitcast3A_2703 : vector<16xf32>
        %add3A_2709 = arith.addf %add3A_2673, %mul3A_2708 : vector<16xf32>
        %mul3A_2710 = arith.mulf %bitcast3A_2699, %bitcast3A_2707 : vector<16xf32>
        %add3A_2711 = arith.addf %add3A_2675, %mul3A_2710 : vector<16xf32>
        %add3A_2712 = arith.constant 18432 : i32
        %add3A_2713 = vector.broadcast %add3A_2712 : i32 to vector<16xi32>
        %add3A_2714 = arith.addi %gather3A_2383, %add3A_2713 : vector<16xi32>
        %gather3A_2715 = tpu.vector_load_idx %arg6[%add3A_2714] : memref<65536xi32, #tpu.memory_space<vmem>>[vector<16xi32>], vector<16xi32>,
        %broadcast_in_dim3A_2716 = arith.constant 9 : i32
        %broadcast_in_dim3A_2717 = vector.broadcast %broadcast_in_dim3A_2716 : i32 to vector<16xi32>
        %lt3A_2718 = arith.constant 0 : i32
        %lt3A_2719 = vector.broadcast %lt3A_2718 : i32 to vector<16xi32>
        %lt3A_2720 = arith.cmpi slt, %broadcast_in_dim3A_2717, %lt3A_2719 : vector<16xi32>
        %add3A_2721 = arith.constant 16 : i32
        %add3A_2722 = vector.broadcast %add3A_2721 : i32 to vector<16xi32>
        %add3A_2723 = arith.addi %broadcast_in_dim3A_2717, %add3A_2722 : vector<16xi32>
        %select_n3A_2724 = arith.select %lt3A_2720, %add3A_2723, %broadcast_in_dim3A_2717 : vector<16xi1>, vector<16xi32>
        %broadcast_in_dim3A_2725 = vector.shape_cast %select_n3A_2724 : vector<16xi32> to vector<16x1xi32>
        %gather3A_2726 = vector.shape_cast %broadcast_in_dim3A_2725 : vector<16x1xi32> to vector<16xi32>
        %gather3A_2727 = tpu.dynamic_gather %gather3A[%gather3A_2726] in [0] : vector<16xi32>, vector<16xi32> -> vector<16xi32>
        %shift_left3A_2728 = arith.constant 16 : i32
        %shift_left3A_2729 = vector.broadcast %shift_left3A_2728 : i32 to vector<16xi32>
        %shift_left3A_2730 = arith.shli %gather3A_2715, %shift_left3A_2729 : vector<16xi32>
        %bitcast3A_2731 = vector.bitcast %shift_left3A_2730 : vector<16xi32> to vector<16xf32>
        %and3A_2732 = arith.constant -65536 : i32
        %and3A_2733 = vector.broadcast %and3A_2732 : i32 to vector<16xi32>
        %and3A_2734 = arith.andi %gather3A_2715, %and3A_2733 : vector<16xi32>
        %bitcast3A_2735 = vector.bitcast %and3A_2734 : vector<16xi32> to vector<16xf32>
        %shift_left3A_2736 = arith.constant 16 : i32
        %shift_left3A_2737 = vector.broadcast %shift_left3A_2736 : i32 to vector<16xi32>
        %shift_left3A_2738 = arith.shli %gather3A_2727, %shift_left3A_2737 : vector<16xi32>
        %bitcast3A_2739 = vector.bitcast %shift_left3A_2738 : vector<16xi32> to vector<16xf32>
        %and3A_2740 = arith.constant -65536 : i32
        %and3A_2741 = vector.broadcast %and3A_2740 : i32 to vector<16xi32>
        %and3A_2742 = arith.andi %gather3A_2727, %and3A_2741 : vector<16xi32>
        %bitcast3A_2743 = vector.bitcast %and3A_2742 : vector<16xi32> to vector<16xf32>
        %mul3A_2744 = arith.mulf %bitcast3A_2731, %bitcast3A_2739 : vector<16xf32>
        %add3A_2745 = arith.addf %add3A_2709, %mul3A_2744 : vector<16xf32>
        %mul3A_2746 = arith.mulf %bitcast3A_2735, %bitcast3A_2743 : vector<16xf32>
        %add3A_2747 = arith.addf %add3A_2711, %mul3A_2746 : vector<16xf32>
        %add3A_2748 = arith.constant 20480 : i32
        %add3A_2749 = vector.broadcast %add3A_2748 : i32 to vector<16xi32>
        %add3A_2750 = arith.addi %gather3A_2383, %add3A_2749 : vector<16xi32>
        %gather3A_2751 = tpu.vector_load_idx %arg6[%add3A_2750] : memref<65536xi32, #tpu.memory_space<vmem>>[vector<16xi32>], vector<16xi32>,
        %broadcast_in_dim3A_2752 = arith.constant 10 : i32
        %broadcast_in_dim3A_2753 = vector.broadcast %broadcast_in_dim3A_2752 : i32 to vector<16xi32>
        %lt3A_2754 = arith.constant 0 : i32
        %lt3A_2755 = vector.broadcast %lt3A_2754 : i32 to vector<16xi32>
        %lt3A_2756 = arith.cmpi slt, %broadcast_in_dim3A_2753, %lt3A_2755 : vector<16xi32>
        %add3A_2757 = arith.constant 16 : i32
        %add3A_2758 = vector.broadcast %add3A_2757 : i32 to vector<16xi32>
        %add3A_2759 = arith.addi %broadcast_in_dim3A_2753, %add3A_2758 : vector<16xi32>
        %select_n3A_2760 = arith.select %lt3A_2756, %add3A_2759, %broadcast_in_dim3A_2753 : vector<16xi1>, vector<16xi32>
        %broadcast_in_dim3A_2761 = vector.shape_cast %select_n3A_2760 : vector<16xi32> to vector<16x1xi32>
        %gather3A_2762 = vector.shape_cast %broadcast_in_dim3A_2761 : vector<16x1xi32> to vector<16xi32>
        %gather3A_2763 = tpu.dynamic_gather %gather3A[%gather3A_2762] in [0] : vector<16xi32>, vector<16xi32> -> vector<16xi32>
        %shift_left3A_2764 = arith.constant 16 : i32
        %shift_left3A_2765 = vector.broadcast %shift_left3A_2764 : i32 to vector<16xi32>
        %shift_left3A_2766 = arith.shli %gather3A_2751, %shift_left3A_2765 : vector<16xi32>
        %bitcast3A_2767 = vector.bitcast %shift_left3A_2766 : vector<16xi32> to vector<16xf32>
        %and3A_2768 = arith.constant -65536 : i32
        %and3A_2769 = vector.broadcast %and3A_2768 : i32 to vector<16xi32>
        %and3A_2770 = arith.andi %gather3A_2751, %and3A_2769 : vector<16xi32>
        %bitcast3A_2771 = vector.bitcast %and3A_2770 : vector<16xi32> to vector<16xf32>
        %shift_left3A_2772 = arith.constant 16 : i32
        %shift_left3A_2773 = vector.broadcast %shift_left3A_2772 : i32 to vector<16xi32>
        %shift_left3A_2774 = arith.shli %gather3A_2763, %shift_left3A_2773 : vector<16xi32>
        %bitcast3A_2775 = vector.bitcast %shift_left3A_2774 : vector<16xi32> to vector<16xf32>
        %and3A_2776 = arith.constant -65536 : i32
        %and3A_2777 = vector.broadcast %and3A_2776 : i32 to vector<16xi32>
        %and3A_2778 = arith.andi %gather3A_2763, %and3A_2777 : vector<16xi32>
        %bitcast3A_2779 = vector.bitcast %and3A_2778 : vector<16xi32> to vector<16xf32>
        %mul3A_2780 = arith.mulf %bitcast3A_2767, %bitcast3A_2775 : vector<16xf32>
        %add3A_2781 = arith.addf %add3A_2745, %mul3A_2780 : vector<16xf32>
        %mul3A_2782 = arith.mulf %bitcast3A_2771, %bitcast3A_2779 : vector<16xf32>
        %add3A_2783 = arith.addf %add3A_2747, %mul3A_2782 : vector<16xf32>
        %add3A_2784 = arith.constant 22528 : i32
        %add3A_2785 = vector.broadcast %add3A_2784 : i32 to vector<16xi32>
        %add3A_2786 = arith.addi %gather3A_2383, %add3A_2785 : vector<16xi32>
        %gather3A_2787 = tpu.vector_load_idx %arg6[%add3A_2786] : memref<65536xi32, #tpu.memory_space<vmem>>[vector<16xi32>], vector<16xi32>,
        %broadcast_in_dim3A_2788 = arith.constant 11 : i32
        %broadcast_in_dim3A_2789 = vector.broadcast %broadcast_in_dim3A_2788 : i32 to vector<16xi32>
        %lt3A_2790 = arith.constant 0 : i32
        %lt3A_2791 = vector.broadcast %lt3A_2790 : i32 to vector<16xi32>
        %lt3A_2792 = arith.cmpi slt, %broadcast_in_dim3A_2789, %lt3A_2791 : vector<16xi32>
        %add3A_2793 = arith.constant 16 : i32
        %add3A_2794 = vector.broadcast %add3A_2793 : i32 to vector<16xi32>
        %add3A_2795 = arith.addi %broadcast_in_dim3A_2789, %add3A_2794 : vector<16xi32>
        %select_n3A_2796 = arith.select %lt3A_2792, %add3A_2795, %broadcast_in_dim3A_2789 : vector<16xi1>, vector<16xi32>
        %broadcast_in_dim3A_2797 = vector.shape_cast %select_n3A_2796 : vector<16xi32> to vector<16x1xi32>
        %gather3A_2798 = vector.shape_cast %broadcast_in_dim3A_2797 : vector<16x1xi32> to vector<16xi32>
        %gather3A_2799 = tpu.dynamic_gather %gather3A[%gather3A_2798] in [0] : vector<16xi32>, vector<16xi32> -> vector<16xi32>
        %shift_left3A_2800 = arith.constant 16 : i32
        %shift_left3A_2801 = vector.broadcast %shift_left3A_2800 : i32 to vector<16xi32>
        %shift_left3A_2802 = arith.shli %gather3A_2787, %shift_left3A_2801 : vector<16xi32>
        %bitcast3A_2803 = vector.bitcast %shift_left3A_2802 : vector<16xi32> to vector<16xf32>
        %and3A_2804 = arith.constant -65536 : i32
        %and3A_2805 = vector.broadcast %and3A_2804 : i32 to vector<16xi32>
        %and3A_2806 = arith.andi %gather3A_2787, %and3A_2805 : vector<16xi32>
        %bitcast3A_2807 = vector.bitcast %and3A_2806 : vector<16xi32> to vector<16xf32>
        %shift_left3A_2808 = arith.constant 16 : i32
        %shift_left3A_2809 = vector.broadcast %shift_left3A_2808 : i32 to vector<16xi32>
        %shift_left3A_2810 = arith.shli %gather3A_2799, %shift_left3A_2809 : vector<16xi32>
        %bitcast3A_2811 = vector.bitcast %shift_left3A_2810 : vector<16xi32> to vector<16xf32>
        %and3A_2812 = arith.constant -65536 : i32
        %and3A_2813 = vector.broadcast %and3A_2812 : i32 to vector<16xi32>
        %and3A_2814 = arith.andi %gather3A_2799, %and3A_2813 : vector<16xi32>
        %bitcast3A_2815 = vector.bitcast %and3A_2814 : vector<16xi32> to vector<16xf32>
        %mul3A_2816 = arith.mulf %bitcast3A_2803, %bitcast3A_2811 : vector<16xf32>
        %add3A_2817 = arith.addf %add3A_2781, %mul3A_2816 : vector<16xf32>
        %mul3A_2818 = arith.mulf %bitcast3A_2807, %bitcast3A_2815 : vector<16xf32>
        %add3A_2819 = arith.addf %add3A_2783, %mul3A_2818 : vector<16xf32>
        %add3A_2820 = arith.constant 24576 : i32
        %add3A_2821 = vector.broadcast %add3A_2820 : i32 to vector<16xi32>
        %add3A_2822 = arith.addi %gather3A_2383, %add3A_2821 : vector<16xi32>
        %gather3A_2823 = tpu.vector_load_idx %arg6[%add3A_2822] : memref<65536xi32, #tpu.memory_space<vmem>>[vector<16xi32>], vector<16xi32>,
        %broadcast_in_dim3A_2824 = arith.constant 12 : i32
        %broadcast_in_dim3A_2825 = vector.broadcast %broadcast_in_dim3A_2824 : i32 to vector<16xi32>
        %lt3A_2826 = arith.constant 0 : i32
        %lt3A_2827 = vector.broadcast %lt3A_2826 : i32 to vector<16xi32>
        %lt3A_2828 = arith.cmpi slt, %broadcast_in_dim3A_2825, %lt3A_2827 : vector<16xi32>
        %add3A_2829 = arith.constant 16 : i32
        %add3A_2830 = vector.broadcast %add3A_2829 : i32 to vector<16xi32>
        %add3A_2831 = arith.addi %broadcast_in_dim3A_2825, %add3A_2830 : vector<16xi32>
        %select_n3A_2832 = arith.select %lt3A_2828, %add3A_2831, %broadcast_in_dim3A_2825 : vector<16xi1>, vector<16xi32>
        %broadcast_in_dim3A_2833 = vector.shape_cast %select_n3A_2832 : vector<16xi32> to vector<16x1xi32>
        %gather3A_2834 = vector.shape_cast %broadcast_in_dim3A_2833 : vector<16x1xi32> to vector<16xi32>
        %gather3A_2835 = tpu.dynamic_gather %gather3A[%gather3A_2834] in [0] : vector<16xi32>, vector<16xi32> -> vector<16xi32>
        %shift_left3A_2836 = arith.constant 16 : i32
        %shift_left3A_2837 = vector.broadcast %shift_left3A_2836 : i32 to vector<16xi32>
        %shift_left3A_2838 = arith.shli %gather3A_2823, %shift_left3A_2837 : vector<16xi32>
        %bitcast3A_2839 = vector.bitcast %shift_left3A_2838 : vector<16xi32> to vector<16xf32>
        %and3A_2840 = arith.constant -65536 : i32
        %and3A_2841 = vector.broadcast %and3A_2840 : i32 to vector<16xi32>
        %and3A_2842 = arith.andi %gather3A_2823, %and3A_2841 : vector<16xi32>
        %bitcast3A_2843 = vector.bitcast %and3A_2842 : vector<16xi32> to vector<16xf32>
        %shift_left3A_2844 = arith.constant 16 : i32
        %shift_left3A_2845 = vector.broadcast %shift_left3A_2844 : i32 to vector<16xi32>
        %shift_left3A_2846 = arith.shli %gather3A_2835, %shift_left3A_2845 : vector<16xi32>
        %bitcast3A_2847 = vector.bitcast %shift_left3A_2846 : vector<16xi32> to vector<16xf32>
        %and3A_2848 = arith.constant -65536 : i32
        %and3A_2849 = vector.broadcast %and3A_2848 : i32 to vector<16xi32>
        %and3A_2850 = arith.andi %gather3A_2835, %and3A_2849 : vector<16xi32>
        %bitcast3A_2851 = vector.bitcast %and3A_2850 : vector<16xi32> to vector<16xf32>
        %mul3A_2852 = arith.mulf %bitcast3A_2839, %bitcast3A_2847 : vector<16xf32>
        %add3A_2853 = arith.addf %add3A_2817, %mul3A_2852 : vector<16xf32>
        %mul3A_2854 = arith.mulf %bitcast3A_2843, %bitcast3A_2851 : vector<16xf32>
        %add3A_2855 = arith.addf %add3A_2819, %mul3A_2854 : vector<16xf32>
        %add3A_2856 = arith.constant 26624 : i32
        %add3A_2857 = vector.broadcast %add3A_2856 : i32 to vector<16xi32>
        %add3A_2858 = arith.addi %gather3A_2383, %add3A_2857 : vector<16xi32>
        %gather3A_2859 = tpu.vector_load_idx %arg6[%add3A_2858] : memref<65536xi32, #tpu.memory_space<vmem>>[vector<16xi32>], vector<16xi32>,
        %broadcast_in_dim3A_2860 = arith.constant 13 : i32
        %broadcast_in_dim3A_2861 = vector.broadcast %broadcast_in_dim3A_2860 : i32 to vector<16xi32>
        %lt3A_2862 = arith.constant 0 : i32
        %lt3A_2863 = vector.broadcast %lt3A_2862 : i32 to vector<16xi32>
        %lt3A_2864 = arith.cmpi slt, %broadcast_in_dim3A_2861, %lt3A_2863 : vector<16xi32>
        %add3A_2865 = arith.constant 16 : i32
        %add3A_2866 = vector.broadcast %add3A_2865 : i32 to vector<16xi32>
        %add3A_2867 = arith.addi %broadcast_in_dim3A_2861, %add3A_2866 : vector<16xi32>
        %select_n3A_2868 = arith.select %lt3A_2864, %add3A_2867, %broadcast_in_dim3A_2861 : vector<16xi1>, vector<16xi32>
        %broadcast_in_dim3A_2869 = vector.shape_cast %select_n3A_2868 : vector<16xi32> to vector<16x1xi32>
        %gather3A_2870 = vector.shape_cast %broadcast_in_dim3A_2869 : vector<16x1xi32> to vector<16xi32>
        %gather3A_2871 = tpu.dynamic_gather %gather3A[%gather3A_2870] in [0] : vector<16xi32>, vector<16xi32> -> vector<16xi32>
        %shift_left3A_2872 = arith.constant 16 : i32
        %shift_left3A_2873 = vector.broadcast %shift_left3A_2872 : i32 to vector<16xi32>
        %shift_left3A_2874 = arith.shli %gather3A_2859, %shift_left3A_2873 : vector<16xi32>
        %bitcast3A_2875 = vector.bitcast %shift_left3A_2874 : vector<16xi32> to vector<16xf32>
        %and3A_2876 = arith.constant -65536 : i32
        %and3A_2877 = vector.broadcast %and3A_2876 : i32 to vector<16xi32>
        %and3A_2878 = arith.andi %gather3A_2859, %and3A_2877 : vector<16xi32>
        %bitcast3A_2879 = vector.bitcast %and3A_2878 : vector<16xi32> to vector<16xf32>
        %shift_left3A_2880 = arith.constant 16 : i32
        %shift_left3A_2881 = vector.broadcast %shift_left3A_2880 : i32 to vector<16xi32>
        %shift_left3A_2882 = arith.shli %gather3A_2871, %shift_left3A_2881 : vector<16xi32>
        %bitcast3A_2883 = vector.bitcast %shift_left3A_2882 : vector<16xi32> to vector<16xf32>
        %and3A_2884 = arith.constant -65536 : i32
        %and3A_2885 = vector.broadcast %and3A_2884 : i32 to vector<16xi32>
        %and3A_2886 = arith.andi %gather3A_2871, %and3A_2885 : vector<16xi32>
        %bitcast3A_2887 = vector.bitcast %and3A_2886 : vector<16xi32> to vector<16xf32>
        %mul3A_2888 = arith.mulf %bitcast3A_2875, %bitcast3A_2883 : vector<16xf32>
        %add3A_2889 = arith.addf %add3A_2853, %mul3A_2888 : vector<16xf32>
        %mul3A_2890 = arith.mulf %bitcast3A_2879, %bitcast3A_2887 : vector<16xf32>
        %add3A_2891 = arith.addf %add3A_2855, %mul3A_2890 : vector<16xf32>
        %add3A_2892 = arith.constant 28672 : i32
        %add3A_2893 = vector.broadcast %add3A_2892 : i32 to vector<16xi32>
        %add3A_2894 = arith.addi %gather3A_2383, %add3A_2893 : vector<16xi32>
        %gather3A_2895 = tpu.vector_load_idx %arg6[%add3A_2894] : memref<65536xi32, #tpu.memory_space<vmem>>[vector<16xi32>], vector<16xi32>,
        %broadcast_in_dim3A_2896 = arith.constant 14 : i32
        %broadcast_in_dim3A_2897 = vector.broadcast %broadcast_in_dim3A_2896 : i32 to vector<16xi32>
        %lt3A_2898 = arith.constant 0 : i32
        %lt3A_2899 = vector.broadcast %lt3A_2898 : i32 to vector<16xi32>
        %lt3A_2900 = arith.cmpi slt, %broadcast_in_dim3A_2897, %lt3A_2899 : vector<16xi32>
        %add3A_2901 = arith.constant 16 : i32
        %add3A_2902 = vector.broadcast %add3A_2901 : i32 to vector<16xi32>
        %add3A_2903 = arith.addi %broadcast_in_dim3A_2897, %add3A_2902 : vector<16xi32>
        %select_n3A_2904 = arith.select %lt3A_2900, %add3A_2903, %broadcast_in_dim3A_2897 : vector<16xi1>, vector<16xi32>
        %broadcast_in_dim3A_2905 = vector.shape_cast %select_n3A_2904 : vector<16xi32> to vector<16x1xi32>
        %gather3A_2906 = vector.shape_cast %broadcast_in_dim3A_2905 : vector<16x1xi32> to vector<16xi32>
        %gather3A_2907 = tpu.dynamic_gather %gather3A[%gather3A_2906] in [0] : vector<16xi32>, vector<16xi32> -> vector<16xi32>
        %shift_left3A_2908 = arith.constant 16 : i32
        %shift_left3A_2909 = vector.broadcast %shift_left3A_2908 : i32 to vector<16xi32>
        %shift_left3A_2910 = arith.shli %gather3A_2895, %shift_left3A_2909 : vector<16xi32>
        %bitcast3A_2911 = vector.bitcast %shift_left3A_2910 : vector<16xi32> to vector<16xf32>
        %and3A_2912 = arith.constant -65536 : i32
        %and3A_2913 = vector.broadcast %and3A_2912 : i32 to vector<16xi32>
        %and3A_2914 = arith.andi %gather3A_2895, %and3A_2913 : vector<16xi32>
        %bitcast3A_2915 = vector.bitcast %and3A_2914 : vector<16xi32> to vector<16xf32>
        %shift_left3A_2916 = arith.constant 16 : i32
        %shift_left3A_2917 = vector.broadcast %shift_left3A_2916 : i32 to vector<16xi32>
        %shift_left3A_2918 = arith.shli %gather3A_2907, %shift_left3A_2917 : vector<16xi32>
        %bitcast3A_2919 = vector.bitcast %shift_left3A_2918 : vector<16xi32> to vector<16xf32>
        %and3A_2920 = arith.constant -65536 : i32
        %and3A_2921 = vector.broadcast %and3A_2920 : i32 to vector<16xi32>
        %and3A_2922 = arith.andi %gather3A_2907, %and3A_2921 : vector<16xi32>
        %bitcast3A_2923 = vector.bitcast %and3A_2922 : vector<16xi32> to vector<16xf32>
        %mul3A_2924 = arith.mulf %bitcast3A_2911, %bitcast3A_2919 : vector<16xf32>
        %add3A_2925 = arith.addf %add3A_2889, %mul3A_2924 : vector<16xf32>
        %mul3A_2926 = arith.mulf %bitcast3A_2915, %bitcast3A_2923 : vector<16xf32>
        %add3A_2927 = arith.addf %add3A_2891, %mul3A_2926 : vector<16xf32>
        %add3A_2928 = arith.constant 30720 : i32
        %add3A_2929 = vector.broadcast %add3A_2928 : i32 to vector<16xi32>
        %add3A_2930 = arith.addi %gather3A_2383, %add3A_2929 : vector<16xi32>
        %gather3A_2931 = tpu.vector_load_idx %arg6[%add3A_2930] : memref<65536xi32, #tpu.memory_space<vmem>>[vector<16xi32>], vector<16xi32>,
        %broadcast_in_dim3A_2932 = arith.constant 15 : i32
        %broadcast_in_dim3A_2933 = vector.broadcast %broadcast_in_dim3A_2932 : i32 to vector<16xi32>
        %lt3A_2934 = arith.constant 0 : i32
        %lt3A_2935 = vector.broadcast %lt3A_2934 : i32 to vector<16xi32>
        %lt3A_2936 = arith.cmpi slt, %broadcast_in_dim3A_2933, %lt3A_2935 : vector<16xi32>
        %add3A_2937 = arith.constant 16 : i32
        %add3A_2938 = vector.broadcast %add3A_2937 : i32 to vector<16xi32>
        %add3A_2939 = arith.addi %broadcast_in_dim3A_2933, %add3A_2938 : vector<16xi32>
        %select_n3A_2940 = arith.select %lt3A_2936, %add3A_2939, %broadcast_in_dim3A_2933 : vector<16xi1>, vector<16xi32>
        %broadcast_in_dim3A_2941 = vector.shape_cast %select_n3A_2940 : vector<16xi32> to vector<16x1xi32>
        %gather3A_2942 = vector.shape_cast %broadcast_in_dim3A_2941 : vector<16x1xi32> to vector<16xi32>
        %gather3A_2943 = tpu.dynamic_gather %gather3A[%gather3A_2942] in [0] : vector<16xi32>, vector<16xi32> -> vector<16xi32>
        %shift_left3A_2944 = arith.constant 16 : i32
        %shift_left3A_2945 = vector.broadcast %shift_left3A_2944 : i32 to vector<16xi32>
        %shift_left3A_2946 = arith.shli %gather3A_2931, %shift_left3A_2945 : vector<16xi32>
        %bitcast3A_2947 = vector.bitcast %shift_left3A_2946 : vector<16xi32> to vector<16xf32>
        %and3A_2948 = arith.constant -65536 : i32
        %and3A_2949 = vector.broadcast %and3A_2948 : i32 to vector<16xi32>
        %and3A_2950 = arith.andi %gather3A_2931, %and3A_2949 : vector<16xi32>
        %bitcast3A_2951 = vector.bitcast %and3A_2950 : vector<16xi32> to vector<16xf32>
        %shift_left3A_2952 = arith.constant 16 : i32
        %shift_left3A_2953 = vector.broadcast %shift_left3A_2952 : i32 to vector<16xi32>
        %shift_left3A_2954 = arith.shli %gather3A_2943, %shift_left3A_2953 : vector<16xi32>
        %bitcast3A_2955 = vector.bitcast %shift_left3A_2954 : vector<16xi32> to vector<16xf32>
        %and3A_2956 = arith.constant -65536 : i32
        %and3A_2957 = vector.broadcast %and3A_2956 : i32 to vector<16xi32>
        %and3A_2958 = arith.andi %gather3A_2943, %and3A_2957 : vector<16xi32>
        %bitcast3A_2959 = vector.bitcast %and3A_2958 : vector<16xi32> to vector<16xf32>
        %mul3A_2960 = arith.mulf %bitcast3A_2947, %bitcast3A_2955 : vector<16xf32>
        %add3A_2961 = arith.addf %add3A_2925, %mul3A_2960 : vector<16xf32>
        %mul3A_2962 = arith.mulf %bitcast3A_2951, %bitcast3A_2959 : vector<16xf32>
        %add3A_2963 = arith.addf %add3A_2927, %mul3A_2962 : vector<16xf32>
        %add3A_2964 = arith.constant 32768 : i32
        %add3A_2965 = vector.broadcast %add3A_2964 : i32 to vector<16xi32>
        %add3A_2966 = arith.addi %gather3A_2383, %add3A_2965 : vector<16xi32>
        %gather3A_2967 = tpu.vector_load_idx %arg6[%add3A_2966] : memref<65536xi32, #tpu.memory_space<vmem>>[vector<16xi32>], vector<16xi32>,
        %broadcast_in_dim3A_2968 = arith.constant 0 : i32
        %broadcast_in_dim3A_2969 = vector.broadcast %broadcast_in_dim3A_2968 : i32 to vector<16xi32>
        %lt3A_2970 = arith.constant 0 : i32
        %lt3A_2971 = vector.broadcast %lt3A_2970 : i32 to vector<16xi32>
        %lt3A_2972 = arith.cmpi slt, %broadcast_in_dim3A_2969, %lt3A_2971 : vector<16xi32>
        %add3A_2973 = arith.constant 16 : i32
        %add3A_2974 = vector.broadcast %add3A_2973 : i32 to vector<16xi32>
        %add3A_2975 = arith.addi %broadcast_in_dim3A_2969, %add3A_2974 : vector<16xi32>
        %select_n3A_2976 = arith.select %lt3A_2972, %add3A_2975, %broadcast_in_dim3A_2969 : vector<16xi1>, vector<16xi32>
        %broadcast_in_dim3A_2977 = vector.shape_cast %select_n3A_2976 : vector<16xi32> to vector<16x1xi32>
        %gather3A_2978 = vector.shape_cast %broadcast_in_dim3A_2977 : vector<16x1xi32> to vector<16xi32>
        %gather3A_2979 = tpu.dynamic_gather %gather3A_42[%gather3A_2978] in [0] : vector<16xi32>, vector<16xi32> -> vector<16xi32>
        %shift_left3A_2980 = arith.constant 16 : i32
        %shift_left3A_2981 = vector.broadcast %shift_left3A_2980 : i32 to vector<16xi32>
        %shift_left3A_2982 = arith.shli %gather3A_2967, %shift_left3A_2981 : vector<16xi32>
        %bitcast3A_2983 = vector.bitcast %shift_left3A_2982 : vector<16xi32> to vector<16xf32>
        %and3A_2984 = arith.constant -65536 : i32
        %and3A_2985 = vector.broadcast %and3A_2984 : i32 to vector<16xi32>
        %and3A_2986 = arith.andi %gather3A_2967, %and3A_2985 : vector<16xi32>
        %bitcast3A_2987 = vector.bitcast %and3A_2986 : vector<16xi32> to vector<16xf32>
        %shift_left3A_2988 = arith.constant 16 : i32
        %shift_left3A_2989 = vector.broadcast %shift_left3A_2988 : i32 to vector<16xi32>
        %shift_left3A_2990 = arith.shli %gather3A_2979, %shift_left3A_2989 : vector<16xi32>
        %bitcast3A_2991 = vector.bitcast %shift_left3A_2990 : vector<16xi32> to vector<16xf32>
        %and3A_2992 = arith.constant -65536 : i32
        %and3A_2993 = vector.broadcast %and3A_2992 : i32 to vector<16xi32>
        %and3A_2994 = arith.andi %gather3A_2979, %and3A_2993 : vector<16xi32>
        %bitcast3A_2995 = vector.bitcast %and3A_2994 : vector<16xi32> to vector<16xf32>
        %mul3A_2996 = arith.mulf %bitcast3A_2983, %bitcast3A_2991 : vector<16xf32>
        %add3A_2997 = arith.addf %add3A_2961, %mul3A_2996 : vector<16xf32>
        %mul3A_2998 = arith.mulf %bitcast3A_2987, %bitcast3A_2995 : vector<16xf32>
        %add3A_2999 = arith.addf %add3A_2963, %mul3A_2998 : vector<16xf32>
        %add3A_3000 = arith.constant 34816 : i32
        %add3A_3001 = vector.broadcast %add3A_3000 : i32 to vector<16xi32>
        %add3A_3002 = arith.addi %gather3A_2383, %add3A_3001 : vector<16xi32>
        %gather3A_3003 = tpu.vector_load_idx %arg6[%add3A_3002] : memref<65536xi32, #tpu.memory_space<vmem>>[vector<16xi32>], vector<16xi32>,
        %broadcast_in_dim3A_3004 = arith.constant 1 : i32
        %broadcast_in_dim3A_3005 = vector.broadcast %broadcast_in_dim3A_3004 : i32 to vector<16xi32>
        %lt3A_3006 = arith.constant 0 : i32
        %lt3A_3007 = vector.broadcast %lt3A_3006 : i32 to vector<16xi32>
        %lt3A_3008 = arith.cmpi slt, %broadcast_in_dim3A_3005, %lt3A_3007 : vector<16xi32>
        %add3A_3009 = arith.constant 16 : i32
        %add3A_3010 = vector.broadcast %add3A_3009 : i32 to vector<16xi32>
        %add3A_3011 = arith.addi %broadcast_in_dim3A_3005, %add3A_3010 : vector<16xi32>
        %select_n3A_3012 = arith.select %lt3A_3008, %add3A_3011, %broadcast_in_dim3A_3005 : vector<16xi1>, vector<16xi32>
        %broadcast_in_dim3A_3013 = vector.shape_cast %select_n3A_3012 : vector<16xi32> to vector<16x1xi32>
        %gather3A_3014 = vector.shape_cast %broadcast_in_dim3A_3013 : vector<16x1xi32> to vector<16xi32>
        %gather3A_3015 = tpu.dynamic_gather %gather3A_42[%gather3A_3014] in [0] : vector<16xi32>, vector<16xi32> -> vector<16xi32>
        %shift_left3A_3016 = arith.constant 16 : i32
        %shift_left3A_3017 = vector.broadcast %shift_left3A_3016 : i32 to vector<16xi32>
        %shift_left3A_3018 = arith.shli %gather3A_3003, %shift_left3A_3017 : vector<16xi32>
        %bitcast3A_3019 = vector.bitcast %shift_left3A_3018 : vector<16xi32> to vector<16xf32>
        %and3A_3020 = arith.constant -65536 : i32
        %and3A_3021 = vector.broadcast %and3A_3020 : i32 to vector<16xi32>
        %and3A_3022 = arith.andi %gather3A_3003, %and3A_3021 : vector<16xi32>
        %bitcast3A_3023 = vector.bitcast %and3A_3022 : vector<16xi32> to vector<16xf32>
        %shift_left3A_3024 = arith.constant 16 : i32
        %shift_left3A_3025 = vector.broadcast %shift_left3A_3024 : i32 to vector<16xi32>
        %shift_left3A_3026 = arith.shli %gather3A_3015, %shift_left3A_3025 : vector<16xi32>
        %bitcast3A_3027 = vector.bitcast %shift_left3A_3026 : vector<16xi32> to vector<16xf32>
        %and3A_3028 = arith.constant -65536 : i32
        %and3A_3029 = vector.broadcast %and3A_3028 : i32 to vector<16xi32>
        %and3A_3030 = arith.andi %gather3A_3015, %and3A_3029 : vector<16xi32>
        %bitcast3A_3031 = vector.bitcast %and3A_3030 : vector<16xi32> to vector<16xf32>
        %mul3A_3032 = arith.mulf %bitcast3A_3019, %bitcast3A_3027 : vector<16xf32>
        %add3A_3033 = arith.addf %add3A_2997, %mul3A_3032 : vector<16xf32>
        %mul3A_3034 = arith.mulf %bitcast3A_3023, %bitcast3A_3031 : vector<16xf32>
        %add3A_3035 = arith.addf %add3A_2999, %mul3A_3034 : vector<16xf32>
        %add3A_3036 = arith.constant 36864 : i32
        %add3A_3037 = vector.broadcast %add3A_3036 : i32 to vector<16xi32>
        %add3A_3038 = arith.addi %gather3A_2383, %add3A_3037 : vector<16xi32>
        %gather3A_3039 = tpu.vector_load_idx %arg6[%add3A_3038] : memref<65536xi32, #tpu.memory_space<vmem>>[vector<16xi32>], vector<16xi32>,
        %broadcast_in_dim3A_3040 = arith.constant 2 : i32
        %broadcast_in_dim3A_3041 = vector.broadcast %broadcast_in_dim3A_3040 : i32 to vector<16xi32>
        %lt3A_3042 = arith.constant 0 : i32
        %lt3A_3043 = vector.broadcast %lt3A_3042 : i32 to vector<16xi32>
        %lt3A_3044 = arith.cmpi slt, %broadcast_in_dim3A_3041, %lt3A_3043 : vector<16xi32>
        %add3A_3045 = arith.constant 16 : i32
        %add3A_3046 = vector.broadcast %add3A_3045 : i32 to vector<16xi32>
        %add3A_3047 = arith.addi %broadcast_in_dim3A_3041, %add3A_3046 : vector<16xi32>
        %select_n3A_3048 = arith.select %lt3A_3044, %add3A_3047, %broadcast_in_dim3A_3041 : vector<16xi1>, vector<16xi32>
        %broadcast_in_dim3A_3049 = vector.shape_cast %select_n3A_3048 : vector<16xi32> to vector<16x1xi32>
        %gather3A_3050 = vector.shape_cast %broadcast_in_dim3A_3049 : vector<16x1xi32> to vector<16xi32>
        %gather3A_3051 = tpu.dynamic_gather %gather3A_42[%gather3A_3050] in [0] : vector<16xi32>, vector<16xi32> -> vector<16xi32>
        %shift_left3A_3052 = arith.constant 16 : i32
        %shift_left3A_3053 = vector.broadcast %shift_left3A_3052 : i32 to vector<16xi32>
        %shift_left3A_3054 = arith.shli %gather3A_3039, %shift_left3A_3053 : vector<16xi32>
        %bitcast3A_3055 = vector.bitcast %shift_left3A_3054 : vector<16xi32> to vector<16xf32>
        %and3A_3056 = arith.constant -65536 : i32
        %and3A_3057 = vector.broadcast %and3A_3056 : i32 to vector<16xi32>
        %and3A_3058 = arith.andi %gather3A_3039, %and3A_3057 : vector<16xi32>
        %bitcast3A_3059 = vector.bitcast %and3A_3058 : vector<16xi32> to vector<16xf32>
        %shift_left3A_3060 = arith.constant 16 : i32
        %shift_left3A_3061 = vector.broadcast %shift_left3A_3060 : i32 to vector<16xi32>
        %shift_left3A_3062 = arith.shli %gather3A_3051, %shift_left3A_3061 : vector<16xi32>
        %bitcast3A_3063 = vector.bitcast %shift_left3A_3062 : vector<16xi32> to vector<16xf32>
        %and3A_3064 = arith.constant -65536 : i32
        %and3A_3065 = vector.broadcast %and3A_3064 : i32 to vector<16xi32>
        %and3A_3066 = arith.andi %gather3A_3051, %and3A_3065 : vector<16xi32>
        %bitcast3A_3067 = vector.bitcast %and3A_3066 : vector<16xi32> to vector<16xf32>
        %mul3A_3068 = arith.mulf %bitcast3A_3055, %bitcast3A_3063 : vector<16xf32>
        %add3A_3069 = arith.addf %add3A_3033, %mul3A_3068 : vector<16xf32>
        %mul3A_3070 = arith.mulf %bitcast3A_3059, %bitcast3A_3067 : vector<16xf32>
        %add3A_3071 = arith.addf %add3A_3035, %mul3A_3070 : vector<16xf32>
        %add3A_3072 = arith.constant 38912 : i32
        %add3A_3073 = vector.broadcast %add3A_3072 : i32 to vector<16xi32>
        %add3A_3074 = arith.addi %gather3A_2383, %add3A_3073 : vector<16xi32>
        %gather3A_3075 = tpu.vector_load_idx %arg6[%add3A_3074] : memref<65536xi32, #tpu.memory_space<vmem>>[vector<16xi32>], vector<16xi32>,
        %broadcast_in_dim3A_3076 = arith.constant 3 : i32
        %broadcast_in_dim3A_3077 = vector.broadcast %broadcast_in_dim3A_3076 : i32 to vector<16xi32>
        %lt3A_3078 = arith.constant 0 : i32
        %lt3A_3079 = vector.broadcast %lt3A_3078 : i32 to vector<16xi32>
        %lt3A_3080 = arith.cmpi slt, %broadcast_in_dim3A_3077, %lt3A_3079 : vector<16xi32>
        %add3A_3081 = arith.constant 16 : i32
        %add3A_3082 = vector.broadcast %add3A_3081 : i32 to vector<16xi32>
        %add3A_3083 = arith.addi %broadcast_in_dim3A_3077, %add3A_3082 : vector<16xi32>
        %select_n3A_3084 = arith.select %lt3A_3080, %add3A_3083, %broadcast_in_dim3A_3077 : vector<16xi1>, vector<16xi32>
        %broadcast_in_dim3A_3085 = vector.shape_cast %select_n3A_3084 : vector<16xi32> to vector<16x1xi32>
        %gather3A_3086 = vector.shape_cast %broadcast_in_dim3A_3085 : vector<16x1xi32> to vector<16xi32>
        %gather3A_3087 = tpu.dynamic_gather %gather3A_42[%gather3A_3086] in [0] : vector<16xi32>, vector<16xi32> -> vector<16xi32>
        %shift_left3A_3088 = arith.constant 16 : i32
        %shift_left3A_3089 = vector.broadcast %shift_left3A_3088 : i32 to vector<16xi32>
        %shift_left3A_3090 = arith.shli %gather3A_3075, %shift_left3A_3089 : vector<16xi32>
        %bitcast3A_3091 = vector.bitcast %shift_left3A_3090 : vector<16xi32> to vector<16xf32>
        %and3A_3092 = arith.constant -65536 : i32
        %and3A_3093 = vector.broadcast %and3A_3092 : i32 to vector<16xi32>
        %and3A_3094 = arith.andi %gather3A_3075, %and3A_3093 : vector<16xi32>
        %bitcast3A_3095 = vector.bitcast %and3A_3094 : vector<16xi32> to vector<16xf32>
        %shift_left3A_3096 = arith.constant 16 : i32
        %shift_left3A_3097 = vector.broadcast %shift_left3A_3096 : i32 to vector<16xi32>
        %shift_left3A_3098 = arith.shli %gather3A_3087, %shift_left3A_3097 : vector<16xi32>
        %bitcast3A_3099 = vector.bitcast %shift_left3A_3098 : vector<16xi32> to vector<16xf32>
        %and3A_3100 = arith.constant -65536 : i32
        %and3A_3101 = vector.broadcast %and3A_3100 : i32 to vector<16xi32>
        %and3A_3102 = arith.andi %gather3A_3087, %and3A_3101 : vector<16xi32>
        %bitcast3A_3103 = vector.bitcast %and3A_3102 : vector<16xi32> to vector<16xf32>
        %mul3A_3104 = arith.mulf %bitcast3A_3091, %bitcast3A_3099 : vector<16xf32>
        %add3A_3105 = arith.addf %add3A_3069, %mul3A_3104 : vector<16xf32>
        %mul3A_3106 = arith.mulf %bitcast3A_3095, %bitcast3A_3103 : vector<16xf32>
        %add3A_3107 = arith.addf %add3A_3071, %mul3A_3106 : vector<16xf32>
        %add3A_3108 = arith.constant 40960 : i32
        %add3A_3109 = vector.broadcast %add3A_3108 : i32 to vector<16xi32>
        %add3A_3110 = arith.addi %gather3A_2383, %add3A_3109 : vector<16xi32>
        %gather3A_3111 = tpu.vector_load_idx %arg6[%add3A_3110] : memref<65536xi32, #tpu.memory_space<vmem>>[vector<16xi32>], vector<16xi32>,
        %broadcast_in_dim3A_3112 = arith.constant 4 : i32
        %broadcast_in_dim3A_3113 = vector.broadcast %broadcast_in_dim3A_3112 : i32 to vector<16xi32>
        %lt3A_3114 = arith.constant 0 : i32
        %lt3A_3115 = vector.broadcast %lt3A_3114 : i32 to vector<16xi32>
        %lt3A_3116 = arith.cmpi slt, %broadcast_in_dim3A_3113, %lt3A_3115 : vector<16xi32>
        %add3A_3117 = arith.constant 16 : i32
        %add3A_3118 = vector.broadcast %add3A_3117 : i32 to vector<16xi32>
        %add3A_3119 = arith.addi %broadcast_in_dim3A_3113, %add3A_3118 : vector<16xi32>
        %select_n3A_3120 = arith.select %lt3A_3116, %add3A_3119, %broadcast_in_dim3A_3113 : vector<16xi1>, vector<16xi32>
        %broadcast_in_dim3A_3121 = vector.shape_cast %select_n3A_3120 : vector<16xi32> to vector<16x1xi32>
        %gather3A_3122 = vector.shape_cast %broadcast_in_dim3A_3121 : vector<16x1xi32> to vector<16xi32>
        %gather3A_3123 = tpu.dynamic_gather %gather3A_42[%gather3A_3122] in [0] : vector<16xi32>, vector<16xi32> -> vector<16xi32>
        %shift_left3A_3124 = arith.constant 16 : i32
        %shift_left3A_3125 = vector.broadcast %shift_left3A_3124 : i32 to vector<16xi32>
        %shift_left3A_3126 = arith.shli %gather3A_3111, %shift_left3A_3125 : vector<16xi32>
        %bitcast3A_3127 = vector.bitcast %shift_left3A_3126 : vector<16xi32> to vector<16xf32>
        %and3A_3128 = arith.constant -65536 : i32
        %and3A_3129 = vector.broadcast %and3A_3128 : i32 to vector<16xi32>
        %and3A_3130 = arith.andi %gather3A_3111, %and3A_3129 : vector<16xi32>
        %bitcast3A_3131 = vector.bitcast %and3A_3130 : vector<16xi32> to vector<16xf32>
        %shift_left3A_3132 = arith.constant 16 : i32
        %shift_left3A_3133 = vector.broadcast %shift_left3A_3132 : i32 to vector<16xi32>
        %shift_left3A_3134 = arith.shli %gather3A_3123, %shift_left3A_3133 : vector<16xi32>
        %bitcast3A_3135 = vector.bitcast %shift_left3A_3134 : vector<16xi32> to vector<16xf32>
        %and3A_3136 = arith.constant -65536 : i32
        %and3A_3137 = vector.broadcast %and3A_3136 : i32 to vector<16xi32>
        %and3A_3138 = arith.andi %gather3A_3123, %and3A_3137 : vector<16xi32>
        %bitcast3A_3139 = vector.bitcast %and3A_3138 : vector<16xi32> to vector<16xf32>
        %mul3A_3140 = arith.mulf %bitcast3A_3127, %bitcast3A_3135 : vector<16xf32>
        %add3A_3141 = arith.addf %add3A_3105, %mul3A_3140 : vector<16xf32>
        %mul3A_3142 = arith.mulf %bitcast3A_3131, %bitcast3A_3139 : vector<16xf32>
        %add3A_3143 = arith.addf %add3A_3107, %mul3A_3142 : vector<16xf32>
        %add3A_3144 = arith.constant 43008 : i32
        %add3A_3145 = vector.broadcast %add3A_3144 : i32 to vector<16xi32>
        %add3A_3146 = arith.addi %gather3A_2383, %add3A_3145 : vector<16xi32>
        %gather3A_3147 = tpu.vector_load_idx %arg6[%add3A_3146] : memref<65536xi32, #tpu.memory_space<vmem>>[vector<16xi32>], vector<16xi32>,
        %broadcast_in_dim3A_3148 = arith.constant 5 : i32
        %broadcast_in_dim3A_3149 = vector.broadcast %broadcast_in_dim3A_3148 : i32 to vector<16xi32>
        %lt3A_3150 = arith.constant 0 : i32
        %lt3A_3151 = vector.broadcast %lt3A_3150 : i32 to vector<16xi32>
        %lt3A_3152 = arith.cmpi slt, %broadcast_in_dim3A_3149, %lt3A_3151 : vector<16xi32>
        %add3A_3153 = arith.constant 16 : i32
        %add3A_3154 = vector.broadcast %add3A_3153 : i32 to vector<16xi32>
        %add3A_3155 = arith.addi %broadcast_in_dim3A_3149, %add3A_3154 : vector<16xi32>
        %select_n3A_3156 = arith.select %lt3A_3152, %add3A_3155, %broadcast_in_dim3A_3149 : vector<16xi1>, vector<16xi32>
        %broadcast_in_dim3A_3157 = vector.shape_cast %select_n3A_3156 : vector<16xi32> to vector<16x1xi32>
        %gather3A_3158 = vector.shape_cast %broadcast_in_dim3A_3157 : vector<16x1xi32> to vector<16xi32>
        %gather3A_3159 = tpu.dynamic_gather %gather3A_42[%gather3A_3158] in [0] : vector<16xi32>, vector<16xi32> -> vector<16xi32>
        %shift_left3A_3160 = arith.constant 16 : i32
        %shift_left3A_3161 = vector.broadcast %shift_left3A_3160 : i32 to vector<16xi32>
        %shift_left3A_3162 = arith.shli %gather3A_3147, %shift_left3A_3161 : vector<16xi32>
        %bitcast3A_3163 = vector.bitcast %shift_left3A_3162 : vector<16xi32> to vector<16xf32>
        %and3A_3164 = arith.constant -65536 : i32
        %and3A_3165 = vector.broadcast %and3A_3164 : i32 to vector<16xi32>
        %and3A_3166 = arith.andi %gather3A_3147, %and3A_3165 : vector<16xi32>
        %bitcast3A_3167 = vector.bitcast %and3A_3166 : vector<16xi32> to vector<16xf32>
        %shift_left3A_3168 = arith.constant 16 : i32
        %shift_left3A_3169 = vector.broadcast %shift_left3A_3168 : i32 to vector<16xi32>
        %shift_left3A_3170 = arith.shli %gather3A_3159, %shift_left3A_3169 : vector<16xi32>
        %bitcast3A_3171 = vector.bitcast %shift_left3A_3170 : vector<16xi32> to vector<16xf32>
        %and3A_3172 = arith.constant -65536 : i32
        %and3A_3173 = vector.broadcast %and3A_3172 : i32 to vector<16xi32>
        %and3A_3174 = arith.andi %gather3A_3159, %and3A_3173 : vector<16xi32>
        %bitcast3A_3175 = vector.bitcast %and3A_3174 : vector<16xi32> to vector<16xf32>
        %mul3A_3176 = arith.mulf %bitcast3A_3163, %bitcast3A_3171 : vector<16xf32>
        %add3A_3177 = arith.addf %add3A_3141, %mul3A_3176 : vector<16xf32>
        %mul3A_3178 = arith.mulf %bitcast3A_3167, %bitcast3A_3175 : vector<16xf32>
        %add3A_3179 = arith.addf %add3A_3143, %mul3A_3178 : vector<16xf32>
        %add3A_3180 = arith.constant 45056 : i32
        %add3A_3181 = vector.broadcast %add3A_3180 : i32 to vector<16xi32>
        %add3A_3182 = arith.addi %gather3A_2383, %add3A_3181 : vector<16xi32>
        %gather3A_3183 = tpu.vector_load_idx %arg6[%add3A_3182] : memref<65536xi32, #tpu.memory_space<vmem>>[vector<16xi32>], vector<16xi32>,
        %broadcast_in_dim3A_3184 = arith.constant 6 : i32
        %broadcast_in_dim3A_3185 = vector.broadcast %broadcast_in_dim3A_3184 : i32 to vector<16xi32>
        %lt3A_3186 = arith.constant 0 : i32
        %lt3A_3187 = vector.broadcast %lt3A_3186 : i32 to vector<16xi32>
        %lt3A_3188 = arith.cmpi slt, %broadcast_in_dim3A_3185, %lt3A_3187 : vector<16xi32>
        %add3A_3189 = arith.constant 16 : i32
        %add3A_3190 = vector.broadcast %add3A_3189 : i32 to vector<16xi32>
        %add3A_3191 = arith.addi %broadcast_in_dim3A_3185, %add3A_3190 : vector<16xi32>
        %select_n3A_3192 = arith.select %lt3A_3188, %add3A_3191, %broadcast_in_dim3A_3185 : vector<16xi1>, vector<16xi32>
        %broadcast_in_dim3A_3193 = vector.shape_cast %select_n3A_3192 : vector<16xi32> to vector<16x1xi32>
        %gather3A_3194 = vector.shape_cast %broadcast_in_dim3A_3193 : vector<16x1xi32> to vector<16xi32>
        %gather3A_3195 = tpu.dynamic_gather %gather3A_42[%gather3A_3194] in [0] : vector<16xi32>, vector<16xi32> -> vector<16xi32>
        %shift_left3A_3196 = arith.constant 16 : i32
        %shift_left3A_3197 = vector.broadcast %shift_left3A_3196 : i32 to vector<16xi32>
        %shift_left3A_3198 = arith.shli %gather3A_3183, %shift_left3A_3197 : vector<16xi32>
        %bitcast3A_3199 = vector.bitcast %shift_left3A_3198 : vector<16xi32> to vector<16xf32>
        %and3A_3200 = arith.constant -65536 : i32
        %and3A_3201 = vector.broadcast %and3A_3200 : i32 to vector<16xi32>
        %and3A_3202 = arith.andi %gather3A_3183, %and3A_3201 : vector<16xi32>
        %bitcast3A_3203 = vector.bitcast %and3A_3202 : vector<16xi32> to vector<16xf32>
        %shift_left3A_3204 = arith.constant 16 : i32
        %shift_left3A_3205 = vector.broadcast %shift_left3A_3204 : i32 to vector<16xi32>
        %shift_left3A_3206 = arith.shli %gather3A_3195, %shift_left3A_3205 : vector<16xi32>
        %bitcast3A_3207 = vector.bitcast %shift_left3A_3206 : vector<16xi32> to vector<16xf32>
        %and3A_3208 = arith.constant -65536 : i32
        %and3A_3209 = vector.broadcast %and3A_3208 : i32 to vector<16xi32>
        %and3A_3210 = arith.andi %gather3A_3195, %and3A_3209 : vector<16xi32>
        %bitcast3A_3211 = vector.bitcast %and3A_3210 : vector<16xi32> to vector<16xf32>
        %mul3A_3212 = arith.mulf %bitcast3A_3199, %bitcast3A_3207 : vector<16xf32>
        %add3A_3213 = arith.addf %add3A_3177, %mul3A_3212 : vector<16xf32>
        %mul3A_3214 = arith.mulf %bitcast3A_3203, %bitcast3A_3211 : vector<16xf32>
        %add3A_3215 = arith.addf %add3A_3179, %mul3A_3214 : vector<16xf32>
        %add3A_3216 = arith.constant 47104 : i32
        %add3A_3217 = vector.broadcast %add3A_3216 : i32 to vector<16xi32>
        %add3A_3218 = arith.addi %gather3A_2383, %add3A_3217 : vector<16xi32>
        %gather3A_3219 = tpu.vector_load_idx %arg6[%add3A_3218] : memref<65536xi32, #tpu.memory_space<vmem>>[vector<16xi32>], vector<16xi32>,
        %broadcast_in_dim3A_3220 = arith.constant 7 : i32
        %broadcast_in_dim3A_3221 = vector.broadcast %broadcast_in_dim3A_3220 : i32 to vector<16xi32>
        %lt3A_3222 = arith.constant 0 : i32
        %lt3A_3223 = vector.broadcast %lt3A_3222 : i32 to vector<16xi32>
        %lt3A_3224 = arith.cmpi slt, %broadcast_in_dim3A_3221, %lt3A_3223 : vector<16xi32>
        %add3A_3225 = arith.constant 16 : i32
        %add3A_3226 = vector.broadcast %add3A_3225 : i32 to vector<16xi32>
        %add3A_3227 = arith.addi %broadcast_in_dim3A_3221, %add3A_3226 : vector<16xi32>
        %select_n3A_3228 = arith.select %lt3A_3224, %add3A_3227, %broadcast_in_dim3A_3221 : vector<16xi1>, vector<16xi32>
        %broadcast_in_dim3A_3229 = vector.shape_cast %select_n3A_3228 : vector<16xi32> to vector<16x1xi32>
        %gather3A_3230 = vector.shape_cast %broadcast_in_dim3A_3229 : vector<16x1xi32> to vector<16xi32>
        %gather3A_3231 = tpu.dynamic_gather %gather3A_42[%gather3A_3230] in [0] : vector<16xi32>, vector<16xi32> -> vector<16xi32>
        %shift_left3A_3232 = arith.constant 16 : i32
        %shift_left3A_3233 = vector.broadcast %shift_left3A_3232 : i32 to vector<16xi32>
        %shift_left3A_3234 = arith.shli %gather3A_3219, %shift_left3A_3233 : vector<16xi32>
        %bitcast3A_3235 = vector.bitcast %shift_left3A_3234 : vector<16xi32> to vector<16xf32>
        %and3A_3236 = arith.constant -65536 : i32
        %and3A_3237 = vector.broadcast %and3A_3236 : i32 to vector<16xi32>
        %and3A_3238 = arith.andi %gather3A_3219, %and3A_3237 : vector<16xi32>
        %bitcast3A_3239 = vector.bitcast %and3A_3238 : vector<16xi32> to vector<16xf32>
        %shift_left3A_3240 = arith.constant 16 : i32
        %shift_left3A_3241 = vector.broadcast %shift_left3A_3240 : i32 to vector<16xi32>
        %shift_left3A_3242 = arith.shli %gather3A_3231, %shift_left3A_3241 : vector<16xi32>
        %bitcast3A_3243 = vector.bitcast %shift_left3A_3242 : vector<16xi32> to vector<16xf32>
        %and3A_3244 = arith.constant -65536 : i32
        %and3A_3245 = vector.broadcast %and3A_3244 : i32 to vector<16xi32>
        %and3A_3246 = arith.andi %gather3A_3231, %and3A_3245 : vector<16xi32>
        %bitcast3A_3247 = vector.bitcast %and3A_3246 : vector<16xi32> to vector<16xf32>
        %mul3A_3248 = arith.mulf %bitcast3A_3235, %bitcast3A_3243 : vector<16xf32>
        %add3A_3249 = arith.addf %add3A_3213, %mul3A_3248 : vector<16xf32>
        %mul3A_3250 = arith.mulf %bitcast3A_3239, %bitcast3A_3247 : vector<16xf32>
        %add3A_3251 = arith.addf %add3A_3215, %mul3A_3250 : vector<16xf32>
        %add3A_3252 = arith.constant 49152 : i32
        %add3A_3253 = vector.broadcast %add3A_3252 : i32 to vector<16xi32>
        %add3A_3254 = arith.addi %gather3A_2383, %add3A_3253 : vector<16xi32>
        %gather3A_3255 = tpu.vector_load_idx %arg6[%add3A_3254] : memref<65536xi32, #tpu.memory_space<vmem>>[vector<16xi32>], vector<16xi32>,
        %broadcast_in_dim3A_3256 = arith.constant 8 : i32
        %broadcast_in_dim3A_3257 = vector.broadcast %broadcast_in_dim3A_3256 : i32 to vector<16xi32>
        %lt3A_3258 = arith.constant 0 : i32
        %lt3A_3259 = vector.broadcast %lt3A_3258 : i32 to vector<16xi32>
        %lt3A_3260 = arith.cmpi slt, %broadcast_in_dim3A_3257, %lt3A_3259 : vector<16xi32>
        %add3A_3261 = arith.constant 16 : i32
        %add3A_3262 = vector.broadcast %add3A_3261 : i32 to vector<16xi32>
        %add3A_3263 = arith.addi %broadcast_in_dim3A_3257, %add3A_3262 : vector<16xi32>
        %select_n3A_3264 = arith.select %lt3A_3260, %add3A_3263, %broadcast_in_dim3A_3257 : vector<16xi1>, vector<16xi32>
        %broadcast_in_dim3A_3265 = vector.shape_cast %select_n3A_3264 : vector<16xi32> to vector<16x1xi32>
        %gather3A_3266 = vector.shape_cast %broadcast_in_dim3A_3265 : vector<16x1xi32> to vector<16xi32>
        %gather3A_3267 = tpu.dynamic_gather %gather3A_42[%gather3A_3266] in [0] : vector<16xi32>, vector<16xi32> -> vector<16xi32>
        %shift_left3A_3268 = arith.constant 16 : i32
        %shift_left3A_3269 = vector.broadcast %shift_left3A_3268 : i32 to vector<16xi32>
        %shift_left3A_3270 = arith.shli %gather3A_3255, %shift_left3A_3269 : vector<16xi32>
        %bitcast3A_3271 = vector.bitcast %shift_left3A_3270 : vector<16xi32> to vector<16xf32>
        %and3A_3272 = arith.constant -65536 : i32
        %and3A_3273 = vector.broadcast %and3A_3272 : i32 to vector<16xi32>
        %and3A_3274 = arith.andi %gather3A_3255, %and3A_3273 : vector<16xi32>
        %bitcast3A_3275 = vector.bitcast %and3A_3274 : vector<16xi32> to vector<16xf32>
        %shift_left3A_3276 = arith.constant 16 : i32
        %shift_left3A_3277 = vector.broadcast %shift_left3A_3276 : i32 to vector<16xi32>
        %shift_left3A_3278 = arith.shli %gather3A_3267, %shift_left3A_3277 : vector<16xi32>
        %bitcast3A_3279 = vector.bitcast %shift_left3A_3278 : vector<16xi32> to vector<16xf32>
        %and3A_3280 = arith.constant -65536 : i32
        %and3A_3281 = vector.broadcast %and3A_3280 : i32 to vector<16xi32>
        %and3A_3282 = arith.andi %gather3A_3267, %and3A_3281 : vector<16xi32>
        %bitcast3A_3283 = vector.bitcast %and3A_3282 : vector<16xi32> to vector<16xf32>
        %mul3A_3284 = arith.mulf %bitcast3A_3271, %bitcast3A_3279 : vector<16xf32>
        %add3A_3285 = arith.addf %add3A_3249, %mul3A_3284 : vector<16xf32>
        %mul3A_3286 = arith.mulf %bitcast3A_3275, %bitcast3A_3283 : vector<16xf32>
        %add3A_3287 = arith.addf %add3A_3251, %mul3A_3286 : vector<16xf32>
        %add3A_3288 = arith.constant 51200 : i32
        %add3A_3289 = vector.broadcast %add3A_3288 : i32 to vector<16xi32>
        %add3A_3290 = arith.addi %gather3A_2383, %add3A_3289 : vector<16xi32>
        %gather3A_3291 = tpu.vector_load_idx %arg6[%add3A_3290] : memref<65536xi32, #tpu.memory_space<vmem>>[vector<16xi32>], vector<16xi32>,
        %broadcast_in_dim3A_3292 = arith.constant 9 : i32
        %broadcast_in_dim3A_3293 = vector.broadcast %broadcast_in_dim3A_3292 : i32 to vector<16xi32>
        %lt3A_3294 = arith.constant 0 : i32
        %lt3A_3295 = vector.broadcast %lt3A_3294 : i32 to vector<16xi32>
        %lt3A_3296 = arith.cmpi slt, %broadcast_in_dim3A_3293, %lt3A_3295 : vector<16xi32>
        %add3A_3297 = arith.constant 16 : i32
        %add3A_3298 = vector.broadcast %add3A_3297 : i32 to vector<16xi32>
        %add3A_3299 = arith.addi %broadcast_in_dim3A_3293, %add3A_3298 : vector<16xi32>
        %select_n3A_3300 = arith.select %lt3A_3296, %add3A_3299, %broadcast_in_dim3A_3293 : vector<16xi1>, vector<16xi32>
        %broadcast_in_dim3A_3301 = vector.shape_cast %select_n3A_3300 : vector<16xi32> to vector<16x1xi32>
        %gather3A_3302 = vector.shape_cast %broadcast_in_dim3A_3301 : vector<16x1xi32> to vector<16xi32>
        %gather3A_3303 = tpu.dynamic_gather %gather3A_42[%gather3A_3302] in [0] : vector<16xi32>, vector<16xi32> -> vector<16xi32>
        %shift_left3A_3304 = arith.constant 16 : i32
        %shift_left3A_3305 = vector.broadcast %shift_left3A_3304 : i32 to vector<16xi32>
        %shift_left3A_3306 = arith.shli %gather3A_3291, %shift_left3A_3305 : vector<16xi32>
        %bitcast3A_3307 = vector.bitcast %shift_left3A_3306 : vector<16xi32> to vector<16xf32>
        %and3A_3308 = arith.constant -65536 : i32
        %and3A_3309 = vector.broadcast %and3A_3308 : i32 to vector<16xi32>
        %and3A_3310 = arith.andi %gather3A_3291, %and3A_3309 : vector<16xi32>
        %bitcast3A_3311 = vector.bitcast %and3A_3310 : vector<16xi32> to vector<16xf32>
        %shift_left3A_3312 = arith.constant 16 : i32
        %shift_left3A_3313 = vector.broadcast %shift_left3A_3312 : i32 to vector<16xi32>
        %shift_left3A_3314 = arith.shli %gather3A_3303, %shift_left3A_3313 : vector<16xi32>
        %bitcast3A_3315 = vector.bitcast %shift_left3A_3314 : vector<16xi32> to vector<16xf32>
        %and3A_3316 = arith.constant -65536 : i32
        %and3A_3317 = vector.broadcast %and3A_3316 : i32 to vector<16xi32>
        %and3A_3318 = arith.andi %gather3A_3303, %and3A_3317 : vector<16xi32>
        %bitcast3A_3319 = vector.bitcast %and3A_3318 : vector<16xi32> to vector<16xf32>
        %mul3A_3320 = arith.mulf %bitcast3A_3307, %bitcast3A_3315 : vector<16xf32>
        %add3A_3321 = arith.addf %add3A_3285, %mul3A_3320 : vector<16xf32>
        %mul3A_3322 = arith.mulf %bitcast3A_3311, %bitcast3A_3319 : vector<16xf32>
        %add3A_3323 = arith.addf %add3A_3287, %mul3A_3322 : vector<16xf32>
        %add3A_3324 = arith.constant 53248 : i32
        %add3A_3325 = vector.broadcast %add3A_3324 : i32 to vector<16xi32>
        %add3A_3326 = arith.addi %gather3A_2383, %add3A_3325 : vector<16xi32>
        %gather3A_3327 = tpu.vector_load_idx %arg6[%add3A_3326] : memref<65536xi32, #tpu.memory_space<vmem>>[vector<16xi32>], vector<16xi32>,
        %broadcast_in_dim3A_3328 = arith.constant 10 : i32
        %broadcast_in_dim3A_3329 = vector.broadcast %broadcast_in_dim3A_3328 : i32 to vector<16xi32>
        %lt3A_3330 = arith.constant 0 : i32
        %lt3A_3331 = vector.broadcast %lt3A_3330 : i32 to vector<16xi32>
        %lt3A_3332 = arith.cmpi slt, %broadcast_in_dim3A_3329, %lt3A_3331 : vector<16xi32>
        %add3A_3333 = arith.constant 16 : i32
        %add3A_3334 = vector.broadcast %add3A_3333 : i32 to vector<16xi32>
        %add3A_3335 = arith.addi %broadcast_in_dim3A_3329, %add3A_3334 : vector<16xi32>
        %select_n3A_3336 = arith.select %lt3A_3332, %add3A_3335, %broadcast_in_dim3A_3329 : vector<16xi1>, vector<16xi32>
        %broadcast_in_dim3A_3337 = vector.shape_cast %select_n3A_3336 : vector<16xi32> to vector<16x1xi32>
        %gather3A_3338 = vector.shape_cast %broadcast_in_dim3A_3337 : vector<16x1xi32> to vector<16xi32>
        %gather3A_3339 = tpu.dynamic_gather %gather3A_42[%gather3A_3338] in [0] : vector<16xi32>, vector<16xi32> -> vector<16xi32>
        %shift_left3A_3340 = arith.constant 16 : i32
        %shift_left3A_3341 = vector.broadcast %shift_left3A_3340 : i32 to vector<16xi32>
        %shift_left3A_3342 = arith.shli %gather3A_3327, %shift_left3A_3341 : vector<16xi32>
        %bitcast3A_3343 = vector.bitcast %shift_left3A_3342 : vector<16xi32> to vector<16xf32>
        %and3A_3344 = arith.constant -65536 : i32
        %and3A_3345 = vector.broadcast %and3A_3344 : i32 to vector<16xi32>
        %and3A_3346 = arith.andi %gather3A_3327, %and3A_3345 : vector<16xi32>
        %bitcast3A_3347 = vector.bitcast %and3A_3346 : vector<16xi32> to vector<16xf32>
        %shift_left3A_3348 = arith.constant 16 : i32
        %shift_left3A_3349 = vector.broadcast %shift_left3A_3348 : i32 to vector<16xi32>
        %shift_left3A_3350 = arith.shli %gather3A_3339, %shift_left3A_3349 : vector<16xi32>
        %bitcast3A_3351 = vector.bitcast %shift_left3A_3350 : vector<16xi32> to vector<16xf32>
        %and3A_3352 = arith.constant -65536 : i32
        %and3A_3353 = vector.broadcast %and3A_3352 : i32 to vector<16xi32>
        %and3A_3354 = arith.andi %gather3A_3339, %and3A_3353 : vector<16xi32>
        %bitcast3A_3355 = vector.bitcast %and3A_3354 : vector<16xi32> to vector<16xf32>
        %mul3A_3356 = arith.mulf %bitcast3A_3343, %bitcast3A_3351 : vector<16xf32>
        %add3A_3357 = arith.addf %add3A_3321, %mul3A_3356 : vector<16xf32>
        %mul3A_3358 = arith.mulf %bitcast3A_3347, %bitcast3A_3355 : vector<16xf32>
        %add3A_3359 = arith.addf %add3A_3323, %mul3A_3358 : vector<16xf32>
        %add3A_3360 = arith.constant 55296 : i32
        %add3A_3361 = vector.broadcast %add3A_3360 : i32 to vector<16xi32>
        %add3A_3362 = arith.addi %gather3A_2383, %add3A_3361 : vector<16xi32>
        %gather3A_3363 = tpu.vector_load_idx %arg6[%add3A_3362] : memref<65536xi32, #tpu.memory_space<vmem>>[vector<16xi32>], vector<16xi32>,
        %broadcast_in_dim3A_3364 = arith.constant 11 : i32
        %broadcast_in_dim3A_3365 = vector.broadcast %broadcast_in_dim3A_3364 : i32 to vector<16xi32>
        %lt3A_3366 = arith.constant 0 : i32
        %lt3A_3367 = vector.broadcast %lt3A_3366 : i32 to vector<16xi32>
        %lt3A_3368 = arith.cmpi slt, %broadcast_in_dim3A_3365, %lt3A_3367 : vector<16xi32>
        %add3A_3369 = arith.constant 16 : i32
        %add3A_3370 = vector.broadcast %add3A_3369 : i32 to vector<16xi32>
        %add3A_3371 = arith.addi %broadcast_in_dim3A_3365, %add3A_3370 : vector<16xi32>
        %select_n3A_3372 = arith.select %lt3A_3368, %add3A_3371, %broadcast_in_dim3A_3365 : vector<16xi1>, vector<16xi32>
        %broadcast_in_dim3A_3373 = vector.shape_cast %select_n3A_3372 : vector<16xi32> to vector<16x1xi32>
        %gather3A_3374 = vector.shape_cast %broadcast_in_dim3A_3373 : vector<16x1xi32> to vector<16xi32>
        %gather3A_3375 = tpu.dynamic_gather %gather3A_42[%gather3A_3374] in [0] : vector<16xi32>, vector<16xi32> -> vector<16xi32>
        %shift_left3A_3376 = arith.constant 16 : i32
        %shift_left3A_3377 = vector.broadcast %shift_left3A_3376 : i32 to vector<16xi32>
        %shift_left3A_3378 = arith.shli %gather3A_3363, %shift_left3A_3377 : vector<16xi32>
        %bitcast3A_3379 = vector.bitcast %shift_left3A_3378 : vector<16xi32> to vector<16xf32>
        %and3A_3380 = arith.constant -65536 : i32
        %and3A_3381 = vector.broadcast %and3A_3380 : i32 to vector<16xi32>
        %and3A_3382 = arith.andi %gather3A_3363, %and3A_3381 : vector<16xi32>
        %bitcast3A_3383 = vector.bitcast %and3A_3382 : vector<16xi32> to vector<16xf32>
        %shift_left3A_3384 = arith.constant 16 : i32
        %shift_left3A_3385 = vector.broadcast %shift_left3A_3384 : i32 to vector<16xi32>
        %shift_left3A_3386 = arith.shli %gather3A_3375, %shift_left3A_3385 : vector<16xi32>
        %bitcast3A_3387 = vector.bitcast %shift_left3A_3386 : vector<16xi32> to vector<16xf32>
        %and3A_3388 = arith.constant -65536 : i32
        %and3A_3389 = vector.broadcast %and3A_3388 : i32 to vector<16xi32>
        %and3A_3390 = arith.andi %gather3A_3375, %and3A_3389 : vector<16xi32>
        %bitcast3A_3391 = vector.bitcast %and3A_3390 : vector<16xi32> to vector<16xf32>
        %mul3A_3392 = arith.mulf %bitcast3A_3379, %bitcast3A_3387 : vector<16xf32>
        %add3A_3393 = arith.addf %add3A_3357, %mul3A_3392 : vector<16xf32>
        %mul3A_3394 = arith.mulf %bitcast3A_3383, %bitcast3A_3391 : vector<16xf32>
        %add3A_3395 = arith.addf %add3A_3359, %mul3A_3394 : vector<16xf32>
        %add3A_3396 = arith.constant 57344 : i32
        %add3A_3397 = vector.broadcast %add3A_3396 : i32 to vector<16xi32>
        %add3A_3398 = arith.addi %gather3A_2383, %add3A_3397 : vector<16xi32>
        %gather3A_3399 = tpu.vector_load_idx %arg6[%add3A_3398] : memref<65536xi32, #tpu.memory_space<vmem>>[vector<16xi32>], vector<16xi32>,
        %broadcast_in_dim3A_3400 = arith.constant 12 : i32
        %broadcast_in_dim3A_3401 = vector.broadcast %broadcast_in_dim3A_3400 : i32 to vector<16xi32>
        %lt3A_3402 = arith.constant 0 : i32
        %lt3A_3403 = vector.broadcast %lt3A_3402 : i32 to vector<16xi32>
        %lt3A_3404 = arith.cmpi slt, %broadcast_in_dim3A_3401, %lt3A_3403 : vector<16xi32>
        %add3A_3405 = arith.constant 16 : i32
        %add3A_3406 = vector.broadcast %add3A_3405 : i32 to vector<16xi32>
        %add3A_3407 = arith.addi %broadcast_in_dim3A_3401, %add3A_3406 : vector<16xi32>
        %select_n3A_3408 = arith.select %lt3A_3404, %add3A_3407, %broadcast_in_dim3A_3401 : vector<16xi1>, vector<16xi32>
        %broadcast_in_dim3A_3409 = vector.shape_cast %select_n3A_3408 : vector<16xi32> to vector<16x1xi32>
        %gather3A_3410 = vector.shape_cast %broadcast_in_dim3A_3409 : vector<16x1xi32> to vector<16xi32>
        %gather3A_3411 = tpu.dynamic_gather %gather3A_42[%gather3A_3410] in [0] : vector<16xi32>, vector<16xi32> -> vector<16xi32>
        %shift_left3A_3412 = arith.constant 16 : i32
        %shift_left3A_3413 = vector.broadcast %shift_left3A_3412 : i32 to vector<16xi32>
        %shift_left3A_3414 = arith.shli %gather3A_3399, %shift_left3A_3413 : vector<16xi32>
        %bitcast3A_3415 = vector.bitcast %shift_left3A_3414 : vector<16xi32> to vector<16xf32>
        %and3A_3416 = arith.constant -65536 : i32
        %and3A_3417 = vector.broadcast %and3A_3416 : i32 to vector<16xi32>
        %and3A_3418 = arith.andi %gather3A_3399, %and3A_3417 : vector<16xi32>
        %bitcast3A_3419 = vector.bitcast %and3A_3418 : vector<16xi32> to vector<16xf32>
        %shift_left3A_3420 = arith.constant 16 : i32
        %shift_left3A_3421 = vector.broadcast %shift_left3A_3420 : i32 to vector<16xi32>
        %shift_left3A_3422 = arith.shli %gather3A_3411, %shift_left3A_3421 : vector<16xi32>
        %bitcast3A_3423 = vector.bitcast %shift_left3A_3422 : vector<16xi32> to vector<16xf32>
        %and3A_3424 = arith.constant -65536 : i32
        %and3A_3425 = vector.broadcast %and3A_3424 : i32 to vector<16xi32>
        %and3A_3426 = arith.andi %gather3A_3411, %and3A_3425 : vector<16xi32>
        %bitcast3A_3427 = vector.bitcast %and3A_3426 : vector<16xi32> to vector<16xf32>
        %mul3A_3428 = arith.mulf %bitcast3A_3415, %bitcast3A_3423 : vector<16xf32>
        %add3A_3429 = arith.addf %add3A_3393, %mul3A_3428 : vector<16xf32>
        %mul3A_3430 = arith.mulf %bitcast3A_3419, %bitcast3A_3427 : vector<16xf32>
        %add3A_3431 = arith.addf %add3A_3395, %mul3A_3430 : vector<16xf32>
        %add3A_3432 = arith.constant 59392 : i32
        %add3A_3433 = vector.broadcast %add3A_3432 : i32 to vector<16xi32>
        %add3A_3434 = arith.addi %gather3A_2383, %add3A_3433 : vector<16xi32>
        %gather3A_3435 = tpu.vector_load_idx %arg6[%add3A_3434] : memref<65536xi32, #tpu.memory_space<vmem>>[vector<16xi32>], vector<16xi32>,
        %broadcast_in_dim3A_3436 = arith.constant 13 : i32
        %broadcast_in_dim3A_3437 = vector.broadcast %broadcast_in_dim3A_3436 : i32 to vector<16xi32>
        %lt3A_3438 = arith.constant 0 : i32
        %lt3A_3439 = vector.broadcast %lt3A_3438 : i32 to vector<16xi32>
        %lt3A_3440 = arith.cmpi slt, %broadcast_in_dim3A_3437, %lt3A_3439 : vector<16xi32>
        %add3A_3441 = arith.constant 16 : i32
        %add3A_3442 = vector.broadcast %add3A_3441 : i32 to vector<16xi32>
        %add3A_3443 = arith.addi %broadcast_in_dim3A_3437, %add3A_3442 : vector<16xi32>
        %select_n3A_3444 = arith.select %lt3A_3440, %add3A_3443, %broadcast_in_dim3A_3437 : vector<16xi1>, vector<16xi32>
        %broadcast_in_dim3A_3445 = vector.shape_cast %select_n3A_3444 : vector<16xi32> to vector<16x1xi32>
        %gather3A_3446 = vector.shape_cast %broadcast_in_dim3A_3445 : vector<16x1xi32> to vector<16xi32>
        %gather3A_3447 = tpu.dynamic_gather %gather3A_42[%gather3A_3446] in [0] : vector<16xi32>, vector<16xi32> -> vector<16xi32>
        %shift_left3A_3448 = arith.constant 16 : i32
        %shift_left3A_3449 = vector.broadcast %shift_left3A_3448 : i32 to vector<16xi32>
        %shift_left3A_3450 = arith.shli %gather3A_3435, %shift_left3A_3449 : vector<16xi32>
        %bitcast3A_3451 = vector.bitcast %shift_left3A_3450 : vector<16xi32> to vector<16xf32>
        %and3A_3452 = arith.constant -65536 : i32
        %and3A_3453 = vector.broadcast %and3A_3452 : i32 to vector<16xi32>
        %and3A_3454 = arith.andi %gather3A_3435, %and3A_3453 : vector<16xi32>
        %bitcast3A_3455 = vector.bitcast %and3A_3454 : vector<16xi32> to vector<16xf32>
        %shift_left3A_3456 = arith.constant 16 : i32
        %shift_left3A_3457 = vector.broadcast %shift_left3A_3456 : i32 to vector<16xi32>
        %shift_left3A_3458 = arith.shli %gather3A_3447, %shift_left3A_3457 : vector<16xi32>
        %bitcast3A_3459 = vector.bitcast %shift_left3A_3458 : vector<16xi32> to vector<16xf32>
        %and3A_3460 = arith.constant -65536 : i32
        %and3A_3461 = vector.broadcast %and3A_3460 : i32 to vector<16xi32>
        %and3A_3462 = arith.andi %gather3A_3447, %and3A_3461 : vector<16xi32>
        %bitcast3A_3463 = vector.bitcast %and3A_3462 : vector<16xi32> to vector<16xf32>
        %mul3A_3464 = arith.mulf %bitcast3A_3451, %bitcast3A_3459 : vector<16xf32>
        %add3A_3465 = arith.addf %add3A_3429, %mul3A_3464 : vector<16xf32>
        %mul3A_3466 = arith.mulf %bitcast3A_3455, %bitcast3A_3463 : vector<16xf32>
        %add3A_3467 = arith.addf %add3A_3431, %mul3A_3466 : vector<16xf32>
        %add3A_3468 = arith.constant 61440 : i32
        %add3A_3469 = vector.broadcast %add3A_3468 : i32 to vector<16xi32>
        %add3A_3470 = arith.addi %gather3A_2383, %add3A_3469 : vector<16xi32>
        %gather3A_3471 = tpu.vector_load_idx %arg6[%add3A_3470] : memref<65536xi32, #tpu.memory_space<vmem>>[vector<16xi32>], vector<16xi32>,
        %broadcast_in_dim3A_3472 = arith.constant 14 : i32
        %broadcast_in_dim3A_3473 = vector.broadcast %broadcast_in_dim3A_3472 : i32 to vector<16xi32>
        %lt3A_3474 = arith.constant 0 : i32
        %lt3A_3475 = vector.broadcast %lt3A_3474 : i32 to vector<16xi32>
        %lt3A_3476 = arith.cmpi slt, %broadcast_in_dim3A_3473, %lt3A_3475 : vector<16xi32>
        %add3A_3477 = arith.constant 16 : i32
        %add3A_3478 = vector.broadcast %add3A_3477 : i32 to vector<16xi32>
        %add3A_3479 = arith.addi %broadcast_in_dim3A_3473, %add3A_3478 : vector<16xi32>
        %select_n3A_3480 = arith.select %lt3A_3476, %add3A_3479, %broadcast_in_dim3A_3473 : vector<16xi1>, vector<16xi32>
        %broadcast_in_dim3A_3481 = vector.shape_cast %select_n3A_3480 : vector<16xi32> to vector<16x1xi32>
        %gather3A_3482 = vector.shape_cast %broadcast_in_dim3A_3481 : vector<16x1xi32> to vector<16xi32>
        %gather3A_3483 = tpu.dynamic_gather %gather3A_42[%gather3A_3482] in [0] : vector<16xi32>, vector<16xi32> -> vector<16xi32>
        %shift_left3A_3484 = arith.constant 16 : i32
        %shift_left3A_3485 = vector.broadcast %shift_left3A_3484 : i32 to vector<16xi32>
        %shift_left3A_3486 = arith.shli %gather3A_3471, %shift_left3A_3485 : vector<16xi32>
        %bitcast3A_3487 = vector.bitcast %shift_left3A_3486 : vector<16xi32> to vector<16xf32>
        %and3A_3488 = arith.constant -65536 : i32
        %and3A_3489 = vector.broadcast %and3A_3488 : i32 to vector<16xi32>
        %and3A_3490 = arith.andi %gather3A_3471, %and3A_3489 : vector<16xi32>
        %bitcast3A_3491 = vector.bitcast %and3A_3490 : vector<16xi32> to vector<16xf32>
        %shift_left3A_3492 = arith.constant 16 : i32
        %shift_left3A_3493 = vector.broadcast %shift_left3A_3492 : i32 to vector<16xi32>
        %shift_left3A_3494 = arith.shli %gather3A_3483, %shift_left3A_3493 : vector<16xi32>
        %bitcast3A_3495 = vector.bitcast %shift_left3A_3494 : vector<16xi32> to vector<16xf32>
        %and3A_3496 = arith.constant -65536 : i32
        %and3A_3497 = vector.broadcast %and3A_3496 : i32 to vector<16xi32>
        %and3A_3498 = arith.andi %gather3A_3483, %and3A_3497 : vector<16xi32>
        %bitcast3A_3499 = vector.bitcast %and3A_3498 : vector<16xi32> to vector<16xf32>
        %mul3A_3500 = arith.mulf %bitcast3A_3487, %bitcast3A_3495 : vector<16xf32>
        %add3A_3501 = arith.addf %add3A_3465, %mul3A_3500 : vector<16xf32>
        %mul3A_3502 = arith.mulf %bitcast3A_3491, %bitcast3A_3499 : vector<16xf32>
        %add3A_3503 = arith.addf %add3A_3467, %mul3A_3502 : vector<16xf32>
        %add3A_3504 = arith.constant 63488 : i32
        %add3A_3505 = vector.broadcast %add3A_3504 : i32 to vector<16xi32>
        %add3A_3506 = arith.addi %gather3A_2383, %add3A_3505 : vector<16xi32>
        %gather3A_3507 = tpu.vector_load_idx %arg6[%add3A_3506] : memref<65536xi32, #tpu.memory_space<vmem>>[vector<16xi32>], vector<16xi32>,
        %broadcast_in_dim3A_3508 = arith.constant 15 : i32
        %broadcast_in_dim3A_3509 = vector.broadcast %broadcast_in_dim3A_3508 : i32 to vector<16xi32>
        %lt3A_3510 = arith.constant 0 : i32
        %lt3A_3511 = vector.broadcast %lt3A_3510 : i32 to vector<16xi32>
        %lt3A_3512 = arith.cmpi slt, %broadcast_in_dim3A_3509, %lt3A_3511 : vector<16xi32>
        %add3A_3513 = arith.constant 16 : i32
        %add3A_3514 = vector.broadcast %add3A_3513 : i32 to vector<16xi32>
        %add3A_3515 = arith.addi %broadcast_in_dim3A_3509, %add3A_3514 : vector<16xi32>
        %select_n3A_3516 = arith.select %lt3A_3512, %add3A_3515, %broadcast_in_dim3A_3509 : vector<16xi1>, vector<16xi32>
        %broadcast_in_dim3A_3517 = vector.shape_cast %select_n3A_3516 : vector<16xi32> to vector<16x1xi32>
        %gather3A_3518 = vector.shape_cast %broadcast_in_dim3A_3517 : vector<16x1xi32> to vector<16xi32>
        %gather3A_3519 = tpu.dynamic_gather %gather3A_42[%gather3A_3518] in [0] : vector<16xi32>, vector<16xi32> -> vector<16xi32>
        %shift_left3A_3520 = arith.constant 16 : i32
        %shift_left3A_3521 = vector.broadcast %shift_left3A_3520 : i32 to vector<16xi32>
        %shift_left3A_3522 = arith.shli %gather3A_3507, %shift_left3A_3521 : vector<16xi32>
        %bitcast3A_3523 = vector.bitcast %shift_left3A_3522 : vector<16xi32> to vector<16xf32>
        %and3A_3524 = arith.constant -65536 : i32
        %and3A_3525 = vector.broadcast %and3A_3524 : i32 to vector<16xi32>
        %and3A_3526 = arith.andi %gather3A_3507, %and3A_3525 : vector<16xi32>
        %bitcast3A_3527 = vector.bitcast %and3A_3526 : vector<16xi32> to vector<16xf32>
        %shift_left3A_3528 = arith.constant 16 : i32
        %shift_left3A_3529 = vector.broadcast %shift_left3A_3528 : i32 to vector<16xi32>
        %shift_left3A_3530 = arith.shli %gather3A_3519, %shift_left3A_3529 : vector<16xi32>
        %bitcast3A_3531 = vector.bitcast %shift_left3A_3530 : vector<16xi32> to vector<16xf32>
        %and3A_3532 = arith.constant -65536 : i32
        %and3A_3533 = vector.broadcast %and3A_3532 : i32 to vector<16xi32>
        %and3A_3534 = arith.andi %gather3A_3519, %and3A_3533 : vector<16xi32>
        %bitcast3A_3535 = vector.bitcast %and3A_3534 : vector<16xi32> to vector<16xf32>
        %mul3A_3536 = arith.mulf %bitcast3A_3523, %bitcast3A_3531 : vector<16xf32>
        %add3A_3537 = arith.addf %add3A_3501, %mul3A_3536 : vector<16xf32>
        %mul3A_3538 = arith.mulf %bitcast3A_3527, %bitcast3A_3535 : vector<16xf32>
        %add3A_3539 = arith.addf %add3A_3503, %mul3A_3538 : vector<16xf32>
        %mul3A_3540 = arith.constant 49 : i32
        %mul3A_3541 = arith.muli %scan3A_30, %mul3A_3540 : i32
        %add3A_3542 = arith.constant 32 : i32
        %add3A_3543 = arith.addi %mul3A_3541, %add3A_3542 : i32
        %add3A_3544 = vector.broadcast %add3A_3543 : i32 to vector<16xi32>
        %add3A_3545 = arith.addi %iota3A, %add3A_3544 : vector<16xi32>
        %add3A_3546 = arith.addf %add3A_3537, %add3A_3539 : vector<16xf32>
        tpu.vector_store_idx %arg9[%add3A_3545], %add3A_3546 : memref<12544xf32, #tpu.memory_space<vmem>>[vector<16xi32>], vector<16xf32>,
        %scan3A_3547 = arith.constant 0 : i32
        scf.yield %scan3A_3547 : i32
      }
      %scan3A_21 = arith.constant 256 : i32
      %scan3A_22 = arith.constant 0 : i32
      %scan3A_23 = arith.constant 0 : i32
      %scan3A_24 = arith.constant 16 : i32
      %scan3A_25 = arith.addi %scan3A_23, %scan3A_24 : i32
      %scan3A_26 = arith.constant 1 : i32
      %scan3A_27 = scf.for %scan3A_30 = %scan3A_23 to %scan3A_25 step %scan3A_26 iter_args(%scan3A_31 = %scan3A_22) -> (i32)  : i32 {
        %mul3A_32 = arith.constant 16 : i32
        %mul3A_33 = arith.muli %scan3A_30, %mul3A_32 : i32
        %add3A_34 = vector.broadcast %mul3A_33 : i32 to vector<16xi32>
        %add3A_35 = arith.addi %iota3A, %add3A_34 : vector<16xi32>
        %mul3A_36 = arith.constant 49 : i32
        %mul3A_37 = vector.broadcast %mul3A_36 : i32 to vector<16xi32>
        %mul3A_38 = arith.muli %add3A_35, %mul3A_37 : vector<16xi32>
        %broadcast_in_dim3A = arith.constant -3.000000e+38 : f32
        %broadcast_in_dim3A_39 = vector.broadcast %broadcast_in_dim3A : f32 to vector<16xf32>
        %broadcast_in_dim3A_40 = arith.constant 0.000000e+00 : f32
        %broadcast_in_dim3A_41 = vector.broadcast %broadcast_in_dim3A_40 : f32 to vector<16xf32>
        %add3A_42 = arith.constant 0 : i32
        %add3A_43 = vector.broadcast %add3A_42 : i32 to vector<16xi32>
        %add3A_44 = arith.addi %mul3A_38, %add3A_43 : vector<16xi32>
        %gather3A = tpu.vector_load_idx %arg9[%add3A_44] : memref<12544xf32, #tpu.memory_space<vmem>>[vector<16xi32>], vector<16xf32>,
        %max3A = arith.maximumf %broadcast_in_dim3A_39, %gather3A : vector<16xf32>
        %add3A_45 = arith.addf %broadcast_in_dim3A_41, %gather3A : vector<16xf32>
        %add3A_46 = arith.constant 1 : i32
        %add3A_47 = vector.broadcast %add3A_46 : i32 to vector<16xi32>
        %add3A_48 = arith.addi %mul3A_38, %add3A_47 : vector<16xi32>
        %gather3A_49 = tpu.vector_load_idx %arg9[%add3A_48] : memref<12544xf32, #tpu.memory_space<vmem>>[vector<16xi32>], vector<16xf32>,
        %max3A_50 = arith.maximumf %max3A, %gather3A_49 : vector<16xf32>
        %add3A_51 = arith.addf %add3A_45, %gather3A_49 : vector<16xf32>
        %add3A_52 = arith.constant 2 : i32
        %add3A_53 = vector.broadcast %add3A_52 : i32 to vector<16xi32>
        %add3A_54 = arith.addi %mul3A_38, %add3A_53 : vector<16xi32>
        %gather3A_55 = tpu.vector_load_idx %arg9[%add3A_54] : memref<12544xf32, #tpu.memory_space<vmem>>[vector<16xi32>], vector<16xf32>,
        %max3A_56 = arith.maximumf %max3A_50, %gather3A_55 : vector<16xf32>
        %add3A_57 = arith.addf %add3A_51, %gather3A_55 : vector<16xf32>
        %add3A_58 = arith.constant 3 : i32
        %add3A_59 = vector.broadcast %add3A_58 : i32 to vector<16xi32>
        %add3A_60 = arith.addi %mul3A_38, %add3A_59 : vector<16xi32>
        %gather3A_61 = tpu.vector_load_idx %arg9[%add3A_60] : memref<12544xf32, #tpu.memory_space<vmem>>[vector<16xi32>], vector<16xf32>,
        %max3A_62 = arith.maximumf %max3A_56, %gather3A_61 : vector<16xf32>
        %add3A_63 = arith.addf %add3A_57, %gather3A_61 : vector<16xf32>
        %add3A_64 = arith.constant 4 : i32
        %add3A_65 = vector.broadcast %add3A_64 : i32 to vector<16xi32>
        %add3A_66 = arith.addi %mul3A_38, %add3A_65 : vector<16xi32>
        %gather3A_67 = tpu.vector_load_idx %arg9[%add3A_66] : memref<12544xf32, #tpu.memory_space<vmem>>[vector<16xi32>], vector<16xf32>,
        %max3A_68 = arith.maximumf %max3A_62, %gather3A_67 : vector<16xf32>
        %add3A_69 = arith.addf %add3A_63, %gather3A_67 : vector<16xf32>
        %add3A_70 = arith.constant 5 : i32
        %add3A_71 = vector.broadcast %add3A_70 : i32 to vector<16xi32>
        %add3A_72 = arith.addi %mul3A_38, %add3A_71 : vector<16xi32>
        %gather3A_73 = tpu.vector_load_idx %arg9[%add3A_72] : memref<12544xf32, #tpu.memory_space<vmem>>[vector<16xi32>], vector<16xf32>,
        %max3A_74 = arith.maximumf %max3A_68, %gather3A_73 : vector<16xf32>
        %add3A_75 = arith.addf %add3A_69, %gather3A_73 : vector<16xf32>
        %add3A_76 = arith.constant 6 : i32
        %add3A_77 = vector.broadcast %add3A_76 : i32 to vector<16xi32>
        %add3A_78 = arith.addi %mul3A_38, %add3A_77 : vector<16xi32>
        %gather3A_79 = tpu.vector_load_idx %arg9[%add3A_78] : memref<12544xf32, #tpu.memory_space<vmem>>[vector<16xi32>], vector<16xf32>,
        %max3A_80 = arith.maximumf %max3A_74, %gather3A_79 : vector<16xf32>
        %add3A_81 = arith.addf %add3A_75, %gather3A_79 : vector<16xf32>
        %add3A_82 = arith.constant 7 : i32
        %add3A_83 = vector.broadcast %add3A_82 : i32 to vector<16xi32>
        %add3A_84 = arith.addi %mul3A_38, %add3A_83 : vector<16xi32>
        %gather3A_85 = tpu.vector_load_idx %arg9[%add3A_84] : memref<12544xf32, #tpu.memory_space<vmem>>[vector<16xi32>], vector<16xf32>,
        %max3A_86 = arith.maximumf %max3A_80, %gather3A_85 : vector<16xf32>
        %add3A_87 = arith.addf %add3A_81, %gather3A_85 : vector<16xf32>
        %add3A_88 = arith.constant 8 : i32
        %add3A_89 = vector.broadcast %add3A_88 : i32 to vector<16xi32>
        %add3A_90 = arith.addi %mul3A_38, %add3A_89 : vector<16xi32>
        %gather3A_91 = tpu.vector_load_idx %arg9[%add3A_90] : memref<12544xf32, #tpu.memory_space<vmem>>[vector<16xi32>], vector<16xf32>,
        %max3A_92 = arith.maximumf %max3A_86, %gather3A_91 : vector<16xf32>
        %add3A_93 = arith.addf %add3A_87, %gather3A_91 : vector<16xf32>
        %add3A_94 = arith.constant 9 : i32
        %add3A_95 = vector.broadcast %add3A_94 : i32 to vector<16xi32>
        %add3A_96 = arith.addi %mul3A_38, %add3A_95 : vector<16xi32>
        %gather3A_97 = tpu.vector_load_idx %arg9[%add3A_96] : memref<12544xf32, #tpu.memory_space<vmem>>[vector<16xi32>], vector<16xf32>,
        %max3A_98 = arith.maximumf %max3A_92, %gather3A_97 : vector<16xf32>
        %add3A_99 = arith.addf %add3A_93, %gather3A_97 : vector<16xf32>
        %add3A_100 = arith.constant 10 : i32
        %add3A_101 = vector.broadcast %add3A_100 : i32 to vector<16xi32>
        %add3A_102 = arith.addi %mul3A_38, %add3A_101 : vector<16xi32>
        %gather3A_103 = tpu.vector_load_idx %arg9[%add3A_102] : memref<12544xf32, #tpu.memory_space<vmem>>[vector<16xi32>], vector<16xf32>,
        %max3A_104 = arith.maximumf %max3A_98, %gather3A_103 : vector<16xf32>
        %add3A_105 = arith.addf %add3A_99, %gather3A_103 : vector<16xf32>
        %add3A_106 = arith.constant 11 : i32
        %add3A_107 = vector.broadcast %add3A_106 : i32 to vector<16xi32>
        %add3A_108 = arith.addi %mul3A_38, %add3A_107 : vector<16xi32>
        %gather3A_109 = tpu.vector_load_idx %arg9[%add3A_108] : memref<12544xf32, #tpu.memory_space<vmem>>[vector<16xi32>], vector<16xf32>,
        %max3A_110 = arith.maximumf %max3A_104, %gather3A_109 : vector<16xf32>
        %add3A_111 = arith.addf %add3A_105, %gather3A_109 : vector<16xf32>
        %add3A_112 = arith.constant 12 : i32
        %add3A_113 = vector.broadcast %add3A_112 : i32 to vector<16xi32>
        %add3A_114 = arith.addi %mul3A_38, %add3A_113 : vector<16xi32>
        %gather3A_115 = tpu.vector_load_idx %arg9[%add3A_114] : memref<12544xf32, #tpu.memory_space<vmem>>[vector<16xi32>], vector<16xf32>,
        %max3A_116 = arith.maximumf %max3A_110, %gather3A_115 : vector<16xf32>
        %add3A_117 = arith.addf %add3A_111, %gather3A_115 : vector<16xf32>
        %add3A_118 = arith.constant 13 : i32
        %add3A_119 = vector.broadcast %add3A_118 : i32 to vector<16xi32>
        %add3A_120 = arith.addi %mul3A_38, %add3A_119 : vector<16xi32>
        %gather3A_121 = tpu.vector_load_idx %arg9[%add3A_120] : memref<12544xf32, #tpu.memory_space<vmem>>[vector<16xi32>], vector<16xf32>,
        %max3A_122 = arith.maximumf %max3A_116, %gather3A_121 : vector<16xf32>
        %add3A_123 = arith.addf %add3A_117, %gather3A_121 : vector<16xf32>
        %add3A_124 = arith.constant 14 : i32
        %add3A_125 = vector.broadcast %add3A_124 : i32 to vector<16xi32>
        %add3A_126 = arith.addi %mul3A_38, %add3A_125 : vector<16xi32>
        %gather3A_127 = tpu.vector_load_idx %arg9[%add3A_126] : memref<12544xf32, #tpu.memory_space<vmem>>[vector<16xi32>], vector<16xf32>,
        %max3A_128 = arith.maximumf %max3A_122, %gather3A_127 : vector<16xf32>
        %add3A_129 = arith.addf %add3A_123, %gather3A_127 : vector<16xf32>
        %add3A_130 = arith.constant 15 : i32
        %add3A_131 = vector.broadcast %add3A_130 : i32 to vector<16xi32>
        %add3A_132 = arith.addi %mul3A_38, %add3A_131 : vector<16xi32>
        %gather3A_133 = tpu.vector_load_idx %arg9[%add3A_132] : memref<12544xf32, #tpu.memory_space<vmem>>[vector<16xi32>], vector<16xf32>,
        %max3A_134 = arith.maximumf %max3A_128, %gather3A_133 : vector<16xf32>
        %add3A_135 = arith.addf %add3A_129, %gather3A_133 : vector<16xf32>
        %add3A_136 = arith.constant 16 : i32
        %add3A_137 = vector.broadcast %add3A_136 : i32 to vector<16xi32>
        %add3A_138 = arith.addi %mul3A_38, %add3A_137 : vector<16xi32>
        %gather3A_139 = tpu.vector_load_idx %arg9[%add3A_138] : memref<12544xf32, #tpu.memory_space<vmem>>[vector<16xi32>], vector<16xf32>,
        %max3A_140 = arith.maximumf %max3A_134, %gather3A_139 : vector<16xf32>
        %add3A_141 = arith.addf %add3A_135, %gather3A_139 : vector<16xf32>
        %add3A_142 = arith.constant 17 : i32
        %add3A_143 = vector.broadcast %add3A_142 : i32 to vector<16xi32>
        %add3A_144 = arith.addi %mul3A_38, %add3A_143 : vector<16xi32>
        %gather3A_145 = tpu.vector_load_idx %arg9[%add3A_144] : memref<12544xf32, #tpu.memory_space<vmem>>[vector<16xi32>], vector<16xf32>,
        %max3A_146 = arith.maximumf %max3A_140, %gather3A_145 : vector<16xf32>
        %add3A_147 = arith.addf %add3A_141, %gather3A_145 : vector<16xf32>
        %add3A_148 = arith.constant 18 : i32
        %add3A_149 = vector.broadcast %add3A_148 : i32 to vector<16xi32>
        %add3A_150 = arith.addi %mul3A_38, %add3A_149 : vector<16xi32>
        %gather3A_151 = tpu.vector_load_idx %arg9[%add3A_150] : memref<12544xf32, #tpu.memory_space<vmem>>[vector<16xi32>], vector<16xf32>,
        %max3A_152 = arith.maximumf %max3A_146, %gather3A_151 : vector<16xf32>
        %add3A_153 = arith.addf %add3A_147, %gather3A_151 : vector<16xf32>
        %add3A_154 = arith.constant 19 : i32
        %add3A_155 = vector.broadcast %add3A_154 : i32 to vector<16xi32>
        %add3A_156 = arith.addi %mul3A_38, %add3A_155 : vector<16xi32>
        %gather3A_157 = tpu.vector_load_idx %arg9[%add3A_156] : memref<12544xf32, #tpu.memory_space<vmem>>[vector<16xi32>], vector<16xf32>,
        %max3A_158 = arith.maximumf %max3A_152, %gather3A_157 : vector<16xf32>
        %add3A_159 = arith.addf %add3A_153, %gather3A_157 : vector<16xf32>
        %add3A_160 = arith.constant 20 : i32
        %add3A_161 = vector.broadcast %add3A_160 : i32 to vector<16xi32>
        %add3A_162 = arith.addi %mul3A_38, %add3A_161 : vector<16xi32>
        %gather3A_163 = tpu.vector_load_idx %arg9[%add3A_162] : memref<12544xf32, #tpu.memory_space<vmem>>[vector<16xi32>], vector<16xf32>,
        %max3A_164 = arith.maximumf %max3A_158, %gather3A_163 : vector<16xf32>
        %add3A_165 = arith.addf %add3A_159, %gather3A_163 : vector<16xf32>
        %add3A_166 = arith.constant 21 : i32
        %add3A_167 = vector.broadcast %add3A_166 : i32 to vector<16xi32>
        %add3A_168 = arith.addi %mul3A_38, %add3A_167 : vector<16xi32>
        %gather3A_169 = tpu.vector_load_idx %arg9[%add3A_168] : memref<12544xf32, #tpu.memory_space<vmem>>[vector<16xi32>], vector<16xf32>,
        %max3A_170 = arith.maximumf %max3A_164, %gather3A_169 : vector<16xf32>
        %add3A_171 = arith.addf %add3A_165, %gather3A_169 : vector<16xf32>
        %add3A_172 = arith.constant 22 : i32
        %add3A_173 = vector.broadcast %add3A_172 : i32 to vector<16xi32>
        %add3A_174 = arith.addi %mul3A_38, %add3A_173 : vector<16xi32>
        %gather3A_175 = tpu.vector_load_idx %arg9[%add3A_174] : memref<12544xf32, #tpu.memory_space<vmem>>[vector<16xi32>], vector<16xf32>,
        %max3A_176 = arith.maximumf %max3A_170, %gather3A_175 : vector<16xf32>
        %add3A_177 = arith.addf %add3A_171, %gather3A_175 : vector<16xf32>
        %add3A_178 = arith.constant 23 : i32
        %add3A_179 = vector.broadcast %add3A_178 : i32 to vector<16xi32>
        %add3A_180 = arith.addi %mul3A_38, %add3A_179 : vector<16xi32>
        %gather3A_181 = tpu.vector_load_idx %arg9[%add3A_180] : memref<12544xf32, #tpu.memory_space<vmem>>[vector<16xi32>], vector<16xf32>,
        %max3A_182 = arith.maximumf %max3A_176, %gather3A_181 : vector<16xf32>
        %add3A_183 = arith.addf %add3A_177, %gather3A_181 : vector<16xf32>
        %add3A_184 = arith.constant 24 : i32
        %add3A_185 = vector.broadcast %add3A_184 : i32 to vector<16xi32>
        %add3A_186 = arith.addi %mul3A_38, %add3A_185 : vector<16xi32>
        %gather3A_187 = tpu.vector_load_idx %arg9[%add3A_186] : memref<12544xf32, #tpu.memory_space<vmem>>[vector<16xi32>], vector<16xf32>,
        %max3A_188 = arith.maximumf %max3A_182, %gather3A_187 : vector<16xf32>
        %add3A_189 = arith.addf %add3A_183, %gather3A_187 : vector<16xf32>
        %add3A_190 = arith.constant 25 : i32
        %add3A_191 = vector.broadcast %add3A_190 : i32 to vector<16xi32>
        %add3A_192 = arith.addi %mul3A_38, %add3A_191 : vector<16xi32>
        %gather3A_193 = tpu.vector_load_idx %arg9[%add3A_192] : memref<12544xf32, #tpu.memory_space<vmem>>[vector<16xi32>], vector<16xf32>,
        %max3A_194 = arith.maximumf %max3A_188, %gather3A_193 : vector<16xf32>
        %add3A_195 = arith.addf %add3A_189, %gather3A_193 : vector<16xf32>
        %add3A_196 = arith.constant 26 : i32
        %add3A_197 = vector.broadcast %add3A_196 : i32 to vector<16xi32>
        %add3A_198 = arith.addi %mul3A_38, %add3A_197 : vector<16xi32>
        %gather3A_199 = tpu.vector_load_idx %arg9[%add3A_198] : memref<12544xf32, #tpu.memory_space<vmem>>[vector<16xi32>], vector<16xf32>,
        %max3A_200 = arith.maximumf %max3A_194, %gather3A_199 : vector<16xf32>
        %add3A_201 = arith.addf %add3A_195, %gather3A_199 : vector<16xf32>
        %add3A_202 = arith.constant 27 : i32
        %add3A_203 = vector.broadcast %add3A_202 : i32 to vector<16xi32>
        %add3A_204 = arith.addi %mul3A_38, %add3A_203 : vector<16xi32>
        %gather3A_205 = tpu.vector_load_idx %arg9[%add3A_204] : memref<12544xf32, #tpu.memory_space<vmem>>[vector<16xi32>], vector<16xf32>,
        %max3A_206 = arith.maximumf %max3A_200, %gather3A_205 : vector<16xf32>
        %add3A_207 = arith.addf %add3A_201, %gather3A_205 : vector<16xf32>
        %add3A_208 = arith.constant 28 : i32
        %add3A_209 = vector.broadcast %add3A_208 : i32 to vector<16xi32>
        %add3A_210 = arith.addi %mul3A_38, %add3A_209 : vector<16xi32>
        %gather3A_211 = tpu.vector_load_idx %arg9[%add3A_210] : memref<12544xf32, #tpu.memory_space<vmem>>[vector<16xi32>], vector<16xf32>,
        %max3A_212 = arith.maximumf %max3A_206, %gather3A_211 : vector<16xf32>
        %add3A_213 = arith.addf %add3A_207, %gather3A_211 : vector<16xf32>
        %add3A_214 = arith.constant 29 : i32
        %add3A_215 = vector.broadcast %add3A_214 : i32 to vector<16xi32>
        %add3A_216 = arith.addi %mul3A_38, %add3A_215 : vector<16xi32>
        %gather3A_217 = tpu.vector_load_idx %arg9[%add3A_216] : memref<12544xf32, #tpu.memory_space<vmem>>[vector<16xi32>], vector<16xf32>,
        %max3A_218 = arith.maximumf %max3A_212, %gather3A_217 : vector<16xf32>
        %add3A_219 = arith.addf %add3A_213, %gather3A_217 : vector<16xf32>
        %add3A_220 = arith.constant 30 : i32
        %add3A_221 = vector.broadcast %add3A_220 : i32 to vector<16xi32>
        %add3A_222 = arith.addi %mul3A_38, %add3A_221 : vector<16xi32>
        %gather3A_223 = tpu.vector_load_idx %arg9[%add3A_222] : memref<12544xf32, #tpu.memory_space<vmem>>[vector<16xi32>], vector<16xf32>,
        %max3A_224 = arith.maximumf %max3A_218, %gather3A_223 : vector<16xf32>
        %add3A_225 = arith.addf %add3A_219, %gather3A_223 : vector<16xf32>
        %add3A_226 = arith.constant 31 : i32
        %add3A_227 = vector.broadcast %add3A_226 : i32 to vector<16xi32>
        %add3A_228 = arith.addi %mul3A_38, %add3A_227 : vector<16xi32>
        %gather3A_229 = tpu.vector_load_idx %arg9[%add3A_228] : memref<12544xf32, #tpu.memory_space<vmem>>[vector<16xi32>], vector<16xf32>,
        %max3A_230 = arith.maximumf %max3A_224, %gather3A_229 : vector<16xf32>
        %add3A_231 = arith.addf %add3A_225, %gather3A_229 : vector<16xf32>
        %add3A_232 = arith.constant 32 : i32
        %add3A_233 = vector.broadcast %add3A_232 : i32 to vector<16xi32>
        %add3A_234 = arith.addi %mul3A_38, %add3A_233 : vector<16xi32>
        %gather3A_235 = tpu.vector_load_idx %arg9[%add3A_234] : memref<12544xf32, #tpu.memory_space<vmem>>[vector<16xi32>], vector<16xf32>,
        %max3A_236 = arith.maximumf %max3A_230, %gather3A_235 : vector<16xf32>
        %add3A_237 = arith.addf %add3A_231, %gather3A_235 : vector<16xf32>
        %add3A_238 = arith.constant 33 : i32
        %add3A_239 = vector.broadcast %add3A_238 : i32 to vector<16xi32>
        %add3A_240 = arith.addi %mul3A_38, %add3A_239 : vector<16xi32>
        %gather3A_241 = tpu.vector_load_idx %arg9[%add3A_240] : memref<12544xf32, #tpu.memory_space<vmem>>[vector<16xi32>], vector<16xf32>,
        %max3A_242 = arith.maximumf %max3A_236, %gather3A_241 : vector<16xf32>
        %add3A_243 = arith.addf %add3A_237, %gather3A_241 : vector<16xf32>
        %add3A_244 = arith.constant 34 : i32
        %add3A_245 = vector.broadcast %add3A_244 : i32 to vector<16xi32>
        %add3A_246 = arith.addi %mul3A_38, %add3A_245 : vector<16xi32>
        %gather3A_247 = tpu.vector_load_idx %arg9[%add3A_246] : memref<12544xf32, #tpu.memory_space<vmem>>[vector<16xi32>], vector<16xf32>,
        %max3A_248 = arith.maximumf %max3A_242, %gather3A_247 : vector<16xf32>
        %add3A_249 = arith.addf %add3A_243, %gather3A_247 : vector<16xf32>
        %add3A_250 = arith.constant 35 : i32
        %add3A_251 = vector.broadcast %add3A_250 : i32 to vector<16xi32>
        %add3A_252 = arith.addi %mul3A_38, %add3A_251 : vector<16xi32>
        %gather3A_253 = tpu.vector_load_idx %arg9[%add3A_252] : memref<12544xf32, #tpu.memory_space<vmem>>[vector<16xi32>], vector<16xf32>,
        %max3A_254 = arith.maximumf %max3A_248, %gather3A_253 : vector<16xf32>
        %add3A_255 = arith.addf %add3A_249, %gather3A_253 : vector<16xf32>
        %add3A_256 = arith.constant 36 : i32
        %add3A_257 = vector.broadcast %add3A_256 : i32 to vector<16xi32>
        %add3A_258 = arith.addi %mul3A_38, %add3A_257 : vector<16xi32>
        %gather3A_259 = tpu.vector_load_idx %arg9[%add3A_258] : memref<12544xf32, #tpu.memory_space<vmem>>[vector<16xi32>], vector<16xf32>,
        %max3A_260 = arith.maximumf %max3A_254, %gather3A_259 : vector<16xf32>
        %add3A_261 = arith.addf %add3A_255, %gather3A_259 : vector<16xf32>
        %add3A_262 = arith.constant 37 : i32
        %add3A_263 = vector.broadcast %add3A_262 : i32 to vector<16xi32>
        %add3A_264 = arith.addi %mul3A_38, %add3A_263 : vector<16xi32>
        %gather3A_265 = tpu.vector_load_idx %arg9[%add3A_264] : memref<12544xf32, #tpu.memory_space<vmem>>[vector<16xi32>], vector<16xf32>,
        %max3A_266 = arith.maximumf %max3A_260, %gather3A_265 : vector<16xf32>
        %add3A_267 = arith.addf %add3A_261, %gather3A_265 : vector<16xf32>
        %add3A_268 = arith.constant 38 : i32
        %add3A_269 = vector.broadcast %add3A_268 : i32 to vector<16xi32>
        %add3A_270 = arith.addi %mul3A_38, %add3A_269 : vector<16xi32>
        %gather3A_271 = tpu.vector_load_idx %arg9[%add3A_270] : memref<12544xf32, #tpu.memory_space<vmem>>[vector<16xi32>], vector<16xf32>,
        %max3A_272 = arith.maximumf %max3A_266, %gather3A_271 : vector<16xf32>
        %add3A_273 = arith.addf %add3A_267, %gather3A_271 : vector<16xf32>
        %add3A_274 = arith.constant 39 : i32
        %add3A_275 = vector.broadcast %add3A_274 : i32 to vector<16xi32>
        %add3A_276 = arith.addi %mul3A_38, %add3A_275 : vector<16xi32>
        %gather3A_277 = tpu.vector_load_idx %arg9[%add3A_276] : memref<12544xf32, #tpu.memory_space<vmem>>[vector<16xi32>], vector<16xf32>,
        %max3A_278 = arith.maximumf %max3A_272, %gather3A_277 : vector<16xf32>
        %add3A_279 = arith.addf %add3A_273, %gather3A_277 : vector<16xf32>
        %mul3A_280 = arith.constant 256 : i32
        %mul3A_281 = arith.muli %scan3A_7, %mul3A_280 : i32
        %add3A_282 = vector.broadcast %mul3A_281 : i32 to vector<16xi32>
        %add3A_283 = arith.addi %add3A_35, %add3A_282 : vector<16xi32>
        %mul3A_284 = arith.constant 4.8828125E-4 : f32
        %mul3A_285 = vector.broadcast %mul3A_284 : f32 to vector<16xf32>
        %mul3A_286 = arith.mulf %add3A_279, %mul3A_285 : vector<16xf32>
        %sub3A = arith.subf %max3A_278, %mul3A_286 : vector<16xf32>
        tpu.vector_store_idx %arg10[%add3A_283], %sub3A : memref<1024xf32, #tpu.memory_space<vmem>>[vector<16xi32>], vector<16xf32>,
        %scan3A_287 = arith.constant 0 : i32
        scf.yield %scan3A_287 : i32
      }
      %scan3A_28 = arith.constant 16 : i32
      %scan3A_29 = arith.constant 0 : i32
      scf.yield %scan3A_29 : i32
    }
    %scan3A_6 = arith.constant 4 : i32
    "tpu.region"() ({
      %run_scoped3A = tpu.sem_alloc : memref<!tpu.dma_semaphore, #tpu.memory_space<semaphore_mem>>
      %dma_start3A = tpu.memref_slice %arg5[%arg1, %mul3A_0] : memref<16x2048xf32, #tpu.memory_space<hbm>> -> memref<1x1024xf32, #tpu.memory_space<hbm>>
      %dma_start3A_7 = tpu.memref_squeeze %dma_start3A : memref<1x1024xf32, #tpu.memory_space<hbm>> -> memref<1024xf32, #tpu.memory_space<hbm>>
      %dma_start3A_8 = tpu.memref_slice %arg5[%arg1, %mul3A_0] : memref<16x2048xf32, #tpu.memory_space<hbm>> -> memref<1x1024xf32, #tpu.memory_space<hbm>>
      %dma_start3A_9 = tpu.memref_squeeze %dma_start3A_8 : memref<1x1024xf32, #tpu.memory_space<hbm>> -> memref<1024xf32, #tpu.memory_space<hbm>>
      tpu.enqueue_dma source(%arg10 : memref<1024xf32, #tpu.memory_space<vmem>>) target(%dma_start3A_9 : memref<1024xf32, #tpu.memory_space<hbm>>) target_semaphore(%run_scoped3A : memref<!tpu.dma_semaphore, #tpu.memory_space<semaphore_mem>>)
      %dma_wait3A = tpu.memref_slice %arg5[%arg1, %mul3A_0] : memref<16x2048xf32, #tpu.memory_space<hbm>> -> memref<1x1024xf32, #tpu.memory_space<hbm>>
      %dma_wait3A_10 = tpu.memref_squeeze %dma_wait3A : memref<1x1024xf32, #tpu.memory_space<hbm>> -> memref<1024xf32, #tpu.memory_space<hbm>>
      %dma_wait3A_11 = tpu.memref_slice %arg5[%arg1, %mul3A_0] : memref<16x2048xf32, #tpu.memory_space<hbm>> -> memref<1x1024xf32, #tpu.memory_space<hbm>>
      %dma_wait3A_12 = tpu.memref_squeeze %dma_wait3A_11 : memref<1x1024xf32, #tpu.memory_space<hbm>> -> memref<1024xf32, #tpu.memory_space<hbm>>
      tpu.wait_dma2 semaphore(%run_scoped3A : memref<!tpu.dma_semaphore, #tpu.memory_space<semaphore_mem>>) src(%arg10 : memref<1024xf32, #tpu.memory_space<vmem>>) dst(%dma_wait3A_12 : memref<1024xf32, #tpu.memory_space<hbm>>)
      tpu.yield
    }) : () -> ()
    return
  }
}

module attributes {stable_mosaic.version = 14 : i64} {
  func.func @_tc_body(%arg0: i32, %arg1: memref<1x1x2048xf32, #tpu.memory_space<vmem>>, %arg2: memref<1x2048x64xf32, #tpu.memory_space<vmem>>, %arg3: memref<1x2048x64xf32, #tpu.memory_space<vmem>>, %arg4: memref<1x2048x64xf32, #tpu.memory_space<vmem>>, %arg5: memref<1x40x64xf32, #tpu.memory_space<vmem>>, %arg6: memref<48x64xf32, #tpu.memory_space<vmem>>, %arg7: memref<48x64xf32, #tpu.memory_space<vmem>>, %arg8: memref<48x64xf32, #tpu.memory_space<vmem>>, %arg9: memref<40xi32, #tpu.memory_space<smem>>) attributes {dimension_semantics = [#tpu.dimension_semantics<arbitrary>], iteration_bounds = array<i64: 16>, scalar_prefetch = 0 : i64, scratch_operands = 4 : i64, tpu.core_type = #tpu.core_type<tc>, window_params = [{transform_indices = @transform_0, window_bounds = array<i64: 1, 1, 2048>}, {transform_indices = @transform_1, window_bounds = array<i64: 1, 2048, 64>}, {transform_indices = @transform_2, window_bounds = array<i64: 1, 2048, 64>}, {transform_indices = @transform_3, window_bounds = array<i64: 1, 2048, 64>}, {transform_indices = @transform_4, window_bounds = array<i64: 1, 40, 64>}]} {
    %get3A = arith.constant 0 : index
    %get3A_0 = arith.constant 0 : index
    %get3A_1 = arith.constant 0 : index
    %get3A_2 = vector.load %arg1[%get3A, %get3A_0, %get3A_1] : memref<1x1x2048xf32, #tpu.memory_space<vmem>>, vector<1x1x2048xf32>
    %get3A_3 = vector.shape_cast %get3A_2 : vector<1x1x2048xf32> to vector<1x2048xf32>
    %iota3A = tpu.iota {dimensions = array<i32: 1>} : vector<1x2048xi32>
    %broadcast_in_dim3A = arith.constant 0.000000e+00 : f32
    %broadcast_in_dim3A_4 = vector.broadcast %broadcast_in_dim3A : f32 to vector<8x64xf32>
    %swap3A = arith.constant 40 : index
    %swap3A_5 = arith.constant 0 : index
    %swap3A_6 = vector.load %arg6[%swap3A, %swap3A_5] : memref<48x64xf32, #tpu.memory_space<vmem>>, vector<8x64xf32>
    tpu.vector_store %arg6[%swap3A, %swap3A_5], %broadcast_in_dim3A_4 {strides = array<i32>} : memref<48x64xf32, #tpu.memory_space<vmem>>, vector<8x64xf32>,
    %scan3A = arith.constant 0 : i32
    %scan3A_7 = arith.constant 40 : i32
    %scan3A_8 = arith.addi %scan3A, %scan3A_7 : i32
    %scan3A_9 = arith.constant 1 : i32
    %scan3A_10 = scf.for %scan3A_67 = %scan3A to %scan3A_8 step %scan3A_9 iter_args(%scan3A_68 = %get3A_3) -> (vector<1x2048xf32>)  : i32 {
      %reduce_max3A_69 = vector.shape_cast %scan3A_68 : vector<1x2048xf32> to vector<1x1x2048xf32>
      %reduce_max3A_70 = arith.constant dense<0xFF800000> : vector<1xf32>
      %reduce_max3A_71 = vector.multi_reduction <maximumf>, %reduce_max3A_69, %reduce_max3A_70 [1, 2] : vector<1x1x2048xf32> to vector<1xf32>
      %reduce_max3A_72 = vector.shape_cast %reduce_max3A_71 : vector<1xf32> to vector<1x1x1xf32>
      %reduce_max3A_73 = vector.extract %reduce_max3A_72[0, 0, 0] : f32 from vector<1x1x1xf32>
      %eq3A = vector.broadcast %reduce_max3A_73 : f32 to vector<1x2048xf32>
      %eq3A_74 = arith.cmpf oeq, %scan3A_68, %eq3A : vector<1x2048xf32>
      %jit3A = arith.constant 2048 : i32
      %broadcast_in_dim3A_75 = vector.broadcast %jit3A : i32 to vector<1x2048xi32>
      %select_n3A = arith.select %eq3A_74, %iota3A, %broadcast_in_dim3A_75 : vector<1x2048xi1>, vector<1x2048xi32>
      %reduce_min3A = vector.shape_cast %select_n3A : vector<1x2048xi32> to vector<1x1x2048xi32>
      %reduce_min3A_76 = arith.constant dense<2147483647> : vector<1xi32>
      %reduce_min3A_77 = vector.multi_reduction <minsi>, %reduce_min3A, %reduce_min3A_76 [1, 2] : vector<1x1x2048xi32> to vector<1xi32>
      %reduce_min3A_78 = vector.shape_cast %reduce_min3A_77 : vector<1xi32> to vector<1x1x1xi32>
      %reduce_min3A_79 = vector.extract %reduce_min3A_78[0, 0, 0] : i32 from vector<1x1x1xi32>
      %swap3A_80 = arith.index_cast %scan3A_67 : i32 to index
      %swap3A_81 = memref.load %arg9[%swap3A_80] : memref<40xi32, #tpu.memory_space<smem>>
      memref.store %reduce_min3A_79, %arg9[%swap3A_80] : memref<40xi32, #tpu.memory_space<smem>>
      %get3A_82 = arith.constant 0 : index
      %get3A_83 = arith.index_cast %reduce_min3A_79 : i32 to index
      %get3A_84 = arith.constant 0 : index
      %get3A_85 = vector.load %arg2[%get3A_82, %get3A_83, %get3A_84] : memref<1x2048x64xf32, #tpu.memory_space<vmem>>, vector<1x1x64xf32>
      %get3A_86 = vector.shape_cast %get3A_85 : vector<1x1x64xf32> to vector<1x64xf32>
      %swap3A_87 = arith.index_cast %scan3A_67 : i32 to index
      %swap3A_88 = arith.constant 0 : index
      %swap3A_89 = vector.load %arg6[%swap3A_87, %swap3A_88] : memref<48x64xf32, #tpu.memory_space<vmem>>, vector<1x64xf32>
      tpu.vector_store %arg6[%swap3A_87, %swap3A_88], %get3A_86 {strides = array<i32>} : memref<48x64xf32, #tpu.memory_space<vmem>>, vector<1x64xf32>,
      %eq3A_90 = vector.broadcast %reduce_min3A_79 : i32 to vector<1x2048xi32>
      %eq3A_91 = arith.cmpi eq, %iota3A, %eq3A_90 : vector<1x2048xi32>
      %jit3A_92 = arith.constant -3.000000e+38 : f32
      %broadcast_in_dim3A_93 = vector.broadcast %jit3A_92 : f32 to vector<1x2048xf32>
      %select_n3A_94 = arith.select %eq3A_91, %broadcast_in_dim3A_93, %scan3A_68 : vector<1x2048xi1>, vector<1x2048xf32>
      scf.yield %select_n3A_94 : vector<1x2048xf32>
    }
    %scan3A_11 = arith.constant 40 : i32
    %get3A_12 = arith.constant 0 : index
    %get3A_13 = arith.constant 0 : index
    %get3A_14 = arith.constant 0 : index
    %get3A_15 = vector.load %arg3[%get3A_12, %get3A_13, %get3A_14] : memref<1x2048x64xf32, #tpu.memory_space<vmem>>, vector<1x2048x64xf32>
    %get3A_16 = vector.shape_cast %get3A_15 : vector<1x2048x64xf32> to vector<2048x64xf32>
    %get3A_17 = arith.constant 0 : index
    %get3A_18 = arith.constant 0 : index
    %get3A_19 = vector.load %arg6[%get3A_17, %get3A_18] : memref<48x64xf32, #tpu.memory_space<vmem>>, vector<48x64xf32>
    %convert_element_type3A = arith.truncf %get3A_19 : vector<48x64xf32> to vector<48x64xbf16>
    %convert_element_type3A_20 = arith.truncf %get3A_16 : vector<2048x64xf32> to vector<2048x64xbf16>
    %dot_general3A = arith.constant dense<0.000000e+00> : vector<48x2048xf32>
    %dot_general3A_21 = tpu.matmul %convert_element_type3A, %convert_element_type3A_20, %dot_general3A {dimension_numbers = #tpu.dot_dimension_numbers<[1], [1], [0], [0], [0, 0, 1, 0], [], []>, transpose_lhs_hint = false} : vector<48x64xbf16>, vector<2048x64xbf16>, vector<48x2048xf32> -> vector<48x2048xf32>
    %mul3A = arith.constant 1.250000e-01 : f32
    %mul3A_22 = vector.broadcast %mul3A : f32 to vector<48x2048xf32>
    %mul3A_23 = arith.mulf %dot_general3A_21, %mul3A_22 : vector<48x2048xf32>
    %reduce_max3A = arith.constant dense<0xFF800000> : vector<48xf32>
    %reduce_max3A_24 = vector.multi_reduction <maximumf>, %mul3A_23, %reduce_max3A [1] : vector<48x2048xf32> to vector<48xf32>
    %broadcast_in_dim3A_25 = vector.shape_cast %reduce_max3A_24 : vector<48xf32> to vector<48x1xf32>
    %sub3A = vector.broadcast %broadcast_in_dim3A_25 : vector<48x1xf32> to vector<48x2048xf32>
    %sub3A_26 = arith.subf %mul3A_23, %sub3A : vector<48x2048xf32>
    %exp3A = math.exp %sub3A_26 : vector<48x2048xf32>
    %reduce_sum3A = arith.constant dense<0.000000e+00> : vector<48xf32>
    %reduce_sum3A_27 = vector.multi_reduction <add>, %exp3A, %reduce_sum3A [1] : vector<48x2048xf32> to vector<48xf32>
    %broadcast_in_dim3A_28 = vector.shape_cast %reduce_sum3A_27 : vector<48xf32> to vector<48x1xf32>
    %div3A = vector.broadcast %broadcast_in_dim3A_28 : vector<48x1xf32> to vector<48x2048xf32>
    %div3A_29 = arith.divf %exp3A, %div3A : vector<48x2048xf32>
    %get3A_30 = arith.constant 0 : index
    %get3A_31 = arith.constant 0 : index
    %get3A_32 = arith.constant 0 : index
    %get3A_33 = vector.load %arg4[%get3A_30, %get3A_31, %get3A_32] : memref<1x2048x64xf32, #tpu.memory_space<vmem>>, vector<1x2048x64xf32>
    %get3A_34 = vector.shape_cast %get3A_33 : vector<1x2048x64xf32> to vector<2048x64xf32>
    %convert_element_type3A_35 = arith.truncf %div3A_29 : vector<48x2048xf32> to vector<48x2048xbf16>
    %convert_element_type3A_36 = arith.truncf %get3A_34 : vector<2048x64xf32> to vector<2048x64xbf16>
    %dot_general3A_37 = arith.constant dense<0.000000e+00> : vector<48x64xf32>
    %dot_general3A_38 = tpu.matmul %convert_element_type3A_35, %convert_element_type3A_36, %dot_general3A_37 {dimension_numbers = #tpu.dot_dimension_numbers<[1], [0], [0], [1], [0, 0, 1, 1], [], []>, transpose_lhs_hint = false} : vector<48x2048xbf16>, vector<2048x64xbf16>, vector<48x64xf32> -> vector<48x64xf32>
    %swap3A_39 = arith.constant 0 : index
    %swap3A_40 = arith.constant 0 : index
    %swap3A_41 = vector.load %arg7[%swap3A_39, %swap3A_40] : memref<48x64xf32, #tpu.memory_space<vmem>>, vector<48x64xf32>
    tpu.vector_store %arg7[%swap3A_39, %swap3A_40], %dot_general3A_38 {strides = array<i32>} : memref<48x64xf32, #tpu.memory_space<vmem>>, vector<48x64xf32>,
    %reduce_sum3A_42 = arith.constant dense<0.000000e+00> : vector<64xf32>
    %reduce_sum3A_43 = vector.multi_reduction <add>, %get3A_34, %reduce_sum3A_42 [0] : vector<2048x64xf32> to vector<64xf32>
    %broadcast_in_dim3A_44 = vector.shape_cast %reduce_sum3A_43 : vector<64xf32> to vector<1x64xf32>
    %div3A_45 = arith.constant 2.048000e+03 : f32
    %div3A_46 = vector.broadcast %div3A_45 : f32 to vector<1x64xf32>
    %div3A_47 = arith.divf %broadcast_in_dim3A_44, %div3A_46 : vector<1x64xf32>
    %broadcast_in_dim3A_48 = vector.shape_cast %div3A_47 : vector<1x64xf32> to vector<1x64xf32>
    %broadcast_in_dim3A_49 = vector.broadcast %broadcast_in_dim3A_48 : vector<1x64xf32> to vector<48x64xf32>
    %swap3A_50 = arith.constant 0 : index
    %swap3A_51 = arith.constant 0 : index
    %swap3A_52 = vector.load %arg8[%swap3A_50, %swap3A_51] : memref<48x64xf32, #tpu.memory_space<vmem>>, vector<48x64xf32>
    tpu.vector_store %arg8[%swap3A_50, %swap3A_51], %broadcast_in_dim3A_49 {strides = array<i32>} : memref<48x64xf32, #tpu.memory_space<vmem>>, vector<48x64xf32>,
    %scan3A_53 = arith.constant 0 : i32
    %scan3A_54 = arith.constant 40 : i32
    %scan3A_55 = arith.addi %scan3A_53, %scan3A_54 : i32
    %scan3A_56 = arith.constant 1 : i32
    scf.for %scan3A_67 = %scan3A_53 to %scan3A_55 step %scan3A_56  : i32 {
      %get3A_68 = arith.index_cast %scan3A_67 : i32 to index
      %get3A_69 = memref.load %arg9[%get3A_68] : memref<40xi32, #tpu.memory_space<smem>>
      %min3A = arith.constant 39 : i32
      %min3A_70 = arith.minsi %get3A_69, %min3A : i32
      %get3A_71 = arith.index_cast %scan3A_67 : i32 to index
      %get3A_72 = arith.constant 0 : index
      %get3A_73 = vector.load %arg7[%get3A_71, %get3A_72] : memref<48x64xf32, #tpu.memory_space<vmem>>, vector<1x64xf32>
      %swap3A_74 = arith.index_cast %min3A_70 : i32 to index
      %swap3A_75 = arith.constant 0 : index
      %swap3A_76 = vector.load %arg8[%swap3A_74, %swap3A_75] : memref<48x64xf32, #tpu.memory_space<vmem>>, vector<1x64xf32>
      tpu.vector_store %arg8[%swap3A_74, %swap3A_75], %get3A_73 {strides = array<i32>} : memref<48x64xf32, #tpu.memory_space<vmem>>, vector<1x64xf32>,
    }
    %scan3A_57 = arith.constant 40 : i32
    %get3A_58 = arith.constant 0 : index
    %get3A_59 = arith.constant 0 : index
    %get3A_60 = vector.load %arg8[%get3A_58, %get3A_59] : memref<48x64xf32, #tpu.memory_space<vmem>>, vector<40x64xf32>
    %swap3A_61 = arith.constant 0 : index
    %swap3A_62 = arith.constant 0 : index
    %swap3A_63 = arith.constant 0 : index
    %swap3A_64 = vector.load %arg5[%swap3A_61, %swap3A_62, %swap3A_63] : memref<1x40x64xf32, #tpu.memory_space<vmem>>, vector<1x40x64xf32>
    %swap3A_65 = vector.shape_cast %swap3A_64 : vector<1x40x64xf32> to vector<40x64xf32>
    %swap3A_66 = vector.shape_cast %get3A_60 : vector<40x64xf32> to vector<1x40x64xf32>
    tpu.vector_store %arg5[%swap3A_61, %swap3A_62, %swap3A_63], %swap3A_66 {strides = array<i32>} : memref<1x40x64xf32, #tpu.memory_space<vmem>>, vector<1x40x64xf32>,
    return
  }
  func.func @transform_0(%arg0: i32) -> (i32, i32, i32) {
    %c0_i32 = arith.constant 0 : i32
    %c0_i32_0 = arith.constant 0 : i32
    %c0_i32_1 = arith.constant 0 : i32
    return %arg0, %c0_i32, %c0_i32_0 : i32, i32, i32
  }
  func.func @transform_1(%arg0: i32) -> (i32, i32, i32) {
    %c0_i32 = arith.constant 0 : i32
    %c0_i32_0 = arith.constant 0 : i32
    %c0_i32_1 = arith.constant 0 : i32
    return %arg0, %c0_i32, %c0_i32_0 : i32, i32, i32
  }
  func.func @transform_2(%arg0: i32) -> (i32, i32, i32) {
    %c0_i32 = arith.constant 0 : i32
    %c0_i32_0 = arith.constant 0 : i32
    %c0_i32_1 = arith.constant 0 : i32
    return %arg0, %c0_i32, %c0_i32_0 : i32, i32, i32
  }
  func.func @transform_3(%arg0: i32) -> (i32, i32, i32) {
    %c0_i32 = arith.constant 0 : i32
    %c0_i32_0 = arith.constant 0 : i32
    %c0_i32_1 = arith.constant 0 : i32
    return %arg0, %c0_i32, %c0_i32_0 : i32, i32, i32
  }
  func.func @transform_4(%arg0: i32) -> (i32, i32, i32) {
    %c0_i32 = arith.constant 0 : i32
    %c0_i32_0 = arith.constant 0 : i32
    %c0_i32_1 = arith.constant 0 : i32
    return %arg0, %c0_i32, %c0_i32_0 : i32, i32, i32
  }
}

</mosaic_0001>

<sc_bundles>
// kernel: kernel.4.cloned.1.call-start
scs
__scs_entry_jumppad:
0x0: {  	(pc) =	sbr.rel $0x88, $3  }
0x1: {  	(tag) =	ssettag $0x0;
	lr =	simm.s32 $0x1  }
0x2: {  	[smem:$0x3F9E] =	sst lr;
	_ =	strace $0xD0000000  }
0x3: {  	_ = 	snop  }
0x4: {  	_ = 	snop  }
0x5: {  	_ = 	snop  }
0x6: {  	_ = 	snop  }
0x7: {  	_ = 	snop  }
__scs_overlays_trampoline_lowered:
0x8: {  	[smem:$0x3FAD] =	sst s0  }
0x9: {  	[smem:$0x3FAE] =	sst s1  }
0xa: {  	[smem:$0x3FAF] =	sst s2  }
0xb: {  	[smem:$0x3FB0] =	sst s3  }
0xc: {  	[smem:$0x3FB1] =	sst s4  }
0xd: {  	[smem:$0x3FB2] =	sst s5  }
0xe: {  	[smem:$0x3FB3] =	sst s6  }
0xf: {  	[smem:$0x3FB4] =	sst s7  }
0x10: {  	[smem:$0x3FB5] =	sst s8  }
0x11: {  	[smem:$0x3FB6] =	sst s9;
	s0 =	simm.s32 @!p0 $0x0  }
0x12: {  	s1 =	sld [smem:$0x3F9C];
	s0 =	simm.s32 @p0 $0x1  }
0x13: {  	[smem:$0x3FB7] =	sst s0;
	s0 =	simm.s32 @!p1 $0x0  }
0x14: {  	s2 =	sld [smem:$0x3F9B];
	s0 =	simm.s32 @p1 $0x1  }
0x15: {  	[smem:$0x3FB8] =	sst s0;
	s0 =	simm.s32 @!p2 $0x0  }
0x16: {  	s3 =	sld [smem:$0x3FDB];
	s0 =	simm.s32 @p2 $0x1  }
0x17: {  	s4 =	simm.s32 $0x1BF5;
	[smem:$0x3FBA] =	sst s0  }
0x18: {  	s0 =	sld [smem:$0x3F9D];
	_ =	swait.ge [sflag:s4], $0x0  }
0x19: {  	s7 =	sld [smem:$0x3F9E]  }
0x1a: {  	s8 =	sadd.s32 $0xFFFFE003, lr  }
0x1b: {  	s9 =	sadd.s32 $0xFFFFFEF7, lr;
	s5 =	simm.s32 $0xFFFFFFFF;
	p2 =	slt.u32 s8, $0xFFFFF086  }
0x1c: {  	p1 =	slt.u32 s9, $0xF7A;
	s5 =	simm.s32 @!p2 $0x0  }
0x1d: {  	s5 =	simm.s32 @p1 $0x1;
	p0 =	seq.s32 s7, s2  }
0x1e: {  	s7 =	smul.u32 @!p0 $0xF7A, s2;
	p2 =	seq.s32 @!p0 s5, $0x0  }
0x1f: {  	s9 =	smul.u32 $0xF7A, s1;
	s8 =	simm.s32 @!p0 $0x1BF5;
	p2 =	por !p2, p0  }
0x20: {  	[sflag:s8] =	ssyncset.s32 @!p0 $0xFFFFF086;
	s6 =	sadd.s32 @!p0 s3, s7;
	s7 =	simm.s32 @!p0 $0x108  }
0x21: {  	s3 =	sadd.s32 s3, s9;
	s6 =	sadd.s32 @!p0 $0x88, s6;
	s7 =	simm.s32 @p2 $0x1082  }
0x22: {  	[simem:s7], [sflag:s8] =	dma.local @!p0 [hbm:s6], $0xF7A  }
0x23: {  	s9 =	sor.u32 $0xD0000000, s2;
	s6 =	simm.s32 $0x108;
	_ =	swait.ge @!p0 [sflag:s8], $0x0  }
0x24: {  	s3 =	sadd.s32 $0x88, s3;
	s6 =	simm.s32 @!p1 $0x1082;
	[sflag:s4] =	ssyncset.s32 $0xFFFFF086  }
0x25: {  	[simem:s6], [sflag:s4] =	dma.local [hbm:s3], $0xF7A  }
0x26: {  	[smem:$0x3F9E] =	sst s1;
	(tag) =	ssettag s2;
	_ =	strace s9  }
0x27: {  	s1 =	sld [smem:$0x3FAE]  }
0x28: {  	s2 =	sld [smem:$0x3FAF]  }
0x29: {  	s4 =	sld [smem:$0x3FB1]  }
0x2a: {  	p0 =	seq.s32 s5, $0x0;
	s5 =	sld [smem:$0x3FB2]  }
0x2b: {  	s6 =	sld [smem:$0x3FB3]  }
0x2c: {  	s7 =	sld [smem:$0x3FB4]  }
0x2d: {  	s3 =	simm.s32 $0x108;
	s8 =	sld [smem:$0x3FB5]  }
0x2e: {  	s3 =	simm.s32 @!p0 $0x1082;
	s9 =	sld [smem:$0x3FB6]  }
0x2f: {  	lr =	sadd.s32 s0, s3;
	s0 =	sld [smem:$0x3FAD]  }
0x30: {  	s3 =	sld [smem:$0x3FB0]  }
0x31: {  	[smem:$0x3FB9] =	sst s10  }
0x32: {  	s10 =	sld [smem:$0x3FB7];
	_ =	sdelay $0x3  }
0x33: {  	p0 =	seq.s32 s10, $0x1;
	s10 =	sld [smem:$0x3FB9];
	_ =	sdelay $0x3  }
0x34: {  	[smem:$0x3FB9] =	sst s10  }
0x35: {  	s10 =	sld [smem:$0x3FB8];
	_ =	sdelay $0x3  }
0x36: {  	p1 =	seq.s32 s10, $0x1;
	s10 =	sld [smem:$0x3FB9];
	_ =	sdelay $0x3  }
0x37: {  	[smem:$0x3FB9] =	sst s10  }
0x38: {  	s10 =	sld [smem:$0x3FBA]  }
0x39: {  	_ = 	snop;
	(pc) =	sbr.ind lr, $3  }
0x3a: {  	_ = 	snop  }
0x3b: {  	_ = 	snop  }
0x3c: {  	p2 =	seq.s32 s10, $0x1;
	s10 =	sld [smem:$0x3FB9]  }
0x3d: {  	_ =	shalt  }
0x3e: {  	_ =	shalt  }
0x3f: {  	_ =	shalt  }
0x40: {  	_ =	shalt  }
0x41: {  	_ =	shalt  }
0x42: {  	_ =	shalt  }
0x43: {  	_ =	shalt  }
0x44: {  	_ =	shalt  }
0x45: {  	_ =	shalt  }
0x46: {  	_ =	shalt  }
0x47: {  	_ =	shalt  }
0x48: {  	_ =	shalt  }
0x49: {  	_ =	shalt  }
0x4a: {  	_ =	shalt  }
0x4b: {  	_ =	shalt  }
0x4c: {  	_ =	shalt  }
0x4d: {  	_ =	shalt  }
0x4e: {  	_ =	shalt  }
0x4f: {  	_ =	shalt  }
0x50: {  	_ =	shalt  }
0x51: {  	_ =	shalt  }
0x52: {  	_ =	shalt  }
0x53: {  	_ =	shalt  }
0x54: {  	_ =	shalt  }
0x55: {  	_ =	shalt  }
0x56: {  	_ =	shalt  }
0x57: {  	_ =	shalt  }
0x58: {  	_ =	shalt  }
0x59: {  	_ =	shalt  }
0x5a: {  	_ =	shalt  }
0x5b: {  	_ =	shalt  }
0x5c: {  	_ =	shalt  }
0x5d: {  	_ =	shalt  }
0x5e: {  	_ =	shalt  }
0x5f: {  	_ =	shalt  }
0x60: {  	_ =	shalt  }
0x61: {  	_ =	shalt  }
0x62: {  	_ =	shalt  }
0x63: {  	_ =	shalt  }
0x64: {  	_ =	shalt  }
0x65: {  	_ =	shalt  }
0x66: {  	_ =	shalt  }
0x67: {  	_ =	shalt  }
0x68: {  	_ =	shalt  }
0x69: {  	_ =	shalt  }
0x6a: {  	_ =	shalt  }
0x6b: {  	_ =	shalt  }
0x6c: {  	_ =	shalt  }
0x6d: {  	_ =	shalt  }
0x6e: {  	_ =	shalt  }
0x6f: {  	_ =	shalt  }
0x70: {  	_ =	shalt  }
0x71: {  	_ =	shalt  }
0x72: {  	_ =	shalt  }
0x73: {  	_ =	shalt  }
0x74: {  	_ =	shalt  }
0x75: {  	_ =	shalt  }
0x76: {  	_ =	shalt  }
0x77: {  	_ =	shalt  }
0x78: {  	_ =	shalt  }
0x79: {  	_ =	shalt  }
0x7a: {  	_ =	shalt  }
0x7b: {  	_ =	shalt  }
0x7c: {  	_ =	shalt  }
0x7d: {  	_ =	shalt  }
0x7e: {  	_ =	shalt  }
0x7f: {  	_ =	shalt  }
0x80: {  	_ =	shalt  }
0x81: {  	_ =	shalt  }
0x82: {  	_ =	shalt  }
0x83: {  	_ =	shalt  }
0x84: {  	_ =	shalt  }
0x85: {  	_ =	shalt  }
0x86: {  	_ =	shalt  }
0x87: {  	_ =	shalt  }
.Lfunc_end0:
.L_simem_size_0:
called_computation_lowered:
.L_overlay_start_0:
0x88: {  	s2 =	sld [smem:$0x3FD9]  }
0x89: {  	s3 =	sld [smem:$0x3FFE];
	_ =	sdelay $0x1  }
0x8a: {  	s1 =	srdreg.scid  }
0x8b: {  	s0 =	sand.u32 $0x1, s1  }
0x8c: {  	s17 =	sshll.u32 s0, $0xA;
	s2 =	sadd.s32 s3, s2  }
0x8d: {  	s2 =	sadd.s32 s2, s17  }
0x8e: {  	[smem:$0x3FC5] =	sst s2  }
0x8f: {  	_ = 	snop  }
0x90: {  	s2 =	sld [smem:$0x3FD0];
	(tm) =	ssettm $0x1  }
0x91: {  	s18 =	sld [smem:$0x3FFB];
	_ =	sdelay $0x3  }
0x92: {  	_ =	strace s18  }
0x93: {  	s3 =	sld [smem:$0x3FFC];
	_ =	sdelay $0x3  }
0x94: {  	_ =	strace s3  }
0x95: {  	s3 =	sld [smem:$0x3FFD];
	_ =	sdelay $0x3  }
0x96: {  	_ =	strace s3  }
0x97: {  	_ =	strace $0x8FFFFFFF  }
0x98: {  	s19 =	sld [smem:$0x3FDB];
	_ =	sdelay $0x1  }
0x99: {  	s4 =	simm.s32 $_scs_section_size  }
0x9a: {  	s5 =	simm.s32 $_size__tile_overlayer_lowered;
	s6 =	simm.s32 $_tile_overlayer_lowered  }
0x9b: {  	s22 =	simm.s32 $0x1BFF;
	s21 =	sshll.u32 s6, $0x1;
	s3 =	sadd.s32 s4, s19  }
0x9c: {  	s7 =	simm.s32 $0x0;
	s20 =	sshll.u32 s5, $0x1;
	s5 =	sadd.s32 s21, s3  }
0x9d: {  	[timem:s7], [sflag:s22] =	dma.local [hbm:s5], s20  }
0x9e: {  	_ =	swait.ge [sflag:s22], s20  }
0x9f: {  	s4 =	ssub.s32 $0x0, s20;
	[sflag:s22] =	ssyncset.done $0x0  }
0xa0: {  	[sflag:s22] =	ssyncadd.s32 s4;
	_ =	sdelay $0x1  }
0xa1: {  	s23 =	simm.s32 $0x1B8B  }
0xa2: {  	_ =	swait.ge [sflag:s23], $0x1  }
0xa3: {  	[sflag:s23] =	ssyncset.done $0x0  }
0xa4: {  	s25 =	simm.s32 $0x1B8E;
	s24 =	sld [smem:$0x3FFE];
	[sflag:s23] =	ssyncadd.s32 $0xFFFFFFFF  }
0xa5: {  	s26 =	simm.s32 $execute0_lowered;
	[smem:$0x3FD2] =	sst s25  }
0xa6: {  	s5 =	sshll.u32 s26, $0x1;
	_ =	strace $0x80000046;
	[dreg:$0x1] =	wrdreg $0xFFFFFFFF  }
0xa7: {  	s28 =	simm.s32 $_size_execute0_lowered;
	s3 =	sadd.s32 s3, s5;
	[dreg:$0x0] =	wrdreg $0x0  }
0xa8: {  	s5 =	sshll.u32 s28, $0x1;
	[dreg:$0x2] =	wrdreg s3  }
0xa9: {  	[dreg:$0x3] =	wrdreg s5  }
0xaa: {  	[dreg:$0x4] =	wrdreg $0xC0  }
0xab: {  	_ =	task [dreg:s7], $0x5FFFF  }
0xac: {  	[dreg:$0x1] =	wrdreg $0xFFFFFFFF  }
0xad: {  	[dreg:$0x0] =	wrdreg $0x60  }
0xae: {  	[dreg:$0x2] =	wrdreg s24  }
0xaf: {  	[dreg:$0x3] =	wrdreg s2  }
0xb0: {  	[dreg:$0x4] =	wrdreg $0x9  }
0xb1: {  	_ =	task.clear_ibuf [dreg:s7], $0x5FFFF;
	_ =	strace $0x90000046  }
0xb2: {  	s29 =	simm.s32 $0x9;
	_ =	strace $0x80000048  }
0xb3: {  	_ =	swait.ge [sflag:s29], $0x1  }
0xb4: {  	[sflag:s29] =	ssyncadd.s32 $0xFFFFFFFF  }
0xb5: {  	_ =	strace $0x90000048  }
0xb6: {  	_ =	sfence  }
0xb7: {  	s30 =	sld [smem:$0x0];
	_ =	sdelay $0x2  }
0xb8: {  	s31 =	sshll.u32 s1, $0xD;
	s1 =	sshrl.u32 s1, $0x2  }
0xb9: {  	s3 =	sand.u32 $0x4000, s31;
	s1 =	sadd.s32 s1, s30  }
0xba: {  	s0 =	sor.u32 s3, s0;
	s1 =	sshll.u32 s1, $0x11  }
0xbb: {  	s0 =	sor.u32 s1, s0  }
0xbc: {  	s0 =	sadd.s32 $0x8F2B, s0  }
0xbd: {  	[sflag:s0] =	ssyncadd.remote.s32 $0x1  }
0xbe: {  	_ =	sfence.sel $0xFFFF  }
0xbf: {  	[dreg:$0x0] =	wrdreg $0xFFFFFFFF;
	(pc) =	sbr.abs _section_cstart, $3  }
0xc0: {  	[dreg:$0x1] =	wrdreg $0xFFFFFFFF  }
0xc1: {  	_ =	task.clear_ibuf [dreg:s7], $0x2FFFF;
	_ =	strace $0x9FFFFFFF  }
0xc2: {  	(tm) =	ssettm $0x7FFFFFFF  }
0xc3: {  	_ =	shalt  }
tec
execute0_lowered:
.L_overlay_start_1:
0x0: {  	(tag) =	ssettag $0x1  }
0x1: {  	s5 =	rddreg [dreg:$0x0]  }
0x2: {  	s8 =	rddreg [dreg:$0x1]  }
0x3: {  	s0 =	rddreg [dreg:$0x2];
	s2 =	simm.s32 $0x0;
	s1 =	stileid.u32  }
0x4: {  	s7 =	srdreg.scid;
	s13 =	simm.s32 $0x10000;
	s14 =	simm.s32 $0x12000  }
0x5: {  	s15 =	simm.s32 $0x15000;
	s16 =	simm.s32 $0x18100;
	s17 =	simm.s32 $0x0  }
0x6: {  	[smem:$0x7FF] =	sst s2;
	s3 =	sadd.s32 $0x1C00, s5;
	s6 =	sshrl.u32 s1, $0x3  }
0x7: {  	s4 =	sshll.u32 s1, $0x7;
	s7 =	sand.u32 $0x1, s7;
	_ =	strace $0x80000047  }
0x8: {  	s9 =	sshll.u32 s6, $0x13;
	s10 =	sand.u32 $0x380, s4;
	s6 =	sshll.u32 s6, $0xE  }
0x9: {  	v25 =	vlaneseq.u32;
	s26 =	sshll.u32 s7, $0xD;
	s12 =	ssub.s32 $0x2, s7;
	s4 =	sor.u32 s10, s9  }
0xa: {  	v33 =	vimm.s32 $0x0;
	v35 =	vimm.s32 $0x1;
	v32 =	vimm.s32 $0x2;
	s6 =	sor.u32 s26, s6;
	s29 =	sshrl.u32 s12, $0x1;
	s11 =	sshrl.u32 s4, $0x3  }
0xb: {  	v59 =	vimm.s32 $0x3;
	v46 =	vimm.s32 $0x4;
	v38 =	vimm.s32 $0x5;
	s6 =	sor.u32 s10, s6;
	s30 =	ssub.s32 s12, s29;
	s10 =	simm.s32 $0x80  }
0xc: {  	v39 =	vimm.s32 $0x6;
	v40 =	vimm.s32 $0x7;
	v12 =	vimm.s32 $0x8;
	s12 =	simm.s32 $0x1;
	s28 =	sadd.s32 s11, s5;
	s5 =	sadd.s32 $0x41C00, s5  }
0xd: {  	v13 =	vimm.s32 $0x9;
	v14 =	vimm.s32 $0xA;
	v15 =	vimm.s32 $0xB;
	s31 =	sshrl.u32 s6, $0x3;
	s6 =	sshll.u32 s7, $0xA;
	s9 =	smax.u32 s30, $0x1  }
0xe: {  	v18 =	vimm.s32 $0xC;
	v22 =	vimm.s32 $0xD;
	v23 =	vimm.s32 $0xE;
	s11 =	simm.s32 $0x400;
	s7 =	sadd.s32 $0x21C00, s28;
	s8 =	sadd.s32 s8, s31  }
.LBB2_1:
0xf: {  	[tilespmem:s2], [sflag:$0x1] =	stream.strided.gather [hbm4b:s7+s10], $0x10000, s11, s10, $0x38;
	[tilespmem:$0x18500] =	vst v63  }
0x10: {  	_ =	swait.ge [sflag:s12], $0x10000  }
0x11: {  	[sflag:s12] =	ssyncset.done $0x0  }
0x12: {  	s18 =	simm.s32 $0x0;
	[sflag:s12] =	ssyncadd.s32 $0xFFFF0000  }
.LBB2_2:
0x13: {  	s19 =	sshll.u32 s18, $0x8  }
0x14: {  	s20 =	sadd.s32 s6, s19  }
0x15: {  	s21 =	sshll.u32 s20, $0x8  }
0x16: {  	s21 =	sadd.s32 s4, s21  }
0x17: {  	s21 =	sshrl.u32 s21, $0x3  }
0x18: {  	s21 =	sadd.s32 s3, s21  }
0x19: {  	[tilespmem:s13], [sflag:$0x1] =	stream.strided.gather [hbm4b:s21+s10], $0x2000, s11, s10, $0x38;
	[tilespmem:$0x18500] =	vst v63  }
0x1a: {  	s20 =	smul.u32 $0x6, s20;
	_ =	swait.ge [sflag:s12], $0x2000  }
0x1b: {  	[sflag:s12] =	ssyncset.done $0x0  }
0x1c: {  	s20 =	sadd.s32 s5, s20;
	[sflag:s12] =	ssyncadd.s32 $0xFFFFE000  }
0x1d: {  	[tilespmem:s14], [sflag:$0x1] =	stream.linear.gather [hbm4b:s20+s2], $0x3000, $0x38;
	[tilespmem:$0x18500] =	vst v63  }
0x1e: {  	_ =	swait.ge [sflag:s12], $0x3000  }
0x1f: {  	s22 =	simm.s32 $0x20;
	[sflag:s12] =	ssyncset.done $0x0  }
0x20: {  	s21 =	simm.s32 $0x10;
	s20 =	simm.s32 $0x20;
	[sflag:s12] =	ssyncadd.s32 $0xFFFFD000  }
.LBB2_3:
0x21: {  	s23 =	sadd.s32 $0xFFFFFFE0, s20  }
0x22: {  	s29 =	sadd.s32 $0xFFFFFFF0, s21;
	v0 =	vor.u32 s23, v25  }
0x23: {  	v51 =	vor.u32 s29, v25;
	_ =	sdelay $0x3  }
0x24: {  	v1 =	vld.idx.msk [tilespmem:v0+s14+$0x0], $0xffff  }
0x25: {  	v2 =	vld.idx.msk [tilespmem:v51+s13+$0x0], $0xffff;
	_ =	sdelay $0x3  }
0x26: {  	v17 =	vimm.s32 $0xF  }
0x27: {  	v52 =	vadd.s32 $0x800, v1;
	v4 =	vperm.xlane v2, v33;
	v5 =	vadd.s32 $0x1000, v1  }
0x28: {  	v7 =	vadd.s32 $0x1800, v1;
	v54 =	vperm.xlane v2, v35;
	v55 =	vadd.s32 $0x2000, v1  }
0x29: {  	v9 =	vperm.xlane v2, v32;
	v57 =	vperm.xlane v2, v59;
	v10 =	vadd.s32 $0x2800, v1  }
0x2a: {  	v30 =	vadd.s32 $0x3000, v1;
	v34 =	vperm.xlane v2, v46;
	v43 =	vadd.s32 $0x3800, v1  }
0x2b: {  	v47 =	vperm.xlane v2, v38;
	v49 =	vperm.xlane v2, v39;
	v50 =	vadd.s32 $0x4000, v1;
	v3 =	vld.idx.msk [tilespmem:v1+s2+$0x0], $0xffff  }
0x2c: {  	v63 =	vadd.s32 $0x5000, v1;
	v16 =	vadd.s32 $0xE800, v1;
	v21 =	vshll.u32 v4, $0x10;
	v0 =	vld.idx.msk [tilespmem:v52+s2+$0x0], $0xffff  }
0x2d: {  	v26 =	vand.u32 $0xFFFF0000, v4;
	v60 =	vshll.u32 v54, $0x10;
	v28 =	vand.u32 $0xFFFF0000, v54;
	v5 =	vld.idx.msk [tilespmem:v5+s2+$0x0], $0xffff  }
0x2e: {  	v41 =	vshll.u32 v34, $0x10;
	v42 =	vand.u32 $0xFFFF0000, v34;
	v34 =	vperm.xlane v2, v12;
	v7 =	vld.idx.msk [tilespmem:v7+s2+$0x0], $0xffff  }
0x2f: {  	v11 =	vshll.u32 v9, $0x10;
	v9 =	vand.u32 $0xFFFF0000, v9;
	v61 =	vshll.u32 v57, $0x10;
	v36 =	vld.idx.msk [tilespmem:v10+s2+$0x0], $0xffff  }
0x30: {  	v24 =	vshll.u32 v49, $0x10;
	v27 =	vand.u32 $0xFFFF0000, v34;
	v45 =	vld.idx.msk [tilespmem:v30+s2+$0x0], $0xffff;
	v6 =	vshll.u32 v3, $0x10  }
0x31: {  	v30 =	vshll.u32 v47, $0x10;
	v3 =	vand.u32 $0xFFFF0000, v3;
	v6 =	vmul.f32 v21, v6  }
0x32: {  	v3 =	vmul.f32 v26, v3;
	v8 =	vshll.u32 v0, $0x10;
	v0 =	vand.u32 $0xFFFF0000, v0  }
0x33: {  	v56 =	vshll.u32 v5, $0x10;
	v5 =	vand.u32 $0xFFFF0000, v5;
	v58 =	vshll.u32 v7, $0x10  }
0x34: {  	v31 =	vand.u32 $0xFFFF0000, v7;
	v48 =	vshll.u32 v36, $0x10;
	v7 =	vand.u32 $0xFFFF0000, v36  }
0x35: {  	v51 =	vshll.u32 v45, $0x10;
	v54 =	vand.u32 $0xFFFF0000, v45;
	v53 =	vadd.f32 $0.0e+00, v6  }
0x36: {  	v3 =	vadd.f32 $0.0e+00, v3;
	v8 =	vmul.f32 v60, v8;
	v0 =	vmul.f32 v28, v0  }
0x37: {  	[tilespmem:$0x1FD70] =	vst v9;
	v5 =	vmul.f32 v9, v5;
	v29 =	vmul.f32 v61, v58;
	v9 =	vand.u32 $0xFFFF0000, v47  }
0x38: {  	v6 =	vld.idx.msk [tilespmem:v55+s2+$0x0], $0xffff;
	v52 =	vmul.f32 v24, v51;
	v55 =	vand.u32 $0xFFFF0000, v49;
	v47 =	vadd.s32 $0x6000, v1  }
0x39: {  	v4 =	vadd.f32 v8, v53;
	v0 =	vadd.f32 v0, v3;
	v3 =	vmul.f32 v11, v56  }
0x3a: {  	v7 =	vmul.f32 v9, v7;
	v8 =	vand.u32 $0xFFFF0000, v57;
	v56 =	vperm.xlane v2, v40  }
0x3b: {  	v53 =	vadd.s32 $0x4800, v1;
	v57 =	vld.idx.msk [tilespmem:v50+s2+$0x0], $0xffff;
	v50 =	vperm.xlane v2, v14;
	v3 =	vadd.f32 v3, v4  }
0x3c: {  	v0 =	vadd.f32 v5, v0;
	v5 =	vmul.f32 v8, v31;
	v20 =	vshll.u32 v56, $0x10  }
0x3d: {  	v62 =	vand.u32 $0xFFFF0000, v56;
	v37 =	vshll.u32 v6, $0x10;
	v6 =	vand.u32 $0xFFFF0000, v6  }
0x3e: {  	v4 =	vld.idx.msk [tilespmem:v43+s2+$0x0], $0xffff;
	v3 =	vadd.f32 v29, v3;
	v0 =	vadd.f32 v5, v0;
	v44 =	vmul.f32 v41, v37  }
0x3f: {  	[tilespmem:$0x1FD90] =	vst v41;
	v6 =	vmul.f32 v42, v6;
	v5 =	vmul.f32 v30, v48;
	v37 =	vshll.u32 v34, $0x10  }
0x40: {  	[tilespmem:$0x1FDA0] =	vst v42;
	v41 =	vperm.xlane v2, v13;
	v42 =	vadd.s32 $0x5800, v1;
	v34 =	vadd.s32 $0x7000, v1  }
0x41: {  	v31 =	vld.idx.msk [tilespmem:v53+s2+$0x0], $0xffff;
	v36 =	vshll.u32 v57, $0x10;
	v53 =	vand.u32 $0xFFFF0000, v50;
	v3 =	vadd.f32 v44, v3  }
0x42: {  	v0 =	vadd.f32 v6, v0;
	v6 =	vand.u32 $0xFFFF0000, v57;
	v44 =	vshll.u32 v41, $0x10  }
0x43: {  	v49 =	vand.u32 $0xFFFF0000, v41;
	v57 =	vperm.xlane v2, v15;
	v58 =	vshll.u32 v4, $0x10  }
0x44: {  	v4 =	vand.u32 $0xFFFF0000, v4;
	v6 =	vmul.f32 v27, v6;
	v3 =	vadd.f32 v5, v3  }
0x45: {  	v0 =	vadd.f32 v7, v0;
	v7 =	vmul.f32 v55, v54;
	v29 =	vmul.f32 v20, v58  }
0x46: {  	[tilespmem:$0x1FDD0] =	vst v62;
	v56 =	vld.idx.msk [tilespmem:v47+s2+$0x0], $0xffff;
	v4 =	vmul.f32 v62, v4;
	v62 =	vshll.u32 v50, $0x10;
	v54 =	vadd.s32 $0x6800, v1  }
0x47: {  	v5 =	vld.idx.msk [tilespmem:v63+s2+$0x0], $0xffff;
	v41 =	vshll.u32 v57, $0x10;
	v63 =	vperm.xlane v2, v18;
	v3 =	vadd.f32 v52, v3  }
0x48: {  	v0 =	vadd.f32 v7, v0;
	v43 =	vshll.u32 v31, $0x10;
	v48 =	vand.u32 $0xFFFF0000, v31  }
0x49: {  	v47 =	vand.u32 $0xFFFF0000, v63;
	v45 =	vmul.f32 v44, v43;
	v43 =	vadd.s32 $0x7800, v1  }
0x4a: {  	[tilespmem:$0x1FDF0] =	vst v44;
	v51 =	vld.idx.msk [tilespmem:v42+s2+$0x0], $0xffff;
	v44 =	vor.u32 s21, v25;
	v3 =	vadd.f32 v29, v3;
	v0 =	vadd.f32 v4, v0  }
0x4b: {  	v4 =	vmul.f32 v37, v36;
	v29 =	vand.u32 $0xFFFF0000, v57;
	v36 =	vshll.u32 v56, $0x10  }
0x4c: {  	[tilespmem:$0x1FDE0] =	vst v37;
	v37 =	vshll.u32 v63, $0x10;
	v52 =	vshll.u32 v5, $0x10;
	v5 =	vand.u32 $0xFFFF0000, v5  }
0x4d: {  	v42 =	vmul.f32 v37, v36;
	v0 =	vadd.f32 v6, v0;
	v6 =	vmul.f32 v49, v48  }
0x4e: {  	[tilespmem:$0x1FDC0] =	vst v55;
	v3 =	vadd.f32 v4, v3;
	v55 =	vmul.f32 v62, v52;
	v5 =	vmul.f32 v53, v5  }
0x4f: {  	v58 =	vshll.u32 v51, $0x10;
	v7 =	vand.u32 $0xFFFF0000, v51;
	v4 =	vld.idx.msk [tilespmem:v54+s2+$0x0], $0xffff;
	v48 =	vperm.xlane v2, v22  }
0x50: {  	[tilespmem:$0x1FE00] =	vst v49;
	v49 =	vld.idx.msk [tilespmem:v34+s2+$0x0], $0xffff;
	v52 =	vadd.s32 $0x8000, v1;
	v7 =	vmul.f32 v29, v7;
	v0 =	vadd.f32 v6, v0  }
0x51: {  	v3 =	vadd.f32 v45, v3;
	v45 =	vand.u32 $0xFFFF0000, v56;
	v31 =	vshll.u32 v48, $0x10  }
0x52: {  	v51 =	vand.u32 $0xFFFF0000, v48;
	v0 =	vadd.f32 v5, v0;
	v5 =	vmul.f32 v41, v58  }
0x53: {  	v3 =	vadd.f32 v55, v3;
	v55 =	vperm.xlane v2, v23;
	v2 =	vperm.xlane v2, v17  }
0x54: {  	v54 =	vld.idx.msk [tilespmem:v43+s2+$0x0], $0xffff;
	v58 =	vadd.s32 $0x8800, v1;
	v50 =	vshll.u32 v4, $0x10;
	v4 =	vand.u32 $0xFFFF0000, v4  }
0x55: {  	v56 =	vshll.u32 v49, $0x10;
	v6 =	vand.u32 $0xFFFF0000, v49;
	v3 =	vadd.f32 v5, v3  }
0x56: {  	[tilespmem:$0x1FE10] =	vst v53;
	v0 =	vadd.f32 v7, v0;
	v7 =	vmul.f32 v47, v45;
	v53 =	vmul.f32 v31, v50  }
0x57: {  	v4 =	vmul.f32 v51, v4;
	v57 =	vshll.u32 v55, $0x10;
	v34 =	vand.u32 $0xFFFF0000, v55  }
0x58: {  	v5 =	vld.idx.msk [tilespmem:v52+s2+$0x0], $0xffff;
	v36 =	vshll.u32 v2, $0x10;
	v3 =	vadd.f32 v42, v3;
	v0 =	vadd.f32 v7, v0  }
0x59: {  	v6 =	vmul.f32 v34, v6;
	v63 =	vshll.u32 v54, $0x10;
	v43 =	vand.u32 $0xFFFF0000, v54;
	v48 =	vld.idx.msk [tilespmem:v58+s2+$0x0], $0xffff  }
0x5a: {  	v7 =	vmul.f32 v57, v56;
	v3 =	vadd.f32 v53, v3;
	v4 =	vadd.f32 v4, v0;
	v0 =	vld.idx.msk [tilespmem:v44+s13+$0x0], $0xffff  }
0x5b: {  	[tilespmem:$0x1FE20] =	vst v37;
	v37 =	vmul.f32 v36, v63;
	v42 =	vadd.s32 $0x9000, v1;
	v44 =	vand.u32 $0xFFFF0000, v2  }
0x5c: {  	v3 =	vadd.f32 v7, v3;
	v4 =	vadd.f32 v6, v4;
	v6 =	vmul.f32 v44, v43  }
0x5d: {  	[tilespmem:$0x1FE40] =	vst v51;
	v51 =	vadd.s32 $0x9800, v1;
	v58 =	vadd.s32 $0xA000, v1;
	v49 =	vshll.u32 v5, $0x10  }
0x5e: {  	v5 =	vand.u32 $0xFFFF0000, v5;
	v45 =	vadd.f32 v37, v3;
	v4 =	vadd.f32 v6, v4  }
0x5f: {  	[tilespmem:$0x1FE30] =	vst v47;
	v55 =	vshll.u32 v48, $0x10;
	v7 =	vand.u32 $0xFFFF0000, v48;
	v47 =	vperm.xlane v0, v33  }
0x60: {  	[tilespmem:$0x1FE50] =	vst v57;
	v53 =	vld.idx.msk [tilespmem:v42+s2+$0x0], $0xffff;
	v54 =	vperm.xlane v0, v35;
	v56 =	vperm.xlane v0, v32;
	v35 =	vadd.s32 $0xA800, v1  }
0x61: {  	[tilespmem:$0x1FE70] =	vst v44;
	v44 =	vperm.xlane v0, v59;
	v39 =	vperm.xlane v0, v39;
	v63 =	vshll.u32 v47, $0x10  }
0x62: {  	[tilespmem:$0x1FE60] =	vst v36;
	v3 =	vld.idx.msk [tilespmem:v51+s2+$0x0], $0xffff;
	v50 =	vand.u32 $0xFFFF0000, v47;
	v57 =	vshll.u32 v54, $0x10;
	v36 =	vand.u32 $0xFFFF0000, v54  }
0x63: {  	v37 =	vshll.u32 v56, $0x10;
	v43 =	vand.u32 $0xFFFF0000, v56;
	v56 =	vperm.xlane v0, v38  }
0x64: {  	v48 =	vshll.u32 v44, $0x10;
	v52 =	vmul.f32 v63, v49;
	v5 =	vmul.f32 v50, v5  }
0x65: {  	v7 =	vmul.f32 v36, v7;
	v32 =	vshll.u32 v53, $0x10;
	v42 =	vand.u32 $0xFFFF0000, v53  }
0x66: {  	[tilespmem:$0x1FE80] =	vst v50;
	v49 =	vand.u32 $0xFFFF0000, v44;
	v50 =	vadd.s32 $0xB000, v1;
	v53 =	vperm.xlane v0, v46  }
0x67: {  	v46 =	vadd.s32 $0xC800, v1;
	v33 =	vmul.f32 v37, v32;
	v47 =	vshll.u32 v3, $0x10  }
0x68: {  	v3 =	vand.u32 $0xFFFF0000, v3;
	v32 =	vshll.u32 v56, $0x10;
	v2 =	vadd.f32 v52, v45  }
0x69: {  	v4 =	vadd.f32 v5, v4;
	v5 =	vmul.f32 v57, v55;
	v45 =	vld.idx.msk [tilespmem:v58+s2+$0x0], $0xffff;
	v51 =	vmul.f32 v48, v47  }
0x6a: {  	[tilespmem:$0x1FDB0] =	vst v9;
	v3 =	vmul.f32 v49, v3;
	v52 =	vld.idx.msk [tilespmem:v35+s2+$0x0], $0xffff;
	v55 =	vshll.u32 v53, $0x10;
	v58 =	vadd.s32 $0xB800, v1  }
0x6b: {  	[tilespmem:$0x1FEA0] =	vst v48;
	v9 =	vand.u32 $0xFFFF0000, v53;
	v35 =	vadd.s32 $0xC000, v1;
	v48 =	vand.u32 $0xFFFF0000, v39  }
0x6c: {  	v2 =	vadd.f32 v5, v2;
	v4 =	vadd.f32 v7, v4;
	v7 =	vmul.f32 v43, v42  }
0x6d: {  	v42 =	vand.u32 $0xFFFF0000, v56;
	v5 =	vld.idx.msk [tilespmem:v50+s2+$0x0], $0xffff;
	v50 =	vperm.xlane v0, v40;
	v40 =	vadd.s32 $0xE000, v1  }
0x6e: {  	v2 =	vadd.f32 v33, v2;
	v4 =	vadd.f32 v7, v4;
	v54 =	vshll.u32 v45, $0x10  }
0x6f: {  	v6 =	vand.u32 $0xFFFF0000, v45;
	v59 =	vshll.u32 v52, $0x10;
	v38 =	vand.u32 $0xFFFF0000, v52  }
0x70: {  	[tilespmem:$0x1FE90] =	vst v43;
	v45 =	vshll.u32 v39, $0x10;
	v52 =	vperm.xlane v0, v12;
	v53 =	vand.u32 $0xFFFF0000, v50  }
0x71: {  	[tilespmem:$0x1FEB0] =	vst v49;
	v2 =	vadd.f32 v51, v2;
	v3 =	vadd.f32 v3, v4;
	v4 =	vmul.f32 v55, v54  }
0x72: {  	[tilespmem:$0x1FEC0] =	vst v55;
	v43 =	vld.idx.msk [tilespmem:v58+s2+$0x0], $0xffff;
	v6 =	vmul.f32 v9, v6;
	v33 =	vmul.f32 v32, v59;
	v55 =	vadd.s32 $0xD000, v1  }
0x73: {  	[tilespmem:$0x1FEE0] =	vst v32;
	v49 =	vld.idx.msk [tilespmem:v35+s2+$0x0], $0xffff;
	v32 =	vadd.s32 $0xD800, v1;
	v35 =	vand.u32 $0xFFFF0000, v52;
	v2 =	vadd.f32 v4, v2  }
0x74: {  	v3 =	vadd.f32 v6, v3;
	v6 =	vmul.f32 v42, v38;
	v44 =	vshll.u32 v5, $0x10  }
0x75: {  	v5 =	vand.u32 $0xFFFF0000, v5;
	v38 =	vperm.xlane v0, v13;
	v47 =	vmul.f32 v45, v44  }
0x76: {  	[tilespmem:$0x1FEF0] =	vst v45;
	v54 =	vld.idx.msk [tilespmem:v46+s2+$0x0], $0xffff;
	v5 =	vmul.f32 v48, v5;
	v45 =	vshll.u32 v52, $0x10;
	v2 =	vadd.f32 v33, v2  }
0x77: {  	v3 =	vadd.f32 v6, v3;
	v51 =	vshll.u32 v43, $0x10;
	v7 =	vand.u32 $0xFFFF0000, v43  }
0x78: {  	v43 =	vshll.u32 v50, $0x10;
	v58 =	vshll.u32 v49, $0x10;
	v33 =	vand.u32 $0xFFFF0000, v49  }
0x79: {  	v44 =	vshll.u32 v38, $0x10;
	v49 =	vperm.xlane v0, v14;
	v14 =	vperm.xlane v0, v15  }
0x7a: {  	v39 =	vand.u32 $0xFFFF0000, v38;
	v56 =	vmul.f32 v53, v7;
	v59 =	vmul.f32 v45, v58  }
0x7b: {  	[tilespmem:$0x1FD60] =	vst v11;
	v15 =	vld.idx.msk [tilespmem:v40+s2+$0x0], $0xffff;
	v10 =	vmul.f32 v35, v33;
	v13 =	vshll.u32 v54, $0x10;
	v3 =	vadd.f32 v5, v3  }
0x7c: {  	[tilespmem:$0x1FED0] =	vst v9;
	v9 =	vand.u32 $0xFFFF0000, v54;
	v11 =	vld.idx.msk [tilespmem:v55+s2+$0x0], $0xffff;
	v6 =	vadd.f32 v47, v2;
	v5 =	vmul.f32 v43, v51  }
0x7d: {  	[tilespmem:$0x1FF00] =	vst v53;
	v53 =	vadd.s32 $0xF000, v1;
	v1 =	vadd.s32 $0xF800, v1;
	v12 =	vadd.f32 v56, v3  }
0x7e: {  	v9 =	vmul.f32 v39, v9;
	v47 =	vshll.u32 v49, $0x10;
	v5 =	vadd.f32 v5, v6  }
0x7f: {  	v19 =	vand.u32 $0xFFFF0000, v49;
	v10 =	vadd.f32 v10, v12;
	v12 =	vmul.f32 v44, v13;
	v13 =	vld.idx.msk [tilespmem:v32+s2+$0x0], $0xffff  }
0x80: {  	v52 =	vshll.u32 v14, $0x10;
	v58 =	vand.u32 $0xFFFF0000, v14;
	v6 =	vadd.f32 v59, v5  }
0x81: {  	v14 =	vld.idx.msk [tilespmem:v16+s2+$0x0], $0xffff;
	v16 =	vshll.u32 v15, $0x10;
	v50 =	vshll.u32 v11, $0x10;
	v11 =	vand.u32 $0xFFFF0000, v11  }
0x82: {  	v12 =	vadd.f32 v12, v6;
	v9 =	vadd.f32 v9, v10;
	v10 =	vmul.f32 v47, v50  }
0x83: {  	v7 =	vand.u32 $0xFFFF0000, v15;
	v15 =	vperm.xlane v0, v22;
	v11 =	vmul.f32 v19, v11  }
0x84: {  	v10 =	vadd.f32 v10, v12;
	v12 =	vperm.xlane v0, v18;
	v51 =	vshll.u32 v13, $0x10  }
0x85: {  	v3 =	vld.idx.msk [tilespmem:v53+s2+$0x0], $0xffff;
	v53 =	vshll.u32 v15, $0x10;
	v55 =	vand.u32 $0xFFFF0000, v15;
	v2 =	vmul.f32 v52, v51  }
0x86: {  	v11 =	vadd.f32 v11, v9;
	v13 =	vand.u32 $0xFFFF0000, v13;
	v56 =	vshll.u32 v12, $0x10  }
0x87: {  	v13 =	vmul.f32 v58, v13;
	v16 =	vmul.f32 v56, v16;
	v2 =	vadd.f32 v2, v10  }
0x88: {  	v15 =	vperm.xlane v0, v23;
	v18 =	vshll.u32 v14, $0x10;
	v54 =	vand.u32 $0xFFFF0000, v12  }
0x89: {  	v1 =	vld.idx.msk [tilespmem:v1+s2+$0x0], $0xffff;
	v59 =	vadd.f32 v13, v11;
	v2 =	vadd.f32 v16, v2;
	v16 =	vmul.f32 v54, v7  }
0x8a: {  	v14 =	vand.u32 $0xFFFF0000, v14;
	v0 =	vperm.xlane v0, v17;
	v22 =	vshll.u32 v3, $0x10  }
0x8b: {  	v3 =	vand.u32 $0xFFFF0000, v3;
	v4 =	vadd.f32 v16, v59;
	v16 =	vmul.f32 v53, v18  }
0x8c: {  	[tilespmem:$0x1FF30] =	vst v52;
	v52 =	vshll.u32 v15, $0x10;
	v51 =	vand.u32 $0xFFFF0000, v15;
	v18 =	vmul.f32 v55, v14  }
0x8d: {  	v50 =	vshll.u32 v0, $0x10;
	v3 =	vmul.f32 v51, v3;
	v2 =	vadd.f32 v16, v2  }
0x8e: {  	v4 =	vadd.f32 v18, v4;
	v16 =	vmul.f32 v52, v22;
	v18 =	vshll.u32 v1, $0x10  }
0x8f: {  	v49 =	vand.u32 $0xFFFF0000, v0;
	v22 =	vand.u32 $0xFFFF0000, v1;
	v33 =	vmul.f32 v50, v18  }
0x90: {  	s30 =	sadd.s32 $0xFFFFFFE0, s22;
	[tilespmem:$0x1FF10] =	vst v35;
	v35 =	vmul.f32 v49, v22;
	v2 =	vadd.f32 v16, v2;
	v32 =	vadd.f32 v3, v4  }
0x91: {  	s24 =	sadd.s32 $0xFFFFFFF0, s20;
	v18 =	vadd.s32 s30, v25  }
0x92: {  	v38 =	vor.u32 s24, v25;
	v2 =	vadd.f32 v33, v2;
	v0 =	vadd.f32 v35, v32;
	_ =	sdelay $0x1  }
0x93: {  	v0 =	vadd.f32 v0, v2;
	_ =	sdelay $0x1  }
0x94: {  	[tilespmem:v18+s15+$0x0] =	vst.idx.msk $0xffff, v0  }
0x95: {  	v0 =	vld.idx.msk [tilespmem:v38+s14+$0x0], $0xffff;
	_ =	sdelay $0x4  }
0x96: {  	[tilespmem:$0x1FF20] =	vst v39;
	v39 =	vadd.s32 $0x800, v0;
	_ =	sdelay $0x3  }
0x97: {  	v40 =	vadd.s32 $0x1000, v0;
	v3 =	vld.idx.msk [tilespmem:v0+s2+$0x0], $0xffff  }
0x98: {  	v2 =	vld.idx.msk [tilespmem:v39+s2+$0x0], $0xffff  }
0x99: {  	v18 =	vadd.s32 $0x1800, v0  }
0x9a: {  	v46 =	vadd.s32 $0x2000, v0  }
0x9b: {  	v11 =	vld [tilespmem:$0x1FD60]  }
0x9c: {  	v4 =	vld.idx.msk [tilespmem:v40+s2+$0x0], $0xffff;
	v22 =	vshll.u32 v3, $0x10  }
0x9d: {  	[tilespmem:$0x1FD80] =	vst v8;
	v38 =	vld [tilespmem:$0x1FD70];
	v3 =	vand.u32 $0xFFFF0000, v3;
	v22 =	vmul.f32 v22, v21;
	v23 =	vshll.u32 v2, $0x10  }
0x9e: {  	v8 =	vmovc v60;
	v18 =	vld.idx.msk [tilespmem:v18+s2+$0x0], $0xffff;
	v3 =	vmul.f32 v3, v26;
	v23 =	vmul.f32 v23, v60;
	v60 =	vadd.s32 $0x3000, v0  }
0x9f: {  	v59 =	vadd.s32 $0x2800, v0;
	v1 =	vld.idx.msk [tilespmem:v46+s2+$0x0], $0xffff;
	v2 =	vand.u32 $0xFFFF0000, v2;
	v22 =	vadd.f32 $0.0e+00, v22  }
0xa0: {  	v33 =	vmovc v26;
	v35 =	vadd.s32 $0x3800, v0;
	v26 =	vld [tilespmem:$0x1FD80];
	v3 =	vadd.f32 $0.0e+00, v3;
	v2 =	vmul.f32 v2, v28  }
0xa1: {  	v9 =	vmovc v28;
	v12 =	vld [tilespmem:$0x1FD90];
	v28 =	vand.u32 $0xFFFF0000, v4;
	v22 =	vadd.f32 v23, v22;
	v23 =	vshll.u32 v4, $0x10  }
0xa2: {  	v2 =	vadd.f32 v2, v3;
	v3 =	vmul.f32 v28, v38;
	v28 =	vld [tilespmem:$0x1FDA0];
	v32 =	vmul.f32 v23, v11  }
0xa3: {  	v23 =	vshll.u32 v18, $0x10;
	v18 =	vand.u32 $0xFFFF0000, v18;
	v6 =	vld.idx.msk [tilespmem:v60+s2+$0x0], $0xffff  }
0xa4: {  	v17 =	vmovc v21;
	v21 =	vld [tilespmem:$0x1FDC0];
	v2 =	vadd.f32 v3, v2;
	v4 =	vadd.f32 v32, v22;
	v22 =	vmul.f32 v23, v61  }
0xa5: {  	v5 =	vld.idx.msk [tilespmem:v59+s2+$0x0], $0xffff;
	v39 =	vmul.f32 v18, v26;
	v18 =	vshll.u32 v1, $0x10;
	v1 =	vand.u32 $0xFFFF0000, v1  }
0xa6: {  	v7 =	vld.idx.msk [tilespmem:v35+s2+$0x0], $0xffff;
	v40 =	vmul.f32 v18, v12;
	v4 =	vadd.f32 v22, v4;
	v22 =	vadd.s32 $0x4000, v0  }
0xa7: {  	v35 =	vld [tilespmem:$0x1FDB0];
	v2 =	vadd.f32 v39, v2;
	v1 =	vmul.f32 v1, v28  }
0xa8: {  	v23 =	vadd.s32 $0x4800, v0;
	v3 =	vadd.f32 v40, v4;
	v40 =	vand.u32 $0xFFFF0000, v6  }
0xa9: {  	v1 =	vadd.f32 v1, v2;
	v2 =	vmul.f32 v40, v21;
	v40 =	vld [tilespmem:$0x1FDD0]  }
0xaa: {  	v18 =	vshll.u32 v5, $0x10  }
0xab: {  	v46 =	vand.u32 $0xFFFF0000, v5;
	v59 =	vmul.f32 v18, v30;
	v18 =	vadd.s32 $0x5000, v0;
	v4 =	vld.idx.msk [tilespmem:v22+s2+$0x0], $0xffff  }
0xac: {  	v32 =	vmul.f32 v46, v35  }
0xad: {  	v46 =	vand.u32 $0xFFFF0000, v7;
	v39 =	vshll.u32 v6, $0x10;
	v6 =	vld.idx.msk [tilespmem:v23+s2+$0x0], $0xffff;
	v23 =	vadd.s32 $0x5800, v0  }
0xae: {  	v60 =	vmovc v30;
	v3 =	vadd.f32 v59, v3;
	v5 =	vmul.f32 v39, v24;
	v30 =	vmul.f32 v46, v40;
	v46 =	vld [tilespmem:$0x1FDE0]  }
0xaf: {  	v13 =	vld [tilespmem:$0x1FDF0];
	v1 =	vadd.f32 v32, v1  }
0xb0: {  	[tilespmem:$0x1FF50] =	vst v27;
	v22 =	vshll.u32 v7, $0x10;
	v3 =	vadd.f32 v5, v3;
	v5 =	vld.idx.msk [tilespmem:v18+s2+$0x0], $0xffff;
	v39 =	vand.u32 $0xFFFF0000, v4  }
0xb1: {  	v10 =	vmovc v61;
	v61 =	vmul.f32 v22, v20;
	v1 =	vadd.f32 v2, v1;
	v2 =	vmul.f32 v39, v27;
	v27 =	vld [tilespmem:$0x1FE00]  }
0xb2: {  	v32 =	vshll.u32 v4, $0x10  }
0xb3: {  	v18 =	vadd.s32 $0x6000, v0;
	v3 =	vadd.f32 v61, v3;
	v7 =	vld.idx.msk [tilespmem:v23+s2+$0x0], $0xffff;
	v61 =	vmul.f32 v32, v46  }
0xb4: {  	v22 =	vshll.u32 v6, $0x10;
	v1 =	vadd.f32 v30, v1  }
0xb5: {  	v30 =	vand.u32 $0xFFFF0000, v6;
	v32 =	vmul.f32 v22, v13;
	v3 =	vadd.f32 v61, v3  }
0xb6: {  	v59 =	vmovc v20;
	v20 =	vld [tilespmem:$0x1FE10];
	v1 =	vadd.f32 v2, v1;
	v39 =	vmul.f32 v30, v27;
	v61 =	vshll.u32 v5, $0x10  }
0xb7: {  	v23 =	vadd.s32 $0x6800, v0;
	v3 =	vadd.f32 v32, v3;
	v32 =	vmul.f32 v61, v62  }
0xb8: {  	v4 =	vld.idx.msk [tilespmem:v18+s2+$0x0], $0xffff;
	v1 =	vadd.f32 v39, v1;
	v39 =	vand.u32 $0xFFFF0000, v7  }
0xb9: {  	[tilespmem:$0x1FF70] =	vst v29;
	v3 =	vadd.f32 v32, v3;
	v32 =	vmul.f32 v39, v29;
	v29 =	vld [tilespmem:$0x1FE20]  }
0xba: {  	v22 =	vshll.u32 v7, $0x10;
	v30 =	vand.u32 $0xFFFF0000, v5  }
0xbb: {  	v2 =	vmul.f32 v30, v20;
	v30 =	vmul.f32 v22, v41  }
0xbc: {  	v6 =	vld.idx.msk [tilespmem:v23+s2+$0x0], $0xffff  }
0xbd: {  	v39 =	vshll.u32 v4, $0x10;
	v3 =	vadd.f32 v30, v3;
	v30 =	vld [tilespmem:$0x1FE30]  }
0xbe: {  	v18 =	vadd.s32 $0x7000, v0;
	v61 =	vmul.f32 v39, v29;
	_ =	sdelay $0x1  }
0xbf: {  	v23 =	vadd.s32 $0x7800, v0  }
0xc0: {  	[tilespmem:$0x1FF60] =	vst v62;
	v62 =	vmovc v41;
	v41 =	vand.u32 $0xFFFF0000, v4;
	v22 =	vshll.u32 v6, $0x10;
	v1 =	vadd.f32 v2, v1  }
0xc1: {  	v2 =	vmul.f32 v41, v30;
	v3 =	vadd.f32 v61, v3;
	v41 =	vmul.f32 v22, v31;
	v61 =	vmovc v31;
	v31 =	vld [tilespmem:$0x1FE40]  }
0xc2: {  	v5 =	vld.idx.msk [tilespmem:v18+s2+$0x0], $0xffff;
	v18 =	vadd.s32 $0x8000, v0;
	_ =	sdelay $0x1  }
0xc3: {  	v1 =	vadd.f32 v32, v1;
	v32 =	vld [tilespmem:$0x1FE50]  }
0xc4: {  	v7 =	vld.idx.msk [tilespmem:v23+s2+$0x0], $0xffff;
	v23 =	vadd.s32 $0x8800, v0;
	v39 =	vand.u32 $0xFFFF0000, v6  }
0xc5: {  	v14 =	vld [tilespmem:$0x1FE60];
	v1 =	vadd.f32 v2, v1;
	v39 =	vmul.f32 v39, v31  }
0xc6: {  	v4 =	vld.idx.msk [tilespmem:v18+s2+$0x0], $0xffff;
	v18 =	vadd.s32 $0x9000, v0;
	v3 =	vadd.f32 v41, v3  }
0xc7: {  	v41 =	vshll.u32 v5, $0x10;
	v1 =	vadd.f32 v39, v1;
	v39 =	vand.u32 $0xFFFF0000, v5  }
0xc8: {  	[tilespmem:$0x1FF80] =	vst v34;
	v41 =	vmul.f32 v41, v32;
	v2 =	vmul.f32 v39, v34;
	v34 =	vld [tilespmem:$0x1FE70]  }
0xc9: {  	v6 =	vld.idx.msk [tilespmem:v23+s2+$0x0], $0xffff;
	v22 =	vshll.u32 v7, $0x10  }
0xca: {  	v3 =	vadd.f32 v41, v3;
	v41 =	vmul.f32 v22, v14  }
0xcb: {  	[tilespmem:$0x1FF40] =	vst v24;
	v24 =	vld [tilespmem:$0x1FE80]  }
0xcc: {  	v3 =	vadd.f32 v41, v3;
	v41 =	vshll.u32 v4, $0x10;
	v5 =	vld.idx.msk [tilespmem:v18+s2+$0x0], $0xffff;
	v39 =	vand.u32 $0xFFFF0000, v7  }
0xcd: {  	v41 =	vmul.f32 v41, v63;
	v1 =	vadd.f32 v2, v1;
	v39 =	vmul.f32 v39, v34  }
0xce: {  	v23 =	vadd.s32 $0x9800, v0;
	v22 =	vshll.u32 v6, $0x10  }
0xcf: {  	v3 =	vadd.f32 v41, v3;
	v1 =	vadd.f32 v39, v1;
	v39 =	vand.u32 $0xFFFF0000, v4  }
0xd0: {  	v41 =	vmul.f32 v22, v57;
	v2 =	vmul.f32 v39, v24;
	v39 =	vand.u32 $0xFFFF0000, v6  }
0xd1: {  	[tilespmem:$0x1FF90] =	vst v36;
	v36 =	vmul.f32 v39, v36;
	v39 =	vshll.u32 v5, $0x10  }
0xd2: {  	[tilespmem:$0x1FFA0] =	vst v37;
	v3 =	vadd.f32 v41, v3;
	v1 =	vadd.f32 v2, v1;
	v41 =	vmul.f32 v39, v37;
	v37 =	vld [tilespmem:$0x1FE90]  }
0xd3: {  	v7 =	vld.idx.msk [tilespmem:v23+s2+$0x0], $0xffff  }
0xd4: {  	v18 =	vadd.s32 $0xA000, v0;
	v1 =	vadd.f32 v36, v1;
	v36 =	vld [tilespmem:$0x1FEB0];
	_ =	sdelay $0x1  }
0xd5: {  	v2 =	vand.u32 $0xFFFF0000, v5  }
0xd6: {  	v15 =	vld [tilespmem:$0x1FEA0];
	v23 =	vadd.s32 $0xA800, v0;
	v2 =	vmul.f32 v2, v37  }
0xd7: {  	v3 =	vadd.f32 v41, v3;
	v41 =	vand.u32 $0xFFFF0000, v7  }
0xd8: {  	v4 =	vld.idx.msk [tilespmem:v18+s2+$0x0], $0xffff;
	v1 =	vadd.f32 v2, v1;
	v41 =	vmul.f32 v41, v36  }
0xd9: {  	v39 =	vld [tilespmem:$0x1FEC0]  }
0xda: {  	v22 =	vshll.u32 v7, $0x10;
	v1 =	vadd.f32 v41, v1;
	v41 =	vld [tilespmem:$0x1FED0]  }
0xdb: {  	v18 =	vadd.s32 $0xB000, v0;
	v6 =	vld.idx.msk [tilespmem:v23+s2+$0x0], $0xffff;
	v7 =	vmul.f32 v22, v15;
	_ =	sdelay $0x1  }
0xdc: {  	v3 =	vadd.f32 v7, v3;
	v7 =	vshll.u32 v4, $0x10  }
0xdd: {  	v2 =	vand.u32 $0xFFFF0000, v4;
	v4 =	vmul.f32 v7, v39  }
0xde: {  	v16 =	vld [tilespmem:$0x1FEE0];
	v23 =	vadd.s32 $0xB800, v0;
	v2 =	vmul.f32 v2, v41  }
0xdf: {  	v5 =	vld.idx.msk [tilespmem:v18+s2+$0x0], $0xffff;
	v18 =	vadd.s32 $0xC000, v0;
	v3 =	vadd.f32 v4, v3;
	v4 =	vand.u32 $0xFFFF0000, v6  }
0xe0: {  	[tilespmem:$0x1FFB0] =	vst v42;
	v42 =	vmul.f32 v4, v42;
	v1 =	vadd.f32 v2, v1;
	_ =	sdelay $0x1  }
0xe1: {  	v1 =	vadd.f32 v42, v1;
	v42 =	vld [tilespmem:$0x1FEF0]  }
0xe2: {  	v22 =	vshll.u32 v6, $0x10;
	v7 =	vld.idx.msk [tilespmem:v23+s2+$0x0], $0xffff;
	v23 =	vadd.s32 $0xC800, v0  }
0xe3: {  	v6 =	vmul.f32 v22, v16;
	v4 =	vld.idx.msk [tilespmem:v18+s2+$0x0], $0xffff;
	v18 =	vadd.s32 $0xD000, v0;
	_ =	sdelay $0x1  }
0xe4: {  	v3 =	vadd.f32 v6, v3;
	v6 =	vshll.u32 v5, $0x10  }
0xe5: {  	v2 =	vand.u32 $0xFFFF0000, v5;
	v5 =	vmul.f32 v6, v42  }
0xe6: {  	v22 =	vshll.u32 v7, $0x10;
	v6 =	vld.idx.msk [tilespmem:v23+s2+$0x0], $0xffff  }
0xe7: {  	[tilespmem:$0x1FFD0] =	vst v43;
	v43 =	vmul.f32 v22, v43;
	v3 =	vadd.f32 v5, v3;
	v5 =	vld.idx.msk [tilespmem:v18+s2+$0x0], $0xffff;
	v18 =	vshll.u32 v4, $0x10  }
0xe8: {  	[tilespmem:$0x1FFE0] =	vst v45;
	v18 =	vmul.f32 v18, v45;
	v45 =	vld [tilespmem:$0x1FF10]  }
0xe9: {  	v23 =	vadd.s32 $0xD800, v0;
	v3 =	vadd.f32 v43, v3;
	v43 =	vld [tilespmem:$0x1FF00];
	_ =	sdelay $0x1  }
0xea: {  	v2 =	vmul.f32 v2, v48;
	_ =	sdelay $0x1  }
0xeb: {  	[tilespmem:$0x1FFC0] =	vst v48;
	v48 =	vand.u32 $0xFFFF0000, v7;
	v1 =	vadd.f32 v2, v1;
	v4 =	vand.u32 $0xFFFF0000, v4  }
0xec: {  	v2 =	vmul.f32 v48, v43;
	v48 =	vmul.f32 v4, v45;
	v4 =	vld.idx.msk [tilespmem:v23+s2+$0x0], $0xffff;
	v23 =	vshll.u32 v6, $0x10  }
0xed: {  	[tilespmem:$0x1FFF0] =	vst v44;
	v3 =	vadd.f32 v18, v3;
	v18 =	vmul.f32 v23, v44;
	v44 =	vld [tilespmem:$0x1FF20];
	_ =	sdelay $0x1  }
0xee: {  	v7 =	vadd.s32 $0xE000, v0;
	v1 =	vadd.f32 v2, v1;
	_ =	sdelay $0x1  }
0xef: {  	v1 =	vadd.f32 v48, v1;
	v48 =	vand.u32 $0xFFFF0000, v6  }
0xf0: {  	v2 =	vmul.f32 v48, v44;
	v48 =	vshll.u32 v5, $0x10  }
0xf1: {  	v22 =	vadd.s32 $0xE800, v0  }
0xf2: {  	v23 =	vadd.s32 $0xF000, v0;
	v6 =	vld.idx.msk [tilespmem:v7+s2+$0x0], $0xffff;
	v5 =	vand.u32 $0xFFFF0000, v5  }
0xf3: {  	v7 =	vmul.f32 v48, v47;
	v1 =	vadd.f32 v2, v1;
	v2 =	vmul.f32 v5, v19;
	v48 =	vmovc v19;
	v19 =	vld [tilespmem:$0x1FF30];
	_ =	sdelay $0x2  }
0xf4: {  	v0 =	vadd.s32 $0xF800, v0;
	v3 =	vadd.f32 v18, v3;
	v18 =	vld.idx.msk [tilespmem:v22+s2+$0x0], $0xffff  }
0xf5: {  	v5 =	vshll.u32 v4, $0x10  }
0xf6: {  	v4 =	vand.u32 $0xFFFF0000, v4;
	v3 =	vadd.f32 v7, v3;
	v7 =	vld.idx.msk [tilespmem:v23+s2+$0x0], $0xffff;
	v5 =	vmul.f32 v5, v19  }
0xf7: {  	v1 =	vadd.f32 v2, v1;
	v2 =	vmul.f32 v4, v58;
	v4 =	vshll.u32 v6, $0x10  }
0xf8: {  	v4 =	vmul.f32 v4, v56;
	v3 =	vadd.f32 v5, v3;
	v5 =	vand.u32 $0xFFFF0000, v6  }
0xf9: {  	v0 =	vld.idx.msk [tilespmem:v0+s2+$0x0], $0xffff;
	v1 =	vadd.f32 v2, v1;
	v2 =	vmul.f32 v5, v54;
	v5 =	vshll.u32 v18, $0x10  }
0xfa: {  	v3 =	vadd.f32 v4, v3;
	v4 =	vand.u32 $0xFFFF0000, v18;
	v5 =	vmul.f32 v5, v53  }
0xfb: {  	v1 =	vadd.f32 v2, v1;
	v2 =	vmul.f32 v4, v55;
	v4 =	vshll.u32 v7, $0x10  }
0xfc: {  	v3 =	vadd.f32 v5, v3;
	v5 =	vand.u32 $0xFFFF0000, v7;
	v4 =	vmul.f32 v4, v52  }
0xfd: {  	v1 =	vadd.f32 v2, v1;
	v2 =	vmul.f32 v5, v51  }
0xfe: {  	v3 =	vadd.f32 v4, v3;
	v4 =	vshll.u32 v0, $0x10;
	v0 =	vand.u32 $0xFFFF0000, v0  }
0xff: {  	s31 =	sadd.s32 $0xFFFFFFF0, s22;
	v1 =	vadd.f32 v2, v1;
	v2 =	vmul.f32 v4, v50;
	v0 =	vmul.f32 v0, v49  }
0x100: {  	v4 =	vadd.s32 s31, v25  }
0x101: {  	v7 =	vor.u32 s20, v25;
	v2 =	vadd.f32 v2, v3;
	v0 =	vadd.f32 v0, v1;
	_ =	sdelay $0x1  }
0x102: {  	v0 =	vadd.f32 v0, v2;
	_ =	sdelay $0x1  }
0x103: {  	[tilespmem:v4+s15+$0x0] =	vst.idx.msk $0xffff, v0  }
0x104: {  	v0 =	vld.idx.msk [tilespmem:v7+s14+$0x0], $0xffff;
	_ =	sdelay $0x4  }
0x105: {  	v1 =	vadd.s32 $0x800, v0;
	_ =	sdelay $0x1  }
0x106: {  	v3 =	vadd.s32 $0x1000, v0;
	_ =	sdelay $0x1  }
0x107: {  	v4 =	vadd.s32 $0x1800, v0;
	v2 =	vld.idx.msk [tilespmem:v0+s2+$0x0], $0xffff  }
0x108: {  	v1 =	vld.idx.msk [tilespmem:v1+s2+$0x0], $0xffff  }
0x109: {  	v6 =	vadd.s32 $0x2000, v0  }
0x10a: {  	v3 =	vld.idx.msk [tilespmem:v3+s2+$0x0], $0xffff  }
0x10b: {  	v18 =	vadd.s32 $0x2800, v0  }
0x10c: {  	v22 =	vadd.s32 $0x3000, v0;
	v4 =	vld.idx.msk [tilespmem:v4+s2+$0x0], $0xffff;
	v5 =	vshll.u32 v2, $0x10;
	v2 =	vand.u32 $0xFFFF0000, v2  }
0x10d: {  	v5 =	vmul.f32 v5, v17;
	v2 =	vmul.f32 v2, v33;
	v33 =	vshll.u32 v1, $0x10  }
0x10e: {  	v23 =	vadd.s32 $0x3800, v0;
	v6 =	vld.idx.msk [tilespmem:v6+s2+$0x0], $0xffff;
	v1 =	vand.u32 $0xFFFF0000, v1;
	v7 =	vmul.f32 v33, v8  }
0x10f: {  	v5 =	vadd.f32 $0.0e+00, v5;
	v1 =	vmul.f32 v1, v9;
	v9 =	vshll.u32 v3, $0x10  }
0x110: {  	v2 =	vadd.f32 $0.0e+00, v2;
	v3 =	vand.u32 $0xFFFF0000, v3;
	v33 =	vmul.f32 v9, v11  }
0x111: {  	v3 =	vmul.f32 v3, v38;
	v5 =	vadd.f32 v7, v5;
	v7 =	vld.idx.msk [tilespmem:v18+s2+$0x0], $0xffff;
	v18 =	vshll.u32 v4, $0x10  }
0x112: {  	v1 =	vadd.f32 v1, v2;
	v4 =	vand.u32 $0xFFFF0000, v4;
	v8 =	vmul.f32 v18, v10  }
0x113: {  	v9 =	vmul.f32 v4, v26;
	v4 =	vld.idx.msk [tilespmem:v22+s2+$0x0], $0xffff;
	v10 =	vshll.u32 v6, $0x10;
	v18 =	vadd.s32 $0x4000, v0  }
0x114: {  	v22 =	vld.idx.msk [tilespmem:v23+s2+$0x0], $0xffff;
	v23 =	vadd.s32 $0x4800, v0;
	v2 =	vadd.f32 v33, v5;
	v1 =	vadd.f32 v3, v1  }
0x115: {  	v11 =	vmul.f32 v10, v12;
	v33 =	vand.u32 $0xFFFF0000, v6  }
0x116: {  	v5 =	vmul.f32 v33, v28;
	v33 =	vld [tilespmem:$0x1FF40];
	v2 =	vadd.f32 v8, v2;
	v1 =	vadd.f32 v9, v1  }
0x117: {  	v28 =	vadd.s32 $0x5000, v0;
	v38 =	vshll.u32 v7, $0x10;
	v9 =	vand.u32 $0xFFFF0000, v7  }
0x118: {  	v2 =	vadd.f32 v11, v2;
	v60 =	vmul.f32 v38, v60;
	v1 =	vadd.f32 v5, v1;
	v6 =	vld.idx.msk [tilespmem:v18+s2+$0x0], $0xffff  }
0x119: {  	v11 =	vshll.u32 v4, $0x10;
	v4 =	vand.u32 $0xFFFF0000, v4;
	v18 =	vld.idx.msk [tilespmem:v23+s2+$0x0], $0xffff;
	v23 =	vadd.s32 $0x5800, v0  }
0x11a: {  	v10 =	vmul.f32 v9, v35;
	v35 =	vshll.u32 v22, $0x10;
	v4 =	vmul.f32 v4, v21  }
0x11b: {  	v38 =	vmul.f32 v35, v59;
	v3 =	vmul.f32 v11, v33;
	v11 =	vadd.s32 $0x6000, v0  }
0x11c: {  	v59 =	vand.u32 $0xFFFF0000, v22;
	v2 =	vadd.f32 v60, v2;
	v1 =	vadd.f32 v10, v1;
	v10 =	vld.idx.msk [tilespmem:v28+s2+$0x0], $0xffff  }
0x11d: {  	v60 =	vmul.f32 v59, v40;
	v33 =	vld [tilespmem:$0x1FF50]  }
0x11e: {  	v2 =	vadd.f32 v3, v2;
	v1 =	vadd.f32 v4, v1;
	v22 =	vld.idx.msk [tilespmem:v23+s2+$0x0], $0xffff;
	v23 =	vadd.s32 $0x6800, v0  }
0x11f: {  	v9 =	vshll.u32 v6, $0x10;
	v35 =	vshll.u32 v18, $0x10  }
0x120: {  	v2 =	vadd.f32 v38, v2;
	v1 =	vadd.f32 v60, v1;
	v3 =	vmul.f32 v9, v46;
	v60 =	vld.idx.msk [tilespmem:v11+s2+$0x0], $0xffff  }
0x121: {  	v28 =	vand.u32 $0xFFFF0000, v6;
	v40 =	vand.u32 $0xFFFF0000, v18;
	v38 =	vmul.f32 v35, v13;
	v11 =	vld [tilespmem:$0x1FF60]  }
0x122: {  	v46 =	vmul.f32 v40, v27;
	v4 =	vmul.f32 v28, v33;
	v2 =	vadd.f32 v3, v2  }
0x123: {  	v9 =	vadd.s32 $0x7000, v0;
	v59 =	vshll.u32 v10, $0x10;
	v10 =	vand.u32 $0xFFFF0000, v10;
	v18 =	vld.idx.msk [tilespmem:v23+s2+$0x0], $0xffff  }
0x124: {  	v1 =	vadd.f32 v4, v1;
	v2 =	vadd.f32 v38, v2;
	v23 =	vadd.s32 $0x7800, v0;
	v38 =	vld [tilespmem:$0x1FF70]  }
0x125: {  	v4 =	vmul.f32 v10, v20;
	v28 =	vshll.u32 v22, $0x10;
	v35 =	vand.u32 $0xFFFF0000, v22  }
0x126: {  	v1 =	vadd.f32 v46, v1;
	v33 =	vmul.f32 v28, v62;
	v3 =	vmul.f32 v59, v11  }
0x127: {  	v40 =	vshll.u32 v60, $0x10;
	v59 =	vadd.s32 $0x8000, v0;
	v60 =	vand.u32 $0xFFFF0000, v60  }
0x128: {  	v46 =	vld.idx.msk [tilespmem:v9+s2+$0x0], $0xffff;
	v1 =	vadd.f32 v4, v1;
	v2 =	vadd.f32 v3, v2;
	v3 =	vmul.f32 v40, v29  }
0x129: {  	v4 =	vmul.f32 v35, v38;
	v62 =	vshll.u32 v18, $0x10;
	v22 =	vld.idx.msk [tilespmem:v23+s2+$0x0], $0xffff;
	v23 =	vadd.s32 $0x8800, v0  }
0x12a: {  	v10 =	vand.u32 $0xFFFF0000, v18;
	v2 =	vadd.f32 v33, v2;
	v9 =	vmul.f32 v62, v61  }
0x12b: {  	v33 =	vld [tilespmem:$0x1FF80];
	v1 =	vadd.f32 v4, v1;
	v4 =	vmul.f32 v60, v30;
	v30 =	vadd.s32 $0x9000, v0  }
0x12c: {  	v11 =	vmul.f32 v10, v31;
	v61 =	vadd.s32 $0xA000, v0;
	v29 =	vld.idx.msk [tilespmem:v59+s2+$0x0], $0xffff;
	v2 =	vadd.f32 v3, v2  }
0x12d: {  	v28 =	vshll.u32 v46, $0x10;
	v31 =	vand.u32 $0xFFFF0000, v46;
	v1 =	vadd.f32 v4, v1  }
0x12e: {  	v3 =	vmul.f32 v28, v32;
	v2 =	vadd.f32 v9, v2;
	v18 =	vld.idx.msk [tilespmem:v23+s2+$0x0], $0xffff;
	v23 =	vadd.s32 $0x9800, v0  }
0x12f: {  	v35 =	vshll.u32 v22, $0x10;
	v40 =	vand.u32 $0xFFFF0000, v22;
	v1 =	vadd.f32 v11, v1;
	v11 =	vld [tilespmem:$0x1FF90]  }
0x130: {  	v4 =	vmul.f32 v31, v33;
	v38 =	vmul.f32 v35, v14;
	v2 =	vadd.f32 v3, v2;
	v60 =	vld.idx.msk [tilespmem:v30+s2+$0x0], $0xffff  }
0x131: {  	v46 =	vmul.f32 v40, v34;
	v59 =	vshll.u32 v29, $0x10;
	v62 =	vand.u32 $0xFFFF0000, v29;
	v29 =	vld.idx.msk [tilespmem:v61+s2+$0x0], $0xffff  }
0x132: {  	v30 =	vadd.s32 $0xB000, v0;
	v1 =	vadd.f32 v4, v1;
	v2 =	vadd.f32 v38, v2;
	v38 =	vld [tilespmem:$0x1FFA0]  }
0x133: {  	v3 =	vmul.f32 v59, v63;
	v4 =	vmul.f32 v62, v24;
	v22 =	vld.idx.msk [tilespmem:v23+s2+$0x0], $0xffff;
	v23 =	vadd.s32 $0xA800, v0  }
0x134: {  	v1 =	vadd.f32 v46, v1;
	v63 =	vshll.u32 v18, $0x10;
	v10 =	vand.u32 $0xFFFF0000, v18  }
0x135: {  	v2 =	vadd.f32 v3, v2;
	v9 =	vmul.f32 v63, v57;
	v63 =	vadd.s32 $0xC000, v0  }
0x136: {  	v1 =	vadd.f32 v4, v1;
	v4 =	vmul.f32 v10, v11;
	v28 =	vshll.u32 v60, $0x10  }
0x137: {  	v31 =	vand.u32 $0xFFFF0000, v60;
	v61 =	vshll.u32 v29, $0x10;
	v62 =	vld.idx.msk [tilespmem:v30+s2+$0x0], $0xffff;
	v8 =	vand.u32 $0xFFFF0000, v29  }
0x138: {  	v2 =	vadd.f32 v9, v2;
	v3 =	vmul.f32 v28, v38;
	v18 =	vld.idx.msk [tilespmem:v23+s2+$0x0], $0xffff;
	v23 =	vadd.s32 $0xB800, v0  }
0x139: {  	v1 =	vadd.f32 v4, v1;
	v4 =	vmul.f32 v31, v37;
	v31 =	vadd.s32 $0xD000, v0  }
0x13a: {  	v40 =	vshll.u32 v22, $0x10;
	v59 =	vand.u32 $0xFFFF0000, v22;
	v2 =	vadd.f32 v3, v2  }
0x13b: {  	v28 =	vld [tilespmem:$0x1FFB0];
	v46 =	vmul.f32 v40, v15;
	v1 =	vadd.f32 v4, v1;
	v60 =	vmul.f32 v59, v36  }
0x13c: {  	v3 =	vmul.f32 v61, v39;
	v4 =	vmul.f32 v8, v41;
	v30 =	vld.idx.msk [tilespmem:v63+s2+$0x0], $0xffff;
	v29 =	vshll.u32 v62, $0x10  }
0x13d: {  	v34 =	vand.u32 $0xFFFF0000, v62;
	v2 =	vadd.f32 v46, v2;
	v22 =	vld.idx.msk [tilespmem:v23+s2+$0x0], $0xffff;
	v23 =	vadd.s32 $0xC800, v0  }
0x13e: {  	v40 =	vld [tilespmem:$0x1FFC0];
	v1 =	vadd.f32 v60, v1;
	v60 =	vadd.s32 $0xE000, v0;
	v9 =	vshll.u32 v18, $0x10  }
0x13f: {  	v2 =	vadd.f32 v3, v2;
	v11 =	vand.u32 $0xFFFF0000, v18;
	v3 =	vmul.f32 v29, v42;
	v42 =	vld [tilespmem:$0x1FFD0]  }
0x140: {  	v63 =	vld [tilespmem:$0x1FFE0];
	v1 =	vadd.f32 v4, v1;
	v10 =	vmul.f32 v9, v16;
	v4 =	vmul.f32 v11, v28  }
0x141: {  	v7 =	vld.idx.msk [tilespmem:v31+s2+$0x0], $0xffff;
	v62 =	vshll.u32 v30, $0x10;
	v6 =	vand.u32 $0xFFFF0000, v30;
	v30 =	vadd.s32 $0xF000, v0  }
0x142: {  	v11 =	vmul.f32 v6, v45;
	v2 =	vadd.f32 v10, v2;
	v18 =	vld.idx.msk [tilespmem:v23+s2+$0x0], $0xffff;
	v23 =	vadd.s32 $0xD800, v0  }
0x143: {  	v29 =	vld [tilespmem:$0x1FFF0];
	v1 =	vadd.f32 v4, v1;
	v4 =	vmul.f32 v34, v40;
	v41 =	vshll.u32 v22, $0x10  }
0x144: {  	v2 =	vadd.f32 v3, v2;
	v57 =	vand.u32 $0xFFFF0000, v22;
	v3 =	vmul.f32 v41, v42  }
0x145: {  	v1 =	vadd.f32 v4, v1;
	v22 =	vadd.s32 $0xE800, v0;
	v61 =	vmul.f32 v57, v43  }
0x146: {  	v5 =	vld.idx.msk [tilespmem:v60+s2+$0x0], $0xffff;
	v34 =	vshll.u32 v7, $0x10;
	v4 =	vmul.f32 v62, v63;
	v2 =	vadd.f32 v3, v2  }
0x147: {  	v0 =	vadd.s32 $0xF800, v0;
	v1 =	vadd.f32 v61, v1;
	v28 =	vshll.u32 v18, $0x10;
	v23 =	vld.idx.msk [tilespmem:v23+s2+$0x0], $0xffff  }
0x148: {  	v2 =	vadd.f32 v4, v2;
	v31 =	vand.u32 $0xFFFF0000, v18;
	v4 =	vmul.f32 v28, v29  }
0x149: {  	v7 =	vand.u32 $0xFFFF0000, v7;
	v1 =	vadd.f32 v11, v1;
	v3 =	vmul.f32 v31, v44  }
0x14a: {  	v36 =	vmul.f32 v7, v48;
	v18 =	vld.idx.msk [tilespmem:v22+s2+$0x0], $0xffff;
	v2 =	vadd.f32 v4, v2;
	v4 =	vmul.f32 v34, v47  }
0x14b: {  	v6 =	vld.idx.msk [tilespmem:v30+s2+$0x0], $0xffff;
	v44 =	vshll.u32 v5, $0x10;
	v5 =	vand.u32 $0xFFFF0000, v5;
	v1 =	vadd.f32 v3, v1  }
0x14c: {  	v37 =	vshll.u32 v23, $0x10;
	v2 =	vadd.f32 v4, v2;
	v42 =	vand.u32 $0xFFFF0000, v23  }
0x14d: {  	v0 =	vld.idx.msk [tilespmem:v0+s2+$0x0], $0xffff;
	v1 =	vadd.f32 v36, v1;
	v41 =	vmul.f32 v37, v19;
	v43 =	vmul.f32 v42, v58  }
0x14e: {  	v45 =	vmul.f32 v44, v56;
	v47 =	vmul.f32 v5, v54  }
0x14f: {  	v48 =	vshll.u32 v18, $0x10;
	v2 =	vadd.f32 v41, v2;
	v1 =	vadd.f32 v43, v1  }
0x150: {  	v56 =	vshll.u32 v6, $0x10;
	v54 =	vand.u32 $0xFFFF0000, v18;
	v53 =	vmul.f32 v48, v53  }
0x151: {  	v55 =	vmul.f32 v54, v55;
	v2 =	vadd.f32 v45, v2;
	v1 =	vadd.f32 v47, v1  }
0x152: {  	v57 =	vmul.f32 v56, v52;
	v61 =	vshll.u32 v0, $0x10;
	v58 =	vand.u32 $0xFFFF0000, v6  }
0x153: {  	v60 =	vmul.f32 v58, v51;
	v2 =	vadd.f32 v53, v2;
	v1 =	vadd.f32 v55, v1  }
0x154: {  	v12 =	vimm.s32 $0x8;
	v0 =	vand.u32 $0xFFFF0000, v0;
	v62 =	vmul.f32 v61, v50  }
0x155: {  	v0 =	vmul.f32 v0, v49;
	v2 =	vadd.f32 v57, v2;
	v1 =	vadd.f32 v60, v1  }
0x156: {  	p0 =	seq.s32 s22, $0x30EF;
	v13 =	vimm.s32 $0x9;
	v32 =	vimm.s32 $0x2;
	v63 =	vadd.s32 s22, v25  }
.Ltmp0:
0x157: {  	v33 =	vimm.s32 $0x0;
	v2 =	vadd.f32 v62, v2;
	v0 =	vadd.f32 v0, v1;
	(pc) =	sbr.rel @!p0 .LBB2_3-.Ltmp0, $4  }
0x158: {  	v35 =	vimm.s32 $0x1;
	v14 =	vimm.s32 $0xA;
	v38 =	vimm.s32 $0x5  }
0x159: {  	v59 =	vimm.s32 $0x3;
	v39 =	vimm.s32 $0x6;
	v0 =	vadd.f32 v0, v2  }
0x15a: {  	v15 =	vimm.s32 $0xB;
	v46 =	vimm.s32 $0x4;
	v40 =	vimm.s32 $0x7  }
0x15b: {  	s21 =	sadd.s32 $0x20, s21;
	s20 =	sadd.s32 $0x30, s20;
	s22 =	sadd.s32 $0x31, s22;
	v22 =	vimm.s32 $0xD;
	v23 =	vimm.s32 $0xE;
	v18 =	vimm.s32 $0xC;
	[tilespmem:v63+s15+$0x0] =	vst.idx.msk $0xffff, v0  }
0x15c: {  	s20 =	simm.s32 $0x0  }
0x15d: {  	v0 =	vor.u32 s20, v25  }
0x15e: {  	v1 =	vmul.u32 $0x31, v0;
	_ =	sdelay $0x2  }
0x15f: {  	v2 =	vadd.s32 $0x1, v1;
	_ =	sdelay $0x1  }
0x160: {  	v3 =	vadd.s32 $0x2, v1  }
0x161: {  	v4 =	vld.idx.msk [tilespmem:v1+s15+$0x0], $0xffff  }
0x162: {  	v5 =	vadd.s32 $0x3, v1  }
0x163: {  	v2 =	vld.idx.msk [tilespmem:v2+s15+$0x0], $0xffff  }
0x164: {  	v6 =	vadd.s32 $0x4, v1  }
0x165: {  	v3 =	vld.idx.msk [tilespmem:v3+s15+$0x0], $0xffff  }
0x166: {  	v7 =	vadd.s32 $0x5, v1;
	v8 =	vadd.f32 $0.0e+00, v4  }
0x167: {  	v5 =	vld.idx.msk [tilespmem:v5+s15+$0x0], $0xffff  }
0x168: {  	v9 =	vadd.s32 $0x6, v1;
	v8 =	vadd.f32 v2, v8  }
0x169: {  	v6 =	vld.idx.msk [tilespmem:v6+s15+$0x0], $0xffff  }
0x16a: {  	v10 =	vadd.s32 $0x7, v1;
	v8 =	vadd.f32 v3, v8  }
0x16b: {  	v7 =	vld.idx.msk [tilespmem:v7+s15+$0x0], $0xffff  }
0x16c: {  	v11 =	vadd.s32 $0x8, v1;
	v8 =	vadd.f32 v5, v8  }
0x16d: {  	v9 =	vld.idx.msk [tilespmem:v9+s15+$0x0], $0xffff  }
0x16e: {  	v12 =	vadd.s32 $0x9, v1;
	v8 =	vadd.f32 v6, v8  }
0x16f: {  	v10 =	vld.idx.msk [tilespmem:v10+s15+$0x0], $0xffff  }
0x170: {  	v13 =	vadd.s32 $0xA, v1;
	v8 =	vadd.f32 v7, v8  }
0x171: {  	v11 =	vld.idx.msk [tilespmem:v11+s15+$0x0], $0xffff  }
0x172: {  	v14 =	vadd.s32 $0xB, v1;
	v8 =	vadd.f32 v9, v8  }
0x173: {  	v12 =	vld.idx.msk [tilespmem:v12+s15+$0x0], $0xffff  }
0x174: {  	v15 =	vadd.s32 $0xC, v1;
	v8 =	vadd.f32 v10, v8  }
0x175: {  	v13 =	vld.idx.msk [tilespmem:v13+s15+$0x0], $0xffff  }
0x176: {  	v16 =	vadd.s32 $0xD, v1;
	v8 =	vadd.f32 v11, v8  }
0x177: {  	v14 =	vld.idx.msk [tilespmem:v14+s15+$0x0], $0xffff  }
0x178: {  	v17 =	vadd.s32 $0xE, v1;
	v8 =	vadd.f32 v12, v8  }
0x179: {  	v15 =	vld.idx.msk [tilespmem:v15+s15+$0x0], $0xffff  }
0x17a: {  	v18 =	vadd.s32 $0xF, v1;
	v8 =	vadd.f32 v13, v8  }
0x17b: {  	v16 =	vld.idx.msk [tilespmem:v16+s15+$0x0], $0xffff  }
0x17c: {  	v19 =	vadd.s32 $0x10, v1;
	v8 =	vadd.f32 v14, v8  }
0x17d: {  	v17 =	vld.idx.msk [tilespmem:v17+s15+$0x0], $0xffff  }
0x17e: {  	v20 =	vadd.s32 $0x11, v1;
	v8 =	vadd.f32 v15, v8  }
0x17f: {  	v18 =	vld.idx.msk [tilespmem:v18+s15+$0x0], $0xffff  }
0x180: {  	v21 =	vadd.s32 $0x12, v1;
	v8 =	vadd.f32 v16, v8  }
0x181: {  	v19 =	vld.idx.msk [tilespmem:v19+s15+$0x0], $0xffff  }
0x182: {  	v22 =	vadd.s32 $0x13, v1;
	v8 =	vadd.f32 v17, v8  }
0x183: {  	v20 =	vld.idx.msk [tilespmem:v20+s15+$0x0], $0xffff  }
0x184: {  	v23 =	vadd.s32 $0x14, v1;
	v8 =	vadd.f32 v18, v8  }
0x185: {  	v21 =	vld.idx.msk [tilespmem:v21+s15+$0x0], $0xffff  }
0x186: {  	v24 =	vadd.s32 $0x15, v1;
	v8 =	vadd.f32 v19, v8  }
0x187: {  	v22 =	vld.idx.msk [tilespmem:v22+s15+$0x0], $0xffff  }
0x188: {  	v26 =	vadd.s32 $0x16, v1;
	v8 =	vadd.f32 v20, v8  }
0x189: {  	v23 =	vld.idx.msk [tilespmem:v23+s15+$0x0], $0xffff  }
0x18a: {  	v27 =	vadd.s32 $0x17, v1;
	v8 =	vadd.f32 v21, v8  }
0x18b: {  	v24 =	vld.idx.msk [tilespmem:v24+s15+$0x0], $0xffff  }
0x18c: {  	v28 =	vadd.s32 $0x18, v1;
	v8 =	vadd.f32 v22, v8  }
0x18d: {  	v26 =	vld.idx.msk [tilespmem:v26+s15+$0x0], $0xffff  }
0x18e: {  	v29 =	vadd.s32 $0x19, v1;
	v8 =	vadd.f32 v23, v8  }
0x18f: {  	v27 =	vld.idx.msk [tilespmem:v27+s15+$0x0], $0xffff  }
0x190: {  	v30 =	vadd.s32 $0x1A, v1;
	v4 =	vmax.f32 v4, $-3.000000010e+38;
	v8 =	vadd.f32 v24, v8  }
0x191: {  	v28 =	vld.idx.msk [tilespmem:v28+s15+$0x0], $0xffff;
	v2 =	vmax.f32 v4, v2  }
0x192: {  	v4 =	vadd.s32 $0x1B, v1;
	v2 =	vmax.f32 v2, v3;
	v3 =	vadd.f32 v26, v8  }
0x193: {  	v2 =	vmax.f32 v2, v5;
	v8 =	vld.idx.msk [tilespmem:v29+s15+$0x0], $0xffff  }
0x194: {  	v2 =	vmax.f32 v2, v6;
	v5 =	vadd.s32 $0x1C, v1;
	v3 =	vadd.f32 v27, v3  }
0x195: {  	v2 =	vmax.f32 v2, v7;
	v6 =	vld.idx.msk [tilespmem:v30+s15+$0x0], $0xffff  }
0x196: {  	v2 =	vmax.f32 v2, v9;
	v7 =	vadd.s32 $0x1D, v1;
	v3 =	vadd.f32 v28, v3  }
0x197: {  	v4 =	vld.idx.msk [tilespmem:v4+s15+$0x0], $0xffff;
	v2 =	vmax.f32 v2, v10  }
0x198: {  	v2 =	vmax.f32 v2, v11;
	v9 =	vadd.s32 $0x1E, v1;
	v3 =	vadd.f32 v8, v3  }
0x199: {  	v2 =	vmax.f32 v2, v12;
	v5 =	vld.idx.msk [tilespmem:v5+s15+$0x0], $0xffff  }
0x19a: {  	v2 =	vmax.f32 v2, v13;
	v10 =	vadd.s32 $0x1F, v1;
	v3 =	vadd.f32 v6, v3  }
0x19b: {  	v2 =	vmax.f32 v2, v14;
	v7 =	vld.idx.msk [tilespmem:v7+s15+$0x0], $0xffff  }
0x19c: {  	v2 =	vmax.f32 v2, v15;
	v11 =	vadd.s32 $0x20, v1;
	v3 =	vadd.f32 v4, v3  }
0x19d: {  	v2 =	vmax.f32 v2, v16;
	v9 =	vld.idx.msk [tilespmem:v9+s15+$0x0], $0xffff  }
0x19e: {  	v57 =	vadd.s32 $0x21, v1;
	v2 =	vmax.f32 v2, v17;
	v3 =	vadd.f32 v5, v3  }
0x19f: {  	v2 =	vmax.f32 v2, v18;
	v10 =	vld.idx.msk [tilespmem:v10+s15+$0x0], $0xffff  }
0x1a0: {  	v58 =	vadd.s32 $0x22, v1;
	v2 =	vmax.f32 v2, v19;
	v3 =	vadd.f32 v7, v3  }
0x1a1: {  	v2 =	vmax.f32 v2, v20;
	v11 =	vld.idx.msk [tilespmem:v11+s15+$0x0], $0xffff  }
0x1a2: {  	v60 =	vadd.s32 $0x23, v1;
	v2 =	vmax.f32 v2, v21;
	v3 =	vadd.f32 v9, v3  }
0x1a3: {  	v12 =	vld.idx.msk [tilespmem:v57+s15+$0x0], $0xffff;
	v2 =	vmax.f32 v2, v22  }
0x1a4: {  	v61 =	vadd.s32 $0x24, v1;
	v2 =	vmax.f32 v2, v23;
	v3 =	vadd.f32 v10, v3  }
0x1a5: {  	v13 =	vld.idx.msk [tilespmem:v58+s15+$0x0], $0xffff;
	v2 =	vmax.f32 v2, v24  }
0x1a6: {  	v62 =	vadd.s32 $0x25, v1;
	v2 =	vmax.f32 v2, v26;
	v3 =	vadd.f32 v11, v3  }
0x1a7: {  	v14 =	vld.idx.msk [tilespmem:v60+s15+$0x0], $0xffff;
	v2 =	vmax.f32 v2, v27  }
0x1a8: {  	v63 =	vadd.s32 $0x26, v1;
	v2 =	vmax.f32 v2, v28;
	v3 =	vadd.f32 v12, v3  }
0x1a9: {  	v15 =	vld.idx.msk [tilespmem:v61+s15+$0x0], $0xffff;
	v2 =	vmax.f32 v2, v8  }
0x1aa: {  	v1 =	vadd.s32 $0x27, v1;
	v2 =	vmax.f32 v2, v6;
	v6 =	vadd.f32 v13, v3  }
0x1ab: {  	v2 =	vmax.f32 v2, v4;
	v3 =	vld.idx.msk [tilespmem:v62+s15+$0x0], $0xffff  }
0x1ac: {  	v2 =	vmax.f32 v2, v5;
	v5 =	vadd.f32 v14, v6  }
0x1ad: {  	v2 =	vmax.f32 v2, v7;
	v4 =	vld.idx.msk [tilespmem:v63+s15+$0x0], $0xffff  }
0x1ae: {  	v2 =	vmax.f32 v2, v9;
	v6 =	vadd.f32 v15, v5  }
0x1af: {  	s31 =	sadd.s32 $0x0, s19;
	v5 =	vld.idx.msk [tilespmem:v1+s15+$0x0], $0xffff;
	v1 =	vmax.f32 v2, v10  }
0x1b0: {  	v1 =	vmax.f32 v1, v11;
	v2 =	vadd.f32 v3, v6;
	v6 =	vmov s31  }
0x1b1: {  	v1 =	vmax.f32 v1, v12;
	v6 =	vshrl.u32 v6, $0x7  }
0x1b2: {  	v7 =	vmax.f32 v1, v13;
	v2 =	vadd.f32 v4, v2;
	v6 =	vshll.u32 v6, $0x7  }
0x1b3: {  	s20 =	simm.s32 $0x10;
	v9 =	vand.u32 $0x7F, v0;
	v7 =	vmax.f32 v7, v14;
	v6 =	vbroadcast v6, $0x0  }
0x1b4: {  	s21 =	simm.s32 $0x20;
	v1 =	vor.u32 s20, v25;
	v8 =	vmax.f32 v7, v15;
	v7 =	vadd.f32 v5, v2  }
.LBB2_5:
0x1b5: {  	p0 =	sne.s32 s21, $0xF0;
	v2 =	vmul.u32 $0x31, v1;
	v0 =	vmax.f32 v8, v3;
	v3 =	vor.u32 v9, v6  }
0x1b6: {  	v0 =	vmax.f32 v0, v4;
	v4 =	vmul.f32 $-4.882812500e-04, v7  }
0x1b7: {  	v0 =	vmax.f32 v0, v5  }
0x1b8: {  	v5 =	vadd.s32 $0x1, v2;
	v0 =	vadd.f32 v4, v0;
	_ =	sdelay $0x1  }
0x1b9: {  	v4 =	vadd.s32 $0x2, v2;
	[tilespmem:v3+s16+$0x0] =	vst.idx.msk $0xffff, v0  }
0x1ba: {  	v0 =	vld.idx.msk [tilespmem:v2+s15+$0x0], $0xffff  }
0x1bb: {  	v3 =	vadd.s32 $0x3, v2  }
0x1bc: {  	v5 =	vld.idx.msk [tilespmem:v5+s15+$0x0], $0xffff  }
0x1bd: {  	v6 =	vadd.s32 $0x4, v2  }
0x1be: {  	v4 =	vld.idx.msk [tilespmem:v4+s15+$0x0], $0xffff  }
0x1bf: {  	v7 =	vadd.s32 $0x5, v2  }
0x1c0: {  	v8 =	vadd.f32 $0.0e+00, v0;
	v3 =	vld.idx.msk [tilespmem:v3+s15+$0x0], $0xffff  }
0x1c1: {  	v9 =	vadd.s32 $0x6, v2  }
0x1c2: {  	v8 =	vadd.f32 v5, v8;
	v6 =	vld.idx.msk [tilespmem:v6+s15+$0x0], $0xffff  }
0x1c3: {  	v10 =	vadd.s32 $0x7, v2  }
0x1c4: {  	v8 =	vadd.f32 v4, v8;
	v7 =	vld.idx.msk [tilespmem:v7+s15+$0x0], $0xffff  }
0x1c5: {  	v11 =	vadd.s32 $0x8, v2  }
0x1c6: {  	v8 =	vadd.f32 v3, v8;
	v9 =	vld.idx.msk [tilespmem:v9+s15+$0x0], $0xffff  }
0x1c7: {  	v12 =	vadd.s32 $0x9, v2  }
0x1c8: {  	v8 =	vadd.f32 v6, v8;
	v10 =	vld.idx.msk [tilespmem:v10+s15+$0x0], $0xffff  }
0x1c9: {  	v13 =	vadd.s32 $0xA, v2  }
0x1ca: {  	v8 =	vadd.f32 v7, v8;
	v11 =	vld.idx.msk [tilespmem:v11+s15+$0x0], $0xffff  }
0x1cb: {  	v14 =	vadd.s32 $0xB, v2  }
0x1cc: {  	v8 =	vadd.f32 v9, v8;
	v12 =	vld.idx.msk [tilespmem:v12+s15+$0x0], $0xffff  }
0x1cd: {  	v15 =	vadd.s32 $0xC, v2  }
0x1ce: {  	v8 =	vadd.f32 v10, v8;
	v13 =	vld.idx.msk [tilespmem:v13+s15+$0x0], $0xffff  }
0x1cf: {  	v16 =	vadd.s32 $0xD, v2  }
0x1d0: {  	v8 =	vadd.f32 v11, v8;
	v14 =	vld.idx.msk [tilespmem:v14+s15+$0x0], $0xffff  }
0x1d1: {  	v17 =	vadd.s32 $0xE, v2  }
0x1d2: {  	v8 =	vadd.f32 v12, v8;
	v15 =	vld.idx.msk [tilespmem:v15+s15+$0x0], $0xffff  }
0x1d3: {  	v18 =	vadd.s32 $0xF, v2  }
0x1d4: {  	v8 =	vadd.f32 v13, v8;
	v16 =	vld.idx.msk [tilespmem:v16+s15+$0x0], $0xffff  }
0x1d5: {  	v19 =	vadd.s32 $0x10, v2  }
0x1d6: {  	v8 =	vadd.f32 v14, v8;
	v17 =	vld.idx.msk [tilespmem:v17+s15+$0x0], $0xffff  }
0x1d7: {  	v20 =	vadd.s32 $0x11, v2  }
0x1d8: {  	v8 =	vadd.f32 v15, v8;
	v18 =	vld.idx.msk [tilespmem:v18+s15+$0x0], $0xffff  }
0x1d9: {  	v21 =	vadd.s32 $0x12, v2  }
0x1da: {  	v8 =	vadd.f32 v16, v8;
	v19 =	vld.idx.msk [tilespmem:v19+s15+$0x0], $0xffff  }
0x1db: {  	v22 =	vadd.s32 $0x13, v2  }
0x1dc: {  	v8 =	vadd.f32 v17, v8;
	v20 =	vld.idx.msk [tilespmem:v20+s15+$0x0], $0xffff  }
0x1dd: {  	v23 =	vadd.s32 $0x14, v2  }
0x1de: {  	v8 =	vadd.f32 v18, v8;
	v21 =	vld.idx.msk [tilespmem:v21+s15+$0x0], $0xffff  }
0x1df: {  	v24 =	vadd.s32 $0x15, v2  }
0x1e0: {  	v8 =	vadd.f32 v19, v8;
	v22 =	vld.idx.msk [tilespmem:v22+s15+$0x0], $0xffff  }
0x1e1: {  	v26 =	vadd.s32 $0x16, v2  }
0x1e2: {  	v8 =	vadd.f32 v20, v8;
	v23 =	vld.idx.msk [tilespmem:v23+s15+$0x0], $0xffff  }
0x1e3: {  	v27 =	vadd.s32 $0x17, v2  }
0x1e4: {  	v8 =	vadd.f32 v21, v8;
	v24 =	vld.idx.msk [tilespmem:v24+s15+$0x0], $0xffff  }
0x1e5: {  	v28 =	vadd.s32 $0x18, v2  }
0x1e6: {  	v8 =	vadd.f32 v22, v8;
	v26 =	vld.idx.msk [tilespmem:v26+s15+$0x0], $0xffff  }
0x1e7: {  	v29 =	vadd.s32 $0x19, v2  }
0x1e8: {  	v8 =	vadd.f32 v23, v8;
	v27 =	vld.idx.msk [tilespmem:v27+s15+$0x0], $0xffff  }
0x1e9: {  	v30 =	vadd.s32 $0x1A, v2  }
0x1ea: {  	v0 =	vmax.f32 v0, $-3.000000010e+38;
	v8 =	vadd.f32 v24, v8;
	v28 =	vld.idx.msk [tilespmem:v28+s15+$0x0], $0xffff  }
0x1eb: {  	v0 =	vmax.f32 v0, v5;
	v5 =	vadd.s32 $0x1B, v2  }
0x1ec: {  	v0 =	vmax.f32 v0, v4;
	v4 =	vadd.f32 v26, v8;
	v8 =	vld.idx.msk [tilespmem:v29+s15+$0x0], $0xffff  }
0x1ed: {  	v0 =	vmax.f32 v0, v3;
	v3 =	vadd.s32 $0x1C, v2  }
0x1ee: {  	v0 =	vmax.f32 v0, v6;
	v4 =	vadd.f32 v27, v4;
	v6 =	vld.idx.msk [tilespmem:v30+s15+$0x0], $0xffff  }
0x1ef: {  	v0 =	vmax.f32 v0, v7;
	v7 =	vadd.s32 $0x1D, v2  }
0x1f0: {  	v0 =	vmax.f32 v0, v9;
	v4 =	vadd.f32 v28, v4;
	v5 =	vld.idx.msk [tilespmem:v5+s15+$0x0], $0xffff  }
0x1f1: {  	v9 =	vadd.s32 $0x1E, v2;
	v0 =	vmax.f32 v0, v10  }
0x1f2: {  	v0 =	vmax.f32 v0, v11;
	v4 =	vadd.f32 v8, v4;
	v10 =	vld.idx.msk [tilespmem:v3+s15+$0x0], $0xffff  }
0x1f3: {  	v0 =	vmax.f32 v0, v12;
	v3 =	vadd.s32 $0x1F, v2  }
0x1f4: {  	v0 =	vmax.f32 v0, v13;
	v4 =	vadd.f32 v6, v4;
	v7 =	vld.idx.msk [tilespmem:v7+s15+$0x0], $0xffff  }
0x1f5: {  	v11 =	vadd.s32 $0x20, v2;
	v0 =	vmax.f32 v0, v14  }
0x1f6: {  	v0 =	vmax.f32 v0, v15;
	v4 =	vadd.f32 v5, v4;
	v9 =	vld.idx.msk [tilespmem:v9+s15+$0x0], $0xffff  }
0x1f7: {  	v12 =	vadd.s32 $0x21, v2;
	v0 =	vmax.f32 v0, v16  }
0x1f8: {  	v0 =	vmax.f32 v0, v17;
	v4 =	vadd.f32 v10, v4;
	v13 =	vld.idx.msk [tilespmem:v3+s15+$0x0], $0xffff  }
0x1f9: {  	v0 =	vmax.f32 v0, v18;
	v3 =	vadd.s32 $0x22, v2  }
0x1fa: {  	v0 =	vmax.f32 v0, v19;
	v4 =	vadd.f32 v7, v4;
	v11 =	vld.idx.msk [tilespmem:v11+s15+$0x0], $0xffff  }
0x1fb: {  	v14 =	vadd.s32 $0x23, v2;
	v0 =	vmax.f32 v0, v20  }
0x1fc: {  	v0 =	vmax.f32 v0, v21;
	v4 =	vadd.f32 v9, v4;
	v12 =	vld.idx.msk [tilespmem:v12+s15+$0x0], $0xffff  }
0x1fd: {  	v15 =	vadd.s32 $0x24, v2;
	v0 =	vmax.f32 v0, v22  }
0x1fe: {  	v0 =	vmax.f32 v0, v23;
	v4 =	vadd.f32 v13, v4;
	v16 =	vld.idx.msk [tilespmem:v3+s15+$0x0], $0xffff  }
0x1ff: {  	v0 =	vmax.f32 v0, v24;
	v3 =	vadd.s32 $0x25, v2  }
0x200: {  	v0 =	vmax.f32 v0, v26;
	v4 =	vadd.f32 v11, v4;
	v14 =	vld.idx.msk [tilespmem:v14+s15+$0x0], $0xffff  }
0x201: {  	v17 =	vadd.s32 $0x26, v2;
	v0 =	vmax.f32 v0, v27  }
0x202: {  	v0 =	vmax.f32 v0, v28;
	v4 =	vadd.f32 v12, v4;
	v15 =	vld.idx.msk [tilespmem:v15+s15+$0x0], $0xffff  }
0x203: {  	v0 =	vmax.f32 v0, v8;
	v2 =	vadd.s32 $0x27, v2  }
0x204: {  	v0 =	vmax.f32 v0, v6;
	v4 =	vadd.f32 v16, v4;
	v3 =	vld.idx.msk [tilespmem:v3+s15+$0x0], $0xffff  }
0x205: {  	v0 =	vmax.f32 v0, v5  }
0x206: {  	v0 =	vmax.f32 v0, v10;
	v5 =	vadd.f32 v14, v4;
	v4 =	vld.idx.msk [tilespmem:v17+s15+$0x0], $0xffff  }
0x207: {  	v0 =	vmax.f32 v0, v7  }
0x208: {  	v0 =	vmax.f32 v0, v9;
	v6 =	vadd.f32 v15, v5;
	v5 =	vld.idx.msk [tilespmem:v2+s15+$0x0], $0xffff  }
0x209: {  	s22 =	sadd.s32 s19, s20;
	s20 =	smov.u32 s21;
	v0 =	vmax.f32 v0, v13  }
.Ltmp1:
0x20a: {  	v0 =	vmax.f32 v0, v11;
	v2 =	vadd.f32 v3, v6;
	v6 =	vmov s22;
	(pc) =	sbr.rel @p0 .LBB2_5-.Ltmp1, $4  }
0x20b: {  	v0 =	vmax.f32 v0, v12;
	v6 =	vshrl.u32 v6, $0x7  }
0x20c: {  	v0 =	vmax.f32 v0, v16;
	v2 =	vadd.f32 v4, v2;
	v6 =	vshll.u32 v6, $0x7  }
0x20d: {  	v10 =	vor.u32 s21, v25;
	v0 =	vmax.f32 v0, v14;
	v6 =	vbroadcast v6, $0x0  }
0x20e: {  	s21 =	sadd.s32 $0x10, s21;
	v9 =	vand.u32 $0x7F, v1;
	v1 =	vmovc v10;
	v8 =	vmax.f32 v0, v15;
	v7 =	vadd.f32 v5, v2  }
0x20f: {  	v0 =	vmul.u32 $0x31, v1;
	v2 =	vmax.f32 v8, v3;
	v36 =	vor.u32 v9, v6  }
0x210: {  	v2 =	vmax.f32 v2, v4;
	v37 =	vmul.f32 $-4.882812500e-04, v7  }
0x211: {  	v2 =	vmax.f32 v2, v5  }
0x212: {  	v41 =	vadd.s32 $0x1, v0;
	v2 =	vadd.f32 v37, v2;
	_ =	sdelay $0x1  }
0x213: {  	v42 =	vadd.s32 $0x2, v0;
	[tilespmem:v36+s16+$0x0] =	vst.idx.msk $0xffff, v2  }
0x214: {  	v2 =	vld.idx.msk [tilespmem:v0+s15+$0x0], $0xffff  }
0x215: {  	v43 =	vadd.s32 $0x3, v0  }
0x216: {  	v5 =	vld.idx.msk [tilespmem:v41+s15+$0x0], $0xffff  }
0x217: {  	v44 =	vadd.s32 $0x4, v0  }
0x218: {  	v4 =	vld.idx.msk [tilespmem:v42+s15+$0x0], $0xffff  }
0x219: {  	v45 =	vadd.s32 $0x5, v0;
	v47 =	vadd.f32 $0.0e+00, v2  }
0x21a: {  	v3 =	vld.idx.msk [tilespmem:v43+s15+$0x0], $0xffff  }
0x21b: {  	v48 =	vadd.s32 $0x6, v0;
	v8 =	vadd.f32 v5, v47  }
0x21c: {  	v6 =	vld.idx.msk [tilespmem:v44+s15+$0x0], $0xffff  }
0x21d: {  	v10 =	vadd.s32 $0x7, v0;
	v8 =	vadd.f32 v4, v8  }
0x21e: {  	v7 =	vld.idx.msk [tilespmem:v45+s15+$0x0], $0xffff  }
0x21f: {  	v11 =	vadd.s32 $0x8, v0;
	v8 =	vadd.f32 v3, v8  }
0x220: {  	v9 =	vld.idx.msk [tilespmem:v48+s15+$0x0], $0xffff  }
0x221: {  	v12 =	vadd.s32 $0x9, v0;
	v8 =	vadd.f32 v6, v8  }
0x222: {  	v10 =	vld.idx.msk [tilespmem:v10+s15+$0x0], $0xffff  }
0x223: {  	v13 =	vadd.s32 $0xA, v0;
	v8 =	vadd.f32 v7, v8  }
0x224: {  	v11 =	vld.idx.msk [tilespmem:v11+s15+$0x0], $0xffff  }
0x225: {  	v14 =	vadd.s32 $0xB, v0;
	v8 =	vadd.f32 v9, v8  }
0x226: {  	v12 =	vld.idx.msk [tilespmem:v12+s15+$0x0], $0xffff  }
0x227: {  	v15 =	vadd.s32 $0xC, v0;
	v8 =	vadd.f32 v10, v8  }
0x228: {  	v13 =	vld.idx.msk [tilespmem:v13+s15+$0x0], $0xffff  }
0x229: {  	v16 =	vadd.s32 $0xD, v0;
	v8 =	vadd.f32 v11, v8  }
0x22a: {  	v14 =	vld.idx.msk [tilespmem:v14+s15+$0x0], $0xffff  }
0x22b: {  	v17 =	vadd.s32 $0xE, v0;
	v8 =	vadd.f32 v12, v8  }
0x22c: {  	v15 =	vld.idx.msk [tilespmem:v15+s15+$0x0], $0xffff  }
0x22d: {  	v18 =	vadd.s32 $0xF, v0;
	v8 =	vadd.f32 v13, v8  }
0x22e: {  	v16 =	vld.idx.msk [tilespmem:v16+s15+$0x0], $0xffff  }
0x22f: {  	v19 =	vadd.s32 $0x10, v0;
	v8 =	vadd.f32 v14, v8  }
0x230: {  	v17 =	vld.idx.msk [tilespmem:v17+s15+$0x0], $0xffff  }
0x231: {  	v20 =	vadd.s32 $0x11, v0;
	v8 =	vadd.f32 v15, v8  }
0x232: {  	v18 =	vld.idx.msk [tilespmem:v18+s15+$0x0], $0xffff  }
0x233: {  	v21 =	vadd.s32 $0x12, v0;
	v8 =	vadd.f32 v16, v8  }
0x234: {  	v19 =	vld.idx.msk [tilespmem:v19+s15+$0x0], $0xffff  }
0x235: {  	v22 =	vadd.s32 $0x13, v0;
	v8 =	vadd.f32 v17, v8  }
0x236: {  	v20 =	vld.idx.msk [tilespmem:v20+s15+$0x0], $0xffff  }
0x237: {  	v23 =	vadd.s32 $0x14, v0;
	v8 =	vadd.f32 v18, v8  }
0x238: {  	v21 =	vld.idx.msk [tilespmem:v21+s15+$0x0], $0xffff  }
0x239: {  	v24 =	vadd.s32 $0x15, v0;
	v8 =	vadd.f32 v19, v8  }
0x23a: {  	v22 =	vld.idx.msk [tilespmem:v22+s15+$0x0], $0xffff  }
0x23b: {  	v26 =	vadd.s32 $0x16, v0;
	v8 =	vadd.f32 v20, v8  }
0x23c: {  	v23 =	vld.idx.msk [tilespmem:v23+s15+$0x0], $0xffff  }
0x23d: {  	v27 =	vadd.s32 $0x17, v0;
	v8 =	vadd.f32 v21, v8  }
0x23e: {  	v24 =	vld.idx.msk [tilespmem:v24+s15+$0x0], $0xffff  }
0x23f: {  	v28 =	vadd.s32 $0x18, v0;
	v8 =	vadd.f32 v22, v8  }
0x240: {  	v26 =	vld.idx.msk [tilespmem:v26+s15+$0x0], $0xffff  }
0x241: {  	v29 =	vadd.s32 $0x19, v0;
	v8 =	vadd.f32 v23, v8  }
0x242: {  	v27 =	vld.idx.msk [tilespmem:v27+s15+$0x0], $0xffff  }
0x243: {  	v30 =	vadd.s32 $0x1A, v0;
	v2 =	vmax.f32 v2, $-3.000000010e+38;
	v8 =	vadd.f32 v24, v8  }
0x244: {  	v28 =	vld.idx.msk [tilespmem:v28+s15+$0x0], $0xffff;
	v2 =	vmax.f32 v2, v5  }
0x245: {  	v49 =	vadd.s32 $0x1B, v0;
	v2 =	vmax.f32 v2, v4;
	v50 =	vadd.f32 v26, v8  }
0x246: {  	v51 =	vld.idx.msk [tilespmem:v29+s15+$0x0], $0xffff;
	v2 =	vmax.f32 v2, v3  }
0x247: {  	v52 =	vadd.s32 $0x1C, v0;
	v2 =	vmax.f32 v2, v6;
	v4 =	vadd.f32 v27, v50  }
0x248: {  	v53 =	vld.idx.msk [tilespmem:v30+s15+$0x0], $0xffff;
	v2 =	vmax.f32 v2, v7  }
0x249: {  	v54 =	vadd.s32 $0x1D, v0;
	v2 =	vmax.f32 v2, v9;
	v4 =	vadd.f32 v28, v4  }
0x24a: {  	v5 =	vld.idx.msk [tilespmem:v49+s15+$0x0], $0xffff;
	v2 =	vmax.f32 v2, v10  }
0x24b: {  	v55 =	vadd.s32 $0x1E, v0;
	v2 =	vmax.f32 v2, v11;
	v4 =	vadd.f32 v51, v4  }
0x24c: {  	v3 =	vld.idx.msk [tilespmem:v52+s15+$0x0], $0xffff;
	v2 =	vmax.f32 v2, v12  }
0x24d: {  	v56 =	vadd.s32 $0x1F, v0;
	v2 =	vmax.f32 v2, v13;
	v4 =	vadd.f32 v53, v4  }
0x24e: {  	v7 =	vld.idx.msk [tilespmem:v54+s15+$0x0], $0xffff;
	v2 =	vmax.f32 v2, v14  }
0x24f: {  	v57 =	vadd.s32 $0x20, v0;
	v2 =	vmax.f32 v2, v15;
	v4 =	vadd.f32 v5, v4  }
0x250: {  	v9 =	vld.idx.msk [tilespmem:v55+s15+$0x0], $0xffff;
	v2 =	vmax.f32 v2, v16  }
0x251: {  	v2 =	vmax.f32 v2, v17;
	v12 =	vadd.s32 $0x21, v0;
	v4 =	vadd.f32 v3, v4  }
0x252: {  	v10 =	vld.idx.msk [tilespmem:v56+s15+$0x0], $0xffff;
	v2 =	vmax.f32 v2, v18  }
0x253: {  	v2 =	vmax.f32 v2, v19;
	v13 =	vadd.s32 $0x22, v0;
	v4 =	vadd.f32 v7, v4  }
0x254: {  	v11 =	vld.idx.msk [tilespmem:v57+s15+$0x0], $0xffff;
	v2 =	vmax.f32 v2, v20  }
0x255: {  	v2 =	vmax.f32 v2, v21;
	v14 =	vadd.s32 $0x23, v0;
	v4 =	vadd.f32 v9, v4  }
0x256: {  	v2 =	vmax.f32 v2, v22;
	v12 =	vld.idx.msk [tilespmem:v12+s15+$0x0], $0xffff  }
0x257: {  	v2 =	vmax.f32 v2, v23;
	v15 =	vadd.s32 $0x24, v0;
	v4 =	vadd.f32 v10, v4  }
0x258: {  	v2 =	vmax.f32 v2, v24;
	v13 =	vld.idx.msk [tilespmem:v13+s15+$0x0], $0xffff  }
0x259: {  	v2 =	vmax.f32 v2, v26;
	v16 =	vadd.s32 $0x25, v0;
	v4 =	vadd.f32 v11, v4  }
0x25a: {  	v2 =	vmax.f32 v2, v27;
	v14 =	vld.idx.msk [tilespmem:v14+s15+$0x0], $0xffff  }
0x25b: {  	v2 =	vmax.f32 v2, v28;
	v17 =	vadd.s32 $0x26, v0;
	v4 =	vadd.f32 v12, v4  }
0x25c: {  	v2 =	vmax.f32 v2, v51;
	v15 =	vld.idx.msk [tilespmem:v15+s15+$0x0], $0xffff  }
0x25d: {  	v2 =	vmax.f32 v2, v53;
	v0 =	vadd.s32 $0x27, v0;
	v4 =	vadd.f32 v13, v4  }
0x25e: {  	v2 =	vmax.f32 v2, v5;
	v58 =	vld.idx.msk [tilespmem:v16+s15+$0x0], $0xffff  }
0x25f: {  	v2 =	vmax.f32 v2, v3;
	v60 =	vadd.f32 v14, v4  }
0x260: {  	v2 =	vmax.f32 v2, v7;
	v61 =	vld.idx.msk [tilespmem:v17+s15+$0x0], $0xffff  }
0x261: {  	v2 =	vmax.f32 v2, v9;
	v3 =	vadd.f32 v15, v60  }
0x262: {  	s19 =	sadd.s32 s19, s20;
	v2 =	vmax.f32 v2, v10;
	v0 =	vld.idx.msk [tilespmem:v0+s15+$0x0], $0xffff  }
0x263: {  	v62 =	vmov s19;
	v2 =	vmax.f32 v2, v11;
	v3 =	vadd.f32 v58, v3  }
0x264: {  	v2 =	vmax.f32 v2, v12;
	v5 =	vshrl.u32 v62, $0x7  }
0x265: {  	v2 =	vmax.f32 v2, v13;
	v5 =	vshll.u32 v5, $0x7;
	v3 =	vadd.f32 v61, v3  }
0x266: {  	v2 =	vmax.f32 v2, v14;
	v5 =	vbroadcast v5, $0x0  }
0x267: {  	v63 =	vand.u32 $0x7F, v1;
	s18 =	sadd.s32 $0x1, s18;
	v2 =	vmax.f32 v2, v15;
	v3 =	vadd.f32 v0, v3  }
0x268: {  	p0 =	sne.s32 s18, $0x4;
	v2 =	vmax.f32 v2, v58;
	v1 =	vor.u32 v63, v5  }
.Ltmp2:
0x269: {  	v2 =	vmax.f32 v2, v61;
	v3 =	vmul.f32 $-4.882812500e-04, v3;
	(pc) =	sbr.rel @p0 .LBB2_2-.Ltmp2, $4  }
0x26a: {  	v0 =	vmax.f32 v2, v0  }
0x26b: {  	v18 =	vimm.s32 $0xC;
	v0 =	vadd.f32 v3, v0  }
0x26c: {  	v22 =	vimm.s32 $0xD;
	v23 =	vimm.s32 $0xE;
	v12 =	vimm.s32 $0x8  }
0x26d: {  	v13 =	vimm.s32 $0x9;
	v14 =	vimm.s32 $0xA;
	v15 =	vimm.s32 $0xB;
	[tilespmem:v1+s16+$0x0] =	vst.idx.msk $0xffff, v0  }
0x26e: {  	s17 =	sadd.s32 $0x1, s17  }
0x26f: {  	p0 =	sne.s32 s17, s9  }
.Ltmp3:
0x270: {  	_ = 	snop;
	(pc) =	sbr.rel @p0 .LBB2_1-.Ltmp3, $4  }
0x271: {  	[hbm4b:s8+s10] =	stream.strided.scatter [tilespmem:s16], [sflag:$0x1], $0x400, s11, s10, $0x38;
	[tilespmem:$0x18500] =	vst v63  }
0x272: {  	_ =	swait.ge [sflag:s12], $0x400  }
0x273: {  	[sflag:s12] =	ssyncset.done $0x0  }
0x274: {  	[sflag:s12] =	ssyncadd.s32 $0xFFFFFC00  }
0x275: {  	_ =	sfence.sel $0x180000  }
0x276: {  	[bflag:$0x0] =	sbarrier.arrive $0xFFFF  }
0x277: {  	p0 =	sne.s32 s1, $0x0;
	_ =	strace $0x90000047  }
0x278: {  	s0 =	sadd.s32 @!p0 $0x100000, s0;
	[bflag:$0x2] =	sbarrier.arrive $0xFFFF  }
0x279: {  	[sflag:s0] =	ssyncadd.tile.s32 @!p0 $0x1;
	_ =	shalt  }
.Lfunc_end2:
_tile_overlayer_lowered:
.L_overlay_start_2:
0x27a: {  	(tag) =	ssettag $0x2  }
0x27b: {  	s0 =	rddreg [dreg:$0x0];
	s2 =	stileid.u32  }
0x27c: {  	s1 =	rddreg [dreg:$0x1];
	p0 =	sne.s32 s2, $0x0  }
0x27d: {  	s3 =	rddreg [dreg:$0x2];
	[bflag:$0x3] =	sbarrier.arrive $0xFFFF;
	s2 =	simm.s32 @!p0 $0x1C01  }
0x27e: {  	[timem:s3], [sflag:s2] =	dma.local @!p0 [hbm:s0], s1  }
0x27f: {  	s0 =	simm.s32 @!p0 $0x1  }
0x280: {  	_ =	swait.ge @!p0 [sflag:s0], s1  }
0x281: {  	s1 =	ssub.s32 @!p0 $0x0, s1;
	[sflag:s0] =	ssyncset.done @!p0 $0x0  }
0x282: {  	[sflag:s0] =	ssyncadd.s32 @!p0 s1  }
0x283: {  	[bflag:$0x3] =	sbarrier.arrive $0xFFFF  }
0x284: {  	_ =	shalt  }

</sc_bundles>
